<compile_context>
chip_gen: v7x
topology: tpu7x:2x2x1
jax: 0.10.2.dev20260603
libtpu: 0.0.44.dev20260713+nightly
codegen_flags: <defaults>
</compile_context>

<pallas_src>
import functools

import jax
import jax.numpy as jnp
from jax import lax
from jax.experimental import pallas as pl
from jax.experimental.pallas import tpu as pltpu
from jax.experimental.pallas import tpu_sc as plsc

_NC = 2
_NS = 16
_NW = _NC * _NS
_LANES = 16
_NXB = 4
_NPB = 2
_NSB = 2


@functools.cache
def _build(B, T, D, n_emb_rows):
    assert T % _NW == 0 and D % _LANES == 0
    tpw = T // _NW
    ch = 16 if tpw % 16 == 0 else tpw
    n_ch = tpw // ch
    n_items = n_ch * B
    lanes_per_row = D // _LANES
    assert lanes_per_row & (lanes_per_row - 1) == 0
    row_shift = lanes_per_row.bit_length() - 1

    mesh = plsc.VectorSubcoreMesh(
        core_axis_name="c", subcore_axis_name="s",
        num_cores=_NC, num_subcores=_NS)

    @functools.partial(
        pl.kernel,
        out_type=jax.ShapeDtypeStruct((B, T, D), jnp.float32),
        mesh=mesh,
        scratch_types=(
            [pltpu.VMEM((ch, D), jnp.float32) for _ in range(_NXB)]
            + [pltpu.VMEM((ch, D), jnp.float32) for _ in range(_NPB)]
            + [pltpu.VMEM_SHARED((_NS, _NSB, ch, D), jnp.float32)]
            + [pltpu.SemaphoreType.DMA
               for _ in range(_NXB + _NPB + 2 * _NSB)]
        ),
    )
    def sc_add(x_hbm, emb_hbm, out_hbm, *scratch):
        xb = scratch[:_NXB]
        pb = scratch[_NXB:_NXB + _NPB]
        stage = scratch[_NXB + _NPB]
        sems = scratch[_NXB + _NPB + 1:]
        sx = sems[:_NXB]
        sp = sems[_NXB:_NXB + _NPB]
        sl_cp = sems[_NXB + _NPB:_NXB + _NPB + _NSB]
        sh_cp = sems[_NXB + _NPB + _NSB:]

        wid = lax.axis_index("s") * _NC + lax.axis_index("c")
        sid = lax.axis_index("s")
        t0 = wid * tpw

        def start_x(j):
            c, b = divmod(j, B)
            return pltpu.async_copy(
                x_hbm.at[b, pl.ds(t0 + c * ch, ch), :],
                xb[j % _NXB], sx[j % _NXB])

        def start_pe(c):
            return pltpu.async_copy(
                emb_hbm.at[pl.ds(t0 + c * ch, ch), :],
                pb[c % _NPB], sp[c % _NPB])

        def start_store(j):
            c, b = divmod(j, B)
            return pltpu.async_copy(
                stage.at[sid, j % _NSB],
                out_hbm.at[b, pl.ds(t0 + c * ch, ch), :],
                sh_cp[j % _NSB])

        x_in = [None] * n_items
        pe_in = [None] * n_ch
        loc_cp = [None] * n_items
        hbm_cp = [None] * n_items

        pe_in[0] = start_pe(0)
        for j in range(min(_NXB - 1, n_items)):
            x_in[j] = start_x(j)

        for j in range(n_items):
            c, b = divmod(j, B)
            if b == 0 and c + 1 < n_ch:
                pe_in[c + 1] = start_pe(c + 1)
            x_in[j].wait()
            if b == 0:
                pe_in[c].wait()
            if j > 0:
                loc_cp[j - 1].wait()
                hbm_cp[j - 1] = start_store(j - 1)
            jn = j + _NXB - 1
            if _NXB - 1 <= jn < n_items:
                x_in[jn] = start_x(jn)
            if j - _NSB >= 0:
                hbm_cp[j - _NSB].wait()

            buf = xb[j % _NXB]
            pe = pb[c % _NPB]

            def add(i, buf=buf, pe=pe):
                r = lax.shift_right_logical(i, row_shift)
                start = pl.multiple_of(
                    lax.shift_left(i & (lanes_per_row - 1), 4), _LANES)
                sl = pl.ds(start, _LANES)
                plsc.addupdate(buf.at[r, sl], pe[r, sl])

            plsc.parallel_loop(0, ch * lanes_per_row, 1, unroll=8)(add)

            loc_cp[j] = pltpu.async_copy(
                buf, stage.at[sid, j % _NSB], sl_cp[j % _NSB])

        loc_cp[n_items - 1].wait()
        hbm_cp[n_items - 1] = start_store(n_items - 1)
        for j in range(n_items - _NSB, n_items):
            if hbm_cp[j] is not None:
                hbm_cp[j].wait()

    return sc_add


def kernel(x, embedding):
    B, T, D = x.shape
    fn = _build(B, T, D, embedding.shape[0])
    return fn(x, embedding)

# --- scband reference (transcript-rebuilt; emitter-appended) ---
"""Pipeline reference for scband-temporal-positional-encoding-188978561218 (READ-ONLY COPY).

The authoritative reference and input builder live on the scoring server;
editing this copy changes nothing except your own understanding.
"""

import jax, jax.numpy as jnp
import numpy as np

MAX_LEN = 8192
DIM = 1024

def setup_inputs(seed: int = 0) -> dict:
    key = jax.random.key(seed)
    k_x, k_emb = jax.random.split(key)
    x = jax.random.normal(k_x, (4, 4096, 1024), dtype=jnp.float32)
    embedding = jax.random.normal(k_emb, (MAX_LEN, DIM), dtype=jnp.float32) * 0.02
    return {"x": x, "embedding": embedding}

def reference(x, embedding):
    # kind == 'learned': gather first T rows of the learned positional table and add.
    B, T, D = x.shape
    pos = jnp.arange(T, dtype=jnp.int32)
    pe = jnp.take(embedding, pos, axis=0)  # [T, D] embedding lookup
    pe = pe[None, :, :].astype(x.dtype)
    return x + pe

if __name__ == "__main__":
    import jax
    _d = setup_inputs()
    print(jax.jit(kernel)(*tuple(_d.values())))

</pallas_src>

<mosaic_0001>
#map = affine_map<(d0, d1) -> (0, 0, 0)>
#map1 = affine_map<(d0, d1) -> (0, 0)>
module attributes {stable_mosaic.version = 14 : i64} {
  func.func @sc_add(%arg0: i32, %arg1: i32, %arg2: memref<4x4096x1024xf32, #tpu.memory_space<hbm>>, %arg3: memref<8192x1024xf32, #tpu.memory_space<hbm>>, %arg4: memref<4x4096x1024xf32, #tpu.memory_space<hbm>>, %arg5: memref<16x1024xf32, #tpu.memory_space<vmem>>, %arg6: memref<16x1024xf32, #tpu.memory_space<vmem>>, %arg7: memref<16x1024xf32, #tpu.memory_space<vmem>>, %arg8: memref<16x1024xf32, #tpu.memory_space<vmem>>, %arg9: memref<16x1024xf32, #tpu.memory_space<vmem>>, %arg10: memref<16x1024xf32, #tpu.memory_space<vmem>>, %arg11: memref<16x2x16x1024xf32, #tpu.memory_space<vmem_shared>>, %arg12: memref<!tpu.dma_semaphore, #tpu.memory_space<semaphore_mem>>, %arg13: memref<!tpu.dma_semaphore, #tpu.memory_space<semaphore_mem>>, %arg14: memref<!tpu.dma_semaphore, #tpu.memory_space<semaphore_mem>>, %arg15: memref<!tpu.dma_semaphore, #tpu.memory_space<semaphore_mem>>, %arg16: memref<!tpu.dma_semaphore, #tpu.memory_space<semaphore_mem>>, %arg17: memref<!tpu.dma_semaphore, #tpu.memory_space<semaphore_mem>>, %arg18: memref<!tpu.dma_semaphore, #tpu.memory_space<semaphore_mem>>, %arg19: memref<!tpu.dma_semaphore, #tpu.memory_space<semaphore_mem>>, %arg20: memref<!tpu.dma_semaphore, #tpu.memory_space<semaphore_mem>>, %arg21: memref<!tpu.dma_semaphore, #tpu.memory_space<semaphore_mem>>) attributes {dimension_semantics = [#tpu.dimension_semantics<core_parallel>, #tpu.dimension_semantics<subcore_parallel>], iteration_bounds = array<i64: 2, 16>, scalar_prefetch = 0 : i64, scratch_operands = 17 : i64, tpu.core_type = #tpu.core_type<sc_vector_subcore>, window_params = [{transform_indices = #map}, {transform_indices = #map1}, {transform_indices = #map}]} {
    %mul3A = arith.constant 2 : i32
    %mul3A_0 = arith.muli %arg1, %mul3A : i32
    %add3A = arith.addi %mul3A_0, %arg0 : i32
    %mul3A_1 = arith.constant 128 : i32
    %mul3A_2 = arith.muli %add3A, %mul3A_1 : i32
    %add3A_3 = arith.constant 0 : i32
    %add3A_4 = arith.addi %mul3A_2, %add3A_3 : i32
    %dma_start3A = arith.constant 0 : i32
    %dma_start3A_5 = tpu.memref_slice %arg3[%add3A_4, %dma_start3A] : memref<8192x1024xf32, #tpu.memory_space<hbm>> -> memref<16x1024xf32, #tpu.memory_space<hbm>>
    %dma_start3A_6 = arith.constant 0 : i32
    %dma_start3A_7 = tpu.memref_slice %arg3[%add3A_4, %dma_start3A_6] : memref<8192x1024xf32, #tpu.memory_space<hbm>> -> memref<16x1024xf32, #tpu.memory_space<hbm>>
    tpu.enqueue_dma source(%dma_start3A_7 : memref<16x1024xf32, #tpu.memory_space<hbm>>) target(%arg9 : memref<16x1024xf32, #tpu.memory_space<vmem>>) target_semaphore(%arg16 : memref<!tpu.dma_semaphore, #tpu.memory_space<semaphore_mem>>)
    %add3A_8 = arith.constant 0 : i32
    %add3A_9 = arith.addi %mul3A_2, %add3A_8 : i32
    %dma_start3A_10 = arith.constant 0 : i32
    %dma_start3A_11 = arith.constant 0 : i32
    %dma_start3A_12 = tpu.memref_slice %arg2[%dma_start3A_10, %add3A_9, %dma_start3A_11] : memref<4x4096x1024xf32, #tpu.memory_space<hbm>> -> memref<1x16x1024xf32, #tpu.memory_space<hbm>>
    %dma_start3A_13 = tpu.memref_squeeze %dma_start3A_12 : memref<1x16x1024xf32, #tpu.memory_space<hbm>> -> memref<16x1024xf32, #tpu.memory_space<hbm>>
    %dma_start3A_14 = arith.constant 0 : i32
    %dma_start3A_15 = tpu.memref_slice %arg2[%dma_start3A_10, %add3A_9, %dma_start3A_14] : memref<4x4096x1024xf32, #tpu.memory_space<hbm>> -> memref<1x16x1024xf32, #tpu.memory_space<hbm>>
    %dma_start3A_16 = tpu.memref_squeeze %dma_start3A_15 : memref<1x16x1024xf32, #tpu.memory_space<hbm>> -> memref<16x1024xf32, #tpu.memory_space<hbm>>
    tpu.enqueue_dma source(%dma_start3A_16 : memref<16x1024xf32, #tpu.memory_space<hbm>>) target(%arg5 : memref<16x1024xf32, #tpu.memory_space<vmem>>) target_semaphore(%arg12 : memref<!tpu.dma_semaphore, #tpu.memory_space<semaphore_mem>>)
    %add3A_17 = arith.constant 0 : i32
    %add3A_18 = arith.addi %mul3A_2, %add3A_17 : i32
    %dma_start3A_19 = arith.constant 1 : i32
    %dma_start3A_20 = arith.constant 0 : i32
    %dma_start3A_21 = tpu.memref_slice %arg2[%dma_start3A_19, %add3A_18, %dma_start3A_20] : memref<4x4096x1024xf32, #tpu.memory_space<hbm>> -> memref<1x16x1024xf32, #tpu.memory_space<hbm>>
    %dma_start3A_22 = tpu.memref_squeeze %dma_start3A_21 : memref<1x16x1024xf32, #tpu.memory_space<hbm>> -> memref<16x1024xf32, #tpu.memory_space<hbm>>
    %dma_start3A_23 = arith.constant 0 : i32
    %dma_start3A_24 = tpu.memref_slice %arg2[%dma_start3A_19, %add3A_18, %dma_start3A_23] : memref<4x4096x1024xf32, #tpu.memory_space<hbm>> -> memref<1x16x1024xf32, #tpu.memory_space<hbm>>
    %dma_start3A_25 = tpu.memref_squeeze %dma_start3A_24 : memref<1x16x1024xf32, #tpu.memory_space<hbm>> -> memref<16x1024xf32, #tpu.memory_space<hbm>>
    tpu.enqueue_dma source(%dma_start3A_25 : memref<16x1024xf32, #tpu.memory_space<hbm>>) target(%arg6 : memref<16x1024xf32, #tpu.memory_space<vmem>>) target_semaphore(%arg13 : memref<!tpu.dma_semaphore, #tpu.memory_space<semaphore_mem>>)
    %add3A_26 = arith.constant 0 : i32
    %add3A_27 = arith.addi %mul3A_2, %add3A_26 : i32
    %dma_start3A_28 = arith.constant 2 : i32
    %dma_start3A_29 = arith.constant 0 : i32
    %dma_start3A_30 = tpu.memref_slice %arg2[%dma_start3A_28, %add3A_27, %dma_start3A_29] : memref<4x4096x1024xf32, #tpu.memory_space<hbm>> -> memref<1x16x1024xf32, #tpu.memory_space<hbm>>
    %dma_start3A_31 = tpu.memref_squeeze %dma_start3A_30 : memref<1x16x1024xf32, #tpu.memory_space<hbm>> -> memref<16x1024xf32, #tpu.memory_space<hbm>>
    %dma_start3A_32 = arith.constant 0 : i32
    %dma_start3A_33 = tpu.memref_slice %arg2[%dma_start3A_28, %add3A_27, %dma_start3A_32] : memref<4x4096x1024xf32, #tpu.memory_space<hbm>> -> memref<1x16x1024xf32, #tpu.memory_space<hbm>>
    %dma_start3A_34 = tpu.memref_squeeze %dma_start3A_33 : memref<1x16x1024xf32, #tpu.memory_space<hbm>> -> memref<16x1024xf32, #tpu.memory_space<hbm>>
    tpu.enqueue_dma source(%dma_start3A_34 : memref<16x1024xf32, #tpu.memory_space<hbm>>) target(%arg7 : memref<16x1024xf32, #tpu.memory_space<vmem>>) target_semaphore(%arg14 : memref<!tpu.dma_semaphore, #tpu.memory_space<semaphore_mem>>)
    %add3A_35 = arith.constant 16 : i32
    %add3A_36 = arith.addi %mul3A_2, %add3A_35 : i32
    %dma_start3A_37 = arith.constant 0 : i32
    %dma_start3A_38 = tpu.memref_slice %arg3[%add3A_36, %dma_start3A_37] : memref<8192x1024xf32, #tpu.memory_space<hbm>> -> memref<16x1024xf32, #tpu.memory_space<hbm>>
    %dma_start3A_39 = arith.constant 0 : i32
    %dma_start3A_40 = tpu.memref_slice %arg3[%add3A_36, %dma_start3A_39] : memref<8192x1024xf32, #tpu.memory_space<hbm>> -> memref<16x1024xf32, #tpu.memory_space<hbm>>
    tpu.enqueue_dma source(%dma_start3A_40 : memref<16x1024xf32, #tpu.memory_space<hbm>>) target(%arg10 : memref<16x1024xf32, #tpu.memory_space<vmem>>) target_semaphore(%arg17 : memref<!tpu.dma_semaphore, #tpu.memory_space<semaphore_mem>>)
    %dma_wait3A = arith.constant 0 : i32
    %dma_wait3A_41 = arith.constant 0 : i32
    %dma_wait3A_42 = tpu.memref_slice %arg2[%dma_wait3A, %add3A_9, %dma_wait3A_41] : memref<4x4096x1024xf32, #tpu.memory_space<hbm>> -> memref<1x16x1024xf32, #tpu.memory_space<hbm>>
    %dma_wait3A_43 = tpu.memref_squeeze %dma_wait3A_42 : memref<1x16x1024xf32, #tpu.memory_space<hbm>> -> memref<16x1024xf32, #tpu.memory_space<hbm>>
    %dma_wait3A_44 = arith.constant 0 : i32
    %dma_wait3A_45 = tpu.memref_slice %arg2[%dma_wait3A, %add3A_9, %dma_wait3A_44] : memref<4x4096x1024xf32, #tpu.memory_space<hbm>> -> memref<1x16x1024xf32, #tpu.memory_space<hbm>>
    %dma_wait3A_46 = tpu.memref_squeeze %dma_wait3A_45 : memref<1x16x1024xf32, #tpu.memory_space<hbm>> -> memref<16x1024xf32, #tpu.memory_space<hbm>>
    tpu.wait_dma2 semaphore(%arg12 : memref<!tpu.dma_semaphore, #tpu.memory_space<semaphore_mem>>) src(%dma_wait3A_46 : memref<16x1024xf32, #tpu.memory_space<hbm>>) dst(%arg5 : memref<16x1024xf32, #tpu.memory_space<vmem>>)
    %dma_wait3A_47 = arith.constant 0 : i32
    %dma_wait3A_48 = tpu.memref_slice %arg3[%add3A_4, %dma_wait3A_47] : memref<8192x1024xf32, #tpu.memory_space<hbm>> -> memref<16x1024xf32, #tpu.memory_space<hbm>>
    %dma_wait3A_49 = arith.constant 0 : i32
    %dma_wait3A_50 = tpu.memref_slice %arg3[%add3A_4, %dma_wait3A_49] : memref<8192x1024xf32, #tpu.memory_space<hbm>> -> memref<16x1024xf32, #tpu.memory_space<hbm>>
    tpu.wait_dma2 semaphore(%arg16 : memref<!tpu.dma_semaphore, #tpu.memory_space<semaphore_mem>>) src(%dma_wait3A_50 : memref<16x1024xf32, #tpu.memory_space<hbm>>) dst(%arg9 : memref<16x1024xf32, #tpu.memory_space<vmem>>)
    %add3A_51 = arith.constant 0 : i32
    %add3A_52 = arith.addi %mul3A_2, %add3A_51 : i32
    %dma_start3A_53 = arith.constant 3 : i32
    %dma_start3A_54 = arith.constant 0 : i32
    %dma_start3A_55 = tpu.memref_slice %arg2[%dma_start3A_53, %add3A_52, %dma_start3A_54] : memref<4x4096x1024xf32, #tpu.memory_space<hbm>> -> memref<1x16x1024xf32, #tpu.memory_space<hbm>>
    %dma_start3A_56 = tpu.memref_squeeze %dma_start3A_55 : memref<1x16x1024xf32, #tpu.memory_space<hbm>> -> memref<16x1024xf32, #tpu.memory_space<hbm>>
    %dma_start3A_57 = arith.constant 0 : i32
    %dma_start3A_58 = tpu.memref_slice %arg2[%dma_start3A_53, %add3A_52, %dma_start3A_57] : memref<4x4096x1024xf32, #tpu.memory_space<hbm>> -> memref<1x16x1024xf32, #tpu.memory_space<hbm>>
    %dma_start3A_59 = tpu.memref_squeeze %dma_start3A_58 : memref<1x16x1024xf32, #tpu.memory_space<hbm>> -> memref<16x1024xf32, #tpu.memory_space<hbm>>
    tpu.enqueue_dma source(%dma_start3A_59 : memref<16x1024xf32, #tpu.memory_space<hbm>>) target(%arg8 : memref<16x1024xf32, #tpu.memory_space<vmem>>) target_semaphore(%arg15 : memref<!tpu.dma_semaphore, #tpu.memory_space<semaphore_mem>>)
    %parallel_loop3A = arith.constant 0 : i32
    %parallel_loop3A_60 = arith.constant 1024 : i32
    %parallel_loop3A_61 = arith.constant 1 : i32
    scf.for %parallel_loop3A_1904 = %parallel_loop3A to %parallel_loop3A_60 step %parallel_loop3A_61  : i32 {
      %parallel_loop3A_1905 = arith.constant 6 : i32
      %parallel_loop3A_1906 = arith.shrui %parallel_loop3A_1904, %parallel_loop3A_1905 : i32
      %parallel_loop3A_1907 = arith.constant 63 : i32
      %parallel_loop3A_1908 = arith.andi %parallel_loop3A_1904, %parallel_loop3A_1907 : i32
      %parallel_loop3A_1909 = arith.constant 4 : i32
      %parallel_loop3A_1910 = arith.shli %parallel_loop3A_1908, %parallel_loop3A_1909 : i32
      %parallel_loop3A_1911 = tpu.assume_multiple %parallel_loop3A_1910, 16 : i32
      %parallel_loop3A_1912 = arith.index_cast %parallel_loop3A_1906 : i32 to index
      %parallel_loop3A_1913 = arith.index_cast %parallel_loop3A_1911 : i32 to index
      %parallel_loop3A_1914 = tpu.vector_load %arg9[%parallel_loop3A_1912, %parallel_loop3A_1913] {strides = array<i32>} : memref<16x1024xf32, #tpu.memory_space<vmem>>, vector<1x16xf32>,
      %parallel_loop3A_1915 = vector.shape_cast %parallel_loop3A_1914 : vector<1x16xf32> to vector<16xf32>
      %parallel_loop3A_1916 = arith.index_cast %parallel_loop3A_1906 : i32 to index
      %parallel_loop3A_1917 = arith.index_cast %parallel_loop3A_1911 : i32 to index
      %parallel_loop3A_1918 = tpu.vector_load %arg5[%parallel_loop3A_1916, %parallel_loop3A_1917] {strides = array<i32>} : memref<16x1024xf32, #tpu.memory_space<vmem>>, vector<1x16xf32>,
      %parallel_loop3A_1919 = vector.shape_cast %parallel_loop3A_1918 : vector<1x16xf32> to vector<16xf32>
      %parallel_loop3A_1920 = vector.shape_cast %parallel_loop3A_1915 : vector<16xf32> to vector<1x16xf32>
      tpu.vector_store %arg5[%parallel_loop3A_1916, %parallel_loop3A_1917], %parallel_loop3A_1920 {add = true, strides = array<i32>} : memref<16x1024xf32, #tpu.memory_space<vmem>>, vector<1x16xf32>,
    } {sc.loop_unroll_factor = 8 : i64, sc.parallel_access}
    %dma_start3A_62 = arith.constant 0 : i32
    %dma_start3A_63 = arith.constant 0 : i32
    %dma_start3A_64 = arith.constant 0 : i32
    %dma_start3A_65 = tpu.memref_slice %arg11[%arg1, %dma_start3A_62, %dma_start3A_63, %dma_start3A_64] : memref<16x2x16x1024xf32, #tpu.memory_space<vmem_shared>> -> memref<1x1x16x1024xf32, #tpu.memory_space<vmem_shared>>
    %dma_start3A_66 = tpu.memref_squeeze %dma_start3A_65 : memref<1x1x16x1024xf32, #tpu.memory_space<vmem_shared>> -> memref<16x1024xf32, #tpu.memory_space<vmem_shared>>
    %dma_start3A_67 = arith.constant 0 : i32
    %dma_start3A_68 = arith.constant 0 : i32
    %dma_start3A_69 = tpu.memref_slice %arg11[%arg1, %dma_start3A_62, %dma_start3A_67, %dma_start3A_68] : memref<16x2x16x1024xf32, #tpu.memory_space<vmem_shared>> -> memref<1x1x16x1024xf32, #tpu.memory_space<vmem_shared>>
    %dma_start3A_70 = tpu.memref_squeeze %dma_start3A_69 : memref<1x1x16x1024xf32, #tpu.memory_space<vmem_shared>> -> memref<16x1024xf32, #tpu.memory_space<vmem_shared>>
    tpu.enqueue_dma source(%arg5 : memref<16x1024xf32, #tpu.memory_space<vmem>>) target(%dma_start3A_70 : memref<16x1024xf32, #tpu.memory_space<vmem_shared>>) target_semaphore(%arg18 : memref<!tpu.dma_semaphore, #tpu.memory_space<semaphore_mem>>)
    %dma_wait3A_71 = arith.constant 1 : i32
    %dma_wait3A_72 = arith.constant 0 : i32
    %dma_wait3A_73 = tpu.memref_slice %arg2[%dma_wait3A_71, %add3A_18, %dma_wait3A_72] : memref<4x4096x1024xf32, #tpu.memory_space<hbm>> -> memref<1x16x1024xf32, #tpu.memory_space<hbm>>
    %dma_wait3A_74 = tpu.memref_squeeze %dma_wait3A_73 : memref<1x16x1024xf32, #tpu.memory_space<hbm>> -> memref<16x1024xf32, #tpu.memory_space<hbm>>
    %dma_wait3A_75 = arith.constant 0 : i32
    %dma_wait3A_76 = tpu.memref_slice %arg2[%dma_wait3A_71, %add3A_18, %dma_wait3A_75] : memref<4x4096x1024xf32, #tpu.memory_space<hbm>> -> memref<1x16x1024xf32, #tpu.memory_space<hbm>>
    %dma_wait3A_77 = tpu.memref_squeeze %dma_wait3A_76 : memref<1x16x1024xf32, #tpu.memory_space<hbm>> -> memref<16x1024xf32, #tpu.memory_space<hbm>>
    tpu.wait_dma2 semaphore(%arg13 : memref<!tpu.dma_semaphore, #tpu.memory_space<semaphore_mem>>) src(%dma_wait3A_77 : memref<16x1024xf32, #tpu.memory_space<hbm>>) dst(%arg6 : memref<16x1024xf32, #tpu.memory_space<vmem>>)
    %dma_wait3A_78 = arith.constant 0 : i32
    %dma_wait3A_79 = arith.constant 0 : i32
    %dma_wait3A_80 = arith.constant 0 : i32
    %dma_wait3A_81 = tpu.memref_slice %arg11[%arg1, %dma_wait3A_78, %dma_wait3A_79, %dma_wait3A_80] : memref<16x2x16x1024xf32, #tpu.memory_space<vmem_shared>> -> memref<1x1x16x1024xf32, #tpu.memory_space<vmem_shared>>
    %dma_wait3A_82 = tpu.memref_squeeze %dma_wait3A_81 : memref<1x1x16x1024xf32, #tpu.memory_space<vmem_shared>> -> memref<16x1024xf32, #tpu.memory_space<vmem_shared>>
    %dma_wait3A_83 = arith.constant 0 : i32
    %dma_wait3A_84 = arith.constant 0 : i32
    %dma_wait3A_85 = tpu.memref_slice %arg11[%arg1, %dma_wait3A_78, %dma_wait3A_83, %dma_wait3A_84] : memref<16x2x16x1024xf32, #tpu.memory_space<vmem_shared>> -> memref<1x1x16x1024xf32, #tpu.memory_space<vmem_shared>>
    %dma_wait3A_86 = tpu.memref_squeeze %dma_wait3A_85 : memref<1x1x16x1024xf32, #tpu.memory_space<vmem_shared>> -> memref<16x1024xf32, #tpu.memory_space<vmem_shared>>
    tpu.wait_dma2 semaphore(%arg18 : memref<!tpu.dma_semaphore, #tpu.memory_space<semaphore_mem>>) src(%arg5 : memref<16x1024xf32, #tpu.memory_space<vmem>>) dst(%dma_wait3A_86 : memref<16x1024xf32, #tpu.memory_space<vmem_shared>>)
    %add3A_87 = arith.constant 0 : i32
    %add3A_88 = arith.addi %mul3A_2, %add3A_87 : i32
    %dma_start3A_89 = arith.constant 0 : i32
    %dma_start3A_90 = arith.constant 0 : i32
    %dma_start3A_91 = arith.constant 0 : i32
    %dma_start3A_92 = tpu.memref_slice %arg4[%dma_start3A_90, %add3A_88, %dma_start3A_91] : memref<4x4096x1024xf32, #tpu.memory_space<hbm>> -> memref<1x16x1024xf32, #tpu.memory_space<hbm>>
    %dma_start3A_93 = tpu.memref_squeeze %dma_start3A_92 : memref<1x16x1024xf32, #tpu.memory_space<hbm>> -> memref<16x1024xf32, #tpu.memory_space<hbm>>
    %dma_start3A_94 = arith.constant 0 : i32
    %dma_start3A_95 = arith.constant 0 : i32
    %dma_start3A_96 = tpu.memref_slice %arg11[%arg1, %dma_start3A_89, %dma_start3A_94, %dma_start3A_95] : memref<16x2x16x1024xf32, #tpu.memory_space<vmem_shared>> -> memref<1x1x16x1024xf32, #tpu.memory_space<vmem_shared>>
    %dma_start3A_97 = tpu.memref_squeeze %dma_start3A_96 : memref<1x1x16x1024xf32, #tpu.memory_space<vmem_shared>> -> memref<16x1024xf32, #tpu.memory_space<vmem_shared>>
    tpu.enqueue_dma source(%dma_start3A_97 : memref<16x1024xf32, #tpu.memory_space<vmem_shared>>) target(%dma_start3A_93 : memref<16x1024xf32, #tpu.memory_space<hbm>>) target_semaphore(%arg20 : memref<!tpu.dma_semaphore, #tpu.memory_space<semaphore_mem>>)
    %add3A_98 = arith.constant 16 : i32
    %add3A_99 = arith.addi %mul3A_2, %add3A_98 : i32
    %dma_start3A_100 = arith.constant 0 : i32
    %dma_start3A_101 = arith.constant 0 : i32
    %dma_start3A_102 = tpu.memref_slice %arg2[%dma_start3A_100, %add3A_99, %dma_start3A_101] : memref<4x4096x1024xf32, #tpu.memory_space<hbm>> -> memref<1x16x1024xf32, #tpu.memory_space<hbm>>
    %dma_start3A_103 = tpu.memref_squeeze %dma_start3A_102 : memref<1x16x1024xf32, #tpu.memory_space<hbm>> -> memref<16x1024xf32, #tpu.memory_space<hbm>>
    %dma_start3A_104 = arith.constant 0 : i32
    %dma_start3A_105 = tpu.memref_slice %arg2[%dma_start3A_100, %add3A_99, %dma_start3A_104] : memref<4x4096x1024xf32, #tpu.memory_space<hbm>> -> memref<1x16x1024xf32, #tpu.memory_space<hbm>>
    %dma_start3A_106 = tpu.memref_squeeze %dma_start3A_105 : memref<1x16x1024xf32, #tpu.memory_space<hbm>> -> memref<16x1024xf32, #tpu.memory_space<hbm>>
    tpu.enqueue_dma source(%dma_start3A_106 : memref<16x1024xf32, #tpu.memory_space<hbm>>) target(%arg5 : memref<16x1024xf32, #tpu.memory_space<vmem>>) target_semaphore(%arg12 : memref<!tpu.dma_semaphore, #tpu.memory_space<semaphore_mem>>)
    %parallel_loop3A_107 = arith.constant 0 : i32
    %parallel_loop3A_108 = arith.constant 1024 : i32
    %parallel_loop3A_109 = arith.constant 1 : i32
    scf.for %parallel_loop3A_1904 = %parallel_loop3A_107 to %parallel_loop3A_108 step %parallel_loop3A_109  : i32 {
      %parallel_loop3A_1905 = arith.constant 6 : i32
      %parallel_loop3A_1906 = arith.shrui %parallel_loop3A_1904, %parallel_loop3A_1905 : i32
      %parallel_loop3A_1907 = arith.constant 63 : i32
      %parallel_loop3A_1908 = arith.andi %parallel_loop3A_1904, %parallel_loop3A_1907 : i32
      %parallel_loop3A_1909 = arith.constant 4 : i32
      %parallel_loop3A_1910 = arith.shli %parallel_loop3A_1908, %parallel_loop3A_1909 : i32
      %parallel_loop3A_1911 = tpu.assume_multiple %parallel_loop3A_1910, 16 : i32
      %parallel_loop3A_1912 = arith.index_cast %parallel_loop3A_1906 : i32 to index
      %parallel_loop3A_1913 = arith.index_cast %parallel_loop3A_1911 : i32 to index
      %parallel_loop3A_1914 = tpu.vector_load %arg9[%parallel_loop3A_1912, %parallel_loop3A_1913] {strides = array<i32>} : memref<16x1024xf32, #tpu.memory_space<vmem>>, vector<1x16xf32>,
      %parallel_loop3A_1915 = vector.shape_cast %parallel_loop3A_1914 : vector<1x16xf32> to vector<16xf32>
      %parallel_loop3A_1916 = arith.index_cast %parallel_loop3A_1906 : i32 to index
      %parallel_loop3A_1917 = arith.index_cast %parallel_loop3A_1911 : i32 to index
      %parallel_loop3A_1918 = tpu.vector_load %arg6[%parallel_loop3A_1916, %parallel_loop3A_1917] {strides = array<i32>} : memref<16x1024xf32, #tpu.memory_space<vmem>>, vector<1x16xf32>,
      %parallel_loop3A_1919 = vector.shape_cast %parallel_loop3A_1918 : vector<1x16xf32> to vector<16xf32>
      %parallel_loop3A_1920 = vector.shape_cast %parallel_loop3A_1915 : vector<16xf32> to vector<1x16xf32>
      tpu.vector_store %arg6[%parallel_loop3A_1916, %parallel_loop3A_1917], %parallel_loop3A_1920 {add = true, strides = array<i32>} : memref<16x1024xf32, #tpu.memory_space<vmem>>, vector<1x16xf32>,
    } {sc.loop_unroll_factor = 8 : i64, sc.parallel_access}
    %dma_start3A_110 = arith.constant 1 : i32
    %dma_start3A_111 = arith.constant 0 : i32
    %dma_start3A_112 = arith.constant 0 : i32
    %dma_start3A_113 = tpu.memref_slice %arg11[%arg1, %dma_start3A_110, %dma_start3A_111, %dma_start3A_112] : memref<16x2x16x1024xf32, #tpu.memory_space<vmem_shared>> -> memref<1x1x16x1024xf32, #tpu.memory_space<vmem_shared>>
    %dma_start3A_114 = tpu.memref_squeeze %dma_start3A_113 : memref<1x1x16x1024xf32, #tpu.memory_space<vmem_shared>> -> memref<16x1024xf32, #tpu.memory_space<vmem_shared>>
    %dma_start3A_115 = arith.constant 0 : i32
    %dma_start3A_116 = arith.constant 0 : i32
    %dma_start3A_117 = tpu.memref_slice %arg11[%arg1, %dma_start3A_110, %dma_start3A_115, %dma_start3A_116] : memref<16x2x16x1024xf32, #tpu.memory_space<vmem_shared>> -> memref<1x1x16x1024xf32, #tpu.memory_space<vmem_shared>>
    %dma_start3A_118 = tpu.memref_squeeze %dma_start3A_117 : memref<1x1x16x1024xf32, #tpu.memory_space<vmem_shared>> -> memref<16x1024xf32, #tpu.memory_space<vmem_shared>>
    tpu.enqueue_dma source(%arg6 : memref<16x1024xf32, #tpu.memory_space<vmem>>) target(%dma_start3A_118 : memref<16x1024xf32, #tpu.memory_space<vmem_shared>>) target_semaphore(%arg19 : memref<!tpu.dma_semaphore, #tpu.memory_space<semaphore_mem>>)
    %dma_wait3A_119 = arith.constant 2 : i32
    %dma_wait3A_120 = arith.constant 0 : i32
    %dma_wait3A_121 = tpu.memref_slice %arg2[%dma_wait3A_119, %add3A_27, %dma_wait3A_120] : memref<4x4096x1024xf32, #tpu.memory_space<hbm>> -> memref<1x16x1024xf32, #tpu.memory_space<hbm>>
    %dma_wait3A_122 = tpu.memref_squeeze %dma_wait3A_121 : memref<1x16x1024xf32, #tpu.memory_space<hbm>> -> memref<16x1024xf32, #tpu.memory_space<hbm>>
    %dma_wait3A_123 = arith.constant 0 : i32
    %dma_wait3A_124 = tpu.memref_slice %arg2[%dma_wait3A_119, %add3A_27, %dma_wait3A_123] : memref<4x4096x1024xf32, #tpu.memory_space<hbm>> -> memref<1x16x1024xf32, #tpu.memory_space<hbm>>
    %dma_wait3A_125 = tpu.memref_squeeze %dma_wait3A_124 : memref<1x16x1024xf32, #tpu.memory_space<hbm>> -> memref<16x1024xf32, #tpu.memory_space<hbm>>
    tpu.wait_dma2 semaphore(%arg14 : memref<!tpu.dma_semaphore, #tpu.memory_space<semaphore_mem>>) src(%dma_wait3A_125 : memref<16x1024xf32, #tpu.memory_space<hbm>>) dst(%arg7 : memref<16x1024xf32, #tpu.memory_space<vmem>>)
    %dma_wait3A_126 = arith.constant 1 : i32
    %dma_wait3A_127 = arith.constant 0 : i32
    %dma_wait3A_128 = arith.constant 0 : i32
    %dma_wait3A_129 = tpu.memref_slice %arg11[%arg1, %dma_wait3A_126, %dma_wait3A_127, %dma_wait3A_128] : memref<16x2x16x1024xf32, #tpu.memory_space<vmem_shared>> -> memref<1x1x16x1024xf32, #tpu.memory_space<vmem_shared>>
    %dma_wait3A_130 = tpu.memref_squeeze %dma_wait3A_129 : memref<1x1x16x1024xf32, #tpu.memory_space<vmem_shared>> -> memref<16x1024xf32, #tpu.memory_space<vmem_shared>>
    %dma_wait3A_131 = arith.constant 0 : i32
    %dma_wait3A_132 = arith.constant 0 : i32
    %dma_wait3A_133 = tpu.memref_slice %arg11[%arg1, %dma_wait3A_126, %dma_wait3A_131, %dma_wait3A_132] : memref<16x2x16x1024xf32, #tpu.memory_space<vmem_shared>> -> memref<1x1x16x1024xf32, #tpu.memory_space<vmem_shared>>
    %dma_wait3A_134 = tpu.memref_squeeze %dma_wait3A_133 : memref<1x1x16x1024xf32, #tpu.memory_space<vmem_shared>> -> memref<16x1024xf32, #tpu.memory_space<vmem_shared>>
    tpu.wait_dma2 semaphore(%arg19 : memref<!tpu.dma_semaphore, #tpu.memory_space<semaphore_mem>>) src(%arg6 : memref<16x1024xf32, #tpu.memory_space<vmem>>) dst(%dma_wait3A_134 : memref<16x1024xf32, #tpu.memory_space<vmem_shared>>)
    %add3A_135 = arith.constant 0 : i32
    %add3A_136 = arith.addi %mul3A_2, %add3A_135 : i32
    %dma_start3A_137 = arith.constant 1 : i32
    %dma_start3A_138 = arith.constant 1 : i32
    %dma_start3A_139 = arith.constant 0 : i32
    %dma_start3A_140 = tpu.memref_slice %arg4[%dma_start3A_138, %add3A_136, %dma_start3A_139] : memref<4x4096x1024xf32, #tpu.memory_space<hbm>> -> memref<1x16x1024xf32, #tpu.memory_space<hbm>>
    %dma_start3A_141 = tpu.memref_squeeze %dma_start3A_140 : memref<1x16x1024xf32, #tpu.memory_space<hbm>> -> memref<16x1024xf32, #tpu.memory_space<hbm>>
    %dma_start3A_142 = arith.constant 0 : i32
    %dma_start3A_143 = arith.constant 0 : i32
    %dma_start3A_144 = tpu.memref_slice %arg11[%arg1, %dma_start3A_137, %dma_start3A_142, %dma_start3A_143] : memref<16x2x16x1024xf32, #tpu.memory_space<vmem_shared>> -> memref<1x1x16x1024xf32, #tpu.memory_space<vmem_shared>>
    %dma_start3A_145 = tpu.memref_squeeze %dma_start3A_144 : memref<1x1x16x1024xf32, #tpu.memory_space<vmem_shared>> -> memref<16x1024xf32, #tpu.memory_space<vmem_shared>>
    tpu.enqueue_dma source(%dma_start3A_145 : memref<16x1024xf32, #tpu.memory_space<vmem_shared>>) target(%dma_start3A_141 : memref<16x1024xf32, #tpu.memory_space<hbm>>) target_semaphore(%arg21 : memref<!tpu.dma_semaphore, #tpu.memory_space<semaphore_mem>>)
    %add3A_146 = arith.constant 16 : i32
    %add3A_147 = arith.addi %mul3A_2, %add3A_146 : i32
    %dma_start3A_148 = arith.constant 1 : i32
    %dma_start3A_149 = arith.constant 0 : i32
    %dma_start3A_150 = tpu.memref_slice %arg2[%dma_start3A_148, %add3A_147, %dma_start3A_149] : memref<4x4096x1024xf32, #tpu.memory_space<hbm>> -> memref<1x16x1024xf32, #tpu.memory_space<hbm>>
    %dma_start3A_151 = tpu.memref_squeeze %dma_start3A_150 : memref<1x16x1024xf32, #tpu.memory_space<hbm>> -> memref<16x1024xf32, #tpu.memory_space<hbm>>
    %dma_start3A_152 = arith.constant 0 : i32
    %dma_start3A_153 = tpu.memref_slice %arg2[%dma_start3A_148, %add3A_147, %dma_start3A_152] : memref<4x4096x1024xf32, #tpu.memory_space<hbm>> -> memref<1x16x1024xf32, #tpu.memory_space<hbm>>
    %dma_start3A_154 = tpu.memref_squeeze %dma_start3A_153 : memref<1x16x1024xf32, #tpu.memory_space<hbm>> -> memref<16x1024xf32, #tpu.memory_space<hbm>>
    tpu.enqueue_dma source(%dma_start3A_154 : memref<16x1024xf32, #tpu.memory_space<hbm>>) target(%arg6 : memref<16x1024xf32, #tpu.memory_space<vmem>>) target_semaphore(%arg13 : memref<!tpu.dma_semaphore, #tpu.memory_space<semaphore_mem>>)
    %dma_wait3A_155 = arith.constant 0 : i32
    %dma_wait3A_156 = arith.constant 0 : i32
    %dma_wait3A_157 = arith.constant 0 : i32
    %dma_wait3A_158 = tpu.memref_slice %arg4[%dma_wait3A_156, %add3A_88, %dma_wait3A_157] : memref<4x4096x1024xf32, #tpu.memory_space<hbm>> -> memref<1x16x1024xf32, #tpu.memory_space<hbm>>
    %dma_wait3A_159 = tpu.memref_squeeze %dma_wait3A_158 : memref<1x16x1024xf32, #tpu.memory_space<hbm>> -> memref<16x1024xf32, #tpu.memory_space<hbm>>
    %dma_wait3A_160 = arith.constant 0 : i32
    %dma_wait3A_161 = arith.constant 0 : i32
    %dma_wait3A_162 = tpu.memref_slice %arg11[%arg1, %dma_wait3A_155, %dma_wait3A_160, %dma_wait3A_161] : memref<16x2x16x1024xf32, #tpu.memory_space<vmem_shared>> -> memref<1x1x16x1024xf32, #tpu.memory_space<vmem_shared>>
    %dma_wait3A_163 = tpu.memref_squeeze %dma_wait3A_162 : memref<1x1x16x1024xf32, #tpu.memory_space<vmem_shared>> -> memref<16x1024xf32, #tpu.memory_space<vmem_shared>>
    tpu.wait_dma2 semaphore(%arg20 : memref<!tpu.dma_semaphore, #tpu.memory_space<semaphore_mem>>) src(%dma_wait3A_163 : memref<16x1024xf32, #tpu.memory_space<vmem_shared>>) dst(%dma_wait3A_159 : memref<16x1024xf32, #tpu.memory_space<hbm>>)
    %parallel_loop3A_164 = arith.constant 0 : i32
    %parallel_loop3A_165 = arith.constant 1024 : i32
    %parallel_loop3A_166 = arith.constant 1 : i32
    scf.for %parallel_loop3A_1904 = %parallel_loop3A_164 to %parallel_loop3A_165 step %parallel_loop3A_166  : i32 {
      %parallel_loop3A_1905 = arith.constant 6 : i32
      %parallel_loop3A_1906 = arith.shrui %parallel_loop3A_1904, %parallel_loop3A_1905 : i32
      %parallel_loop3A_1907 = arith.constant 63 : i32
      %parallel_loop3A_1908 = arith.andi %parallel_loop3A_1904, %parallel_loop3A_1907 : i32
      %parallel_loop3A_1909 = arith.constant 4 : i32
      %parallel_loop3A_1910 = arith.shli %parallel_loop3A_1908, %parallel_loop3A_1909 : i32
      %parallel_loop3A_1911 = tpu.assume_multiple %parallel_loop3A_1910, 16 : i32
      %parallel_loop3A_1912 = arith.index_cast %parallel_loop3A_1906 : i32 to index
      %parallel_loop3A_1913 = arith.index_cast %parallel_loop3A_1911 : i32 to index
      %parallel_loop3A_1914 = tpu.vector_load %arg9[%parallel_loop3A_1912, %parallel_loop3A_1913] {strides = array<i32>} : memref<16x1024xf32, #tpu.memory_space<vmem>>, vector<1x16xf32>,
      %parallel_loop3A_1915 = vector.shape_cast %parallel_loop3A_1914 : vector<1x16xf32> to vector<16xf32>
      %parallel_loop3A_1916 = arith.index_cast %parallel_loop3A_1906 : i32 to index
      %parallel_loop3A_1917 = arith.index_cast %parallel_loop3A_1911 : i32 to index
      %parallel_loop3A_1918 = tpu.vector_load %arg7[%parallel_loop3A_1916, %parallel_loop3A_1917] {strides = array<i32>} : memref<16x1024xf32, #tpu.memory_space<vmem>>, vector<1x16xf32>,
      %parallel_loop3A_1919 = vector.shape_cast %parallel_loop3A_1918 : vector<1x16xf32> to vector<16xf32>
      %parallel_loop3A_1920 = vector.shape_cast %parallel_loop3A_1915 : vector<16xf32> to vector<1x16xf32>
      tpu.vector_store %arg7[%parallel_loop3A_1916, %parallel_loop3A_1917], %parallel_loop3A_1920 {add = true, strides = array<i32>} : memref<16x1024xf32, #tpu.memory_space<vmem>>, vector<1x16xf32>,
    } {sc.loop_unroll_factor = 8 : i64, sc.parallel_access}
    %dma_start3A_167 = arith.constant 0 : i32
    %dma_start3A_168 = arith.constant 0 : i32
    %dma_start3A_169 = arith.constant 0 : i32
    %dma_start3A_170 = tpu.memref_slice %arg11[%arg1, %dma_start3A_167, %dma_start3A_168, %dma_start3A_169] : memref<16x2x16x1024xf32, #tpu.memory_space<vmem_shared>> -> memref<1x1x16x1024xf32, #tpu.memory_space<vmem_shared>>
    %dma_start3A_171 = tpu.memref_squeeze %dma_start3A_170 : memref<1x1x16x1024xf32, #tpu.memory_space<vmem_shared>> -> memref<16x1024xf32, #tpu.memory_space<vmem_shared>>
    %dma_start3A_172 = arith.constant 0 : i32
    %dma_start3A_173 = arith.constant 0 : i32
    %dma_start3A_174 = tpu.memref_slice %arg11[%arg1, %dma_start3A_167, %dma_start3A_172, %dma_start3A_173] : memref<16x2x16x1024xf32, #tpu.memory_space<vmem_shared>> -> memref<1x1x16x1024xf32, #tpu.memory_space<vmem_shared>>
    %dma_start3A_175 = tpu.memref_squeeze %dma_start3A_174 : memref<1x1x16x1024xf32, #tpu.memory_space<vmem_shared>> -> memref<16x1024xf32, #tpu.memory_space<vmem_shared>>
    tpu.enqueue_dma source(%arg7 : memref<16x1024xf32, #tpu.memory_space<vmem>>) target(%dma_start3A_175 : memref<16x1024xf32, #tpu.memory_space<vmem_shared>>) target_semaphore(%arg18 : memref<!tpu.dma_semaphore, #tpu.memory_space<semaphore_mem>>)
    %dma_wait3A_176 = arith.constant 3 : i32
    %dma_wait3A_177 = arith.constant 0 : i32
    %dma_wait3A_178 = tpu.memref_slice %arg2[%dma_wait3A_176, %add3A_52, %dma_wait3A_177] : memref<4x4096x1024xf32, #tpu.memory_space<hbm>> -> memref<1x16x1024xf32, #tpu.memory_space<hbm>>
    %dma_wait3A_179 = tpu.memref_squeeze %dma_wait3A_178 : memref<1x16x1024xf32, #tpu.memory_space<hbm>> -> memref<16x1024xf32, #tpu.memory_space<hbm>>
    %dma_wait3A_180 = arith.constant 0 : i32
    %dma_wait3A_181 = tpu.memref_slice %arg2[%dma_wait3A_176, %add3A_52, %dma_wait3A_180] : memref<4x4096x1024xf32, #tpu.memory_space<hbm>> -> memref<1x16x1024xf32, #tpu.memory_space<hbm>>
    %dma_wait3A_182 = tpu.memref_squeeze %dma_wait3A_181 : memref<1x16x1024xf32, #tpu.memory_space<hbm>> -> memref<16x1024xf32, #tpu.memory_space<hbm>>
    tpu.wait_dma2 semaphore(%arg15 : memref<!tpu.dma_semaphore, #tpu.memory_space<semaphore_mem>>) src(%dma_wait3A_182 : memref<16x1024xf32, #tpu.memory_space<hbm>>) dst(%arg8 : memref<16x1024xf32, #tpu.memory_space<vmem>>)
    %dma_wait3A_183 = arith.constant 0 : i32
    %dma_wait3A_184 = arith.constant 0 : i32
    %dma_wait3A_185 = arith.constant 0 : i32
    %dma_wait3A_186 = tpu.memref_slice %arg11[%arg1, %dma_wait3A_183, %dma_wait3A_184, %dma_wait3A_185] : memref<16x2x16x1024xf32, #tpu.memory_space<vmem_shared>> -> memref<1x1x16x1024xf32, #tpu.memory_space<vmem_shared>>
    %dma_wait3A_187 = tpu.memref_squeeze %dma_wait3A_186 : memref<1x1x16x1024xf32, #tpu.memory_space<vmem_shared>> -> memref<16x1024xf32, #tpu.memory_space<vmem_shared>>
    %dma_wait3A_188 = arith.constant 0 : i32
    %dma_wait3A_189 = arith.constant 0 : i32
    %dma_wait3A_190 = tpu.memref_slice %arg11[%arg1, %dma_wait3A_183, %dma_wait3A_188, %dma_wait3A_189] : memref<16x2x16x1024xf32, #tpu.memory_space<vmem_shared>> -> memref<1x1x16x1024xf32, #tpu.memory_space<vmem_shared>>
    %dma_wait3A_191 = tpu.memref_squeeze %dma_wait3A_190 : memref<1x1x16x1024xf32, #tpu.memory_space<vmem_shared>> -> memref<16x1024xf32, #tpu.memory_space<vmem_shared>>
    tpu.wait_dma2 semaphore(%arg18 : memref<!tpu.dma_semaphore, #tpu.memory_space<semaphore_mem>>) src(%arg7 : memref<16x1024xf32, #tpu.memory_space<vmem>>) dst(%dma_wait3A_191 : memref<16x1024xf32, #tpu.memory_space<vmem_shared>>)
    %add3A_192 = arith.constant 0 : i32
    %add3A_193 = arith.addi %mul3A_2, %add3A_192 : i32
    %dma_start3A_194 = arith.constant 0 : i32
    %dma_start3A_195 = arith.constant 2 : i32
    %dma_start3A_196 = arith.constant 0 : i32
    %dma_start3A_197 = tpu.memref_slice %arg4[%dma_start3A_195, %add3A_193, %dma_start3A_196] : memref<4x4096x1024xf32, #tpu.memory_space<hbm>> -> memref<1x16x1024xf32, #tpu.memory_space<hbm>>
    %dma_start3A_198 = tpu.memref_squeeze %dma_start3A_197 : memref<1x16x1024xf32, #tpu.memory_space<hbm>> -> memref<16x1024xf32, #tpu.memory_space<hbm>>
    %dma_start3A_199 = arith.constant 0 : i32
    %dma_start3A_200 = arith.constant 0 : i32
    %dma_start3A_201 = tpu.memref_slice %arg11[%arg1, %dma_start3A_194, %dma_start3A_199, %dma_start3A_200] : memref<16x2x16x1024xf32, #tpu.memory_space<vmem_shared>> -> memref<1x1x16x1024xf32, #tpu.memory_space<vmem_shared>>
    %dma_start3A_202 = tpu.memref_squeeze %dma_start3A_201 : memref<1x1x16x1024xf32, #tpu.memory_space<vmem_shared>> -> memref<16x1024xf32, #tpu.memory_space<vmem_shared>>
    tpu.enqueue_dma source(%dma_start3A_202 : memref<16x1024xf32, #tpu.memory_space<vmem_shared>>) target(%dma_start3A_198 : memref<16x1024xf32, #tpu.memory_space<hbm>>) target_semaphore(%arg20 : memref<!tpu.dma_semaphore, #tpu.memory_space<semaphore_mem>>)
    %add3A_203 = arith.constant 16 : i32
    %add3A_204 = arith.addi %mul3A_2, %add3A_203 : i32
    %dma_start3A_205 = arith.constant 2 : i32
    %dma_start3A_206 = arith.constant 0 : i32
    %dma_start3A_207 = tpu.memref_slice %arg2[%dma_start3A_205, %add3A_204, %dma_start3A_206] : memref<4x4096x1024xf32, #tpu.memory_space<hbm>> -> memref<1x16x1024xf32, #tpu.memory_space<hbm>>
    %dma_start3A_208 = tpu.memref_squeeze %dma_start3A_207 : memref<1x16x1024xf32, #tpu.memory_space<hbm>> -> memref<16x1024xf32, #tpu.memory_space<hbm>>
    %dma_start3A_209 = arith.constant 0 : i32
    %dma_start3A_210 = tpu.memref_slice %arg2[%dma_start3A_205, %add3A_204, %dma_start3A_209] : memref<4x4096x1024xf32, #tpu.memory_space<hbm>> -> memref<1x16x1024xf32, #tpu.memory_space<hbm>>
    %dma_start3A_211 = tpu.memref_squeeze %dma_start3A_210 : memref<1x16x1024xf32, #tpu.memory_space<hbm>> -> memref<16x1024xf32, #tpu.memory_space<hbm>>
    tpu.enqueue_dma source(%dma_start3A_211 : memref<16x1024xf32, #tpu.memory_space<hbm>>) target(%arg7 : memref<16x1024xf32, #tpu.memory_space<vmem>>) target_semaphore(%arg14 : memref<!tpu.dma_semaphore, #tpu.memory_space<semaphore_mem>>)
    %dma_wait3A_212 = arith.constant 1 : i32
    %dma_wait3A_213 = arith.constant 1 : i32
    %dma_wait3A_214 = arith.constant 0 : i32
    %dma_wait3A_215 = tpu.memref_slice %arg4[%dma_wait3A_213, %add3A_136, %dma_wait3A_214] : memref<4x4096x1024xf32, #tpu.memory_space<hbm>> -> memref<1x16x1024xf32, #tpu.memory_space<hbm>>
    %dma_wait3A_216 = tpu.memref_squeeze %dma_wait3A_215 : memref<1x16x1024xf32, #tpu.memory_space<hbm>> -> memref<16x1024xf32, #tpu.memory_space<hbm>>
    %dma_wait3A_217 = arith.constant 0 : i32
    %dma_wait3A_218 = arith.constant 0 : i32
    %dma_wait3A_219 = tpu.memref_slice %arg11[%arg1, %dma_wait3A_212, %dma_wait3A_217, %dma_wait3A_218] : memref<16x2x16x1024xf32, #tpu.memory_space<vmem_shared>> -> memref<1x1x16x1024xf32, #tpu.memory_space<vmem_shared>>
    %dma_wait3A_220 = tpu.memref_squeeze %dma_wait3A_219 : memref<1x1x16x1024xf32, #tpu.memory_space<vmem_shared>> -> memref<16x1024xf32, #tpu.memory_space<vmem_shared>>
    tpu.wait_dma2 semaphore(%arg21 : memref<!tpu.dma_semaphore, #tpu.memory_space<semaphore_mem>>) src(%dma_wait3A_220 : memref<16x1024xf32, #tpu.memory_space<vmem_shared>>) dst(%dma_wait3A_216 : memref<16x1024xf32, #tpu.memory_space<hbm>>)
    %parallel_loop3A_221 = arith.constant 0 : i32
    %parallel_loop3A_222 = arith.constant 1024 : i32
    %parallel_loop3A_223 = arith.constant 1 : i32
    scf.for %parallel_loop3A_1904 = %parallel_loop3A_221 to %parallel_loop3A_222 step %parallel_loop3A_223  : i32 {
      %parallel_loop3A_1905 = arith.constant 6 : i32
      %parallel_loop3A_1906 = arith.shrui %parallel_loop3A_1904, %parallel_loop3A_1905 : i32
      %parallel_loop3A_1907 = arith.constant 63 : i32
      %parallel_loop3A_1908 = arith.andi %parallel_loop3A_1904, %parallel_loop3A_1907 : i32
      %parallel_loop3A_1909 = arith.constant 4 : i32
      %parallel_loop3A_1910 = arith.shli %parallel_loop3A_1908, %parallel_loop3A_1909 : i32
      %parallel_loop3A_1911 = tpu.assume_multiple %parallel_loop3A_1910, 16 : i32
      %parallel_loop3A_1912 = arith.index_cast %parallel_loop3A_1906 : i32 to index
      %parallel_loop3A_1913 = arith.index_cast %parallel_loop3A_1911 : i32 to index
      %parallel_loop3A_1914 = tpu.vector_load %arg9[%parallel_loop3A_1912, %parallel_loop3A_1913] {strides = array<i32>} : memref<16x1024xf32, #tpu.memory_space<vmem>>, vector<1x16xf32>,
      %parallel_loop3A_1915 = vector.shape_cast %parallel_loop3A_1914 : vector<1x16xf32> to vector<16xf32>
      %parallel_loop3A_1916 = arith.index_cast %parallel_loop3A_1906 : i32 to index
      %parallel_loop3A_1917 = arith.index_cast %parallel_loop3A_1911 : i32 to index
      %parallel_loop3A_1918 = tpu.vector_load %arg8[%parallel_loop3A_1916, %parallel_loop3A_1917] {strides = array<i32>} : memref<16x1024xf32, #tpu.memory_space<vmem>>, vector<1x16xf32>,
      %parallel_loop3A_1919 = vector.shape_cast %parallel_loop3A_1918 : vector<1x16xf32> to vector<16xf32>
      %parallel_loop3A_1920 = vector.shape_cast %parallel_loop3A_1915 : vector<16xf32> to vector<1x16xf32>
      tpu.vector_store %arg8[%parallel_loop3A_1916, %parallel_loop3A_1917], %parallel_loop3A_1920 {add = true, strides = array<i32>} : memref<16x1024xf32, #tpu.memory_space<vmem>>, vector<1x16xf32>,
    } {sc.loop_unroll_factor = 8 : i64, sc.parallel_access}
    %dma_start3A_224 = arith.constant 1 : i32
    %dma_start3A_225 = arith.constant 0 : i32
    %dma_start3A_226 = arith.constant 0 : i32
    %dma_start3A_227 = tpu.memref_slice %arg11[%arg1, %dma_start3A_224, %dma_start3A_225, %dma_start3A_226] : memref<16x2x16x1024xf32, #tpu.memory_space<vmem_shared>> -> memref<1x1x16x1024xf32, #tpu.memory_space<vmem_shared>>
    %dma_start3A_228 = tpu.memref_squeeze %dma_start3A_227 : memref<1x1x16x1024xf32, #tpu.memory_space<vmem_shared>> -> memref<16x1024xf32, #tpu.memory_space<vmem_shared>>
    %dma_start3A_229 = arith.constant 0 : i32
    %dma_start3A_230 = arith.constant 0 : i32
    %dma_start3A_231 = tpu.memref_slice %arg11[%arg1, %dma_start3A_224, %dma_start3A_229, %dma_start3A_230] : memref<16x2x16x1024xf32, #tpu.memory_space<vmem_shared>> -> memref<1x1x16x1024xf32, #tpu.memory_space<vmem_shared>>
    %dma_start3A_232 = tpu.memref_squeeze %dma_start3A_231 : memref<1x1x16x1024xf32, #tpu.memory_space<vmem_shared>> -> memref<16x1024xf32, #tpu.memory_space<vmem_shared>>
    tpu.enqueue_dma source(%arg8 : memref<16x1024xf32, #tpu.memory_space<vmem>>) target(%dma_start3A_232 : memref<16x1024xf32, #tpu.memory_space<vmem_shared>>) target_semaphore(%arg19 : memref<!tpu.dma_semaphore, #tpu.memory_space<semaphore_mem>>)
    %add3A_233 = arith.constant 32 : i32
    %add3A_234 = arith.addi %mul3A_2, %add3A_233 : i32
    %dma_start3A_235 = arith.constant 0 : i32
    %dma_start3A_236 = tpu.memref_slice %arg3[%add3A_234, %dma_start3A_235] : memref<8192x1024xf32, #tpu.memory_space<hbm>> -> memref<16x1024xf32, #tpu.memory_space<hbm>>
    %dma_start3A_237 = arith.constant 0 : i32
    %dma_start3A_238 = tpu.memref_slice %arg3[%add3A_234, %dma_start3A_237] : memref<8192x1024xf32, #tpu.memory_space<hbm>> -> memref<16x1024xf32, #tpu.memory_space<hbm>>
    tpu.enqueue_dma source(%dma_start3A_238 : memref<16x1024xf32, #tpu.memory_space<hbm>>) target(%arg9 : memref<16x1024xf32, #tpu.memory_space<vmem>>) target_semaphore(%arg16 : memref<!tpu.dma_semaphore, #tpu.memory_space<semaphore_mem>>)
    %dma_wait3A_239 = arith.constant 0 : i32
    %dma_wait3A_240 = arith.constant 0 : i32
    %dma_wait3A_241 = tpu.memref_slice %arg2[%dma_wait3A_239, %add3A_99, %dma_wait3A_240] : memref<4x4096x1024xf32, #tpu.memory_space<hbm>> -> memref<1x16x1024xf32, #tpu.memory_space<hbm>>
    %dma_wait3A_242 = tpu.memref_squeeze %dma_wait3A_241 : memref<1x16x1024xf32, #tpu.memory_space<hbm>> -> memref<16x1024xf32, #tpu.memory_space<hbm>>
    %dma_wait3A_243 = arith.constant 0 : i32
    %dma_wait3A_244 = tpu.memref_slice %arg2[%dma_wait3A_239, %add3A_99, %dma_wait3A_243] : memref<4x4096x1024xf32, #tpu.memory_space<hbm>> -> memref<1x16x1024xf32, #tpu.memory_space<hbm>>
    %dma_wait3A_245 = tpu.memref_squeeze %dma_wait3A_244 : memref<1x16x1024xf32, #tpu.memory_space<hbm>> -> memref<16x1024xf32, #tpu.memory_space<hbm>>
    tpu.wait_dma2 semaphore(%arg12 : memref<!tpu.dma_semaphore, #tpu.memory_space<semaphore_mem>>) src(%dma_wait3A_245 : memref<16x1024xf32, #tpu.memory_space<hbm>>) dst(%arg5 : memref<16x1024xf32, #tpu.memory_space<vmem>>)
    %dma_wait3A_246 = arith.constant 0 : i32
    %dma_wait3A_247 = tpu.memref_slice %arg3[%add3A_36, %dma_wait3A_246] : memref<8192x1024xf32, #tpu.memory_space<hbm>> -> memref<16x1024xf32, #tpu.memory_space<hbm>>
    %dma_wait3A_248 = arith.constant 0 : i32
    %dma_wait3A_249 = tpu.memref_slice %arg3[%add3A_36, %dma_wait3A_248] : memref<8192x1024xf32, #tpu.memory_space<hbm>> -> memref<16x1024xf32, #tpu.memory_space<hbm>>
    tpu.wait_dma2 semaphore(%arg17 : memref<!tpu.dma_semaphore, #tpu.memory_space<semaphore_mem>>) src(%dma_wait3A_249 : memref<16x1024xf32, #tpu.memory_space<hbm>>) dst(%arg10 : memref<16x1024xf32, #tpu.memory_space<vmem>>)
    %dma_wait3A_250 = arith.constant 1 : i32
    %dma_wait3A_251 = arith.constant 0 : i32
    %dma_wait3A_252 = arith.constant 0 : i32
    %dma_wait3A_253 = tpu.memref_slice %arg11[%arg1, %dma_wait3A_250, %dma_wait3A_251, %dma_wait3A_252] : memref<16x2x16x1024xf32, #tpu.memory_space<vmem_shared>> -> memref<1x1x16x1024xf32, #tpu.memory_space<vmem_shared>>
    %dma_wait3A_254 = tpu.memref_squeeze %dma_wait3A_253 : memref<1x1x16x1024xf32, #tpu.memory_space<vmem_shared>> -> memref<16x1024xf32, #tpu.memory_space<vmem_shared>>
    %dma_wait3A_255 = arith.constant 0 : i32
    %dma_wait3A_256 = arith.constant 0 : i32
    %dma_wait3A_257 = tpu.memref_slice %arg11[%arg1, %dma_wait3A_250, %dma_wait3A_255, %dma_wait3A_256] : memref<16x2x16x1024xf32, #tpu.memory_space<vmem_shared>> -> memref<1x1x16x1024xf32, #tpu.memory_space<vmem_shared>>
    %dma_wait3A_258 = tpu.memref_squeeze %dma_wait3A_257 : memref<1x1x16x1024xf32, #tpu.memory_space<vmem_shared>> -> memref<16x1024xf32, #tpu.memory_space<vmem_shared>>
    tpu.wait_dma2 semaphore(%arg19 : memref<!tpu.dma_semaphore, #tpu.memory_space<semaphore_mem>>) src(%arg8 : memref<16x1024xf32, #tpu.memory_space<vmem>>) dst(%dma_wait3A_258 : memref<16x1024xf32, #tpu.memory_space<vmem_shared>>)
    %add3A_259 = arith.constant 0 : i32
    %add3A_260 = arith.addi %mul3A_2, %add3A_259 : i32
    %dma_start3A_261 = arith.constant 1 : i32
    %dma_start3A_262 = arith.constant 3 : i32
    %dma_start3A_263 = arith.constant 0 : i32
    %dma_start3A_264 = tpu.memref_slice %arg4[%dma_start3A_262, %add3A_260, %dma_start3A_263] : memref<4x4096x1024xf32, #tpu.memory_space<hbm>> -> memref<1x16x1024xf32, #tpu.memory_space<hbm>>
    %dma_start3A_265 = tpu.memref_squeeze %dma_start3A_264 : memref<1x16x1024xf32, #tpu.memory_space<hbm>> -> memref<16x1024xf32, #tpu.memory_space<hbm>>
    %dma_start3A_266 = arith.constant 0 : i32
    %dma_start3A_267 = arith.constant 0 : i32
    %dma_start3A_268 = tpu.memref_slice %arg11[%arg1, %dma_start3A_261, %dma_start3A_266, %dma_start3A_267] : memref<16x2x16x1024xf32, #tpu.memory_space<vmem_shared>> -> memref<1x1x16x1024xf32, #tpu.memory_space<vmem_shared>>
    %dma_start3A_269 = tpu.memref_squeeze %dma_start3A_268 : memref<1x1x16x1024xf32, #tpu.memory_space<vmem_shared>> -> memref<16x1024xf32, #tpu.memory_space<vmem_shared>>
    tpu.enqueue_dma source(%dma_start3A_269 : memref<16x1024xf32, #tpu.memory_space<vmem_shared>>) target(%dma_start3A_265 : memref<16x1024xf32, #tpu.memory_space<hbm>>) target_semaphore(%arg21 : memref<!tpu.dma_semaphore, #tpu.memory_space<semaphore_mem>>)
    %add3A_270 = arith.constant 16 : i32
    %add3A_271 = arith.addi %mul3A_2, %add3A_270 : i32
    %dma_start3A_272 = arith.constant 3 : i32
    %dma_start3A_273 = arith.constant 0 : i32
    %dma_start3A_274 = tpu.memref_slice %arg2[%dma_start3A_272, %add3A_271, %dma_start3A_273] : memref<4x4096x1024xf32, #tpu.memory_space<hbm>> -> memref<1x16x1024xf32, #tpu.memory_space<hbm>>
    %dma_start3A_275 = tpu.memref_squeeze %dma_start3A_274 : memref<1x16x1024xf32, #tpu.memory_space<hbm>> -> memref<16x1024xf32, #tpu.memory_space<hbm>>
    %dma_start3A_276 = arith.constant 0 : i32
    %dma_start3A_277 = tpu.memref_slice %arg2[%dma_start3A_272, %add3A_271, %dma_start3A_276] : memref<4x4096x1024xf32, #tpu.memory_space<hbm>> -> memref<1x16x1024xf32, #tpu.memory_space<hbm>>
    %dma_start3A_278 = tpu.memref_squeeze %dma_start3A_277 : memref<1x16x1024xf32, #tpu.memory_space<hbm>> -> memref<16x1024xf32, #tpu.memory_space<hbm>>
    tpu.enqueue_dma source(%dma_start3A_278 : memref<16x1024xf32, #tpu.memory_space<hbm>>) target(%arg8 : memref<16x1024xf32, #tpu.memory_space<vmem>>) target_semaphore(%arg15 : memref<!tpu.dma_semaphore, #tpu.memory_space<semaphore_mem>>)
    %dma_wait3A_279 = arith.constant 0 : i32
    %dma_wait3A_280 = arith.constant 2 : i32
    %dma_wait3A_281 = arith.constant 0 : i32
    %dma_wait3A_282 = tpu.memref_slice %arg4[%dma_wait3A_280, %add3A_193, %dma_wait3A_281] : memref<4x4096x1024xf32, #tpu.memory_space<hbm>> -> memref<1x16x1024xf32, #tpu.memory_space<hbm>>
    %dma_wait3A_283 = tpu.memref_squeeze %dma_wait3A_282 : memref<1x16x1024xf32, #tpu.memory_space<hbm>> -> memref<16x1024xf32, #tpu.memory_space<hbm>>
    %dma_wait3A_284 = arith.constant 0 : i32
    %dma_wait3A_285 = arith.constant 0 : i32
    %dma_wait3A_286 = tpu.memref_slice %arg11[%arg1, %dma_wait3A_279, %dma_wait3A_284, %dma_wait3A_285] : memref<16x2x16x1024xf32, #tpu.memory_space<vmem_shared>> -> memref<1x1x16x1024xf32, #tpu.memory_space<vmem_shared>>
    %dma_wait3A_287 = tpu.memref_squeeze %dma_wait3A_286 : memref<1x1x16x1024xf32, #tpu.memory_space<vmem_shared>> -> memref<16x1024xf32, #tpu.memory_space<vmem_shared>>
    tpu.wait_dma2 semaphore(%arg20 : memref<!tpu.dma_semaphore, #tpu.memory_space<semaphore_mem>>) src(%dma_wait3A_287 : memref<16x1024xf32, #tpu.memory_space<vmem_shared>>) dst(%dma_wait3A_283 : memref<16x1024xf32, #tpu.memory_space<hbm>>)
    %parallel_loop3A_288 = arith.constant 0 : i32
    %parallel_loop3A_289 = arith.constant 1024 : i32
    %parallel_loop3A_290 = arith.constant 1 : i32
    scf.for %parallel_loop3A_1904 = %parallel_loop3A_288 to %parallel_loop3A_289 step %parallel_loop3A_290  : i32 {
      %parallel_loop3A_1905 = arith.constant 6 : i32
      %parallel_loop3A_1906 = arith.shrui %parallel_loop3A_1904, %parallel_loop3A_1905 : i32
      %parallel_loop3A_1907 = arith.constant 63 : i32
      %parallel_loop3A_1908 = arith.andi %parallel_loop3A_1904, %parallel_loop3A_1907 : i32
      %parallel_loop3A_1909 = arith.constant 4 : i32
      %parallel_loop3A_1910 = arith.shli %parallel_loop3A_1908, %parallel_loop3A_1909 : i32
      %parallel_loop3A_1911 = tpu.assume_multiple %parallel_loop3A_1910, 16 : i32
      %parallel_loop3A_1912 = arith.index_cast %parallel_loop3A_1906 : i32 to index
      %parallel_loop3A_1913 = arith.index_cast %parallel_loop3A_1911 : i32 to index
      %parallel_loop3A_1914 = tpu.vector_load %arg10[%parallel_loop3A_1912, %parallel_loop3A_1913] {strides = array<i32>} : memref<16x1024xf32, #tpu.memory_space<vmem>>, vector<1x16xf32>,
      %parallel_loop3A_1915 = vector.shape_cast %parallel_loop3A_1914 : vector<1x16xf32> to vector<16xf32>
      %parallel_loop3A_1916 = arith.index_cast %parallel_loop3A_1906 : i32 to index
      %parallel_loop3A_1917 = arith.index_cast %parallel_loop3A_1911 : i32 to index
      %parallel_loop3A_1918 = tpu.vector_load %arg5[%parallel_loop3A_1916, %parallel_loop3A_1917] {strides = array<i32>} : memref<16x1024xf32, #tpu.memory_space<vmem>>, vector<1x16xf32>,
      %parallel_loop3A_1919 = vector.shape_cast %parallel_loop3A_1918 : vector<1x16xf32> to vector<16xf32>
      %parallel_loop3A_1920 = vector.shape_cast %parallel_loop3A_1915 : vector<16xf32> to vector<1x16xf32>
      tpu.vector_store %arg5[%parallel_loop3A_1916, %parallel_loop3A_1917], %parallel_loop3A_1920 {add = true, strides = array<i32>} : memref<16x1024xf32, #tpu.memory_space<vmem>>, vector<1x16xf32>,
    } {sc.loop_unroll_factor = 8 : i64, sc.parallel_access}
    %dma_start3A_291 = arith.constant 0 : i32
    %dma_start3A_292 = arith.constant 0 : i32
    %dma_start3A_293 = arith.constant 0 : i32
    %dma_start3A_294 = tpu.memref_slice %arg11[%arg1, %dma_start3A_291, %dma_start3A_292, %dma_start3A_293] : memref<16x2x16x1024xf32, #tpu.memory_space<vmem_shared>> -> memref<1x1x16x1024xf32, #tpu.memory_space<vmem_shared>>
    %dma_start3A_295 = tpu.memref_squeeze %dma_start3A_294 : memref<1x1x16x1024xf32, #tpu.memory_space<vmem_shared>> -> memref<16x1024xf32, #tpu.memory_space<vmem_shared>>
    %dma_start3A_296 = arith.constant 0 : i32
    %dma_start3A_297 = arith.constant 0 : i32
    %dma_start3A_298 = tpu.memref_slice %arg11[%arg1, %dma_start3A_291, %dma_start3A_296, %dma_start3A_297] : memref<16x2x16x1024xf32, #tpu.memory_space<vmem_shared>> -> memref<1x1x16x1024xf32, #tpu.memory_space<vmem_shared>>
    %dma_start3A_299 = tpu.memref_squeeze %dma_start3A_298 : memref<1x1x16x1024xf32, #tpu.memory_space<vmem_shared>> -> memref<16x1024xf32, #tpu.memory_space<vmem_shared>>
    tpu.enqueue_dma source(%arg5 : memref<16x1024xf32, #tpu.memory_space<vmem>>) target(%dma_start3A_299 : memref<16x1024xf32, #tpu.memory_space<vmem_shared>>) target_semaphore(%arg18 : memref<!tpu.dma_semaphore, #tpu.memory_space<semaphore_mem>>)
    %dma_wait3A_300 = arith.constant 1 : i32
    %dma_wait3A_301 = arith.constant 0 : i32
    %dma_wait3A_302 = tpu.memref_slice %arg2[%dma_wait3A_300, %add3A_147, %dma_wait3A_301] : memref<4x4096x1024xf32, #tpu.memory_space<hbm>> -> memref<1x16x1024xf32, #tpu.memory_space<hbm>>
    %dma_wait3A_303 = tpu.memref_squeeze %dma_wait3A_302 : memref<1x16x1024xf32, #tpu.memory_space<hbm>> -> memref<16x1024xf32, #tpu.memory_space<hbm>>
    %dma_wait3A_304 = arith.constant 0 : i32
    %dma_wait3A_305 = tpu.memref_slice %arg2[%dma_wait3A_300, %add3A_147, %dma_wait3A_304] : memref<4x4096x1024xf32, #tpu.memory_space<hbm>> -> memref<1x16x1024xf32, #tpu.memory_space<hbm>>
    %dma_wait3A_306 = tpu.memref_squeeze %dma_wait3A_305 : memref<1x16x1024xf32, #tpu.memory_space<hbm>> -> memref<16x1024xf32, #tpu.memory_space<hbm>>
    tpu.wait_dma2 semaphore(%arg13 : memref<!tpu.dma_semaphore, #tpu.memory_space<semaphore_mem>>) src(%dma_wait3A_306 : memref<16x1024xf32, #tpu.memory_space<hbm>>) dst(%arg6 : memref<16x1024xf32, #tpu.memory_space<vmem>>)
    %dma_wait3A_307 = arith.constant 0 : i32
    %dma_wait3A_308 = arith.constant 0 : i32
    %dma_wait3A_309 = arith.constant 0 : i32
    %dma_wait3A_310 = tpu.memref_slice %arg11[%arg1, %dma_wait3A_307, %dma_wait3A_308, %dma_wait3A_309] : memref<16x2x16x1024xf32, #tpu.memory_space<vmem_shared>> -> memref<1x1x16x1024xf32, #tpu.memory_space<vmem_shared>>
    %dma_wait3A_311 = tpu.memref_squeeze %dma_wait3A_310 : memref<1x1x16x1024xf32, #tpu.memory_space<vmem_shared>> -> memref<16x1024xf32, #tpu.memory_space<vmem_shared>>
    %dma_wait3A_312 = arith.constant 0 : i32
    %dma_wait3A_313 = arith.constant 0 : i32
    %dma_wait3A_314 = tpu.memref_slice %arg11[%arg1, %dma_wait3A_307, %dma_wait3A_312, %dma_wait3A_313] : memref<16x2x16x1024xf32, #tpu.memory_space<vmem_shared>> -> memref<1x1x16x1024xf32, #tpu.memory_space<vmem_shared>>
    %dma_wait3A_315 = tpu.memref_squeeze %dma_wait3A_314 : memref<1x1x16x1024xf32, #tpu.memory_space<vmem_shared>> -> memref<16x1024xf32, #tpu.memory_space<vmem_shared>>
    tpu.wait_dma2 semaphore(%arg18 : memref<!tpu.dma_semaphore, #tpu.memory_space<semaphore_mem>>) src(%arg5 : memref<16x1024xf32, #tpu.memory_space<vmem>>) dst(%dma_wait3A_315 : memref<16x1024xf32, #tpu.memory_space<vmem_shared>>)
    %add3A_316 = arith.constant 16 : i32
    %add3A_317 = arith.addi %mul3A_2, %add3A_316 : i32
    %dma_start3A_318 = arith.constant 0 : i32
    %dma_start3A_319 = arith.constant 0 : i32
    %dma_start3A_320 = arith.constant 0 : i32
    %dma_start3A_321 = tpu.memref_slice %arg4[%dma_start3A_319, %add3A_317, %dma_start3A_320] : memref<4x4096x1024xf32, #tpu.memory_space<hbm>> -> memref<1x16x1024xf32, #tpu.memory_space<hbm>>
    %dma_start3A_322 = tpu.memref_squeeze %dma_start3A_321 : memref<1x16x1024xf32, #tpu.memory_space<hbm>> -> memref<16x1024xf32, #tpu.memory_space<hbm>>
    %dma_start3A_323 = arith.constant 0 : i32
    %dma_start3A_324 = arith.constant 0 : i32
    %dma_start3A_325 = tpu.memref_slice %arg11[%arg1, %dma_start3A_318, %dma_start3A_323, %dma_start3A_324] : memref<16x2x16x1024xf32, #tpu.memory_space<vmem_shared>> -> memref<1x1x16x1024xf32, #tpu.memory_space<vmem_shared>>
    %dma_start3A_326 = tpu.memref_squeeze %dma_start3A_325 : memref<1x1x16x1024xf32, #tpu.memory_space<vmem_shared>> -> memref<16x1024xf32, #tpu.memory_space<vmem_shared>>
    tpu.enqueue_dma source(%dma_start3A_326 : memref<16x1024xf32, #tpu.memory_space<vmem_shared>>) target(%dma_start3A_322 : memref<16x1024xf32, #tpu.memory_space<hbm>>) target_semaphore(%arg20 : memref<!tpu.dma_semaphore, #tpu.memory_space<semaphore_mem>>)
    %add3A_327 = arith.constant 32 : i32
    %add3A_328 = arith.addi %mul3A_2, %add3A_327 : i32
    %dma_start3A_329 = arith.constant 0 : i32
    %dma_start3A_330 = arith.constant 0 : i32
    %dma_start3A_331 = tpu.memref_slice %arg2[%dma_start3A_329, %add3A_328, %dma_start3A_330] : memref<4x4096x1024xf32, #tpu.memory_space<hbm>> -> memref<1x16x1024xf32, #tpu.memory_space<hbm>>
    %dma_start3A_332 = tpu.memref_squeeze %dma_start3A_331 : memref<1x16x1024xf32, #tpu.memory_space<hbm>> -> memref<16x1024xf32, #tpu.memory_space<hbm>>
    %dma_start3A_333 = arith.constant 0 : i32
    %dma_start3A_334 = tpu.memref_slice %arg2[%dma_start3A_329, %add3A_328, %dma_start3A_333] : memref<4x4096x1024xf32, #tpu.memory_space<hbm>> -> memref<1x16x1024xf32, #tpu.memory_space<hbm>>
    %dma_start3A_335 = tpu.memref_squeeze %dma_start3A_334 : memref<1x16x1024xf32, #tpu.memory_space<hbm>> -> memref<16x1024xf32, #tpu.memory_space<hbm>>
    tpu.enqueue_dma source(%dma_start3A_335 : memref<16x1024xf32, #tpu.memory_space<hbm>>) target(%arg5 : memref<16x1024xf32, #tpu.memory_space<vmem>>) target_semaphore(%arg12 : memref<!tpu.dma_semaphore, #tpu.memory_space<semaphore_mem>>)
    %dma_wait3A_336 = arith.constant 1 : i32
    %dma_wait3A_337 = arith.constant 3 : i32
    %dma_wait3A_338 = arith.constant 0 : i32
    %dma_wait3A_339 = tpu.memref_slice %arg4[%dma_wait3A_337, %add3A_260, %dma_wait3A_338] : memref<4x4096x1024xf32, #tpu.memory_space<hbm>> -> memref<1x16x1024xf32, #tpu.memory_space<hbm>>
    %dma_wait3A_340 = tpu.memref_squeeze %dma_wait3A_339 : memref<1x16x1024xf32, #tpu.memory_space<hbm>> -> memref<16x1024xf32, #tpu.memory_space<hbm>>
    %dma_wait3A_341 = arith.constant 0 : i32
    %dma_wait3A_342 = arith.constant 0 : i32
    %dma_wait3A_343 = tpu.memref_slice %arg11[%arg1, %dma_wait3A_336, %dma_wait3A_341, %dma_wait3A_342] : memref<16x2x16x1024xf32, #tpu.memory_space<vmem_shared>> -> memref<1x1x16x1024xf32, #tpu.memory_space<vmem_shared>>
    %dma_wait3A_344 = tpu.memref_squeeze %dma_wait3A_343 : memref<1x1x16x1024xf32, #tpu.memory_space<vmem_shared>> -> memref<16x1024xf32, #tpu.memory_space<vmem_shared>>
    tpu.wait_dma2 semaphore(%arg21 : memref<!tpu.dma_semaphore, #tpu.memory_space<semaphore_mem>>) src(%dma_wait3A_344 : memref<16x1024xf32, #tpu.memory_space<vmem_shared>>) dst(%dma_wait3A_340 : memref<16x1024xf32, #tpu.memory_space<hbm>>)
    %parallel_loop3A_345 = arith.constant 0 : i32
    %parallel_loop3A_346 = arith.constant 1024 : i32
    %parallel_loop3A_347 = arith.constant 1 : i32
    scf.for %parallel_loop3A_1904 = %parallel_loop3A_345 to %parallel_loop3A_346 step %parallel_loop3A_347  : i32 {
      %parallel_loop3A_1905 = arith.constant 6 : i32
      %parallel_loop3A_1906 = arith.shrui %parallel_loop3A_1904, %parallel_loop3A_1905 : i32
      %parallel_loop3A_1907 = arith.constant 63 : i32
      %parallel_loop3A_1908 = arith.andi %parallel_loop3A_1904, %parallel_loop3A_1907 : i32
      %parallel_loop3A_1909 = arith.constant 4 : i32
      %parallel_loop3A_1910 = arith.shli %parallel_loop3A_1908, %parallel_loop3A_1909 : i32
      %parallel_loop3A_1911 = tpu.assume_multiple %parallel_loop3A_1910, 16 : i32
      %parallel_loop3A_1912 = arith.index_cast %parallel_loop3A_1906 : i32 to index
      %parallel_loop3A_1913 = arith.index_cast %parallel_loop3A_1911 : i32 to index
      %parallel_loop3A_1914 = tpu.vector_load %arg10[%parallel_loop3A_1912, %parallel_loop3A_1913] {strides = array<i32>} : memref<16x1024xf32, #tpu.memory_space<vmem>>, vector<1x16xf32>,
      %parallel_loop3A_1915 = vector.shape_cast %parallel_loop3A_1914 : vector<1x16xf32> to vector<16xf32>
      %parallel_loop3A_1916 = arith.index_cast %parallel_loop3A_1906 : i32 to index
      %parallel_loop3A_1917 = arith.index_cast %parallel_loop3A_1911 : i32 to index
      %parallel_loop3A_1918 = tpu.vector_load %arg6[%parallel_loop3A_1916, %parallel_loop3A_1917] {strides = array<i32>} : memref<16x1024xf32, #tpu.memory_space<vmem>>, vector<1x16xf32>,
      %parallel_loop3A_1919 = vector.shape_cast %parallel_loop3A_1918 : vector<1x16xf32> to vector<16xf32>
      %parallel_loop3A_1920 = vector.shape_cast %parallel_loop3A_1915 : vector<16xf32> to vector<1x16xf32>
      tpu.vector_store %arg6[%parallel_loop3A_1916, %parallel_loop3A_1917], %parallel_loop3A_1920 {add = true, strides = array<i32>} : memref<16x1024xf32, #tpu.memory_space<vmem>>, vector<1x16xf32>,
    } {sc.loop_unroll_factor = 8 : i64, sc.parallel_access}
    %dma_start3A_348 = arith.constant 1 : i32
    %dma_start3A_349 = arith.constant 0 : i32
    %dma_start3A_350 = arith.constant 0 : i32
    %dma_start3A_351 = tpu.memref_slice %arg11[%arg1, %dma_start3A_348, %dma_start3A_349, %dma_start3A_350] : memref<16x2x16x1024xf32, #tpu.memory_space<vmem_shared>> -> memref<1x1x16x1024xf32, #tpu.memory_space<vmem_shared>>
    %dma_start3A_352 = tpu.memref_squeeze %dma_start3A_351 : memref<1x1x16x1024xf32, #tpu.memory_space<vmem_shared>> -> memref<16x1024xf32, #tpu.memory_space<vmem_shared>>
    %dma_start3A_353 = arith.constant 0 : i32
    %dma_start3A_354 = arith.constant 0 : i32
    %dma_start3A_355 = tpu.memref_slice %arg11[%arg1, %dma_start3A_348, %dma_start3A_353, %dma_start3A_354] : memref<16x2x16x1024xf32, #tpu.memory_space<vmem_shared>> -> memref<1x1x16x1024xf32, #tpu.memory_space<vmem_shared>>
    %dma_start3A_356 = tpu.memref_squeeze %dma_start3A_355 : memref<1x1x16x1024xf32, #tpu.memory_space<vmem_shared>> -> memref<16x1024xf32, #tpu.memory_space<vmem_shared>>
    tpu.enqueue_dma source(%arg6 : memref<16x1024xf32, #tpu.memory_space<vmem>>) target(%dma_start3A_356 : memref<16x1024xf32, #tpu.memory_space<vmem_shared>>) target_semaphore(%arg19 : memref<!tpu.dma_semaphore, #tpu.memory_space<semaphore_mem>>)
    %dma_wait3A_357 = arith.constant 2 : i32
    %dma_wait3A_358 = arith.constant 0 : i32
    %dma_wait3A_359 = tpu.memref_slice %arg2[%dma_wait3A_357, %add3A_204, %dma_wait3A_358] : memref<4x4096x1024xf32, #tpu.memory_space<hbm>> -> memref<1x16x1024xf32, #tpu.memory_space<hbm>>
    %dma_wait3A_360 = tpu.memref_squeeze %dma_wait3A_359 : memref<1x16x1024xf32, #tpu.memory_space<hbm>> -> memref<16x1024xf32, #tpu.memory_space<hbm>>
    %dma_wait3A_361 = arith.constant 0 : i32
    %dma_wait3A_362 = tpu.memref_slice %arg2[%dma_wait3A_357, %add3A_204, %dma_wait3A_361] : memref<4x4096x1024xf32, #tpu.memory_space<hbm>> -> memref<1x16x1024xf32, #tpu.memory_space<hbm>>
    %dma_wait3A_363 = tpu.memref_squeeze %dma_wait3A_362 : memref<1x16x1024xf32, #tpu.memory_space<hbm>> -> memref<16x1024xf32, #tpu.memory_space<hbm>>
    tpu.wait_dma2 semaphore(%arg14 : memref<!tpu.dma_semaphore, #tpu.memory_space<semaphore_mem>>) src(%dma_wait3A_363 : memref<16x1024xf32, #tpu.memory_space<hbm>>) dst(%arg7 : memref<16x1024xf32, #tpu.memory_space<vmem>>)
    %dma_wait3A_364 = arith.constant 1 : i32
    %dma_wait3A_365 = arith.constant 0 : i32
    %dma_wait3A_366 = arith.constant 0 : i32
    %dma_wait3A_367 = tpu.memref_slice %arg11[%arg1, %dma_wait3A_364, %dma_wait3A_365, %dma_wait3A_366] : memref<16x2x16x1024xf32, #tpu.memory_space<vmem_shared>> -> memref<1x1x16x1024xf32, #tpu.memory_space<vmem_shared>>
    %dma_wait3A_368 = tpu.memref_squeeze %dma_wait3A_367 : memref<1x1x16x1024xf32, #tpu.memory_space<vmem_shared>> -> memref<16x1024xf32, #tpu.memory_space<vmem_shared>>
    %dma_wait3A_369 = arith.constant 0 : i32
    %dma_wait3A_370 = arith.constant 0 : i32
    %dma_wait3A_371 = tpu.memref_slice %arg11[%arg1, %dma_wait3A_364, %dma_wait3A_369, %dma_wait3A_370] : memref<16x2x16x1024xf32, #tpu.memory_space<vmem_shared>> -> memref<1x1x16x1024xf32, #tpu.memory_space<vmem_shared>>
    %dma_wait3A_372 = tpu.memref_squeeze %dma_wait3A_371 : memref<1x1x16x1024xf32, #tpu.memory_space<vmem_shared>> -> memref<16x1024xf32, #tpu.memory_space<vmem_shared>>
    tpu.wait_dma2 semaphore(%arg19 : memref<!tpu.dma_semaphore, #tpu.memory_space<semaphore_mem>>) src(%arg6 : memref<16x1024xf32, #tpu.memory_space<vmem>>) dst(%dma_wait3A_372 : memref<16x1024xf32, #tpu.memory_space<vmem_shared>>)
    %add3A_373 = arith.constant 16 : i32
    %add3A_374 = arith.addi %mul3A_2, %add3A_373 : i32
    %dma_start3A_375 = arith.constant 1 : i32
    %dma_start3A_376 = arith.constant 1 : i32
    %dma_start3A_377 = arith.constant 0 : i32
    %dma_start3A_378 = tpu.memref_slice %arg4[%dma_start3A_376, %add3A_374, %dma_start3A_377] : memref<4x4096x1024xf32, #tpu.memory_space<hbm>> -> memref<1x16x1024xf32, #tpu.memory_space<hbm>>
    %dma_start3A_379 = tpu.memref_squeeze %dma_start3A_378 : memref<1x16x1024xf32, #tpu.memory_space<hbm>> -> memref<16x1024xf32, #tpu.memory_space<hbm>>
    %dma_start3A_380 = arith.constant 0 : i32
    %dma_start3A_381 = arith.constant 0 : i32
    %dma_start3A_382 = tpu.memref_slice %arg11[%arg1, %dma_start3A_375, %dma_start3A_380, %dma_start3A_381] : memref<16x2x16x1024xf32, #tpu.memory_space<vmem_shared>> -> memref<1x1x16x1024xf32, #tpu.memory_space<vmem_shared>>
    %dma_start3A_383 = tpu.memref_squeeze %dma_start3A_382 : memref<1x1x16x1024xf32, #tpu.memory_space<vmem_shared>> -> memref<16x1024xf32, #tpu.memory_space<vmem_shared>>
    tpu.enqueue_dma source(%dma_start3A_383 : memref<16x1024xf32, #tpu.memory_space<vmem_shared>>) target(%dma_start3A_379 : memref<16x1024xf32, #tpu.memory_space<hbm>>) target_semaphore(%arg21 : memref<!tpu.dma_semaphore, #tpu.memory_space<semaphore_mem>>)
    %add3A_384 = arith.constant 32 : i32
    %add3A_385 = arith.addi %mul3A_2, %add3A_384 : i32
    %dma_start3A_386 = arith.constant 1 : i32
    %dma_start3A_387 = arith.constant 0 : i32
    %dma_start3A_388 = tpu.memref_slice %arg2[%dma_start3A_386, %add3A_385, %dma_start3A_387] : memref<4x4096x1024xf32, #tpu.memory_space<hbm>> -> memref<1x16x1024xf32, #tpu.memory_space<hbm>>
    %dma_start3A_389 = tpu.memref_squeeze %dma_start3A_388 : memref<1x16x1024xf32, #tpu.memory_space<hbm>> -> memref<16x1024xf32, #tpu.memory_space<hbm>>
    %dma_start3A_390 = arith.constant 0 : i32
    %dma_start3A_391 = tpu.memref_slice %arg2[%dma_start3A_386, %add3A_385, %dma_start3A_390] : memref<4x4096x1024xf32, #tpu.memory_space<hbm>> -> memref<1x16x1024xf32, #tpu.memory_space<hbm>>
    %dma_start3A_392 = tpu.memref_squeeze %dma_start3A_391 : memref<1x16x1024xf32, #tpu.memory_space<hbm>> -> memref<16x1024xf32, #tpu.memory_space<hbm>>
    tpu.enqueue_dma source(%dma_start3A_392 : memref<16x1024xf32, #tpu.memory_space<hbm>>) target(%arg6 : memref<16x1024xf32, #tpu.memory_space<vmem>>) target_semaphore(%arg13 : memref<!tpu.dma_semaphore, #tpu.memory_space<semaphore_mem>>)
    %dma_wait3A_393 = arith.constant 0 : i32
    %dma_wait3A_394 = arith.constant 0 : i32
    %dma_wait3A_395 = arith.constant 0 : i32
    %dma_wait3A_396 = tpu.memref_slice %arg4[%dma_wait3A_394, %add3A_317, %dma_wait3A_395] : memref<4x4096x1024xf32, #tpu.memory_space<hbm>> -> memref<1x16x1024xf32, #tpu.memory_space<hbm>>
    %dma_wait3A_397 = tpu.memref_squeeze %dma_wait3A_396 : memref<1x16x1024xf32, #tpu.memory_space<hbm>> -> memref<16x1024xf32, #tpu.memory_space<hbm>>
    %dma_wait3A_398 = arith.constant 0 : i32
    %dma_wait3A_399 = arith.constant 0 : i32
    %dma_wait3A_400 = tpu.memref_slice %arg11[%arg1, %dma_wait3A_393, %dma_wait3A_398, %dma_wait3A_399] : memref<16x2x16x1024xf32, #tpu.memory_space<vmem_shared>> -> memref<1x1x16x1024xf32, #tpu.memory_space<vmem_shared>>
    %dma_wait3A_401 = tpu.memref_squeeze %dma_wait3A_400 : memref<1x1x16x1024xf32, #tpu.memory_space<vmem_shared>> -> memref<16x1024xf32, #tpu.memory_space<vmem_shared>>
    tpu.wait_dma2 semaphore(%arg20 : memref<!tpu.dma_semaphore, #tpu.memory_space<semaphore_mem>>) src(%dma_wait3A_401 : memref<16x1024xf32, #tpu.memory_space<vmem_shared>>) dst(%dma_wait3A_397 : memref<16x1024xf32, #tpu.memory_space<hbm>>)
    %parallel_loop3A_402 = arith.constant 0 : i32
    %parallel_loop3A_403 = arith.constant 1024 : i32
    %parallel_loop3A_404 = arith.constant 1 : i32
    scf.for %parallel_loop3A_1904 = %parallel_loop3A_402 to %parallel_loop3A_403 step %parallel_loop3A_404  : i32 {
      %parallel_loop3A_1905 = arith.constant 6 : i32
      %parallel_loop3A_1906 = arith.shrui %parallel_loop3A_1904, %parallel_loop3A_1905 : i32
      %parallel_loop3A_1907 = arith.constant 63 : i32
      %parallel_loop3A_1908 = arith.andi %parallel_loop3A_1904, %parallel_loop3A_1907 : i32
      %parallel_loop3A_1909 = arith.constant 4 : i32
      %parallel_loop3A_1910 = arith.shli %parallel_loop3A_1908, %parallel_loop3A_1909 : i32
      %parallel_loop3A_1911 = tpu.assume_multiple %parallel_loop3A_1910, 16 : i32
      %parallel_loop3A_1912 = arith.index_cast %parallel_loop3A_1906 : i32 to index
      %parallel_loop3A_1913 = arith.index_cast %parallel_loop3A_1911 : i32 to index
      %parallel_loop3A_1914 = tpu.vector_load %arg10[%parallel_loop3A_1912, %parallel_loop3A_1913] {strides = array<i32>} : memref<16x1024xf32, #tpu.memory_space<vmem>>, vector<1x16xf32>,
      %parallel_loop3A_1915 = vector.shape_cast %parallel_loop3A_1914 : vector<1x16xf32> to vector<16xf32>
      %parallel_loop3A_1916 = arith.index_cast %parallel_loop3A_1906 : i32 to index
      %parallel_loop3A_1917 = arith.index_cast %parallel_loop3A_1911 : i32 to index
      %parallel_loop3A_1918 = tpu.vector_load %arg7[%parallel_loop3A_1916, %parallel_loop3A_1917] {strides = array<i32>} : memref<16x1024xf32, #tpu.memory_space<vmem>>, vector<1x16xf32>,
      %parallel_loop3A_1919 = vector.shape_cast %parallel_loop3A_1918 : vector<1x16xf32> to vector<16xf32>
      %parallel_loop3A_1920 = vector.shape_cast %parallel_loop3A_1915 : vector<16xf32> to vector<1x16xf32>
      tpu.vector_store %arg7[%parallel_loop3A_1916, %parallel_loop3A_1917], %parallel_loop3A_1920 {add = true, strides = array<i32>} : memref<16x1024xf32, #tpu.memory_space<vmem>>, vector<1x16xf32>,
    } {sc.loop_unroll_factor = 8 : i64, sc.parallel_access}
    %dma_start3A_405 = arith.constant 0 : i32
    %dma_start3A_406 = arith.constant 0 : i32
    %dma_start3A_407 = arith.constant 0 : i32
    %dma_start3A_408 = tpu.memref_slice %arg11[%arg1, %dma_start3A_405, %dma_start3A_406, %dma_start3A_407] : memref<16x2x16x1024xf32, #tpu.memory_space<vmem_shared>> -> memref<1x1x16x1024xf32, #tpu.memory_space<vmem_shared>>
    %dma_start3A_409 = tpu.memref_squeeze %dma_start3A_408 : memref<1x1x16x1024xf32, #tpu.memory_space<vmem_shared>> -> memref<16x1024xf32, #tpu.memory_space<vmem_shared>>
    %dma_start3A_410 = arith.constant 0 : i32
    %dma_start3A_411 = arith.constant 0 : i32
    %dma_start3A_412 = tpu.memref_slice %arg11[%arg1, %dma_start3A_405, %dma_start3A_410, %dma_start3A_411] : memref<16x2x16x1024xf32, #tpu.memory_space<vmem_shared>> -> memref<1x1x16x1024xf32, #tpu.memory_space<vmem_shared>>
    %dma_start3A_413 = tpu.memref_squeeze %dma_start3A_412 : memref<1x1x16x1024xf32, #tpu.memory_space<vmem_shared>> -> memref<16x1024xf32, #tpu.memory_space<vmem_shared>>
    tpu.enqueue_dma source(%arg7 : memref<16x1024xf32, #tpu.memory_space<vmem>>) target(%dma_start3A_413 : memref<16x1024xf32, #tpu.memory_space<vmem_shared>>) target_semaphore(%arg18 : memref<!tpu.dma_semaphore, #tpu.memory_space<semaphore_mem>>)
    %dma_wait3A_414 = arith.constant 3 : i32
    %dma_wait3A_415 = arith.constant 0 : i32
    %dma_wait3A_416 = tpu.memref_slice %arg2[%dma_wait3A_414, %add3A_271, %dma_wait3A_415] : memref<4x4096x1024xf32, #tpu.memory_space<hbm>> -> memref<1x16x1024xf32, #tpu.memory_space<hbm>>
    %dma_wait3A_417 = tpu.memref_squeeze %dma_wait3A_416 : memref<1x16x1024xf32, #tpu.memory_space<hbm>> -> memref<16x1024xf32, #tpu.memory_space<hbm>>
    %dma_wait3A_418 = arith.constant 0 : i32
    %dma_wait3A_419 = tpu.memref_slice %arg2[%dma_wait3A_414, %add3A_271, %dma_wait3A_418] : memref<4x4096x1024xf32, #tpu.memory_space<hbm>> -> memref<1x16x1024xf32, #tpu.memory_space<hbm>>
    %dma_wait3A_420 = tpu.memref_squeeze %dma_wait3A_419 : memref<1x16x1024xf32, #tpu.memory_space<hbm>> -> memref<16x1024xf32, #tpu.memory_space<hbm>>
    tpu.wait_dma2 semaphore(%arg15 : memref<!tpu.dma_semaphore, #tpu.memory_space<semaphore_mem>>) src(%dma_wait3A_420 : memref<16x1024xf32, #tpu.memory_space<hbm>>) dst(%arg8 : memref<16x1024xf32, #tpu.memory_space<vmem>>)
    %dma_wait3A_421 = arith.constant 0 : i32
    %dma_wait3A_422 = arith.constant 0 : i32
    %dma_wait3A_423 = arith.constant 0 : i32
    %dma_wait3A_424 = tpu.memref_slice %arg11[%arg1, %dma_wait3A_421, %dma_wait3A_422, %dma_wait3A_423] : memref<16x2x16x1024xf32, #tpu.memory_space<vmem_shared>> -> memref<1x1x16x1024xf32, #tpu.memory_space<vmem_shared>>
    %dma_wait3A_425 = tpu.memref_squeeze %dma_wait3A_424 : memref<1x1x16x1024xf32, #tpu.memory_space<vmem_shared>> -> memref<16x1024xf32, #tpu.memory_space<vmem_shared>>
    %dma_wait3A_426 = arith.constant 0 : i32
    %dma_wait3A_427 = arith.constant 0 : i32
    %dma_wait3A_428 = tpu.memref_slice %arg11[%arg1, %dma_wait3A_421, %dma_wait3A_426, %dma_wait3A_427] : memref<16x2x16x1024xf32, #tpu.memory_space<vmem_shared>> -> memref<1x1x16x1024xf32, #tpu.memory_space<vmem_shared>>
    %dma_wait3A_429 = tpu.memref_squeeze %dma_wait3A_428 : memref<1x1x16x1024xf32, #tpu.memory_space<vmem_shared>> -> memref<16x1024xf32, #tpu.memory_space<vmem_shared>>
    tpu.wait_dma2 semaphore(%arg18 : memref<!tpu.dma_semaphore, #tpu.memory_space<semaphore_mem>>) src(%arg7 : memref<16x1024xf32, #tpu.memory_space<vmem>>) dst(%dma_wait3A_429 : memref<16x1024xf32, #tpu.memory_space<vmem_shared>>)
    %add3A_430 = arith.constant 16 : i32
    %add3A_431 = arith.addi %mul3A_2, %add3A_430 : i32
    %dma_start3A_432 = arith.constant 0 : i32
    %dma_start3A_433 = arith.constant 2 : i32
    %dma_start3A_434 = arith.constant 0 : i32
    %dma_start3A_435 = tpu.memref_slice %arg4[%dma_start3A_433, %add3A_431, %dma_start3A_434] : memref<4x4096x1024xf32, #tpu.memory_space<hbm>> -> memref<1x16x1024xf32, #tpu.memory_space<hbm>>
    %dma_start3A_436 = tpu.memref_squeeze %dma_start3A_435 : memref<1x16x1024xf32, #tpu.memory_space<hbm>> -> memref<16x1024xf32, #tpu.memory_space<hbm>>
    %dma_start3A_437 = arith.constant 0 : i32
    %dma_start3A_438 = arith.constant 0 : i32
    %dma_start3A_439 = tpu.memref_slice %arg11[%arg1, %dma_start3A_432, %dma_start3A_437, %dma_start3A_438] : memref<16x2x16x1024xf32, #tpu.memory_space<vmem_shared>> -> memref<1x1x16x1024xf32, #tpu.memory_space<vmem_shared>>
    %dma_start3A_440 = tpu.memref_squeeze %dma_start3A_439 : memref<1x1x16x1024xf32, #tpu.memory_space<vmem_shared>> -> memref<16x1024xf32, #tpu.memory_space<vmem_shared>>
    tpu.enqueue_dma source(%dma_start3A_440 : memref<16x1024xf32, #tpu.memory_space<vmem_shared>>) target(%dma_start3A_436 : memref<16x1024xf32, #tpu.memory_space<hbm>>) target_semaphore(%arg20 : memref<!tpu.dma_semaphore, #tpu.memory_space<semaphore_mem>>)
    %add3A_441 = arith.constant 32 : i32
    %add3A_442 = arith.addi %mul3A_2, %add3A_441 : i32
    %dma_start3A_443 = arith.constant 2 : i32
    %dma_start3A_444 = arith.constant 0 : i32
    %dma_start3A_445 = tpu.memref_slice %arg2[%dma_start3A_443, %add3A_442, %dma_start3A_444] : memref<4x4096x1024xf32, #tpu.memory_space<hbm>> -> memref<1x16x1024xf32, #tpu.memory_space<hbm>>
    %dma_start3A_446 = tpu.memref_squeeze %dma_start3A_445 : memref<1x16x1024xf32, #tpu.memory_space<hbm>> -> memref<16x1024xf32, #tpu.memory_space<hbm>>
    %dma_start3A_447 = arith.constant 0 : i32
    %dma_start3A_448 = tpu.memref_slice %arg2[%dma_start3A_443, %add3A_442, %dma_start3A_447] : memref<4x4096x1024xf32, #tpu.memory_space<hbm>> -> memref<1x16x1024xf32, #tpu.memory_space<hbm>>
    %dma_start3A_449 = tpu.memref_squeeze %dma_start3A_448 : memref<1x16x1024xf32, #tpu.memory_space<hbm>> -> memref<16x1024xf32, #tpu.memory_space<hbm>>
    tpu.enqueue_dma source(%dma_start3A_449 : memref<16x1024xf32, #tpu.memory_space<hbm>>) target(%arg7 : memref<16x1024xf32, #tpu.memory_space<vmem>>) target_semaphore(%arg14 : memref<!tpu.dma_semaphore, #tpu.memory_space<semaphore_mem>>)
    %dma_wait3A_450 = arith.constant 1 : i32
    %dma_wait3A_451 = arith.constant 1 : i32
    %dma_wait3A_452 = arith.constant 0 : i32
    %dma_wait3A_453 = tpu.memref_slice %arg4[%dma_wait3A_451, %add3A_374, %dma_wait3A_452] : memref<4x4096x1024xf32, #tpu.memory_space<hbm>> -> memref<1x16x1024xf32, #tpu.memory_space<hbm>>
    %dma_wait3A_454 = tpu.memref_squeeze %dma_wait3A_453 : memref<1x16x1024xf32, #tpu.memory_space<hbm>> -> memref<16x1024xf32, #tpu.memory_space<hbm>>
    %dma_wait3A_455 = arith.constant 0 : i32
    %dma_wait3A_456 = arith.constant 0 : i32
    %dma_wait3A_457 = tpu.memref_slice %arg11[%arg1, %dma_wait3A_450, %dma_wait3A_455, %dma_wait3A_456] : memref<16x2x16x1024xf32, #tpu.memory_space<vmem_shared>> -> memref<1x1x16x1024xf32, #tpu.memory_space<vmem_shared>>
    %dma_wait3A_458 = tpu.memref_squeeze %dma_wait3A_457 : memref<1x1x16x1024xf32, #tpu.memory_space<vmem_shared>> -> memref<16x1024xf32, #tpu.memory_space<vmem_shared>>
    tpu.wait_dma2 semaphore(%arg21 : memref<!tpu.dma_semaphore, #tpu.memory_space<semaphore_mem>>) src(%dma_wait3A_458 : memref<16x1024xf32, #tpu.memory_space<vmem_shared>>) dst(%dma_wait3A_454 : memref<16x1024xf32, #tpu.memory_space<hbm>>)
    %parallel_loop3A_459 = arith.constant 0 : i32
    %parallel_loop3A_460 = arith.constant 1024 : i32
    %parallel_loop3A_461 = arith.constant 1 : i32
    scf.for %parallel_loop3A_1904 = %parallel_loop3A_459 to %parallel_loop3A_460 step %parallel_loop3A_461  : i32 {
      %parallel_loop3A_1905 = arith.constant 6 : i32
      %parallel_loop3A_1906 = arith.shrui %parallel_loop3A_1904, %parallel_loop3A_1905 : i32
      %parallel_loop3A_1907 = arith.constant 63 : i32
      %parallel_loop3A_1908 = arith.andi %parallel_loop3A_1904, %parallel_loop3A_1907 : i32
      %parallel_loop3A_1909 = arith.constant 4 : i32
      %parallel_loop3A_1910 = arith.shli %parallel_loop3A_1908, %parallel_loop3A_1909 : i32
      %parallel_loop3A_1911 = tpu.assume_multiple %parallel_loop3A_1910, 16 : i32
      %parallel_loop3A_1912 = arith.index_cast %parallel_loop3A_1906 : i32 to index
      %parallel_loop3A_1913 = arith.index_cast %parallel_loop3A_1911 : i32 to index
      %parallel_loop3A_1914 = tpu.vector_load %arg10[%parallel_loop3A_1912, %parallel_loop3A_1913] {strides = array<i32>} : memref<16x1024xf32, #tpu.memory_space<vmem>>, vector<1x16xf32>,
      %parallel_loop3A_1915 = vector.shape_cast %parallel_loop3A_1914 : vector<1x16xf32> to vector<16xf32>
      %parallel_loop3A_1916 = arith.index_cast %parallel_loop3A_1906 : i32 to index
      %parallel_loop3A_1917 = arith.index_cast %parallel_loop3A_1911 : i32 to index
      %parallel_loop3A_1918 = tpu.vector_load %arg8[%parallel_loop3A_1916, %parallel_loop3A_1917] {strides = array<i32>} : memref<16x1024xf32, #tpu.memory_space<vmem>>, vector<1x16xf32>,
      %parallel_loop3A_1919 = vector.shape_cast %parallel_loop3A_1918 : vector<1x16xf32> to vector<16xf32>
      %parallel_loop3A_1920 = vector.shape_cast %parallel_loop3A_1915 : vector<16xf32> to vector<1x16xf32>
      tpu.vector_store %arg8[%parallel_loop3A_1916, %parallel_loop3A_1917], %parallel_loop3A_1920 {add = true, strides = array<i32>} : memref<16x1024xf32, #tpu.memory_space<vmem>>, vector<1x16xf32>,
    } {sc.loop_unroll_factor = 8 : i64, sc.parallel_access}
    %dma_start3A_462 = arith.constant 1 : i32
    %dma_start3A_463 = arith.constant 0 : i32
    %dma_start3A_464 = arith.constant 0 : i32
    %dma_start3A_465 = tpu.memref_slice %arg11[%arg1, %dma_start3A_462, %dma_start3A_463, %dma_start3A_464] : memref<16x2x16x1024xf32, #tpu.memory_space<vmem_shared>> -> memref<1x1x16x1024xf32, #tpu.memory_space<vmem_shared>>
    %dma_start3A_466 = tpu.memref_squeeze %dma_start3A_465 : memref<1x1x16x1024xf32, #tpu.memory_space<vmem_shared>> -> memref<16x1024xf32, #tpu.memory_space<vmem_shared>>
    %dma_start3A_467 = arith.constant 0 : i32
    %dma_start3A_468 = arith.constant 0 : i32
    %dma_start3A_469 = tpu.memref_slice %arg11[%arg1, %dma_start3A_462, %dma_start3A_467, %dma_start3A_468] : memref<16x2x16x1024xf32, #tpu.memory_space<vmem_shared>> -> memref<1x1x16x1024xf32, #tpu.memory_space<vmem_shared>>
    %dma_start3A_470 = tpu.memref_squeeze %dma_start3A_469 : memref<1x1x16x1024xf32, #tpu.memory_space<vmem_shared>> -> memref<16x1024xf32, #tpu.memory_space<vmem_shared>>
    tpu.enqueue_dma source(%arg8 : memref<16x1024xf32, #tpu.memory_space<vmem>>) target(%dma_start3A_470 : memref<16x1024xf32, #tpu.memory_space<vmem_shared>>) target_semaphore(%arg19 : memref<!tpu.dma_semaphore, #tpu.memory_space<semaphore_mem>>)
    %add3A_471 = arith.constant 48 : i32
    %add3A_472 = arith.addi %mul3A_2, %add3A_471 : i32
    %dma_start3A_473 = arith.constant 0 : i32
    %dma_start3A_474 = tpu.memref_slice %arg3[%add3A_472, %dma_start3A_473] : memref<8192x1024xf32, #tpu.memory_space<hbm>> -> memref<16x1024xf32, #tpu.memory_space<hbm>>
    %dma_start3A_475 = arith.constant 0 : i32
    %dma_start3A_476 = tpu.memref_slice %arg3[%add3A_472, %dma_start3A_475] : memref<8192x1024xf32, #tpu.memory_space<hbm>> -> memref<16x1024xf32, #tpu.memory_space<hbm>>
    tpu.enqueue_dma source(%dma_start3A_476 : memref<16x1024xf32, #tpu.memory_space<hbm>>) target(%arg10 : memref<16x1024xf32, #tpu.memory_space<vmem>>) target_semaphore(%arg17 : memref<!tpu.dma_semaphore, #tpu.memory_space<semaphore_mem>>)
    %dma_wait3A_477 = arith.constant 0 : i32
    %dma_wait3A_478 = arith.constant 0 : i32
    %dma_wait3A_479 = tpu.memref_slice %arg2[%dma_wait3A_477, %add3A_328, %dma_wait3A_478] : memref<4x4096x1024xf32, #tpu.memory_space<hbm>> -> memref<1x16x1024xf32, #tpu.memory_space<hbm>>
    %dma_wait3A_480 = tpu.memref_squeeze %dma_wait3A_479 : memref<1x16x1024xf32, #tpu.memory_space<hbm>> -> memref<16x1024xf32, #tpu.memory_space<hbm>>
    %dma_wait3A_481 = arith.constant 0 : i32
    %dma_wait3A_482 = tpu.memref_slice %arg2[%dma_wait3A_477, %add3A_328, %dma_wait3A_481] : memref<4x4096x1024xf32, #tpu.memory_space<hbm>> -> memref<1x16x1024xf32, #tpu.memory_space<hbm>>
    %dma_wait3A_483 = tpu.memref_squeeze %dma_wait3A_482 : memref<1x16x1024xf32, #tpu.memory_space<hbm>> -> memref<16x1024xf32, #tpu.memory_space<hbm>>
    tpu.wait_dma2 semaphore(%arg12 : memref<!tpu.dma_semaphore, #tpu.memory_space<semaphore_mem>>) src(%dma_wait3A_483 : memref<16x1024xf32, #tpu.memory_space<hbm>>) dst(%arg5 : memref<16x1024xf32, #tpu.memory_space<vmem>>)
    %dma_wait3A_484 = arith.constant 0 : i32
    %dma_wait3A_485 = tpu.memref_slice %arg3[%add3A_234, %dma_wait3A_484] : memref<8192x1024xf32, #tpu.memory_space<hbm>> -> memref<16x1024xf32, #tpu.memory_space<hbm>>
    %dma_wait3A_486 = arith.constant 0 : i32
    %dma_wait3A_487 = tpu.memref_slice %arg3[%add3A_234, %dma_wait3A_486] : memref<8192x1024xf32, #tpu.memory_space<hbm>> -> memref<16x1024xf32, #tpu.memory_space<hbm>>
    tpu.wait_dma2 semaphore(%arg16 : memref<!tpu.dma_semaphore, #tpu.memory_space<semaphore_mem>>) src(%dma_wait3A_487 : memref<16x1024xf32, #tpu.memory_space<hbm>>) dst(%arg9 : memref<16x1024xf32, #tpu.memory_space<vmem>>)
    %dma_wait3A_488 = arith.constant 1 : i32
    %dma_wait3A_489 = arith.constant 0 : i32
    %dma_wait3A_490 = arith.constant 0 : i32
    %dma_wait3A_491 = tpu.memref_slice %arg11[%arg1, %dma_wait3A_488, %dma_wait3A_489, %dma_wait3A_490] : memref<16x2x16x1024xf32, #tpu.memory_space<vmem_shared>> -> memref<1x1x16x1024xf32, #tpu.memory_space<vmem_shared>>
    %dma_wait3A_492 = tpu.memref_squeeze %dma_wait3A_491 : memref<1x1x16x1024xf32, #tpu.memory_space<vmem_shared>> -> memref<16x1024xf32, #tpu.memory_space<vmem_shared>>
    %dma_wait3A_493 = arith.constant 0 : i32
    %dma_wait3A_494 = arith.constant 0 : i32
    %dma_wait3A_495 = tpu.memref_slice %arg11[%arg1, %dma_wait3A_488, %dma_wait3A_493, %dma_wait3A_494] : memref<16x2x16x1024xf32, #tpu.memory_space<vmem_shared>> -> memref<1x1x16x1024xf32, #tpu.memory_space<vmem_shared>>
    %dma_wait3A_496 = tpu.memref_squeeze %dma_wait3A_495 : memref<1x1x16x1024xf32, #tpu.memory_space<vmem_shared>> -> memref<16x1024xf32, #tpu.memory_space<vmem_shared>>
    tpu.wait_dma2 semaphore(%arg19 : memref<!tpu.dma_semaphore, #tpu.memory_space<semaphore_mem>>) src(%arg8 : memref<16x1024xf32, #tpu.memory_space<vmem>>) dst(%dma_wait3A_496 : memref<16x1024xf32, #tpu.memory_space<vmem_shared>>)
    %add3A_497 = arith.constant 16 : i32
    %add3A_498 = arith.addi %mul3A_2, %add3A_497 : i32
    %dma_start3A_499 = arith.constant 1 : i32
    %dma_start3A_500 = arith.constant 3 : i32
    %dma_start3A_501 = arith.constant 0 : i32
    %dma_start3A_502 = tpu.memref_slice %arg4[%dma_start3A_500, %add3A_498, %dma_start3A_501] : memref<4x4096x1024xf32, #tpu.memory_space<hbm>> -> memref<1x16x1024xf32, #tpu.memory_space<hbm>>
    %dma_start3A_503 = tpu.memref_squeeze %dma_start3A_502 : memref<1x16x1024xf32, #tpu.memory_space<hbm>> -> memref<16x1024xf32, #tpu.memory_space<hbm>>
    %dma_start3A_504 = arith.constant 0 : i32
    %dma_start3A_505 = arith.constant 0 : i32
    %dma_start3A_506 = tpu.memref_slice %arg11[%arg1, %dma_start3A_499, %dma_start3A_504, %dma_start3A_505] : memref<16x2x16x1024xf32, #tpu.memory_space<vmem_shared>> -> memref<1x1x16x1024xf32, #tpu.memory_space<vmem_shared>>
    %dma_start3A_507 = tpu.memref_squeeze %dma_start3A_506 : memref<1x1x16x1024xf32, #tpu.memory_space<vmem_shared>> -> memref<16x1024xf32, #tpu.memory_space<vmem_shared>>
    tpu.enqueue_dma source(%dma_start3A_507 : memref<16x1024xf32, #tpu.memory_space<vmem_shared>>) target(%dma_start3A_503 : memref<16x1024xf32, #tpu.memory_space<hbm>>) target_semaphore(%arg21 : memref<!tpu.dma_semaphore, #tpu.memory_space<semaphore_mem>>)
    %add3A_508 = arith.constant 32 : i32
    %add3A_509 = arith.addi %mul3A_2, %add3A_508 : i32
    %dma_start3A_510 = arith.constant 3 : i32
    %dma_start3A_511 = arith.constant 0 : i32
    %dma_start3A_512 = tpu.memref_slice %arg2[%dma_start3A_510, %add3A_509, %dma_start3A_511] : memref<4x4096x1024xf32, #tpu.memory_space<hbm>> -> memref<1x16x1024xf32, #tpu.memory_space<hbm>>
    %dma_start3A_513 = tpu.memref_squeeze %dma_start3A_512 : memref<1x16x1024xf32, #tpu.memory_space<hbm>> -> memref<16x1024xf32, #tpu.memory_space<hbm>>
    %dma_start3A_514 = arith.constant 0 : i32
    %dma_start3A_515 = tpu.memref_slice %arg2[%dma_start3A_510, %add3A_509, %dma_start3A_514] : memref<4x4096x1024xf32, #tpu.memory_space<hbm>> -> memref<1x16x1024xf32, #tpu.memory_space<hbm>>
    %dma_start3A_516 = tpu.memref_squeeze %dma_start3A_515 : memref<1x16x1024xf32, #tpu.memory_space<hbm>> -> memref<16x1024xf32, #tpu.memory_space<hbm>>
    tpu.enqueue_dma source(%dma_start3A_516 : memref<16x1024xf32, #tpu.memory_space<hbm>>) target(%arg8 : memref<16x1024xf32, #tpu.memory_space<vmem>>) target_semaphore(%arg15 : memref<!tpu.dma_semaphore, #tpu.memory_space<semaphore_mem>>)
    %dma_wait3A_517 = arith.constant 0 : i32
    %dma_wait3A_518 = arith.constant 2 : i32
    %dma_wait3A_519 = arith.constant 0 : i32
    %dma_wait3A_520 = tpu.memref_slice %arg4[%dma_wait3A_518, %add3A_431, %dma_wait3A_519] : memref<4x4096x1024xf32, #tpu.memory_space<hbm>> -> memref<1x16x1024xf32, #tpu.memory_space<hbm>>
    %dma_wait3A_521 = tpu.memref_squeeze %dma_wait3A_520 : memref<1x16x1024xf32, #tpu.memory_space<hbm>> -> memref<16x1024xf32, #tpu.memory_space<hbm>>
    %dma_wait3A_522 = arith.constant 0 : i32
    %dma_wait3A_523 = arith.constant 0 : i32
    %dma_wait3A_524 = tpu.memref_slice %arg11[%arg1, %dma_wait3A_517, %dma_wait3A_522, %dma_wait3A_523] : memref<16x2x16x1024xf32, #tpu.memory_space<vmem_shared>> -> memref<1x1x16x1024xf32, #tpu.memory_space<vmem_shared>>
    %dma_wait3A_525 = tpu.memref_squeeze %dma_wait3A_524 : memref<1x1x16x1024xf32, #tpu.memory_space<vmem_shared>> -> memref<16x1024xf32, #tpu.memory_space<vmem_shared>>
    tpu.wait_dma2 semaphore(%arg20 : memref<!tpu.dma_semaphore, #tpu.memory_space<semaphore_mem>>) src(%dma_wait3A_525 : memref<16x1024xf32, #tpu.memory_space<vmem_shared>>) dst(%dma_wait3A_521 : memref<16x1024xf32, #tpu.memory_space<hbm>>)
    %parallel_loop3A_526 = arith.constant 0 : i32
    %parallel_loop3A_527 = arith.constant 1024 : i32
    %parallel_loop3A_528 = arith.constant 1 : i32
    scf.for %parallel_loop3A_1904 = %parallel_loop3A_526 to %parallel_loop3A_527 step %parallel_loop3A_528  : i32 {
      %parallel_loop3A_1905 = arith.constant 6 : i32
      %parallel_loop3A_1906 = arith.shrui %parallel_loop3A_1904, %parallel_loop3A_1905 : i32
      %parallel_loop3A_1907 = arith.constant 63 : i32
      %parallel_loop3A_1908 = arith.andi %parallel_loop3A_1904, %parallel_loop3A_1907 : i32
      %parallel_loop3A_1909 = arith.constant 4 : i32
      %parallel_loop3A_1910 = arith.shli %parallel_loop3A_1908, %parallel_loop3A_1909 : i32
      %parallel_loop3A_1911 = tpu.assume_multiple %parallel_loop3A_1910, 16 : i32
      %parallel_loop3A_1912 = arith.index_cast %parallel_loop3A_1906 : i32 to index
      %parallel_loop3A_1913 = arith.index_cast %parallel_loop3A_1911 : i32 to index
      %parallel_loop3A_1914 = tpu.vector_load %arg9[%parallel_loop3A_1912, %parallel_loop3A_1913] {strides = array<i32>} : memref<16x1024xf32, #tpu.memory_space<vmem>>, vector<1x16xf32>,
      %parallel_loop3A_1915 = vector.shape_cast %parallel_loop3A_1914 : vector<1x16xf32> to vector<16xf32>
      %parallel_loop3A_1916 = arith.index_cast %parallel_loop3A_1906 : i32 to index
      %parallel_loop3A_1917 = arith.index_cast %parallel_loop3A_1911 : i32 to index
      %parallel_loop3A_1918 = tpu.vector_load %arg5[%parallel_loop3A_1916, %parallel_loop3A_1917] {strides = array<i32>} : memref<16x1024xf32, #tpu.memory_space<vmem>>, vector<1x16xf32>,
      %parallel_loop3A_1919 = vector.shape_cast %parallel_loop3A_1918 : vector<1x16xf32> to vector<16xf32>
      %parallel_loop3A_1920 = vector.shape_cast %parallel_loop3A_1915 : vector<16xf32> to vector<1x16xf32>
      tpu.vector_store %arg5[%parallel_loop3A_1916, %parallel_loop3A_1917], %parallel_loop3A_1920 {add = true, strides = array<i32>} : memref<16x1024xf32, #tpu.memory_space<vmem>>, vector<1x16xf32>,
    } {sc.loop_unroll_factor = 8 : i64, sc.parallel_access}
    %dma_start3A_529 = arith.constant 0 : i32
    %dma_start3A_530 = arith.constant 0 : i32
    %dma_start3A_531 = arith.constant 0 : i32
    %dma_start3A_532 = tpu.memref_slice %arg11[%arg1, %dma_start3A_529, %dma_start3A_530, %dma_start3A_531] : memref<16x2x16x1024xf32, #tpu.memory_space<vmem_shared>> -> memref<1x1x16x1024xf32, #tpu.memory_space<vmem_shared>>
    %dma_start3A_533 = tpu.memref_squeeze %dma_start3A_532 : memref<1x1x16x1024xf32, #tpu.memory_space<vmem_shared>> -> memref<16x1024xf32, #tpu.memory_space<vmem_shared>>
    %dma_start3A_534 = arith.constant 0 : i32
    %dma_start3A_535 = arith.constant 0 : i32
    %dma_start3A_536 = tpu.memref_slice %arg11[%arg1, %dma_start3A_529, %dma_start3A_534, %dma_start3A_535] : memref<16x2x16x1024xf32, #tpu.memory_space<vmem_shared>> -> memref<1x1x16x1024xf32, #tpu.memory_space<vmem_shared>>
    %dma_start3A_537 = tpu.memref_squeeze %dma_start3A_536 : memref<1x1x16x1024xf32, #tpu.memory_space<vmem_shared>> -> memref<16x1024xf32, #tpu.memory_space<vmem_shared>>
    tpu.enqueue_dma source(%arg5 : memref<16x1024xf32, #tpu.memory_space<vmem>>) target(%dma_start3A_537 : memref<16x1024xf32, #tpu.memory_space<vmem_shared>>) target_semaphore(%arg18 : memref<!tpu.dma_semaphore, #tpu.memory_space<semaphore_mem>>)
    %dma_wait3A_538 = arith.constant 1 : i32
    %dma_wait3A_539 = arith.constant 0 : i32
    %dma_wait3A_540 = tpu.memref_slice %arg2[%dma_wait3A_538, %add3A_385, %dma_wait3A_539] : memref<4x4096x1024xf32, #tpu.memory_space<hbm>> -> memref<1x16x1024xf32, #tpu.memory_space<hbm>>
    %dma_wait3A_541 = tpu.memref_squeeze %dma_wait3A_540 : memref<1x16x1024xf32, #tpu.memory_space<hbm>> -> memref<16x1024xf32, #tpu.memory_space<hbm>>
    %dma_wait3A_542 = arith.constant 0 : i32
    %dma_wait3A_543 = tpu.memref_slice %arg2[%dma_wait3A_538, %add3A_385, %dma_wait3A_542] : memref<4x4096x1024xf32, #tpu.memory_space<hbm>> -> memref<1x16x1024xf32, #tpu.memory_space<hbm>>
    %dma_wait3A_544 = tpu.memref_squeeze %dma_wait3A_543 : memref<1x16x1024xf32, #tpu.memory_space<hbm>> -> memref<16x1024xf32, #tpu.memory_space<hbm>>
    tpu.wait_dma2 semaphore(%arg13 : memref<!tpu.dma_semaphore, #tpu.memory_space<semaphore_mem>>) src(%dma_wait3A_544 : memref<16x1024xf32, #tpu.memory_space<hbm>>) dst(%arg6 : memref<16x1024xf32, #tpu.memory_space<vmem>>)
    %dma_wait3A_545 = arith.constant 0 : i32
    %dma_wait3A_546 = arith.constant 0 : i32
    %dma_wait3A_547 = arith.constant 0 : i32
    %dma_wait3A_548 = tpu.memref_slice %arg11[%arg1, %dma_wait3A_545, %dma_wait3A_546, %dma_wait3A_547] : memref<16x2x16x1024xf32, #tpu.memory_space<vmem_shared>> -> memref<1x1x16x1024xf32, #tpu.memory_space<vmem_shared>>
    %dma_wait3A_549 = tpu.memref_squeeze %dma_wait3A_548 : memref<1x1x16x1024xf32, #tpu.memory_space<vmem_shared>> -> memref<16x1024xf32, #tpu.memory_space<vmem_shared>>
    %dma_wait3A_550 = arith.constant 0 : i32
    %dma_wait3A_551 = arith.constant 0 : i32
    %dma_wait3A_552 = tpu.memref_slice %arg11[%arg1, %dma_wait3A_545, %dma_wait3A_550, %dma_wait3A_551] : memref<16x2x16x1024xf32, #tpu.memory_space<vmem_shared>> -> memref<1x1x16x1024xf32, #tpu.memory_space<vmem_shared>>
    %dma_wait3A_553 = tpu.memref_squeeze %dma_wait3A_552 : memref<1x1x16x1024xf32, #tpu.memory_space<vmem_shared>> -> memref<16x1024xf32, #tpu.memory_space<vmem_shared>>
    tpu.wait_dma2 semaphore(%arg18 : memref<!tpu.dma_semaphore, #tpu.memory_space<semaphore_mem>>) src(%arg5 : memref<16x1024xf32, #tpu.memory_space<vmem>>) dst(%dma_wait3A_553 : memref<16x1024xf32, #tpu.memory_space<vmem_shared>>)
    %add3A_554 = arith.constant 32 : i32
    %add3A_555 = arith.addi %mul3A_2, %add3A_554 : i32
    %dma_start3A_556 = arith.constant 0 : i32
    %dma_start3A_557 = arith.constant 0 : i32
    %dma_start3A_558 = arith.constant 0 : i32
    %dma_start3A_559 = tpu.memref_slice %arg4[%dma_start3A_557, %add3A_555, %dma_start3A_558] : memref<4x4096x1024xf32, #tpu.memory_space<hbm>> -> memref<1x16x1024xf32, #tpu.memory_space<hbm>>
    %dma_start3A_560 = tpu.memref_squeeze %dma_start3A_559 : memref<1x16x1024xf32, #tpu.memory_space<hbm>> -> memref<16x1024xf32, #tpu.memory_space<hbm>>
    %dma_start3A_561 = arith.constant 0 : i32
    %dma_start3A_562 = arith.constant 0 : i32
    %dma_start3A_563 = tpu.memref_slice %arg11[%arg1, %dma_start3A_556, %dma_start3A_561, %dma_start3A_562] : memref<16x2x16x1024xf32, #tpu.memory_space<vmem_shared>> -> memref<1x1x16x1024xf32, #tpu.memory_space<vmem_shared>>
    %dma_start3A_564 = tpu.memref_squeeze %dma_start3A_563 : memref<1x1x16x1024xf32, #tpu.memory_space<vmem_shared>> -> memref<16x1024xf32, #tpu.memory_space<vmem_shared>>
    tpu.enqueue_dma source(%dma_start3A_564 : memref<16x1024xf32, #tpu.memory_space<vmem_shared>>) target(%dma_start3A_560 : memref<16x1024xf32, #tpu.memory_space<hbm>>) target_semaphore(%arg20 : memref<!tpu.dma_semaphore, #tpu.memory_space<semaphore_mem>>)
    %add3A_565 = arith.constant 48 : i32
    %add3A_566 = arith.addi %mul3A_2, %add3A_565 : i32
    %dma_start3A_567 = arith.constant 0 : i32
    %dma_start3A_568 = arith.constant 0 : i32
    %dma_start3A_569 = tpu.memref_slice %arg2[%dma_start3A_567, %add3A_566, %dma_start3A_568] : memref<4x4096x1024xf32, #tpu.memory_space<hbm>> -> memref<1x16x1024xf32, #tpu.memory_space<hbm>>
    %dma_start3A_570 = tpu.memref_squeeze %dma_start3A_569 : memref<1x16x1024xf32, #tpu.memory_space<hbm>> -> memref<16x1024xf32, #tpu.memory_space<hbm>>
    %dma_start3A_571 = arith.constant 0 : i32
    %dma_start3A_572 = tpu.memref_slice %arg2[%dma_start3A_567, %add3A_566, %dma_start3A_571] : memref<4x4096x1024xf32, #tpu.memory_space<hbm>> -> memref<1x16x1024xf32, #tpu.memory_space<hbm>>
    %dma_start3A_573 = tpu.memref_squeeze %dma_start3A_572 : memref<1x16x1024xf32, #tpu.memory_space<hbm>> -> memref<16x1024xf32, #tpu.memory_space<hbm>>
    tpu.enqueue_dma source(%dma_start3A_573 : memref<16x1024xf32, #tpu.memory_space<hbm>>) target(%arg5 : memref<16x1024xf32, #tpu.memory_space<vmem>>) target_semaphore(%arg12 : memref<!tpu.dma_semaphore, #tpu.memory_space<semaphore_mem>>)
    %dma_wait3A_574 = arith.constant 1 : i32
    %dma_wait3A_575 = arith.constant 3 : i32
    %dma_wait3A_576 = arith.constant 0 : i32
    %dma_wait3A_577 = tpu.memref_slice %arg4[%dma_wait3A_575, %add3A_498, %dma_wait3A_576] : memref<4x4096x1024xf32, #tpu.memory_space<hbm>> -> memref<1x16x1024xf32, #tpu.memory_space<hbm>>
    %dma_wait3A_578 = tpu.memref_squeeze %dma_wait3A_577 : memref<1x16x1024xf32, #tpu.memory_space<hbm>> -> memref<16x1024xf32, #tpu.memory_space<hbm>>
    %dma_wait3A_579 = arith.constant 0 : i32
    %dma_wait3A_580 = arith.constant 0 : i32
    %dma_wait3A_581 = tpu.memref_slice %arg11[%arg1, %dma_wait3A_574, %dma_wait3A_579, %dma_wait3A_580] : memref<16x2x16x1024xf32, #tpu.memory_space<vmem_shared>> -> memref<1x1x16x1024xf32, #tpu.memory_space<vmem_shared>>
    %dma_wait3A_582 = tpu.memref_squeeze %dma_wait3A_581 : memref<1x1x16x1024xf32, #tpu.memory_space<vmem_shared>> -> memref<16x1024xf32, #tpu.memory_space<vmem_shared>>
    tpu.wait_dma2 semaphore(%arg21 : memref<!tpu.dma_semaphore, #tpu.memory_space<semaphore_mem>>) src(%dma_wait3A_582 : memref<16x1024xf32, #tpu.memory_space<vmem_shared>>) dst(%dma_wait3A_578 : memref<16x1024xf32, #tpu.memory_space<hbm>>)
    %parallel_loop3A_583 = arith.constant 0 : i32
    %parallel_loop3A_584 = arith.constant 1024 : i32
    %parallel_loop3A_585 = arith.constant 1 : i32
    scf.for %parallel_loop3A_1904 = %parallel_loop3A_583 to %parallel_loop3A_584 step %parallel_loop3A_585  : i32 {
      %parallel_loop3A_1905 = arith.constant 6 : i32
      %parallel_loop3A_1906 = arith.shrui %parallel_loop3A_1904, %parallel_loop3A_1905 : i32
      %parallel_loop3A_1907 = arith.constant 63 : i32
      %parallel_loop3A_1908 = arith.andi %parallel_loop3A_1904, %parallel_loop3A_1907 : i32
      %parallel_loop3A_1909 = arith.constant 4 : i32
      %parallel_loop3A_1910 = arith.shli %parallel_loop3A_1908, %parallel_loop3A_1909 : i32
      %parallel_loop3A_1911 = tpu.assume_multiple %parallel_loop3A_1910, 16 : i32
      %parallel_loop3A_1912 = arith.index_cast %parallel_loop3A_1906 : i32 to index
      %parallel_loop3A_1913 = arith.index_cast %parallel_loop3A_1911 : i32 to index
      %parallel_loop3A_1914 = tpu.vector_load %arg9[%parallel_loop3A_1912, %parallel_loop3A_1913] {strides = array<i32>} : memref<16x1024xf32, #tpu.memory_space<vmem>>, vector<1x16xf32>,
      %parallel_loop3A_1915 = vector.shape_cast %parallel_loop3A_1914 : vector<1x16xf32> to vector<16xf32>
      %parallel_loop3A_1916 = arith.index_cast %parallel_loop3A_1906 : i32 to index
      %parallel_loop3A_1917 = arith.index_cast %parallel_loop3A_1911 : i32 to index
      %parallel_loop3A_1918 = tpu.vector_load %arg6[%parallel_loop3A_1916, %parallel_loop3A_1917] {strides = array<i32>} : memref<16x1024xf32, #tpu.memory_space<vmem>>, vector<1x16xf32>,
      %parallel_loop3A_1919 = vector.shape_cast %parallel_loop3A_1918 : vector<1x16xf32> to vector<16xf32>
      %parallel_loop3A_1920 = vector.shape_cast %parallel_loop3A_1915 : vector<16xf32> to vector<1x16xf32>
      tpu.vector_store %arg6[%parallel_loop3A_1916, %parallel_loop3A_1917], %parallel_loop3A_1920 {add = true, strides = array<i32>} : memref<16x1024xf32, #tpu.memory_space<vmem>>, vector<1x16xf32>,
    } {sc.loop_unroll_factor = 8 : i64, sc.parallel_access}
    %dma_start3A_586 = arith.constant 1 : i32
    %dma_start3A_587 = arith.constant 0 : i32
    %dma_start3A_588 = arith.constant 0 : i32
    %dma_start3A_589 = tpu.memref_slice %arg11[%arg1, %dma_start3A_586, %dma_start3A_587, %dma_start3A_588] : memref<16x2x16x1024xf32, #tpu.memory_space<vmem_shared>> -> memref<1x1x16x1024xf32, #tpu.memory_space<vmem_shared>>
    %dma_start3A_590 = tpu.memref_squeeze %dma_start3A_589 : memref<1x1x16x1024xf32, #tpu.memory_space<vmem_shared>> -> memref<16x1024xf32, #tpu.memory_space<vmem_shared>>
    %dma_start3A_591 = arith.constant 0 : i32
    %dma_start3A_592 = arith.constant 0 : i32
    %dma_start3A_593 = tpu.memref_slice %arg11[%arg1, %dma_start3A_586, %dma_start3A_591, %dma_start3A_592] : memref<16x2x16x1024xf32, #tpu.memory_space<vmem_shared>> -> memref<1x1x16x1024xf32, #tpu.memory_space<vmem_shared>>
    %dma_start3A_594 = tpu.memref_squeeze %dma_start3A_593 : memref<1x1x16x1024xf32, #tpu.memory_space<vmem_shared>> -> memref<16x1024xf32, #tpu.memory_space<vmem_shared>>
    tpu.enqueue_dma source(%arg6 : memref<16x1024xf32, #tpu.memory_space<vmem>>) target(%dma_start3A_594 : memref<16x1024xf32, #tpu.memory_space<vmem_shared>>) target_semaphore(%arg19 : memref<!tpu.dma_semaphore, #tpu.memory_space<semaphore_mem>>)
    %dma_wait3A_595 = arith.constant 2 : i32
    %dma_wait3A_596 = arith.constant 0 : i32
    %dma_wait3A_597 = tpu.memref_slice %arg2[%dma_wait3A_595, %add3A_442, %dma_wait3A_596] : memref<4x4096x1024xf32, #tpu.memory_space<hbm>> -> memref<1x16x1024xf32, #tpu.memory_space<hbm>>
    %dma_wait3A_598 = tpu.memref_squeeze %dma_wait3A_597 : memref<1x16x1024xf32, #tpu.memory_space<hbm>> -> memref<16x1024xf32, #tpu.memory_space<hbm>>
    %dma_wait3A_599 = arith.constant 0 : i32
    %dma_wait3A_600 = tpu.memref_slice %arg2[%dma_wait3A_595, %add3A_442, %dma_wait3A_599] : memref<4x4096x1024xf32, #tpu.memory_space<hbm>> -> memref<1x16x1024xf32, #tpu.memory_space<hbm>>
    %dma_wait3A_601 = tpu.memref_squeeze %dma_wait3A_600 : memref<1x16x1024xf32, #tpu.memory_space<hbm>> -> memref<16x1024xf32, #tpu.memory_space<hbm>>
    tpu.wait_dma2 semaphore(%arg14 : memref<!tpu.dma_semaphore, #tpu.memory_space<semaphore_mem>>) src(%dma_wait3A_601 : memref<16x1024xf32, #tpu.memory_space<hbm>>) dst(%arg7 : memref<16x1024xf32, #tpu.memory_space<vmem>>)
    %dma_wait3A_602 = arith.constant 1 : i32
    %dma_wait3A_603 = arith.constant 0 : i32
    %dma_wait3A_604 = arith.constant 0 : i32
    %dma_wait3A_605 = tpu.memref_slice %arg11[%arg1, %dma_wait3A_602, %dma_wait3A_603, %dma_wait3A_604] : memref<16x2x16x1024xf32, #tpu.memory_space<vmem_shared>> -> memref<1x1x16x1024xf32, #tpu.memory_space<vmem_shared>>
    %dma_wait3A_606 = tpu.memref_squeeze %dma_wait3A_605 : memref<1x1x16x1024xf32, #tpu.memory_space<vmem_shared>> -> memref<16x1024xf32, #tpu.memory_space<vmem_shared>>
    %dma_wait3A_607 = arith.constant 0 : i32
    %dma_wait3A_608 = arith.constant 0 : i32
    %dma_wait3A_609 = tpu.memref_slice %arg11[%arg1, %dma_wait3A_602, %dma_wait3A_607, %dma_wait3A_608] : memref<16x2x16x1024xf32, #tpu.memory_space<vmem_shared>> -> memref<1x1x16x1024xf32, #tpu.memory_space<vmem_shared>>
    %dma_wait3A_610 = tpu.memref_squeeze %dma_wait3A_609 : memref<1x1x16x1024xf32, #tpu.memory_space<vmem_shared>> -> memref<16x1024xf32, #tpu.memory_space<vmem_shared>>
    tpu.wait_dma2 semaphore(%arg19 : memref<!tpu.dma_semaphore, #tpu.memory_space<semaphore_mem>>) src(%arg6 : memref<16x1024xf32, #tpu.memory_space<vmem>>) dst(%dma_wait3A_610 : memref<16x1024xf32, #tpu.memory_space<vmem_shared>>)
    %add3A_611 = arith.constant 32 : i32
    %add3A_612 = arith.addi %mul3A_2, %add3A_611 : i32
    %dma_start3A_613 = arith.constant 1 : i32
    %dma_start3A_614 = arith.constant 1 : i32
    %dma_start3A_615 = arith.constant 0 : i32
    %dma_start3A_616 = tpu.memref_slice %arg4[%dma_start3A_614, %add3A_612, %dma_start3A_615] : memref<4x4096x1024xf32, #tpu.memory_space<hbm>> -> memref<1x16x1024xf32, #tpu.memory_space<hbm>>
    %dma_start3A_617 = tpu.memref_squeeze %dma_start3A_616 : memref<1x16x1024xf32, #tpu.memory_space<hbm>> -> memref<16x1024xf32, #tpu.memory_space<hbm>>
    %dma_start3A_618 = arith.constant 0 : i32
    %dma_start3A_619 = arith.constant 0 : i32
    %dma_start3A_620 = tpu.memref_slice %arg11[%arg1, %dma_start3A_613, %dma_start3A_618, %dma_start3A_619] : memref<16x2x16x1024xf32, #tpu.memory_space<vmem_shared>> -> memref<1x1x16x1024xf32, #tpu.memory_space<vmem_shared>>
    %dma_start3A_621 = tpu.memref_squeeze %dma_start3A_620 : memref<1x1x16x1024xf32, #tpu.memory_space<vmem_shared>> -> memref<16x1024xf32, #tpu.memory_space<vmem_shared>>
    tpu.enqueue_dma source(%dma_start3A_621 : memref<16x1024xf32, #tpu.memory_space<vmem_shared>>) target(%dma_start3A_617 : memref<16x1024xf32, #tpu.memory_space<hbm>>) target_semaphore(%arg21 : memref<!tpu.dma_semaphore, #tpu.memory_space<semaphore_mem>>)
    %add3A_622 = arith.constant 48 : i32
    %add3A_623 = arith.addi %mul3A_2, %add3A_622 : i32
    %dma_start3A_624 = arith.constant 1 : i32
    %dma_start3A_625 = arith.constant 0 : i32
    %dma_start3A_626 = tpu.memref_slice %arg2[%dma_start3A_624, %add3A_623, %dma_start3A_625] : memref<4x4096x1024xf32, #tpu.memory_space<hbm>> -> memref<1x16x1024xf32, #tpu.memory_space<hbm>>
    %dma_start3A_627 = tpu.memref_squeeze %dma_start3A_626 : memref<1x16x1024xf32, #tpu.memory_space<hbm>> -> memref<16x1024xf32, #tpu.memory_space<hbm>>
    %dma_start3A_628 = arith.constant 0 : i32
    %dma_start3A_629 = tpu.memref_slice %arg2[%dma_start3A_624, %add3A_623, %dma_start3A_628] : memref<4x4096x1024xf32, #tpu.memory_space<hbm>> -> memref<1x16x1024xf32, #tpu.memory_space<hbm>>
    %dma_start3A_630 = tpu.memref_squeeze %dma_start3A_629 : memref<1x16x1024xf32, #tpu.memory_space<hbm>> -> memref<16x1024xf32, #tpu.memory_space<hbm>>
    tpu.enqueue_dma source(%dma_start3A_630 : memref<16x1024xf32, #tpu.memory_space<hbm>>) target(%arg6 : memref<16x1024xf32, #tpu.memory_space<vmem>>) target_semaphore(%arg13 : memref<!tpu.dma_semaphore, #tpu.memory_space<semaphore_mem>>)
    %dma_wait3A_631 = arith.constant 0 : i32
    %dma_wait3A_632 = arith.constant 0 : i32
    %dma_wait3A_633 = arith.constant 0 : i32
    %dma_wait3A_634 = tpu.memref_slice %arg4[%dma_wait3A_632, %add3A_555, %dma_wait3A_633] : memref<4x4096x1024xf32, #tpu.memory_space<hbm>> -> memref<1x16x1024xf32, #tpu.memory_space<hbm>>
    %dma_wait3A_635 = tpu.memref_squeeze %dma_wait3A_634 : memref<1x16x1024xf32, #tpu.memory_space<hbm>> -> memref<16x1024xf32, #tpu.memory_space<hbm>>
    %dma_wait3A_636 = arith.constant 0 : i32
    %dma_wait3A_637 = arith.constant 0 : i32
    %dma_wait3A_638 = tpu.memref_slice %arg11[%arg1, %dma_wait3A_631, %dma_wait3A_636, %dma_wait3A_637] : memref<16x2x16x1024xf32, #tpu.memory_space<vmem_shared>> -> memref<1x1x16x1024xf32, #tpu.memory_space<vmem_shared>>
    %dma_wait3A_639 = tpu.memref_squeeze %dma_wait3A_638 : memref<1x1x16x1024xf32, #tpu.memory_space<vmem_shared>> -> memref<16x1024xf32, #tpu.memory_space<vmem_shared>>
    tpu.wait_dma2 semaphore(%arg20 : memref<!tpu.dma_semaphore, #tpu.memory_space<semaphore_mem>>) src(%dma_wait3A_639 : memref<16x1024xf32, #tpu.memory_space<vmem_shared>>) dst(%dma_wait3A_635 : memref<16x1024xf32, #tpu.memory_space<hbm>>)
    %parallel_loop3A_640 = arith.constant 0 : i32
    %parallel_loop3A_641 = arith.constant 1024 : i32
    %parallel_loop3A_642 = arith.constant 1 : i32
    scf.for %parallel_loop3A_1904 = %parallel_loop3A_640 to %parallel_loop3A_641 step %parallel_loop3A_642  : i32 {
      %parallel_loop3A_1905 = arith.constant 6 : i32
      %parallel_loop3A_1906 = arith.shrui %parallel_loop3A_1904, %parallel_loop3A_1905 : i32
      %parallel_loop3A_1907 = arith.constant 63 : i32
      %parallel_loop3A_1908 = arith.andi %parallel_loop3A_1904, %parallel_loop3A_1907 : i32
      %parallel_loop3A_1909 = arith.constant 4 : i32
      %parallel_loop3A_1910 = arith.shli %parallel_loop3A_1908, %parallel_loop3A_1909 : i32
      %parallel_loop3A_1911 = tpu.assume_multiple %parallel_loop3A_1910, 16 : i32
      %parallel_loop3A_1912 = arith.index_cast %parallel_loop3A_1906 : i32 to index
      %parallel_loop3A_1913 = arith.index_cast %parallel_loop3A_1911 : i32 to index
      %parallel_loop3A_1914 = tpu.vector_load %arg9[%parallel_loop3A_1912, %parallel_loop3A_1913] {strides = array<i32>} : memref<16x1024xf32, #tpu.memory_space<vmem>>, vector<1x16xf32>,
      %parallel_loop3A_1915 = vector.shape_cast %parallel_loop3A_1914 : vector<1x16xf32> to vector<16xf32>
      %parallel_loop3A_1916 = arith.index_cast %parallel_loop3A_1906 : i32 to index
      %parallel_loop3A_1917 = arith.index_cast %parallel_loop3A_1911 : i32 to index
      %parallel_loop3A_1918 = tpu.vector_load %arg7[%parallel_loop3A_1916, %parallel_loop3A_1917] {strides = array<i32>} : memref<16x1024xf32, #tpu.memory_space<vmem>>, vector<1x16xf32>,
      %parallel_loop3A_1919 = vector.shape_cast %parallel_loop3A_1918 : vector<1x16xf32> to vector<16xf32>
      %parallel_loop3A_1920 = vector.shape_cast %parallel_loop3A_1915 : vector<16xf32> to vector<1x16xf32>
      tpu.vector_store %arg7[%parallel_loop3A_1916, %parallel_loop3A_1917], %parallel_loop3A_1920 {add = true, strides = array<i32>} : memref<16x1024xf32, #tpu.memory_space<vmem>>, vector<1x16xf32>,
    } {sc.loop_unroll_factor = 8 : i64, sc.parallel_access}
    %dma_start3A_643 = arith.constant 0 : i32
    %dma_start3A_644 = arith.constant 0 : i32
    %dma_start3A_645 = arith.constant 0 : i32
    %dma_start3A_646 = tpu.memref_slice %arg11[%arg1, %dma_start3A_643, %dma_start3A_644, %dma_start3A_645] : memref<16x2x16x1024xf32, #tpu.memory_space<vmem_shared>> -> memref<1x1x16x1024xf32, #tpu.memory_space<vmem_shared>>
    %dma_start3A_647 = tpu.memref_squeeze %dma_start3A_646 : memref<1x1x16x1024xf32, #tpu.memory_space<vmem_shared>> -> memref<16x1024xf32, #tpu.memory_space<vmem_shared>>
    %dma_start3A_648 = arith.constant 0 : i32
    %dma_start3A_649 = arith.constant 0 : i32
    %dma_start3A_650 = tpu.memref_slice %arg11[%arg1, %dma_start3A_643, %dma_start3A_648, %dma_start3A_649] : memref<16x2x16x1024xf32, #tpu.memory_space<vmem_shared>> -> memref<1x1x16x1024xf32, #tpu.memory_space<vmem_shared>>
    %dma_start3A_651 = tpu.memref_squeeze %dma_start3A_650 : memref<1x1x16x1024xf32, #tpu.memory_space<vmem_shared>> -> memref<16x1024xf32, #tpu.memory_space<vmem_shared>>
    tpu.enqueue_dma source(%arg7 : memref<16x1024xf32, #tpu.memory_space<vmem>>) target(%dma_start3A_651 : memref<16x1024xf32, #tpu.memory_space<vmem_shared>>) target_semaphore(%arg18 : memref<!tpu.dma_semaphore, #tpu.memory_space<semaphore_mem>>)
    %dma_wait3A_652 = arith.constant 3 : i32
    %dma_wait3A_653 = arith.constant 0 : i32
    %dma_wait3A_654 = tpu.memref_slice %arg2[%dma_wait3A_652, %add3A_509, %dma_wait3A_653] : memref<4x4096x1024xf32, #tpu.memory_space<hbm>> -> memref<1x16x1024xf32, #tpu.memory_space<hbm>>
    %dma_wait3A_655 = tpu.memref_squeeze %dma_wait3A_654 : memref<1x16x1024xf32, #tpu.memory_space<hbm>> -> memref<16x1024xf32, #tpu.memory_space<hbm>>
    %dma_wait3A_656 = arith.constant 0 : i32
    %dma_wait3A_657 = tpu.memref_slice %arg2[%dma_wait3A_652, %add3A_509, %dma_wait3A_656] : memref<4x4096x1024xf32, #tpu.memory_space<hbm>> -> memref<1x16x1024xf32, #tpu.memory_space<hbm>>
    %dma_wait3A_658 = tpu.memref_squeeze %dma_wait3A_657 : memref<1x16x1024xf32, #tpu.memory_space<hbm>> -> memref<16x1024xf32, #tpu.memory_space<hbm>>
    tpu.wait_dma2 semaphore(%arg15 : memref<!tpu.dma_semaphore, #tpu.memory_space<semaphore_mem>>) src(%dma_wait3A_658 : memref<16x1024xf32, #tpu.memory_space<hbm>>) dst(%arg8 : memref<16x1024xf32, #tpu.memory_space<vmem>>)
    %dma_wait3A_659 = arith.constant 0 : i32
    %dma_wait3A_660 = arith.constant 0 : i32
    %dma_wait3A_661 = arith.constant 0 : i32
    %dma_wait3A_662 = tpu.memref_slice %arg11[%arg1, %dma_wait3A_659, %dma_wait3A_660, %dma_wait3A_661] : memref<16x2x16x1024xf32, #tpu.memory_space<vmem_shared>> -> memref<1x1x16x1024xf32, #tpu.memory_space<vmem_shared>>
    %dma_wait3A_663 = tpu.memref_squeeze %dma_wait3A_662 : memref<1x1x16x1024xf32, #tpu.memory_space<vmem_shared>> -> memref<16x1024xf32, #tpu.memory_space<vmem_shared>>
    %dma_wait3A_664 = arith.constant 0 : i32
    %dma_wait3A_665 = arith.constant 0 : i32
    %dma_wait3A_666 = tpu.memref_slice %arg11[%arg1, %dma_wait3A_659, %dma_wait3A_664, %dma_wait3A_665] : memref<16x2x16x1024xf32, #tpu.memory_space<vmem_shared>> -> memref<1x1x16x1024xf32, #tpu.memory_space<vmem_shared>>
    %dma_wait3A_667 = tpu.memref_squeeze %dma_wait3A_666 : memref<1x1x16x1024xf32, #tpu.memory_space<vmem_shared>> -> memref<16x1024xf32, #tpu.memory_space<vmem_shared>>
    tpu.wait_dma2 semaphore(%arg18 : memref<!tpu.dma_semaphore, #tpu.memory_space<semaphore_mem>>) src(%arg7 : memref<16x1024xf32, #tpu.memory_space<vmem>>) dst(%dma_wait3A_667 : memref<16x1024xf32, #tpu.memory_space<vmem_shared>>)
    %add3A_668 = arith.constant 32 : i32
    %add3A_669 = arith.addi %mul3A_2, %add3A_668 : i32
    %dma_start3A_670 = arith.constant 0 : i32
    %dma_start3A_671 = arith.constant 2 : i32
    %dma_start3A_672 = arith.constant 0 : i32
    %dma_start3A_673 = tpu.memref_slice %arg4[%dma_start3A_671, %add3A_669, %dma_start3A_672] : memref<4x4096x1024xf32, #tpu.memory_space<hbm>> -> memref<1x16x1024xf32, #tpu.memory_space<hbm>>
    %dma_start3A_674 = tpu.memref_squeeze %dma_start3A_673 : memref<1x16x1024xf32, #tpu.memory_space<hbm>> -> memref<16x1024xf32, #tpu.memory_space<hbm>>
    %dma_start3A_675 = arith.constant 0 : i32
    %dma_start3A_676 = arith.constant 0 : i32
    %dma_start3A_677 = tpu.memref_slice %arg11[%arg1, %dma_start3A_670, %dma_start3A_675, %dma_start3A_676] : memref<16x2x16x1024xf32, #tpu.memory_space<vmem_shared>> -> memref<1x1x16x1024xf32, #tpu.memory_space<vmem_shared>>
    %dma_start3A_678 = tpu.memref_squeeze %dma_start3A_677 : memref<1x1x16x1024xf32, #tpu.memory_space<vmem_shared>> -> memref<16x1024xf32, #tpu.memory_space<vmem_shared>>
    tpu.enqueue_dma source(%dma_start3A_678 : memref<16x1024xf32, #tpu.memory_space<vmem_shared>>) target(%dma_start3A_674 : memref<16x1024xf32, #tpu.memory_space<hbm>>) target_semaphore(%arg20 : memref<!tpu.dma_semaphore, #tpu.memory_space<semaphore_mem>>)
    %add3A_679 = arith.constant 48 : i32
    %add3A_680 = arith.addi %mul3A_2, %add3A_679 : i32
    %dma_start3A_681 = arith.constant 2 : i32
    %dma_start3A_682 = arith.constant 0 : i32
    %dma_start3A_683 = tpu.memref_slice %arg2[%dma_start3A_681, %add3A_680, %dma_start3A_682] : memref<4x4096x1024xf32, #tpu.memory_space<hbm>> -> memref<1x16x1024xf32, #tpu.memory_space<hbm>>
    %dma_start3A_684 = tpu.memref_squeeze %dma_start3A_683 : memref<1x16x1024xf32, #tpu.memory_space<hbm>> -> memref<16x1024xf32, #tpu.memory_space<hbm>>
    %dma_start3A_685 = arith.constant 0 : i32
    %dma_start3A_686 = tpu.memref_slice %arg2[%dma_start3A_681, %add3A_680, %dma_start3A_685] : memref<4x4096x1024xf32, #tpu.memory_space<hbm>> -> memref<1x16x1024xf32, #tpu.memory_space<hbm>>
    %dma_start3A_687 = tpu.memref_squeeze %dma_start3A_686 : memref<1x16x1024xf32, #tpu.memory_space<hbm>> -> memref<16x1024xf32, #tpu.memory_space<hbm>>
    tpu.enqueue_dma source(%dma_start3A_687 : memref<16x1024xf32, #tpu.memory_space<hbm>>) target(%arg7 : memref<16x1024xf32, #tpu.memory_space<vmem>>) target_semaphore(%arg14 : memref<!tpu.dma_semaphore, #tpu.memory_space<semaphore_mem>>)
    %dma_wait3A_688 = arith.constant 1 : i32
    %dma_wait3A_689 = arith.constant 1 : i32
    %dma_wait3A_690 = arith.constant 0 : i32
    %dma_wait3A_691 = tpu.memref_slice %arg4[%dma_wait3A_689, %add3A_612, %dma_wait3A_690] : memref<4x4096x1024xf32, #tpu.memory_space<hbm>> -> memref<1x16x1024xf32, #tpu.memory_space<hbm>>
    %dma_wait3A_692 = tpu.memref_squeeze %dma_wait3A_691 : memref<1x16x1024xf32, #tpu.memory_space<hbm>> -> memref<16x1024xf32, #tpu.memory_space<hbm>>
    %dma_wait3A_693 = arith.constant 0 : i32
    %dma_wait3A_694 = arith.constant 0 : i32
    %dma_wait3A_695 = tpu.memref_slice %arg11[%arg1, %dma_wait3A_688, %dma_wait3A_693, %dma_wait3A_694] : memref<16x2x16x1024xf32, #tpu.memory_space<vmem_shared>> -> memref<1x1x16x1024xf32, #tpu.memory_space<vmem_shared>>
    %dma_wait3A_696 = tpu.memref_squeeze %dma_wait3A_695 : memref<1x1x16x1024xf32, #tpu.memory_space<vmem_shared>> -> memref<16x1024xf32, #tpu.memory_space<vmem_shared>>
    tpu.wait_dma2 semaphore(%arg21 : memref<!tpu.dma_semaphore, #tpu.memory_space<semaphore_mem>>) src(%dma_wait3A_696 : memref<16x1024xf32, #tpu.memory_space<vmem_shared>>) dst(%dma_wait3A_692 : memref<16x1024xf32, #tpu.memory_space<hbm>>)
    %parallel_loop3A_697 = arith.constant 0 : i32
    %parallel_loop3A_698 = arith.constant 1024 : i32
    %parallel_loop3A_699 = arith.constant 1 : i32
    scf.for %parallel_loop3A_1904 = %parallel_loop3A_697 to %parallel_loop3A_698 step %parallel_loop3A_699  : i32 {
      %parallel_loop3A_1905 = arith.constant 6 : i32
      %parallel_loop3A_1906 = arith.shrui %parallel_loop3A_1904, %parallel_loop3A_1905 : i32
      %parallel_loop3A_1907 = arith.constant 63 : i32
      %parallel_loop3A_1908 = arith.andi %parallel_loop3A_1904, %parallel_loop3A_1907 : i32
      %parallel_loop3A_1909 = arith.constant 4 : i32
      %parallel_loop3A_1910 = arith.shli %parallel_loop3A_1908, %parallel_loop3A_1909 : i32
      %parallel_loop3A_1911 = tpu.assume_multiple %parallel_loop3A_1910, 16 : i32
      %parallel_loop3A_1912 = arith.index_cast %parallel_loop3A_1906 : i32 to index
      %parallel_loop3A_1913 = arith.index_cast %parallel_loop3A_1911 : i32 to index
      %parallel_loop3A_1914 = tpu.vector_load %arg9[%parallel_loop3A_1912, %parallel_loop3A_1913] {strides = array<i32>} : memref<16x1024xf32, #tpu.memory_space<vmem>>, vector<1x16xf32>,
      %parallel_loop3A_1915 = vector.shape_cast %parallel_loop3A_1914 : vector<1x16xf32> to vector<16xf32>
      %parallel_loop3A_1916 = arith.index_cast %parallel_loop3A_1906 : i32 to index
      %parallel_loop3A_1917 = arith.index_cast %parallel_loop3A_1911 : i32 to index
      %parallel_loop3A_1918 = tpu.vector_load %arg8[%parallel_loop3A_1916, %parallel_loop3A_1917] {strides = array<i32>} : memref<16x1024xf32, #tpu.memory_space<vmem>>, vector<1x16xf32>,
      %parallel_loop3A_1919 = vector.shape_cast %parallel_loop3A_1918 : vector<1x16xf32> to vector<16xf32>
      %parallel_loop3A_1920 = vector.shape_cast %parallel_loop3A_1915 : vector<16xf32> to vector<1x16xf32>
      tpu.vector_store %arg8[%parallel_loop3A_1916, %parallel_loop3A_1917], %parallel_loop3A_1920 {add = true, strides = array<i32>} : memref<16x1024xf32, #tpu.memory_space<vmem>>, vector<1x16xf32>,
    } {sc.loop_unroll_factor = 8 : i64, sc.parallel_access}
    %dma_start3A_700 = arith.constant 1 : i32
    %dma_start3A_701 = arith.constant 0 : i32
    %dma_start3A_702 = arith.constant 0 : i32
    %dma_start3A_703 = tpu.memref_slice %arg11[%arg1, %dma_start3A_700, %dma_start3A_701, %dma_start3A_702] : memref<16x2x16x1024xf32, #tpu.memory_space<vmem_shared>> -> memref<1x1x16x1024xf32, #tpu.memory_space<vmem_shared>>
    %dma_start3A_704 = tpu.memref_squeeze %dma_start3A_703 : memref<1x1x16x1024xf32, #tpu.memory_space<vmem_shared>> -> memref<16x1024xf32, #tpu.memory_space<vmem_shared>>
    %dma_start3A_705 = arith.constant 0 : i32
    %dma_start3A_706 = arith.constant 0 : i32
    %dma_start3A_707 = tpu.memref_slice %arg11[%arg1, %dma_start3A_700, %dma_start3A_705, %dma_start3A_706] : memref<16x2x16x1024xf32, #tpu.memory_space<vmem_shared>> -> memref<1x1x16x1024xf32, #tpu.memory_space<vmem_shared>>
    %dma_start3A_708 = tpu.memref_squeeze %dma_start3A_707 : memref<1x1x16x1024xf32, #tpu.memory_space<vmem_shared>> -> memref<16x1024xf32, #tpu.memory_space<vmem_shared>>
    tpu.enqueue_dma source(%arg8 : memref<16x1024xf32, #tpu.memory_space<vmem>>) target(%dma_start3A_708 : memref<16x1024xf32, #tpu.memory_space<vmem_shared>>) target_semaphore(%arg19 : memref<!tpu.dma_semaphore, #tpu.memory_space<semaphore_mem>>)
    %add3A_709 = arith.constant 64 : i32
    %add3A_710 = arith.addi %mul3A_2, %add3A_709 : i32
    %dma_start3A_711 = arith.constant 0 : i32
    %dma_start3A_712 = tpu.memref_slice %arg3[%add3A_710, %dma_start3A_711] : memref<8192x1024xf32, #tpu.memory_space<hbm>> -> memref<16x1024xf32, #tpu.memory_space<hbm>>
    %dma_start3A_713 = arith.constant 0 : i32
    %dma_start3A_714 = tpu.memref_slice %arg3[%add3A_710, %dma_start3A_713] : memref<8192x1024xf32, #tpu.memory_space<hbm>> -> memref<16x1024xf32, #tpu.memory_space<hbm>>
    tpu.enqueue_dma source(%dma_start3A_714 : memref<16x1024xf32, #tpu.memory_space<hbm>>) target(%arg9 : memref<16x1024xf32, #tpu.memory_space<vmem>>) target_semaphore(%arg16 : memref<!tpu.dma_semaphore, #tpu.memory_space<semaphore_mem>>)
    %dma_wait3A_715 = arith.constant 0 : i32
    %dma_wait3A_716 = arith.constant 0 : i32
    %dma_wait3A_717 = tpu.memref_slice %arg2[%dma_wait3A_715, %add3A_566, %dma_wait3A_716] : memref<4x4096x1024xf32, #tpu.memory_space<hbm>> -> memref<1x16x1024xf32, #tpu.memory_space<hbm>>
    %dma_wait3A_718 = tpu.memref_squeeze %dma_wait3A_717 : memref<1x16x1024xf32, #tpu.memory_space<hbm>> -> memref<16x1024xf32, #tpu.memory_space<hbm>>
    %dma_wait3A_719 = arith.constant 0 : i32
    %dma_wait3A_720 = tpu.memref_slice %arg2[%dma_wait3A_715, %add3A_566, %dma_wait3A_719] : memref<4x4096x1024xf32, #tpu.memory_space<hbm>> -> memref<1x16x1024xf32, #tpu.memory_space<hbm>>
    %dma_wait3A_721 = tpu.memref_squeeze %dma_wait3A_720 : memref<1x16x1024xf32, #tpu.memory_space<hbm>> -> memref<16x1024xf32, #tpu.memory_space<hbm>>
    tpu.wait_dma2 semaphore(%arg12 : memref<!tpu.dma_semaphore, #tpu.memory_space<semaphore_mem>>) src(%dma_wait3A_721 : memref<16x1024xf32, #tpu.memory_space<hbm>>) dst(%arg5 : memref<16x1024xf32, #tpu.memory_space<vmem>>)
    %dma_wait3A_722 = arith.constant 0 : i32
    %dma_wait3A_723 = tpu.memref_slice %arg3[%add3A_472, %dma_wait3A_722] : memref<8192x1024xf32, #tpu.memory_space<hbm>> -> memref<16x1024xf32, #tpu.memory_space<hbm>>
    %dma_wait3A_724 = arith.constant 0 : i32
    %dma_wait3A_725 = tpu.memref_slice %arg3[%add3A_472, %dma_wait3A_724] : memref<8192x1024xf32, #tpu.memory_space<hbm>> -> memref<16x1024xf32, #tpu.memory_space<hbm>>
    tpu.wait_dma2 semaphore(%arg17 : memref<!tpu.dma_semaphore, #tpu.memory_space<semaphore_mem>>) src(%dma_wait3A_725 : memref<16x1024xf32, #tpu.memory_space<hbm>>) dst(%arg10 : memref<16x1024xf32, #tpu.memory_space<vmem>>)
    %dma_wait3A_726 = arith.constant 1 : i32
    %dma_wait3A_727 = arith.constant 0 : i32
    %dma_wait3A_728 = arith.constant 0 : i32
    %dma_wait3A_729 = tpu.memref_slice %arg11[%arg1, %dma_wait3A_726, %dma_wait3A_727, %dma_wait3A_728] : memref<16x2x16x1024xf32, #tpu.memory_space<vmem_shared>> -> memref<1x1x16x1024xf32, #tpu.memory_space<vmem_shared>>
    %dma_wait3A_730 = tpu.memref_squeeze %dma_wait3A_729 : memref<1x1x16x1024xf32, #tpu.memory_space<vmem_shared>> -> memref<16x1024xf32, #tpu.memory_space<vmem_shared>>
    %dma_wait3A_731 = arith.constant 0 : i32
    %dma_wait3A_732 = arith.constant 0 : i32
    %dma_wait3A_733 = tpu.memref_slice %arg11[%arg1, %dma_wait3A_726, %dma_wait3A_731, %dma_wait3A_732] : memref<16x2x16x1024xf32, #tpu.memory_space<vmem_shared>> -> memref<1x1x16x1024xf32, #tpu.memory_space<vmem_shared>>
    %dma_wait3A_734 = tpu.memref_squeeze %dma_wait3A_733 : memref<1x1x16x1024xf32, #tpu.memory_space<vmem_shared>> -> memref<16x1024xf32, #tpu.memory_space<vmem_shared>>
    tpu.wait_dma2 semaphore(%arg19 : memref<!tpu.dma_semaphore, #tpu.memory_space<semaphore_mem>>) src(%arg8 : memref<16x1024xf32, #tpu.memory_space<vmem>>) dst(%dma_wait3A_734 : memref<16x1024xf32, #tpu.memory_space<vmem_shared>>)
    %add3A_735 = arith.constant 32 : i32
    %add3A_736 = arith.addi %mul3A_2, %add3A_735 : i32
    %dma_start3A_737 = arith.constant 1 : i32
    %dma_start3A_738 = arith.constant 3 : i32
    %dma_start3A_739 = arith.constant 0 : i32
    %dma_start3A_740 = tpu.memref_slice %arg4[%dma_start3A_738, %add3A_736, %dma_start3A_739] : memref<4x4096x1024xf32, #tpu.memory_space<hbm>> -> memref<1x16x1024xf32, #tpu.memory_space<hbm>>
    %dma_start3A_741 = tpu.memref_squeeze %dma_start3A_740 : memref<1x16x1024xf32, #tpu.memory_space<hbm>> -> memref<16x1024xf32, #tpu.memory_space<hbm>>
    %dma_start3A_742 = arith.constant 0 : i32
    %dma_start3A_743 = arith.constant 0 : i32
    %dma_start3A_744 = tpu.memref_slice %arg11[%arg1, %dma_start3A_737, %dma_start3A_742, %dma_start3A_743] : memref<16x2x16x1024xf32, #tpu.memory_space<vmem_shared>> -> memref<1x1x16x1024xf32, #tpu.memory_space<vmem_shared>>
    %dma_start3A_745 = tpu.memref_squeeze %dma_start3A_744 : memref<1x1x16x1024xf32, #tpu.memory_space<vmem_shared>> -> memref<16x1024xf32, #tpu.memory_space<vmem_shared>>
    tpu.enqueue_dma source(%dma_start3A_745 : memref<16x1024xf32, #tpu.memory_space<vmem_shared>>) target(%dma_start3A_741 : memref<16x1024xf32, #tpu.memory_space<hbm>>) target_semaphore(%arg21 : memref<!tpu.dma_semaphore, #tpu.memory_space<semaphore_mem>>)
    %add3A_746 = arith.constant 48 : i32
    %add3A_747 = arith.addi %mul3A_2, %add3A_746 : i32
    %dma_start3A_748 = arith.constant 3 : i32
    %dma_start3A_749 = arith.constant 0 : i32
    %dma_start3A_750 = tpu.memref_slice %arg2[%dma_start3A_748, %add3A_747, %dma_start3A_749] : memref<4x4096x1024xf32, #tpu.memory_space<hbm>> -> memref<1x16x1024xf32, #tpu.memory_space<hbm>>
    %dma_start3A_751 = tpu.memref_squeeze %dma_start3A_750 : memref<1x16x1024xf32, #tpu.memory_space<hbm>> -> memref<16x1024xf32, #tpu.memory_space<hbm>>
    %dma_start3A_752 = arith.constant 0 : i32
    %dma_start3A_753 = tpu.memref_slice %arg2[%dma_start3A_748, %add3A_747, %dma_start3A_752] : memref<4x4096x1024xf32, #tpu.memory_space<hbm>> -> memref<1x16x1024xf32, #tpu.memory_space<hbm>>
    %dma_start3A_754 = tpu.memref_squeeze %dma_start3A_753 : memref<1x16x1024xf32, #tpu.memory_space<hbm>> -> memref<16x1024xf32, #tpu.memory_space<hbm>>
    tpu.enqueue_dma source(%dma_start3A_754 : memref<16x1024xf32, #tpu.memory_space<hbm>>) target(%arg8 : memref<16x1024xf32, #tpu.memory_space<vmem>>) target_semaphore(%arg15 : memref<!tpu.dma_semaphore, #tpu.memory_space<semaphore_mem>>)
    %dma_wait3A_755 = arith.constant 0 : i32
    %dma_wait3A_756 = arith.constant 2 : i32
    %dma_wait3A_757 = arith.constant 0 : i32
    %dma_wait3A_758 = tpu.memref_slice %arg4[%dma_wait3A_756, %add3A_669, %dma_wait3A_757] : memref<4x4096x1024xf32, #tpu.memory_space<hbm>> -> memref<1x16x1024xf32, #tpu.memory_space<hbm>>
    %dma_wait3A_759 = tpu.memref_squeeze %dma_wait3A_758 : memref<1x16x1024xf32, #tpu.memory_space<hbm>> -> memref<16x1024xf32, #tpu.memory_space<hbm>>
    %dma_wait3A_760 = arith.constant 0 : i32
    %dma_wait3A_761 = arith.constant 0 : i32
    %dma_wait3A_762 = tpu.memref_slice %arg11[%arg1, %dma_wait3A_755, %dma_wait3A_760, %dma_wait3A_761] : memref<16x2x16x1024xf32, #tpu.memory_space<vmem_shared>> -> memref<1x1x16x1024xf32, #tpu.memory_space<vmem_shared>>
    %dma_wait3A_763 = tpu.memref_squeeze %dma_wait3A_762 : memref<1x1x16x1024xf32, #tpu.memory_space<vmem_shared>> -> memref<16x1024xf32, #tpu.memory_space<vmem_shared>>
    tpu.wait_dma2 semaphore(%arg20 : memref<!tpu.dma_semaphore, #tpu.memory_space<semaphore_mem>>) src(%dma_wait3A_763 : memref<16x1024xf32, #tpu.memory_space<vmem_shared>>) dst(%dma_wait3A_759 : memref<16x1024xf32, #tpu.memory_space<hbm>>)
    %parallel_loop3A_764 = arith.constant 0 : i32
    %parallel_loop3A_765 = arith.constant 1024 : i32
    %parallel_loop3A_766 = arith.constant 1 : i32
    scf.for %parallel_loop3A_1904 = %parallel_loop3A_764 to %parallel_loop3A_765 step %parallel_loop3A_766  : i32 {
      %parallel_loop3A_1905 = arith.constant 6 : i32
      %parallel_loop3A_1906 = arith.shrui %parallel_loop3A_1904, %parallel_loop3A_1905 : i32
      %parallel_loop3A_1907 = arith.constant 63 : i32
      %parallel_loop3A_1908 = arith.andi %parallel_loop3A_1904, %parallel_loop3A_1907 : i32
      %parallel_loop3A_1909 = arith.constant 4 : i32
      %parallel_loop3A_1910 = arith.shli %parallel_loop3A_1908, %parallel_loop3A_1909 : i32
      %parallel_loop3A_1911 = tpu.assume_multiple %parallel_loop3A_1910, 16 : i32
      %parallel_loop3A_1912 = arith.index_cast %parallel_loop3A_1906 : i32 to index
      %parallel_loop3A_1913 = arith.index_cast %parallel_loop3A_1911 : i32 to index
      %parallel_loop3A_1914 = tpu.vector_load %arg10[%parallel_loop3A_1912, %parallel_loop3A_1913] {strides = array<i32>} : memref<16x1024xf32, #tpu.memory_space<vmem>>, vector<1x16xf32>,
      %parallel_loop3A_1915 = vector.shape_cast %parallel_loop3A_1914 : vector<1x16xf32> to vector<16xf32>
      %parallel_loop3A_1916 = arith.index_cast %parallel_loop3A_1906 : i32 to index
      %parallel_loop3A_1917 = arith.index_cast %parallel_loop3A_1911 : i32 to index
      %parallel_loop3A_1918 = tpu.vector_load %arg5[%parallel_loop3A_1916, %parallel_loop3A_1917] {strides = array<i32>} : memref<16x1024xf32, #tpu.memory_space<vmem>>, vector<1x16xf32>,
      %parallel_loop3A_1919 = vector.shape_cast %parallel_loop3A_1918 : vector<1x16xf32> to vector<16xf32>
      %parallel_loop3A_1920 = vector.shape_cast %parallel_loop3A_1915 : vector<16xf32> to vector<1x16xf32>
      tpu.vector_store %arg5[%parallel_loop3A_1916, %parallel_loop3A_1917], %parallel_loop3A_1920 {add = true, strides = array<i32>} : memref<16x1024xf32, #tpu.memory_space<vmem>>, vector<1x16xf32>,
    } {sc.loop_unroll_factor = 8 : i64, sc.parallel_access}
    %dma_start3A_767 = arith.constant 0 : i32
    %dma_start3A_768 = arith.constant 0 : i32
    %dma_start3A_769 = arith.constant 0 : i32
    %dma_start3A_770 = tpu.memref_slice %arg11[%arg1, %dma_start3A_767, %dma_start3A_768, %dma_start3A_769] : memref<16x2x16x1024xf32, #tpu.memory_space<vmem_shared>> -> memref<1x1x16x1024xf32, #tpu.memory_space<vmem_shared>>
    %dma_start3A_771 = tpu.memref_squeeze %dma_start3A_770 : memref<1x1x16x1024xf32, #tpu.memory_space<vmem_shared>> -> memref<16x1024xf32, #tpu.memory_space<vmem_shared>>
    %dma_start3A_772 = arith.constant 0 : i32
    %dma_start3A_773 = arith.constant 0 : i32
    %dma_start3A_774 = tpu.memref_slice %arg11[%arg1, %dma_start3A_767, %dma_start3A_772, %dma_start3A_773] : memref<16x2x16x1024xf32, #tpu.memory_space<vmem_shared>> -> memref<1x1x16x1024xf32, #tpu.memory_space<vmem_shared>>
    %dma_start3A_775 = tpu.memref_squeeze %dma_start3A_774 : memref<1x1x16x1024xf32, #tpu.memory_space<vmem_shared>> -> memref<16x1024xf32, #tpu.memory_space<vmem_shared>>
    tpu.enqueue_dma source(%arg5 : memref<16x1024xf32, #tpu.memory_space<vmem>>) target(%dma_start3A_775 : memref<16x1024xf32, #tpu.memory_space<vmem_shared>>) target_semaphore(%arg18 : memref<!tpu.dma_semaphore, #tpu.memory_space<semaphore_mem>>)
    %dma_wait3A_776 = arith.constant 1 : i32
    %dma_wait3A_777 = arith.constant 0 : i32
    %dma_wait3A_778 = tpu.memref_slice %arg2[%dma_wait3A_776, %add3A_623, %dma_wait3A_777] : memref<4x4096x1024xf32, #tpu.memory_space<hbm>> -> memref<1x16x1024xf32, #tpu.memory_space<hbm>>
    %dma_wait3A_779 = tpu.memref_squeeze %dma_wait3A_778 : memref<1x16x1024xf32, #tpu.memory_space<hbm>> -> memref<16x1024xf32, #tpu.memory_space<hbm>>
    %dma_wait3A_780 = arith.constant 0 : i32
    %dma_wait3A_781 = tpu.memref_slice %arg2[%dma_wait3A_776, %add3A_623, %dma_wait3A_780] : memref<4x4096x1024xf32, #tpu.memory_space<hbm>> -> memref<1x16x1024xf32, #tpu.memory_space<hbm>>
    %dma_wait3A_782 = tpu.memref_squeeze %dma_wait3A_781 : memref<1x16x1024xf32, #tpu.memory_space<hbm>> -> memref<16x1024xf32, #tpu.memory_space<hbm>>
    tpu.wait_dma2 semaphore(%arg13 : memref<!tpu.dma_semaphore, #tpu.memory_space<semaphore_mem>>) src(%dma_wait3A_782 : memref<16x1024xf32, #tpu.memory_space<hbm>>) dst(%arg6 : memref<16x1024xf32, #tpu.memory_space<vmem>>)
    %dma_wait3A_783 = arith.constant 0 : i32
    %dma_wait3A_784 = arith.constant 0 : i32
    %dma_wait3A_785 = arith.constant 0 : i32
    %dma_wait3A_786 = tpu.memref_slice %arg11[%arg1, %dma_wait3A_783, %dma_wait3A_784, %dma_wait3A_785] : memref<16x2x16x1024xf32, #tpu.memory_space<vmem_shared>> -> memref<1x1x16x1024xf32, #tpu.memory_space<vmem_shared>>
    %dma_wait3A_787 = tpu.memref_squeeze %dma_wait3A_786 : memref<1x1x16x1024xf32, #tpu.memory_space<vmem_shared>> -> memref<16x1024xf32, #tpu.memory_space<vmem_shared>>
    %dma_wait3A_788 = arith.constant 0 : i32
    %dma_wait3A_789 = arith.constant 0 : i32
    %dma_wait3A_790 = tpu.memref_slice %arg11[%arg1, %dma_wait3A_783, %dma_wait3A_788, %dma_wait3A_789] : memref<16x2x16x1024xf32, #tpu.memory_space<vmem_shared>> -> memref<1x1x16x1024xf32, #tpu.memory_space<vmem_shared>>
    %dma_wait3A_791 = tpu.memref_squeeze %dma_wait3A_790 : memref<1x1x16x1024xf32, #tpu.memory_space<vmem_shared>> -> memref<16x1024xf32, #tpu.memory_space<vmem_shared>>
    tpu.wait_dma2 semaphore(%arg18 : memref<!tpu.dma_semaphore, #tpu.memory_space<semaphore_mem>>) src(%arg5 : memref<16x1024xf32, #tpu.memory_space<vmem>>) dst(%dma_wait3A_791 : memref<16x1024xf32, #tpu.memory_space<vmem_shared>>)
    %add3A_792 = arith.constant 48 : i32
    %add3A_793 = arith.addi %mul3A_2, %add3A_792 : i32
    %dma_start3A_794 = arith.constant 0 : i32
    %dma_start3A_795 = arith.constant 0 : i32
    %dma_start3A_796 = arith.constant 0 : i32
    %dma_start3A_797 = tpu.memref_slice %arg4[%dma_start3A_795, %add3A_793, %dma_start3A_796] : memref<4x4096x1024xf32, #tpu.memory_space<hbm>> -> memref<1x16x1024xf32, #tpu.memory_space<hbm>>
    %dma_start3A_798 = tpu.memref_squeeze %dma_start3A_797 : memref<1x16x1024xf32, #tpu.memory_space<hbm>> -> memref<16x1024xf32, #tpu.memory_space<hbm>>
    %dma_start3A_799 = arith.constant 0 : i32
    %dma_start3A_800 = arith.constant 0 : i32
    %dma_start3A_801 = tpu.memref_slice %arg11[%arg1, %dma_start3A_794, %dma_start3A_799, %dma_start3A_800] : memref<16x2x16x1024xf32, #tpu.memory_space<vmem_shared>> -> memref<1x1x16x1024xf32, #tpu.memory_space<vmem_shared>>
    %dma_start3A_802 = tpu.memref_squeeze %dma_start3A_801 : memref<1x1x16x1024xf32, #tpu.memory_space<vmem_shared>> -> memref<16x1024xf32, #tpu.memory_space<vmem_shared>>
    tpu.enqueue_dma source(%dma_start3A_802 : memref<16x1024xf32, #tpu.memory_space<vmem_shared>>) target(%dma_start3A_798 : memref<16x1024xf32, #tpu.memory_space<hbm>>) target_semaphore(%arg20 : memref<!tpu.dma_semaphore, #tpu.memory_space<semaphore_mem>>)
    %add3A_803 = arith.constant 64 : i32
    %add3A_804 = arith.addi %mul3A_2, %add3A_803 : i32
    %dma_start3A_805 = arith.constant 0 : i32
    %dma_start3A_806 = arith.constant 0 : i32
    %dma_start3A_807 = tpu.memref_slice %arg2[%dma_start3A_805, %add3A_804, %dma_start3A_806] : memref<4x4096x1024xf32, #tpu.memory_space<hbm>> -> memref<1x16x1024xf32, #tpu.memory_space<hbm>>
    %dma_start3A_808 = tpu.memref_squeeze %dma_start3A_807 : memref<1x16x1024xf32, #tpu.memory_space<hbm>> -> memref<16x1024xf32, #tpu.memory_space<hbm>>
    %dma_start3A_809 = arith.constant 0 : i32
    %dma_start3A_810 = tpu.memref_slice %arg2[%dma_start3A_805, %add3A_804, %dma_start3A_809] : memref<4x4096x1024xf32, #tpu.memory_space<hbm>> -> memref<1x16x1024xf32, #tpu.memory_space<hbm>>
    %dma_start3A_811 = tpu.memref_squeeze %dma_start3A_810 : memref<1x16x1024xf32, #tpu.memory_space<hbm>> -> memref<16x1024xf32, #tpu.memory_space<hbm>>
    tpu.enqueue_dma source(%dma_start3A_811 : memref<16x1024xf32, #tpu.memory_space<hbm>>) target(%arg5 : memref<16x1024xf32, #tpu.memory_space<vmem>>) target_semaphore(%arg12 : memref<!tpu.dma_semaphore, #tpu.memory_space<semaphore_mem>>)
    %dma_wait3A_812 = arith.constant 1 : i32
    %dma_wait3A_813 = arith.constant 3 : i32
    %dma_wait3A_814 = arith.constant 0 : i32
    %dma_wait3A_815 = tpu.memref_slice %arg4[%dma_wait3A_813, %add3A_736, %dma_wait3A_814] : memref<4x4096x1024xf32, #tpu.memory_space<hbm>> -> memref<1x16x1024xf32, #tpu.memory_space<hbm>>
    %dma_wait3A_816 = tpu.memref_squeeze %dma_wait3A_815 : memref<1x16x1024xf32, #tpu.memory_space<hbm>> -> memref<16x1024xf32, #tpu.memory_space<hbm>>
    %dma_wait3A_817 = arith.constant 0 : i32
    %dma_wait3A_818 = arith.constant 0 : i32
    %dma_wait3A_819 = tpu.memref_slice %arg11[%arg1, %dma_wait3A_812, %dma_wait3A_817, %dma_wait3A_818] : memref<16x2x16x1024xf32, #tpu.memory_space<vmem_shared>> -> memref<1x1x16x1024xf32, #tpu.memory_space<vmem_shared>>
    %dma_wait3A_820 = tpu.memref_squeeze %dma_wait3A_819 : memref<1x1x16x1024xf32, #tpu.memory_space<vmem_shared>> -> memref<16x1024xf32, #tpu.memory_space<vmem_shared>>
    tpu.wait_dma2 semaphore(%arg21 : memref<!tpu.dma_semaphore, #tpu.memory_space<semaphore_mem>>) src(%dma_wait3A_820 : memref<16x1024xf32, #tpu.memory_space<vmem_shared>>) dst(%dma_wait3A_816 : memref<16x1024xf32, #tpu.memory_space<hbm>>)
    %parallel_loop3A_821 = arith.constant 0 : i32
    %parallel_loop3A_822 = arith.constant 1024 : i32
    %parallel_loop3A_823 = arith.constant 1 : i32
    scf.for %parallel_loop3A_1904 = %parallel_loop3A_821 to %parallel_loop3A_822 step %parallel_loop3A_823  : i32 {
      %parallel_loop3A_1905 = arith.constant 6 : i32
      %parallel_loop3A_1906 = arith.shrui %parallel_loop3A_1904, %parallel_loop3A_1905 : i32
      %parallel_loop3A_1907 = arith.constant 63 : i32
      %parallel_loop3A_1908 = arith.andi %parallel_loop3A_1904, %parallel_loop3A_1907 : i32
      %parallel_loop3A_1909 = arith.constant 4 : i32
      %parallel_loop3A_1910 = arith.shli %parallel_loop3A_1908, %parallel_loop3A_1909 : i32
      %parallel_loop3A_1911 = tpu.assume_multiple %parallel_loop3A_1910, 16 : i32
      %parallel_loop3A_1912 = arith.index_cast %parallel_loop3A_1906 : i32 to index
      %parallel_loop3A_1913 = arith.index_cast %parallel_loop3A_1911 : i32 to index
      %parallel_loop3A_1914 = tpu.vector_load %arg10[%parallel_loop3A_1912, %parallel_loop3A_1913] {strides = array<i32>} : memref<16x1024xf32, #tpu.memory_space<vmem>>, vector<1x16xf32>,
      %parallel_loop3A_1915 = vector.shape_cast %parallel_loop3A_1914 : vector<1x16xf32> to vector<16xf32>
      %parallel_loop3A_1916 = arith.index_cast %parallel_loop3A_1906 : i32 to index
      %parallel_loop3A_1917 = arith.index_cast %parallel_loop3A_1911 : i32 to index
      %parallel_loop3A_1918 = tpu.vector_load %arg6[%parallel_loop3A_1916, %parallel_loop3A_1917] {strides = array<i32>} : memref<16x1024xf32, #tpu.memory_space<vmem>>, vector<1x16xf32>,
      %parallel_loop3A_1919 = vector.shape_cast %parallel_loop3A_1918 : vector<1x16xf32> to vector<16xf32>
      %parallel_loop3A_1920 = vector.shape_cast %parallel_loop3A_1915 : vector<16xf32> to vector<1x16xf32>
      tpu.vector_store %arg6[%parallel_loop3A_1916, %parallel_loop3A_1917], %parallel_loop3A_1920 {add = true, strides = array<i32>} : memref<16x1024xf32, #tpu.memory_space<vmem>>, vector<1x16xf32>,
    } {sc.loop_unroll_factor = 8 : i64, sc.parallel_access}
    %dma_start3A_824 = arith.constant 1 : i32
    %dma_start3A_825 = arith.constant 0 : i32
    %dma_start3A_826 = arith.constant 0 : i32
    %dma_start3A_827 = tpu.memref_slice %arg11[%arg1, %dma_start3A_824, %dma_start3A_825, %dma_start3A_826] : memref<16x2x16x1024xf32, #tpu.memory_space<vmem_shared>> -> memref<1x1x16x1024xf32, #tpu.memory_space<vmem_shared>>
    %dma_start3A_828 = tpu.memref_squeeze %dma_start3A_827 : memref<1x1x16x1024xf32, #tpu.memory_space<vmem_shared>> -> memref<16x1024xf32, #tpu.memory_space<vmem_shared>>
    %dma_start3A_829 = arith.constant 0 : i32
    %dma_start3A_830 = arith.constant 0 : i32
    %dma_start3A_831 = tpu.memref_slice %arg11[%arg1, %dma_start3A_824, %dma_start3A_829, %dma_start3A_830] : memref<16x2x16x1024xf32, #tpu.memory_space<vmem_shared>> -> memref<1x1x16x1024xf32, #tpu.memory_space<vmem_shared>>
    %dma_start3A_832 = tpu.memref_squeeze %dma_start3A_831 : memref<1x1x16x1024xf32, #tpu.memory_space<vmem_shared>> -> memref<16x1024xf32, #tpu.memory_space<vmem_shared>>
    tpu.enqueue_dma source(%arg6 : memref<16x1024xf32, #tpu.memory_space<vmem>>) target(%dma_start3A_832 : memref<16x1024xf32, #tpu.memory_space<vmem_shared>>) target_semaphore(%arg19 : memref<!tpu.dma_semaphore, #tpu.memory_space<semaphore_mem>>)
    %dma_wait3A_833 = arith.constant 2 : i32
    %dma_wait3A_834 = arith.constant 0 : i32
    %dma_wait3A_835 = tpu.memref_slice %arg2[%dma_wait3A_833, %add3A_680, %dma_wait3A_834] : memref<4x4096x1024xf32, #tpu.memory_space<hbm>> -> memref<1x16x1024xf32, #tpu.memory_space<hbm>>
    %dma_wait3A_836 = tpu.memref_squeeze %dma_wait3A_835 : memref<1x16x1024xf32, #tpu.memory_space<hbm>> -> memref<16x1024xf32, #tpu.memory_space<hbm>>
    %dma_wait3A_837 = arith.constant 0 : i32
    %dma_wait3A_838 = tpu.memref_slice %arg2[%dma_wait3A_833, %add3A_680, %dma_wait3A_837] : memref<4x4096x1024xf32, #tpu.memory_space<hbm>> -> memref<1x16x1024xf32, #tpu.memory_space<hbm>>
    %dma_wait3A_839 = tpu.memref_squeeze %dma_wait3A_838 : memref<1x16x1024xf32, #tpu.memory_space<hbm>> -> memref<16x1024xf32, #tpu.memory_space<hbm>>
    tpu.wait_dma2 semaphore(%arg14 : memref<!tpu.dma_semaphore, #tpu.memory_space<semaphore_mem>>) src(%dma_wait3A_839 : memref<16x1024xf32, #tpu.memory_space<hbm>>) dst(%arg7 : memref<16x1024xf32, #tpu.memory_space<vmem>>)
    %dma_wait3A_840 = arith.constant 1 : i32
    %dma_wait3A_841 = arith.constant 0 : i32
    %dma_wait3A_842 = arith.constant 0 : i32
    %dma_wait3A_843 = tpu.memref_slice %arg11[%arg1, %dma_wait3A_840, %dma_wait3A_841, %dma_wait3A_842] : memref<16x2x16x1024xf32, #tpu.memory_space<vmem_shared>> -> memref<1x1x16x1024xf32, #tpu.memory_space<vmem_shared>>
    %dma_wait3A_844 = tpu.memref_squeeze %dma_wait3A_843 : memref<1x1x16x1024xf32, #tpu.memory_space<vmem_shared>> -> memref<16x1024xf32, #tpu.memory_space<vmem_shared>>
    %dma_wait3A_845 = arith.constant 0 : i32
    %dma_wait3A_846 = arith.constant 0 : i32
    %dma_wait3A_847 = tpu.memref_slice %arg11[%arg1, %dma_wait3A_840, %dma_wait3A_845, %dma_wait3A_846] : memref<16x2x16x1024xf32, #tpu.memory_space<vmem_shared>> -> memref<1x1x16x1024xf32, #tpu.memory_space<vmem_shared>>
    %dma_wait3A_848 = tpu.memref_squeeze %dma_wait3A_847 : memref<1x1x16x1024xf32, #tpu.memory_space<vmem_shared>> -> memref<16x1024xf32, #tpu.memory_space<vmem_shared>>
    tpu.wait_dma2 semaphore(%arg19 : memref<!tpu.dma_semaphore, #tpu.memory_space<semaphore_mem>>) src(%arg6 : memref<16x1024xf32, #tpu.memory_space<vmem>>) dst(%dma_wait3A_848 : memref<16x1024xf32, #tpu.memory_space<vmem_shared>>)
    %add3A_849 = arith.constant 48 : i32
    %add3A_850 = arith.addi %mul3A_2, %add3A_849 : i32
    %dma_start3A_851 = arith.constant 1 : i32
    %dma_start3A_852 = arith.constant 1 : i32
    %dma_start3A_853 = arith.constant 0 : i32
    %dma_start3A_854 = tpu.memref_slice %arg4[%dma_start3A_852, %add3A_850, %dma_start3A_853] : memref<4x4096x1024xf32, #tpu.memory_space<hbm>> -> memref<1x16x1024xf32, #tpu.memory_space<hbm>>
    %dma_start3A_855 = tpu.memref_squeeze %dma_start3A_854 : memref<1x16x1024xf32, #tpu.memory_space<hbm>> -> memref<16x1024xf32, #tpu.memory_space<hbm>>
    %dma_start3A_856 = arith.constant 0 : i32
    %dma_start3A_857 = arith.constant 0 : i32
    %dma_start3A_858 = tpu.memref_slice %arg11[%arg1, %dma_start3A_851, %dma_start3A_856, %dma_start3A_857] : memref<16x2x16x1024xf32, #tpu.memory_space<vmem_shared>> -> memref<1x1x16x1024xf32, #tpu.memory_space<vmem_shared>>
    %dma_start3A_859 = tpu.memref_squeeze %dma_start3A_858 : memref<1x1x16x1024xf32, #tpu.memory_space<vmem_shared>> -> memref<16x1024xf32, #tpu.memory_space<vmem_shared>>
    tpu.enqueue_dma source(%dma_start3A_859 : memref<16x1024xf32, #tpu.memory_space<vmem_shared>>) target(%dma_start3A_855 : memref<16x1024xf32, #tpu.memory_space<hbm>>) target_semaphore(%arg21 : memref<!tpu.dma_semaphore, #tpu.memory_space<semaphore_mem>>)
    %add3A_860 = arith.constant 64 : i32
    %add3A_861 = arith.addi %mul3A_2, %add3A_860 : i32
    %dma_start3A_862 = arith.constant 1 : i32
    %dma_start3A_863 = arith.constant 0 : i32
    %dma_start3A_864 = tpu.memref_slice %arg2[%dma_start3A_862, %add3A_861, %dma_start3A_863] : memref<4x4096x1024xf32, #tpu.memory_space<hbm>> -> memref<1x16x1024xf32, #tpu.memory_space<hbm>>
    %dma_start3A_865 = tpu.memref_squeeze %dma_start3A_864 : memref<1x16x1024xf32, #tpu.memory_space<hbm>> -> memref<16x1024xf32, #tpu.memory_space<hbm>>
    %dma_start3A_866 = arith.constant 0 : i32
    %dma_start3A_867 = tpu.memref_slice %arg2[%dma_start3A_862, %add3A_861, %dma_start3A_866] : memref<4x4096x1024xf32, #tpu.memory_space<hbm>> -> memref<1x16x1024xf32, #tpu.memory_space<hbm>>
    %dma_start3A_868 = tpu.memref_squeeze %dma_start3A_867 : memref<1x16x1024xf32, #tpu.memory_space<hbm>> -> memref<16x1024xf32, #tpu.memory_space<hbm>>
    tpu.enqueue_dma source(%dma_start3A_868 : memref<16x1024xf32, #tpu.memory_space<hbm>>) target(%arg6 : memref<16x1024xf32, #tpu.memory_space<vmem>>) target_semaphore(%arg13 : memref<!tpu.dma_semaphore, #tpu.memory_space<semaphore_mem>>)
    %dma_wait3A_869 = arith.constant 0 : i32
    %dma_wait3A_870 = arith.constant 0 : i32
    %dma_wait3A_871 = arith.constant 0 : i32
    %dma_wait3A_872 = tpu.memref_slice %arg4[%dma_wait3A_870, %add3A_793, %dma_wait3A_871] : memref<4x4096x1024xf32, #tpu.memory_space<hbm>> -> memref<1x16x1024xf32, #tpu.memory_space<hbm>>
    %dma_wait3A_873 = tpu.memref_squeeze %dma_wait3A_872 : memref<1x16x1024xf32, #tpu.memory_space<hbm>> -> memref<16x1024xf32, #tpu.memory_space<hbm>>
    %dma_wait3A_874 = arith.constant 0 : i32
    %dma_wait3A_875 = arith.constant 0 : i32
    %dma_wait3A_876 = tpu.memref_slice %arg11[%arg1, %dma_wait3A_869, %dma_wait3A_874, %dma_wait3A_875] : memref<16x2x16x1024xf32, #tpu.memory_space<vmem_shared>> -> memref<1x1x16x1024xf32, #tpu.memory_space<vmem_shared>>
    %dma_wait3A_877 = tpu.memref_squeeze %dma_wait3A_876 : memref<1x1x16x1024xf32, #tpu.memory_space<vmem_shared>> -> memref<16x1024xf32, #tpu.memory_space<vmem_shared>>
    tpu.wait_dma2 semaphore(%arg20 : memref<!tpu.dma_semaphore, #tpu.memory_space<semaphore_mem>>) src(%dma_wait3A_877 : memref<16x1024xf32, #tpu.memory_space<vmem_shared>>) dst(%dma_wait3A_873 : memref<16x1024xf32, #tpu.memory_space<hbm>>)
    %parallel_loop3A_878 = arith.constant 0 : i32
    %parallel_loop3A_879 = arith.constant 1024 : i32
    %parallel_loop3A_880 = arith.constant 1 : i32
    scf.for %parallel_loop3A_1904 = %parallel_loop3A_878 to %parallel_loop3A_879 step %parallel_loop3A_880  : i32 {
      %parallel_loop3A_1905 = arith.constant 6 : i32
      %parallel_loop3A_1906 = arith.shrui %parallel_loop3A_1904, %parallel_loop3A_1905 : i32
      %parallel_loop3A_1907 = arith.constant 63 : i32
      %parallel_loop3A_1908 = arith.andi %parallel_loop3A_1904, %parallel_loop3A_1907 : i32
      %parallel_loop3A_1909 = arith.constant 4 : i32
      %parallel_loop3A_1910 = arith.shli %parallel_loop3A_1908, %parallel_loop3A_1909 : i32
      %parallel_loop3A_1911 = tpu.assume_multiple %parallel_loop3A_1910, 16 : i32
      %parallel_loop3A_1912 = arith.index_cast %parallel_loop3A_1906 : i32 to index
      %parallel_loop3A_1913 = arith.index_cast %parallel_loop3A_1911 : i32 to index
      %parallel_loop3A_1914 = tpu.vector_load %arg10[%parallel_loop3A_1912, %parallel_loop3A_1913] {strides = array<i32>} : memref<16x1024xf32, #tpu.memory_space<vmem>>, vector<1x16xf32>,
      %parallel_loop3A_1915 = vector.shape_cast %parallel_loop3A_1914 : vector<1x16xf32> to vector<16xf32>
      %parallel_loop3A_1916 = arith.index_cast %parallel_loop3A_1906 : i32 to index
      %parallel_loop3A_1917 = arith.index_cast %parallel_loop3A_1911 : i32 to index
      %parallel_loop3A_1918 = tpu.vector_load %arg7[%parallel_loop3A_1916, %parallel_loop3A_1917] {strides = array<i32>} : memref<16x1024xf32, #tpu.memory_space<vmem>>, vector<1x16xf32>,
      %parallel_loop3A_1919 = vector.shape_cast %parallel_loop3A_1918 : vector<1x16xf32> to vector<16xf32>
      %parallel_loop3A_1920 = vector.shape_cast %parallel_loop3A_1915 : vector<16xf32> to vector<1x16xf32>
      tpu.vector_store %arg7[%parallel_loop3A_1916, %parallel_loop3A_1917], %parallel_loop3A_1920 {add = true, strides = array<i32>} : memref<16x1024xf32, #tpu.memory_space<vmem>>, vector<1x16xf32>,
    } {sc.loop_unroll_factor = 8 : i64, sc.parallel_access}
    %dma_start3A_881 = arith.constant 0 : i32
    %dma_start3A_882 = arith.constant 0 : i32
    %dma_start3A_883 = arith.constant 0 : i32
    %dma_start3A_884 = tpu.memref_slice %arg11[%arg1, %dma_start3A_881, %dma_start3A_882, %dma_start3A_883] : memref<16x2x16x1024xf32, #tpu.memory_space<vmem_shared>> -> memref<1x1x16x1024xf32, #tpu.memory_space<vmem_shared>>
    %dma_start3A_885 = tpu.memref_squeeze %dma_start3A_884 : memref<1x1x16x1024xf32, #tpu.memory_space<vmem_shared>> -> memref<16x1024xf32, #tpu.memory_space<vmem_shared>>
    %dma_start3A_886 = arith.constant 0 : i32
    %dma_start3A_887 = arith.constant 0 : i32
    %dma_start3A_888 = tpu.memref_slice %arg11[%arg1, %dma_start3A_881, %dma_start3A_886, %dma_start3A_887] : memref<16x2x16x1024xf32, #tpu.memory_space<vmem_shared>> -> memref<1x1x16x1024xf32, #tpu.memory_space<vmem_shared>>
    %dma_start3A_889 = tpu.memref_squeeze %dma_start3A_888 : memref<1x1x16x1024xf32, #tpu.memory_space<vmem_shared>> -> memref<16x1024xf32, #tpu.memory_space<vmem_shared>>
    tpu.enqueue_dma source(%arg7 : memref<16x1024xf32, #tpu.memory_space<vmem>>) target(%dma_start3A_889 : memref<16x1024xf32, #tpu.memory_space<vmem_shared>>) target_semaphore(%arg18 : memref<!tpu.dma_semaphore, #tpu.memory_space<semaphore_mem>>)
    %dma_wait3A_890 = arith.constant 3 : i32
    %dma_wait3A_891 = arith.constant 0 : i32
    %dma_wait3A_892 = tpu.memref_slice %arg2[%dma_wait3A_890, %add3A_747, %dma_wait3A_891] : memref<4x4096x1024xf32, #tpu.memory_space<hbm>> -> memref<1x16x1024xf32, #tpu.memory_space<hbm>>
    %dma_wait3A_893 = tpu.memref_squeeze %dma_wait3A_892 : memref<1x16x1024xf32, #tpu.memory_space<hbm>> -> memref<16x1024xf32, #tpu.memory_space<hbm>>
    %dma_wait3A_894 = arith.constant 0 : i32
    %dma_wait3A_895 = tpu.memref_slice %arg2[%dma_wait3A_890, %add3A_747, %dma_wait3A_894] : memref<4x4096x1024xf32, #tpu.memory_space<hbm>> -> memref<1x16x1024xf32, #tpu.memory_space<hbm>>
    %dma_wait3A_896 = tpu.memref_squeeze %dma_wait3A_895 : memref<1x16x1024xf32, #tpu.memory_space<hbm>> -> memref<16x1024xf32, #tpu.memory_space<hbm>>
    tpu.wait_dma2 semaphore(%arg15 : memref<!tpu.dma_semaphore, #tpu.memory_space<semaphore_mem>>) src(%dma_wait3A_896 : memref<16x1024xf32, #tpu.memory_space<hbm>>) dst(%arg8 : memref<16x1024xf32, #tpu.memory_space<vmem>>)
    %dma_wait3A_897 = arith.constant 0 : i32
    %dma_wait3A_898 = arith.constant 0 : i32
    %dma_wait3A_899 = arith.constant 0 : i32
    %dma_wait3A_900 = tpu.memref_slice %arg11[%arg1, %dma_wait3A_897, %dma_wait3A_898, %dma_wait3A_899] : memref<16x2x16x1024xf32, #tpu.memory_space<vmem_shared>> -> memref<1x1x16x1024xf32, #tpu.memory_space<vmem_shared>>
    %dma_wait3A_901 = tpu.memref_squeeze %dma_wait3A_900 : memref<1x1x16x1024xf32, #tpu.memory_space<vmem_shared>> -> memref<16x1024xf32, #tpu.memory_space<vmem_shared>>
    %dma_wait3A_902 = arith.constant 0 : i32
    %dma_wait3A_903 = arith.constant 0 : i32
    %dma_wait3A_904 = tpu.memref_slice %arg11[%arg1, %dma_wait3A_897, %dma_wait3A_902, %dma_wait3A_903] : memref<16x2x16x1024xf32, #tpu.memory_space<vmem_shared>> -> memref<1x1x16x1024xf32, #tpu.memory_space<vmem_shared>>
    %dma_wait3A_905 = tpu.memref_squeeze %dma_wait3A_904 : memref<1x1x16x1024xf32, #tpu.memory_space<vmem_shared>> -> memref<16x1024xf32, #tpu.memory_space<vmem_shared>>
    tpu.wait_dma2 semaphore(%arg18 : memref<!tpu.dma_semaphore, #tpu.memory_space<semaphore_mem>>) src(%arg7 : memref<16x1024xf32, #tpu.memory_space<vmem>>) dst(%dma_wait3A_905 : memref<16x1024xf32, #tpu.memory_space<vmem_shared>>)
    %add3A_906 = arith.constant 48 : i32
    %add3A_907 = arith.addi %mul3A_2, %add3A_906 : i32
    %dma_start3A_908 = arith.constant 0 : i32
    %dma_start3A_909 = arith.constant 2 : i32
    %dma_start3A_910 = arith.constant 0 : i32
    %dma_start3A_911 = tpu.memref_slice %arg4[%dma_start3A_909, %add3A_907, %dma_start3A_910] : memref<4x4096x1024xf32, #tpu.memory_space<hbm>> -> memref<1x16x1024xf32, #tpu.memory_space<hbm>>
    %dma_start3A_912 = tpu.memref_squeeze %dma_start3A_911 : memref<1x16x1024xf32, #tpu.memory_space<hbm>> -> memref<16x1024xf32, #tpu.memory_space<hbm>>
    %dma_start3A_913 = arith.constant 0 : i32
    %dma_start3A_914 = arith.constant 0 : i32
    %dma_start3A_915 = tpu.memref_slice %arg11[%arg1, %dma_start3A_908, %dma_start3A_913, %dma_start3A_914] : memref<16x2x16x1024xf32, #tpu.memory_space<vmem_shared>> -> memref<1x1x16x1024xf32, #tpu.memory_space<vmem_shared>>
    %dma_start3A_916 = tpu.memref_squeeze %dma_start3A_915 : memref<1x1x16x1024xf32, #tpu.memory_space<vmem_shared>> -> memref<16x1024xf32, #tpu.memory_space<vmem_shared>>
    tpu.enqueue_dma source(%dma_start3A_916 : memref<16x1024xf32, #tpu.memory_space<vmem_shared>>) target(%dma_start3A_912 : memref<16x1024xf32, #tpu.memory_space<hbm>>) target_semaphore(%arg20 : memref<!tpu.dma_semaphore, #tpu.memory_space<semaphore_mem>>)
    %add3A_917 = arith.constant 64 : i32
    %add3A_918 = arith.addi %mul3A_2, %add3A_917 : i32
    %dma_start3A_919 = arith.constant 2 : i32
    %dma_start3A_920 = arith.constant 0 : i32
    %dma_start3A_921 = tpu.memref_slice %arg2[%dma_start3A_919, %add3A_918, %dma_start3A_920] : memref<4x4096x1024xf32, #tpu.memory_space<hbm>> -> memref<1x16x1024xf32, #tpu.memory_space<hbm>>
    %dma_start3A_922 = tpu.memref_squeeze %dma_start3A_921 : memref<1x16x1024xf32, #tpu.memory_space<hbm>> -> memref<16x1024xf32, #tpu.memory_space<hbm>>
    %dma_start3A_923 = arith.constant 0 : i32
    %dma_start3A_924 = tpu.memref_slice %arg2[%dma_start3A_919, %add3A_918, %dma_start3A_923] : memref<4x4096x1024xf32, #tpu.memory_space<hbm>> -> memref<1x16x1024xf32, #tpu.memory_space<hbm>>
    %dma_start3A_925 = tpu.memref_squeeze %dma_start3A_924 : memref<1x16x1024xf32, #tpu.memory_space<hbm>> -> memref<16x1024xf32, #tpu.memory_space<hbm>>
    tpu.enqueue_dma source(%dma_start3A_925 : memref<16x1024xf32, #tpu.memory_space<hbm>>) target(%arg7 : memref<16x1024xf32, #tpu.memory_space<vmem>>) target_semaphore(%arg14 : memref<!tpu.dma_semaphore, #tpu.memory_space<semaphore_mem>>)
    %dma_wait3A_926 = arith.constant 1 : i32
    %dma_wait3A_927 = arith.constant 1 : i32
    %dma_wait3A_928 = arith.constant 0 : i32
    %dma_wait3A_929 = tpu.memref_slice %arg4[%dma_wait3A_927, %add3A_850, %dma_wait3A_928] : memref<4x4096x1024xf32, #tpu.memory_space<hbm>> -> memref<1x16x1024xf32, #tpu.memory_space<hbm>>
    %dma_wait3A_930 = tpu.memref_squeeze %dma_wait3A_929 : memref<1x16x1024xf32, #tpu.memory_space<hbm>> -> memref<16x1024xf32, #tpu.memory_space<hbm>>
    %dma_wait3A_931 = arith.constant 0 : i32
    %dma_wait3A_932 = arith.constant 0 : i32
    %dma_wait3A_933 = tpu.memref_slice %arg11[%arg1, %dma_wait3A_926, %dma_wait3A_931, %dma_wait3A_932] : memref<16x2x16x1024xf32, #tpu.memory_space<vmem_shared>> -> memref<1x1x16x1024xf32, #tpu.memory_space<vmem_shared>>
    %dma_wait3A_934 = tpu.memref_squeeze %dma_wait3A_933 : memref<1x1x16x1024xf32, #tpu.memory_space<vmem_shared>> -> memref<16x1024xf32, #tpu.memory_space<vmem_shared>>
    tpu.wait_dma2 semaphore(%arg21 : memref<!tpu.dma_semaphore, #tpu.memory_space<semaphore_mem>>) src(%dma_wait3A_934 : memref<16x1024xf32, #tpu.memory_space<vmem_shared>>) dst(%dma_wait3A_930 : memref<16x1024xf32, #tpu.memory_space<hbm>>)
    %parallel_loop3A_935 = arith.constant 0 : i32
    %parallel_loop3A_936 = arith.constant 1024 : i32
    %parallel_loop3A_937 = arith.constant 1 : i32
    scf.for %parallel_loop3A_1904 = %parallel_loop3A_935 to %parallel_loop3A_936 step %parallel_loop3A_937  : i32 {
      %parallel_loop3A_1905 = arith.constant 6 : i32
      %parallel_loop3A_1906 = arith.shrui %parallel_loop3A_1904, %parallel_loop3A_1905 : i32
      %parallel_loop3A_1907 = arith.constant 63 : i32
      %parallel_loop3A_1908 = arith.andi %parallel_loop3A_1904, %parallel_loop3A_1907 : i32
      %parallel_loop3A_1909 = arith.constant 4 : i32
      %parallel_loop3A_1910 = arith.shli %parallel_loop3A_1908, %parallel_loop3A_1909 : i32
      %parallel_loop3A_1911 = tpu.assume_multiple %parallel_loop3A_1910, 16 : i32
      %parallel_loop3A_1912 = arith.index_cast %parallel_loop3A_1906 : i32 to index
      %parallel_loop3A_1913 = arith.index_cast %parallel_loop3A_1911 : i32 to index
      %parallel_loop3A_1914 = tpu.vector_load %arg10[%parallel_loop3A_1912, %parallel_loop3A_1913] {strides = array<i32>} : memref<16x1024xf32, #tpu.memory_space<vmem>>, vector<1x16xf32>,
      %parallel_loop3A_1915 = vector.shape_cast %parallel_loop3A_1914 : vector<1x16xf32> to vector<16xf32>
      %parallel_loop3A_1916 = arith.index_cast %parallel_loop3A_1906 : i32 to index
      %parallel_loop3A_1917 = arith.index_cast %parallel_loop3A_1911 : i32 to index
      %parallel_loop3A_1918 = tpu.vector_load %arg8[%parallel_loop3A_1916, %parallel_loop3A_1917] {strides = array<i32>} : memref<16x1024xf32, #tpu.memory_space<vmem>>, vector<1x16xf32>,
      %parallel_loop3A_1919 = vector.shape_cast %parallel_loop3A_1918 : vector<1x16xf32> to vector<16xf32>
      %parallel_loop3A_1920 = vector.shape_cast %parallel_loop3A_1915 : vector<16xf32> to vector<1x16xf32>
      tpu.vector_store %arg8[%parallel_loop3A_1916, %parallel_loop3A_1917], %parallel_loop3A_1920 {add = true, strides = array<i32>} : memref<16x1024xf32, #tpu.memory_space<vmem>>, vector<1x16xf32>,
    } {sc.loop_unroll_factor = 8 : i64, sc.parallel_access}
    %dma_start3A_938 = arith.constant 1 : i32
    %dma_start3A_939 = arith.constant 0 : i32
    %dma_start3A_940 = arith.constant 0 : i32
    %dma_start3A_941 = tpu.memref_slice %arg11[%arg1, %dma_start3A_938, %dma_start3A_939, %dma_start3A_940] : memref<16x2x16x1024xf32, #tpu.memory_space<vmem_shared>> -> memref<1x1x16x1024xf32, #tpu.memory_space<vmem_shared>>
    %dma_start3A_942 = tpu.memref_squeeze %dma_start3A_941 : memref<1x1x16x1024xf32, #tpu.memory_space<vmem_shared>> -> memref<16x1024xf32, #tpu.memory_space<vmem_shared>>
    %dma_start3A_943 = arith.constant 0 : i32
    %dma_start3A_944 = arith.constant 0 : i32
    %dma_start3A_945 = tpu.memref_slice %arg11[%arg1, %dma_start3A_938, %dma_start3A_943, %dma_start3A_944] : memref<16x2x16x1024xf32, #tpu.memory_space<vmem_shared>> -> memref<1x1x16x1024xf32, #tpu.memory_space<vmem_shared>>
    %dma_start3A_946 = tpu.memref_squeeze %dma_start3A_945 : memref<1x1x16x1024xf32, #tpu.memory_space<vmem_shared>> -> memref<16x1024xf32, #tpu.memory_space<vmem_shared>>
    tpu.enqueue_dma source(%arg8 : memref<16x1024xf32, #tpu.memory_space<vmem>>) target(%dma_start3A_946 : memref<16x1024xf32, #tpu.memory_space<vmem_shared>>) target_semaphore(%arg19 : memref<!tpu.dma_semaphore, #tpu.memory_space<semaphore_mem>>)
    %add3A_947 = arith.constant 80 : i32
    %add3A_948 = arith.addi %mul3A_2, %add3A_947 : i32
    %dma_start3A_949 = arith.constant 0 : i32
    %dma_start3A_950 = tpu.memref_slice %arg3[%add3A_948, %dma_start3A_949] : memref<8192x1024xf32, #tpu.memory_space<hbm>> -> memref<16x1024xf32, #tpu.memory_space<hbm>>
    %dma_start3A_951 = arith.constant 0 : i32
    %dma_start3A_952 = tpu.memref_slice %arg3[%add3A_948, %dma_start3A_951] : memref<8192x1024xf32, #tpu.memory_space<hbm>> -> memref<16x1024xf32, #tpu.memory_space<hbm>>
    tpu.enqueue_dma source(%dma_start3A_952 : memref<16x1024xf32, #tpu.memory_space<hbm>>) target(%arg10 : memref<16x1024xf32, #tpu.memory_space<vmem>>) target_semaphore(%arg17 : memref<!tpu.dma_semaphore, #tpu.memory_space<semaphore_mem>>)
    %dma_wait3A_953 = arith.constant 0 : i32
    %dma_wait3A_954 = arith.constant 0 : i32
    %dma_wait3A_955 = tpu.memref_slice %arg2[%dma_wait3A_953, %add3A_804, %dma_wait3A_954] : memref<4x4096x1024xf32, #tpu.memory_space<hbm>> -> memref<1x16x1024xf32, #tpu.memory_space<hbm>>
    %dma_wait3A_956 = tpu.memref_squeeze %dma_wait3A_955 : memref<1x16x1024xf32, #tpu.memory_space<hbm>> -> memref<16x1024xf32, #tpu.memory_space<hbm>>
    %dma_wait3A_957 = arith.constant 0 : i32
    %dma_wait3A_958 = tpu.memref_slice %arg2[%dma_wait3A_953, %add3A_804, %dma_wait3A_957] : memref<4x4096x1024xf32, #tpu.memory_space<hbm>> -> memref<1x16x1024xf32, #tpu.memory_space<hbm>>
    %dma_wait3A_959 = tpu.memref_squeeze %dma_wait3A_958 : memref<1x16x1024xf32, #tpu.memory_space<hbm>> -> memref<16x1024xf32, #tpu.memory_space<hbm>>
    tpu.wait_dma2 semaphore(%arg12 : memref<!tpu.dma_semaphore, #tpu.memory_space<semaphore_mem>>) src(%dma_wait3A_959 : memref<16x1024xf32, #tpu.memory_space<hbm>>) dst(%arg5 : memref<16x1024xf32, #tpu.memory_space<vmem>>)
    %dma_wait3A_960 = arith.constant 0 : i32
    %dma_wait3A_961 = tpu.memref_slice %arg3[%add3A_710, %dma_wait3A_960] : memref<8192x1024xf32, #tpu.memory_space<hbm>> -> memref<16x1024xf32, #tpu.memory_space<hbm>>
    %dma_wait3A_962 = arith.constant 0 : i32
    %dma_wait3A_963 = tpu.memref_slice %arg3[%add3A_710, %dma_wait3A_962] : memref<8192x1024xf32, #tpu.memory_space<hbm>> -> memref<16x1024xf32, #tpu.memory_space<hbm>>
    tpu.wait_dma2 semaphore(%arg16 : memref<!tpu.dma_semaphore, #tpu.memory_space<semaphore_mem>>) src(%dma_wait3A_963 : memref<16x1024xf32, #tpu.memory_space<hbm>>) dst(%arg9 : memref<16x1024xf32, #tpu.memory_space<vmem>>)
    %dma_wait3A_964 = arith.constant 1 : i32
    %dma_wait3A_965 = arith.constant 0 : i32
    %dma_wait3A_966 = arith.constant 0 : i32
    %dma_wait3A_967 = tpu.memref_slice %arg11[%arg1, %dma_wait3A_964, %dma_wait3A_965, %dma_wait3A_966] : memref<16x2x16x1024xf32, #tpu.memory_space<vmem_shared>> -> memref<1x1x16x1024xf32, #tpu.memory_space<vmem_shared>>
    %dma_wait3A_968 = tpu.memref_squeeze %dma_wait3A_967 : memref<1x1x16x1024xf32, #tpu.memory_space<vmem_shared>> -> memref<16x1024xf32, #tpu.memory_space<vmem_shared>>
    %dma_wait3A_969 = arith.constant 0 : i32
    %dma_wait3A_970 = arith.constant 0 : i32
    %dma_wait3A_971 = tpu.memref_slice %arg11[%arg1, %dma_wait3A_964, %dma_wait3A_969, %dma_wait3A_970] : memref<16x2x16x1024xf32, #tpu.memory_space<vmem_shared>> -> memref<1x1x16x1024xf32, #tpu.memory_space<vmem_shared>>
    %dma_wait3A_972 = tpu.memref_squeeze %dma_wait3A_971 : memref<1x1x16x1024xf32, #tpu.memory_space<vmem_shared>> -> memref<16x1024xf32, #tpu.memory_space<vmem_shared>>
    tpu.wait_dma2 semaphore(%arg19 : memref<!tpu.dma_semaphore, #tpu.memory_space<semaphore_mem>>) src(%arg8 : memref<16x1024xf32, #tpu.memory_space<vmem>>) dst(%dma_wait3A_972 : memref<16x1024xf32, #tpu.memory_space<vmem_shared>>)
    %add3A_973 = arith.constant 48 : i32
    %add3A_974 = arith.addi %mul3A_2, %add3A_973 : i32
    %dma_start3A_975 = arith.constant 1 : i32
    %dma_start3A_976 = arith.constant 3 : i32
    %dma_start3A_977 = arith.constant 0 : i32
    %dma_start3A_978 = tpu.memref_slice %arg4[%dma_start3A_976, %add3A_974, %dma_start3A_977] : memref<4x4096x1024xf32, #tpu.memory_space<hbm>> -> memref<1x16x1024xf32, #tpu.memory_space<hbm>>
    %dma_start3A_979 = tpu.memref_squeeze %dma_start3A_978 : memref<1x16x1024xf32, #tpu.memory_space<hbm>> -> memref<16x1024xf32, #tpu.memory_space<hbm>>
    %dma_start3A_980 = arith.constant 0 : i32
    %dma_start3A_981 = arith.constant 0 : i32
    %dma_start3A_982 = tpu.memref_slice %arg11[%arg1, %dma_start3A_975, %dma_start3A_980, %dma_start3A_981] : memref<16x2x16x1024xf32, #tpu.memory_space<vmem_shared>> -> memref<1x1x16x1024xf32, #tpu.memory_space<vmem_shared>>
    %dma_start3A_983 = tpu.memref_squeeze %dma_start3A_982 : memref<1x1x16x1024xf32, #tpu.memory_space<vmem_shared>> -> memref<16x1024xf32, #tpu.memory_space<vmem_shared>>
    tpu.enqueue_dma source(%dma_start3A_983 : memref<16x1024xf32, #tpu.memory_space<vmem_shared>>) target(%dma_start3A_979 : memref<16x1024xf32, #tpu.memory_space<hbm>>) target_semaphore(%arg21 : memref<!tpu.dma_semaphore, #tpu.memory_space<semaphore_mem>>)
    %add3A_984 = arith.constant 64 : i32
    %add3A_985 = arith.addi %mul3A_2, %add3A_984 : i32
    %dma_start3A_986 = arith.constant 3 : i32
    %dma_start3A_987 = arith.constant 0 : i32
    %dma_start3A_988 = tpu.memref_slice %arg2[%dma_start3A_986, %add3A_985, %dma_start3A_987] : memref<4x4096x1024xf32, #tpu.memory_space<hbm>> -> memref<1x16x1024xf32, #tpu.memory_space<hbm>>
    %dma_start3A_989 = tpu.memref_squeeze %dma_start3A_988 : memref<1x16x1024xf32, #tpu.memory_space<hbm>> -> memref<16x1024xf32, #tpu.memory_space<hbm>>
    %dma_start3A_990 = arith.constant 0 : i32
    %dma_start3A_991 = tpu.memref_slice %arg2[%dma_start3A_986, %add3A_985, %dma_start3A_990] : memref<4x4096x1024xf32, #tpu.memory_space<hbm>> -> memref<1x16x1024xf32, #tpu.memory_space<hbm>>
    %dma_start3A_992 = tpu.memref_squeeze %dma_start3A_991 : memref<1x16x1024xf32, #tpu.memory_space<hbm>> -> memref<16x1024xf32, #tpu.memory_space<hbm>>
    tpu.enqueue_dma source(%dma_start3A_992 : memref<16x1024xf32, #tpu.memory_space<hbm>>) target(%arg8 : memref<16x1024xf32, #tpu.memory_space<vmem>>) target_semaphore(%arg15 : memref<!tpu.dma_semaphore, #tpu.memory_space<semaphore_mem>>)
    %dma_wait3A_993 = arith.constant 0 : i32
    %dma_wait3A_994 = arith.constant 2 : i32
    %dma_wait3A_995 = arith.constant 0 : i32
    %dma_wait3A_996 = tpu.memref_slice %arg4[%dma_wait3A_994, %add3A_907, %dma_wait3A_995] : memref<4x4096x1024xf32, #tpu.memory_space<hbm>> -> memref<1x16x1024xf32, #tpu.memory_space<hbm>>
    %dma_wait3A_997 = tpu.memref_squeeze %dma_wait3A_996 : memref<1x16x1024xf32, #tpu.memory_space<hbm>> -> memref<16x1024xf32, #tpu.memory_space<hbm>>
    %dma_wait3A_998 = arith.constant 0 : i32
    %dma_wait3A_999 = arith.constant 0 : i32
    %dma_wait3A_1000 = tpu.memref_slice %arg11[%arg1, %dma_wait3A_993, %dma_wait3A_998, %dma_wait3A_999] : memref<16x2x16x1024xf32, #tpu.memory_space<vmem_shared>> -> memref<1x1x16x1024xf32, #tpu.memory_space<vmem_shared>>
    %dma_wait3A_1001 = tpu.memref_squeeze %dma_wait3A_1000 : memref<1x1x16x1024xf32, #tpu.memory_space<vmem_shared>> -> memref<16x1024xf32, #tpu.memory_space<vmem_shared>>
    tpu.wait_dma2 semaphore(%arg20 : memref<!tpu.dma_semaphore, #tpu.memory_space<semaphore_mem>>) src(%dma_wait3A_1001 : memref<16x1024xf32, #tpu.memory_space<vmem_shared>>) dst(%dma_wait3A_997 : memref<16x1024xf32, #tpu.memory_space<hbm>>)
    %parallel_loop3A_1002 = arith.constant 0 : i32
    %parallel_loop3A_1003 = arith.constant 1024 : i32
    %parallel_loop3A_1004 = arith.constant 1 : i32
    scf.for %parallel_loop3A_1904 = %parallel_loop3A_1002 to %parallel_loop3A_1003 step %parallel_loop3A_1004  : i32 {
      %parallel_loop3A_1905 = arith.constant 6 : i32
      %parallel_loop3A_1906 = arith.shrui %parallel_loop3A_1904, %parallel_loop3A_1905 : i32
      %parallel_loop3A_1907 = arith.constant 63 : i32
      %parallel_loop3A_1908 = arith.andi %parallel_loop3A_1904, %parallel_loop3A_1907 : i32
      %parallel_loop3A_1909 = arith.constant 4 : i32
      %parallel_loop3A_1910 = arith.shli %parallel_loop3A_1908, %parallel_loop3A_1909 : i32
      %parallel_loop3A_1911 = tpu.assume_multiple %parallel_loop3A_1910, 16 : i32
      %parallel_loop3A_1912 = arith.index_cast %parallel_loop3A_1906 : i32 to index
      %parallel_loop3A_1913 = arith.index_cast %parallel_loop3A_1911 : i32 to index
      %parallel_loop3A_1914 = tpu.vector_load %arg9[%parallel_loop3A_1912, %parallel_loop3A_1913] {strides = array<i32>} : memref<16x1024xf32, #tpu.memory_space<vmem>>, vector<1x16xf32>,
      %parallel_loop3A_1915 = vector.shape_cast %parallel_loop3A_1914 : vector<1x16xf32> to vector<16xf32>
      %parallel_loop3A_1916 = arith.index_cast %parallel_loop3A_1906 : i32 to index
      %parallel_loop3A_1917 = arith.index_cast %parallel_loop3A_1911 : i32 to index
      %parallel_loop3A_1918 = tpu.vector_load %arg5[%parallel_loop3A_1916, %parallel_loop3A_1917] {strides = array<i32>} : memref<16x1024xf32, #tpu.memory_space<vmem>>, vector<1x16xf32>,
      %parallel_loop3A_1919 = vector.shape_cast %parallel_loop3A_1918 : vector<1x16xf32> to vector<16xf32>
      %parallel_loop3A_1920 = vector.shape_cast %parallel_loop3A_1915 : vector<16xf32> to vector<1x16xf32>
      tpu.vector_store %arg5[%parallel_loop3A_1916, %parallel_loop3A_1917], %parallel_loop3A_1920 {add = true, strides = array<i32>} : memref<16x1024xf32, #tpu.memory_space<vmem>>, vector<1x16xf32>,
    } {sc.loop_unroll_factor = 8 : i64, sc.parallel_access}
    %dma_start3A_1005 = arith.constant 0 : i32
    %dma_start3A_1006 = arith.constant 0 : i32
    %dma_start3A_1007 = arith.constant 0 : i32
    %dma_start3A_1008 = tpu.memref_slice %arg11[%arg1, %dma_start3A_1005, %dma_start3A_1006, %dma_start3A_1007] : memref<16x2x16x1024xf32, #tpu.memory_space<vmem_shared>> -> memref<1x1x16x1024xf32, #tpu.memory_space<vmem_shared>>
    %dma_start3A_1009 = tpu.memref_squeeze %dma_start3A_1008 : memref<1x1x16x1024xf32, #tpu.memory_space<vmem_shared>> -> memref<16x1024xf32, #tpu.memory_space<vmem_shared>>
    %dma_start3A_1010 = arith.constant 0 : i32
    %dma_start3A_1011 = arith.constant 0 : i32
    %dma_start3A_1012 = tpu.memref_slice %arg11[%arg1, %dma_start3A_1005, %dma_start3A_1010, %dma_start3A_1011] : memref<16x2x16x1024xf32, #tpu.memory_space<vmem_shared>> -> memref<1x1x16x1024xf32, #tpu.memory_space<vmem_shared>>
    %dma_start3A_1013 = tpu.memref_squeeze %dma_start3A_1012 : memref<1x1x16x1024xf32, #tpu.memory_space<vmem_shared>> -> memref<16x1024xf32, #tpu.memory_space<vmem_shared>>
    tpu.enqueue_dma source(%arg5 : memref<16x1024xf32, #tpu.memory_space<vmem>>) target(%dma_start3A_1013 : memref<16x1024xf32, #tpu.memory_space<vmem_shared>>) target_semaphore(%arg18 : memref<!tpu.dma_semaphore, #tpu.memory_space<semaphore_mem>>)
    %dma_wait3A_1014 = arith.constant 1 : i32
    %dma_wait3A_1015 = arith.constant 0 : i32
    %dma_wait3A_1016 = tpu.memref_slice %arg2[%dma_wait3A_1014, %add3A_861, %dma_wait3A_1015] : memref<4x4096x1024xf32, #tpu.memory_space<hbm>> -> memref<1x16x1024xf32, #tpu.memory_space<hbm>>
    %dma_wait3A_1017 = tpu.memref_squeeze %dma_wait3A_1016 : memref<1x16x1024xf32, #tpu.memory_space<hbm>> -> memref<16x1024xf32, #tpu.memory_space<hbm>>
    %dma_wait3A_1018 = arith.constant 0 : i32
    %dma_wait3A_1019 = tpu.memref_slice %arg2[%dma_wait3A_1014, %add3A_861, %dma_wait3A_1018] : memref<4x4096x1024xf32, #tpu.memory_space<hbm>> -> memref<1x16x1024xf32, #tpu.memory_space<hbm>>
    %dma_wait3A_1020 = tpu.memref_squeeze %dma_wait3A_1019 : memref<1x16x1024xf32, #tpu.memory_space<hbm>> -> memref<16x1024xf32, #tpu.memory_space<hbm>>
    tpu.wait_dma2 semaphore(%arg13 : memref<!tpu.dma_semaphore, #tpu.memory_space<semaphore_mem>>) src(%dma_wait3A_1020 : memref<16x1024xf32, #tpu.memory_space<hbm>>) dst(%arg6 : memref<16x1024xf32, #tpu.memory_space<vmem>>)
    %dma_wait3A_1021 = arith.constant 0 : i32
    %dma_wait3A_1022 = arith.constant 0 : i32
    %dma_wait3A_1023 = arith.constant 0 : i32
    %dma_wait3A_1024 = tpu.memref_slice %arg11[%arg1, %dma_wait3A_1021, %dma_wait3A_1022, %dma_wait3A_1023] : memref<16x2x16x1024xf32, #tpu.memory_space<vmem_shared>> -> memref<1x1x16x1024xf32, #tpu.memory_space<vmem_shared>>
    %dma_wait3A_1025 = tpu.memref_squeeze %dma_wait3A_1024 : memref<1x1x16x1024xf32, #tpu.memory_space<vmem_shared>> -> memref<16x1024xf32, #tpu.memory_space<vmem_shared>>
    %dma_wait3A_1026 = arith.constant 0 : i32
    %dma_wait3A_1027 = arith.constant 0 : i32
    %dma_wait3A_1028 = tpu.memref_slice %arg11[%arg1, %dma_wait3A_1021, %dma_wait3A_1026, %dma_wait3A_1027] : memref<16x2x16x1024xf32, #tpu.memory_space<vmem_shared>> -> memref<1x1x16x1024xf32, #tpu.memory_space<vmem_shared>>
    %dma_wait3A_1029 = tpu.memref_squeeze %dma_wait3A_1028 : memref<1x1x16x1024xf32, #tpu.memory_space<vmem_shared>> -> memref<16x1024xf32, #tpu.memory_space<vmem_shared>>
    tpu.wait_dma2 semaphore(%arg18 : memref<!tpu.dma_semaphore, #tpu.memory_space<semaphore_mem>>) src(%arg5 : memref<16x1024xf32, #tpu.memory_space<vmem>>) dst(%dma_wait3A_1029 : memref<16x1024xf32, #tpu.memory_space<vmem_shared>>)
    %add3A_1030 = arith.constant 64 : i32
    %add3A_1031 = arith.addi %mul3A_2, %add3A_1030 : i32
    %dma_start3A_1032 = arith.constant 0 : i32
    %dma_start3A_1033 = arith.constant 0 : i32
    %dma_start3A_1034 = arith.constant 0 : i32
    %dma_start3A_1035 = tpu.memref_slice %arg4[%dma_start3A_1033, %add3A_1031, %dma_start3A_1034] : memref<4x4096x1024xf32, #tpu.memory_space<hbm>> -> memref<1x16x1024xf32, #tpu.memory_space<hbm>>
    %dma_start3A_1036 = tpu.memref_squeeze %dma_start3A_1035 : memref<1x16x1024xf32, #tpu.memory_space<hbm>> -> memref<16x1024xf32, #tpu.memory_space<hbm>>
    %dma_start3A_1037 = arith.constant 0 : i32
    %dma_start3A_1038 = arith.constant 0 : i32
    %dma_start3A_1039 = tpu.memref_slice %arg11[%arg1, %dma_start3A_1032, %dma_start3A_1037, %dma_start3A_1038] : memref<16x2x16x1024xf32, #tpu.memory_space<vmem_shared>> -> memref<1x1x16x1024xf32, #tpu.memory_space<vmem_shared>>
    %dma_start3A_1040 = tpu.memref_squeeze %dma_start3A_1039 : memref<1x1x16x1024xf32, #tpu.memory_space<vmem_shared>> -> memref<16x1024xf32, #tpu.memory_space<vmem_shared>>
    tpu.enqueue_dma source(%dma_start3A_1040 : memref<16x1024xf32, #tpu.memory_space<vmem_shared>>) target(%dma_start3A_1036 : memref<16x1024xf32, #tpu.memory_space<hbm>>) target_semaphore(%arg20 : memref<!tpu.dma_semaphore, #tpu.memory_space<semaphore_mem>>)
    %add3A_1041 = arith.constant 80 : i32
    %add3A_1042 = arith.addi %mul3A_2, %add3A_1041 : i32
    %dma_start3A_1043 = arith.constant 0 : i32
    %dma_start3A_1044 = arith.constant 0 : i32
    %dma_start3A_1045 = tpu.memref_slice %arg2[%dma_start3A_1043, %add3A_1042, %dma_start3A_1044] : memref<4x4096x1024xf32, #tpu.memory_space<hbm>> -> memref<1x16x1024xf32, #tpu.memory_space<hbm>>
    %dma_start3A_1046 = tpu.memref_squeeze %dma_start3A_1045 : memref<1x16x1024xf32, #tpu.memory_space<hbm>> -> memref<16x1024xf32, #tpu.memory_space<hbm>>
    %dma_start3A_1047 = arith.constant 0 : i32
    %dma_start3A_1048 = tpu.memref_slice %arg2[%dma_start3A_1043, %add3A_1042, %dma_start3A_1047] : memref<4x4096x1024xf32, #tpu.memory_space<hbm>> -> memref<1x16x1024xf32, #tpu.memory_space<hbm>>
    %dma_start3A_1049 = tpu.memref_squeeze %dma_start3A_1048 : memref<1x16x1024xf32, #tpu.memory_space<hbm>> -> memref<16x1024xf32, #tpu.memory_space<hbm>>
    tpu.enqueue_dma source(%dma_start3A_1049 : memref<16x1024xf32, #tpu.memory_space<hbm>>) target(%arg5 : memref<16x1024xf32, #tpu.memory_space<vmem>>) target_semaphore(%arg12 : memref<!tpu.dma_semaphore, #tpu.memory_space<semaphore_mem>>)
    %dma_wait3A_1050 = arith.constant 1 : i32
    %dma_wait3A_1051 = arith.constant 3 : i32
    %dma_wait3A_1052 = arith.constant 0 : i32
    %dma_wait3A_1053 = tpu.memref_slice %arg4[%dma_wait3A_1051, %add3A_974, %dma_wait3A_1052] : memref<4x4096x1024xf32, #tpu.memory_space<hbm>> -> memref<1x16x1024xf32, #tpu.memory_space<hbm>>
    %dma_wait3A_1054 = tpu.memref_squeeze %dma_wait3A_1053 : memref<1x16x1024xf32, #tpu.memory_space<hbm>> -> memref<16x1024xf32, #tpu.memory_space<hbm>>
    %dma_wait3A_1055 = arith.constant 0 : i32
    %dma_wait3A_1056 = arith.constant 0 : i32
    %dma_wait3A_1057 = tpu.memref_slice %arg11[%arg1, %dma_wait3A_1050, %dma_wait3A_1055, %dma_wait3A_1056] : memref<16x2x16x1024xf32, #tpu.memory_space<vmem_shared>> -> memref<1x1x16x1024xf32, #tpu.memory_space<vmem_shared>>
    %dma_wait3A_1058 = tpu.memref_squeeze %dma_wait3A_1057 : memref<1x1x16x1024xf32, #tpu.memory_space<vmem_shared>> -> memref<16x1024xf32, #tpu.memory_space<vmem_shared>>
    tpu.wait_dma2 semaphore(%arg21 : memref<!tpu.dma_semaphore, #tpu.memory_space<semaphore_mem>>) src(%dma_wait3A_1058 : memref<16x1024xf32, #tpu.memory_space<vmem_shared>>) dst(%dma_wait3A_1054 : memref<16x1024xf32, #tpu.memory_space<hbm>>)
    %parallel_loop3A_1059 = arith.constant 0 : i32
    %parallel_loop3A_1060 = arith.constant 1024 : i32
    %parallel_loop3A_1061 = arith.constant 1 : i32
    scf.for %parallel_loop3A_1904 = %parallel_loop3A_1059 to %parallel_loop3A_1060 step %parallel_loop3A_1061  : i32 {
      %parallel_loop3A_1905 = arith.constant 6 : i32
      %parallel_loop3A_1906 = arith.shrui %parallel_loop3A_1904, %parallel_loop3A_1905 : i32
      %parallel_loop3A_1907 = arith.constant 63 : i32
      %parallel_loop3A_1908 = arith.andi %parallel_loop3A_1904, %parallel_loop3A_1907 : i32
      %parallel_loop3A_1909 = arith.constant 4 : i32
      %parallel_loop3A_1910 = arith.shli %parallel_loop3A_1908, %parallel_loop3A_1909 : i32
      %parallel_loop3A_1911 = tpu.assume_multiple %parallel_loop3A_1910, 16 : i32
      %parallel_loop3A_1912 = arith.index_cast %parallel_loop3A_1906 : i32 to index
      %parallel_loop3A_1913 = arith.index_cast %parallel_loop3A_1911 : i32 to index
      %parallel_loop3A_1914 = tpu.vector_load %arg9[%parallel_loop3A_1912, %parallel_loop3A_1913] {strides = array<i32>} : memref<16x1024xf32, #tpu.memory_space<vmem>>, vector<1x16xf32>,
      %parallel_loop3A_1915 = vector.shape_cast %parallel_loop3A_1914 : vector<1x16xf32> to vector<16xf32>
      %parallel_loop3A_1916 = arith.index_cast %parallel_loop3A_1906 : i32 to index
      %parallel_loop3A_1917 = arith.index_cast %parallel_loop3A_1911 : i32 to index
      %parallel_loop3A_1918 = tpu.vector_load %arg6[%parallel_loop3A_1916, %parallel_loop3A_1917] {strides = array<i32>} : memref<16x1024xf32, #tpu.memory_space<vmem>>, vector<1x16xf32>,
      %parallel_loop3A_1919 = vector.shape_cast %parallel_loop3A_1918 : vector<1x16xf32> to vector<16xf32>
      %parallel_loop3A_1920 = vector.shape_cast %parallel_loop3A_1915 : vector<16xf32> to vector<1x16xf32>
      tpu.vector_store %arg6[%parallel_loop3A_1916, %parallel_loop3A_1917], %parallel_loop3A_1920 {add = true, strides = array<i32>} : memref<16x1024xf32, #tpu.memory_space<vmem>>, vector<1x16xf32>,
    } {sc.loop_unroll_factor = 8 : i64, sc.parallel_access}
    %dma_start3A_1062 = arith.constant 1 : i32
    %dma_start3A_1063 = arith.constant 0 : i32
    %dma_start3A_1064 = arith.constant 0 : i32
    %dma_start3A_1065 = tpu.memref_slice %arg11[%arg1, %dma_start3A_1062, %dma_start3A_1063, %dma_start3A_1064] : memref<16x2x16x1024xf32, #tpu.memory_space<vmem_shared>> -> memref<1x1x16x1024xf32, #tpu.memory_space<vmem_shared>>
    %dma_start3A_1066 = tpu.memref_squeeze %dma_start3A_1065 : memref<1x1x16x1024xf32, #tpu.memory_space<vmem_shared>> -> memref<16x1024xf32, #tpu.memory_space<vmem_shared>>
    %dma_start3A_1067 = arith.constant 0 : i32
    %dma_start3A_1068 = arith.constant 0 : i32
    %dma_start3A_1069 = tpu.memref_slice %arg11[%arg1, %dma_start3A_1062, %dma_start3A_1067, %dma_start3A_1068] : memref<16x2x16x1024xf32, #tpu.memory_space<vmem_shared>> -> memref<1x1x16x1024xf32, #tpu.memory_space<vmem_shared>>
    %dma_start3A_1070 = tpu.memref_squeeze %dma_start3A_1069 : memref<1x1x16x1024xf32, #tpu.memory_space<vmem_shared>> -> memref<16x1024xf32, #tpu.memory_space<vmem_shared>>
    tpu.enqueue_dma source(%arg6 : memref<16x1024xf32, #tpu.memory_space<vmem>>) target(%dma_start3A_1070 : memref<16x1024xf32, #tpu.memory_space<vmem_shared>>) target_semaphore(%arg19 : memref<!tpu.dma_semaphore, #tpu.memory_space<semaphore_mem>>)
    %dma_wait3A_1071 = arith.constant 2 : i32
    %dma_wait3A_1072 = arith.constant 0 : i32
    %dma_wait3A_1073 = tpu.memref_slice %arg2[%dma_wait3A_1071, %add3A_918, %dma_wait3A_1072] : memref<4x4096x1024xf32, #tpu.memory_space<hbm>> -> memref<1x16x1024xf32, #tpu.memory_space<hbm>>
    %dma_wait3A_1074 = tpu.memref_squeeze %dma_wait3A_1073 : memref<1x16x1024xf32, #tpu.memory_space<hbm>> -> memref<16x1024xf32, #tpu.memory_space<hbm>>
    %dma_wait3A_1075 = arith.constant 0 : i32
    %dma_wait3A_1076 = tpu.memref_slice %arg2[%dma_wait3A_1071, %add3A_918, %dma_wait3A_1075] : memref<4x4096x1024xf32, #tpu.memory_space<hbm>> -> memref<1x16x1024xf32, #tpu.memory_space<hbm>>
    %dma_wait3A_1077 = tpu.memref_squeeze %dma_wait3A_1076 : memref<1x16x1024xf32, #tpu.memory_space<hbm>> -> memref<16x1024xf32, #tpu.memory_space<hbm>>
    tpu.wait_dma2 semaphore(%arg14 : memref<!tpu.dma_semaphore, #tpu.memory_space<semaphore_mem>>) src(%dma_wait3A_1077 : memref<16x1024xf32, #tpu.memory_space<hbm>>) dst(%arg7 : memref<16x1024xf32, #tpu.memory_space<vmem>>)
    %dma_wait3A_1078 = arith.constant 1 : i32
    %dma_wait3A_1079 = arith.constant 0 : i32
    %dma_wait3A_1080 = arith.constant 0 : i32
    %dma_wait3A_1081 = tpu.memref_slice %arg11[%arg1, %dma_wait3A_1078, %dma_wait3A_1079, %dma_wait3A_1080] : memref<16x2x16x1024xf32, #tpu.memory_space<vmem_shared>> -> memref<1x1x16x1024xf32, #tpu.memory_space<vmem_shared>>
    %dma_wait3A_1082 = tpu.memref_squeeze %dma_wait3A_1081 : memref<1x1x16x1024xf32, #tpu.memory_space<vmem_shared>> -> memref<16x1024xf32, #tpu.memory_space<vmem_shared>>
    %dma_wait3A_1083 = arith.constant 0 : i32
    %dma_wait3A_1084 = arith.constant 0 : i32
    %dma_wait3A_1085 = tpu.memref_slice %arg11[%arg1, %dma_wait3A_1078, %dma_wait3A_1083, %dma_wait3A_1084] : memref<16x2x16x1024xf32, #tpu.memory_space<vmem_shared>> -> memref<1x1x16x1024xf32, #tpu.memory_space<vmem_shared>>
    %dma_wait3A_1086 = tpu.memref_squeeze %dma_wait3A_1085 : memref<1x1x16x1024xf32, #tpu.memory_space<vmem_shared>> -> memref<16x1024xf32, #tpu.memory_space<vmem_shared>>
    tpu.wait_dma2 semaphore(%arg19 : memref<!tpu.dma_semaphore, #tpu.memory_space<semaphore_mem>>) src(%arg6 : memref<16x1024xf32, #tpu.memory_space<vmem>>) dst(%dma_wait3A_1086 : memref<16x1024xf32, #tpu.memory_space<vmem_shared>>)
    %add3A_1087 = arith.constant 64 : i32
    %add3A_1088 = arith.addi %mul3A_2, %add3A_1087 : i32
    %dma_start3A_1089 = arith.constant 1 : i32
    %dma_start3A_1090 = arith.constant 1 : i32
    %dma_start3A_1091 = arith.constant 0 : i32
    %dma_start3A_1092 = tpu.memref_slice %arg4[%dma_start3A_1090, %add3A_1088, %dma_start3A_1091] : memref<4x4096x1024xf32, #tpu.memory_space<hbm>> -> memref<1x16x1024xf32, #tpu.memory_space<hbm>>
    %dma_start3A_1093 = tpu.memref_squeeze %dma_start3A_1092 : memref<1x16x1024xf32, #tpu.memory_space<hbm>> -> memref<16x1024xf32, #tpu.memory_space<hbm>>
    %dma_start3A_1094 = arith.constant 0 : i32
    %dma_start3A_1095 = arith.constant 0 : i32
    %dma_start3A_1096 = tpu.memref_slice %arg11[%arg1, %dma_start3A_1089, %dma_start3A_1094, %dma_start3A_1095] : memref<16x2x16x1024xf32, #tpu.memory_space<vmem_shared>> -> memref<1x1x16x1024xf32, #tpu.memory_space<vmem_shared>>
    %dma_start3A_1097 = tpu.memref_squeeze %dma_start3A_1096 : memref<1x1x16x1024xf32, #tpu.memory_space<vmem_shared>> -> memref<16x1024xf32, #tpu.memory_space<vmem_shared>>
    tpu.enqueue_dma source(%dma_start3A_1097 : memref<16x1024xf32, #tpu.memory_space<vmem_shared>>) target(%dma_start3A_1093 : memref<16x1024xf32, #tpu.memory_space<hbm>>) target_semaphore(%arg21 : memref<!tpu.dma_semaphore, #tpu.memory_space<semaphore_mem>>)
    %add3A_1098 = arith.constant 80 : i32
    %add3A_1099 = arith.addi %mul3A_2, %add3A_1098 : i32
    %dma_start3A_1100 = arith.constant 1 : i32
    %dma_start3A_1101 = arith.constant 0 : i32
    %dma_start3A_1102 = tpu.memref_slice %arg2[%dma_start3A_1100, %add3A_1099, %dma_start3A_1101] : memref<4x4096x1024xf32, #tpu.memory_space<hbm>> -> memref<1x16x1024xf32, #tpu.memory_space<hbm>>
    %dma_start3A_1103 = tpu.memref_squeeze %dma_start3A_1102 : memref<1x16x1024xf32, #tpu.memory_space<hbm>> -> memref<16x1024xf32, #tpu.memory_space<hbm>>
    %dma_start3A_1104 = arith.constant 0 : i32
    %dma_start3A_1105 = tpu.memref_slice %arg2[%dma_start3A_1100, %add3A_1099, %dma_start3A_1104] : memref<4x4096x1024xf32, #tpu.memory_space<hbm>> -> memref<1x16x1024xf32, #tpu.memory_space<hbm>>
    %dma_start3A_1106 = tpu.memref_squeeze %dma_start3A_1105 : memref<1x16x1024xf32, #tpu.memory_space<hbm>> -> memref<16x1024xf32, #tpu.memory_space<hbm>>
    tpu.enqueue_dma source(%dma_start3A_1106 : memref<16x1024xf32, #tpu.memory_space<hbm>>) target(%arg6 : memref<16x1024xf32, #tpu.memory_space<vmem>>) target_semaphore(%arg13 : memref<!tpu.dma_semaphore, #tpu.memory_space<semaphore_mem>>)
    %dma_wait3A_1107 = arith.constant 0 : i32
    %dma_wait3A_1108 = arith.constant 0 : i32
    %dma_wait3A_1109 = arith.constant 0 : i32
    %dma_wait3A_1110 = tpu.memref_slice %arg4[%dma_wait3A_1108, %add3A_1031, %dma_wait3A_1109] : memref<4x4096x1024xf32, #tpu.memory_space<hbm>> -> memref<1x16x1024xf32, #tpu.memory_space<hbm>>
    %dma_wait3A_1111 = tpu.memref_squeeze %dma_wait3A_1110 : memref<1x16x1024xf32, #tpu.memory_space<hbm>> -> memref<16x1024xf32, #tpu.memory_space<hbm>>
    %dma_wait3A_1112 = arith.constant 0 : i32
    %dma_wait3A_1113 = arith.constant 0 : i32
    %dma_wait3A_1114 = tpu.memref_slice %arg11[%arg1, %dma_wait3A_1107, %dma_wait3A_1112, %dma_wait3A_1113] : memref<16x2x16x1024xf32, #tpu.memory_space<vmem_shared>> -> memref<1x1x16x1024xf32, #tpu.memory_space<vmem_shared>>
    %dma_wait3A_1115 = tpu.memref_squeeze %dma_wait3A_1114 : memref<1x1x16x1024xf32, #tpu.memory_space<vmem_shared>> -> memref<16x1024xf32, #tpu.memory_space<vmem_shared>>
    tpu.wait_dma2 semaphore(%arg20 : memref<!tpu.dma_semaphore, #tpu.memory_space<semaphore_mem>>) src(%dma_wait3A_1115 : memref<16x1024xf32, #tpu.memory_space<vmem_shared>>) dst(%dma_wait3A_1111 : memref<16x1024xf32, #tpu.memory_space<hbm>>)
    %parallel_loop3A_1116 = arith.constant 0 : i32
    %parallel_loop3A_1117 = arith.constant 1024 : i32
    %parallel_loop3A_1118 = arith.constant 1 : i32
    scf.for %parallel_loop3A_1904 = %parallel_loop3A_1116 to %parallel_loop3A_1117 step %parallel_loop3A_1118  : i32 {
      %parallel_loop3A_1905 = arith.constant 6 : i32
      %parallel_loop3A_1906 = arith.shrui %parallel_loop3A_1904, %parallel_loop3A_1905 : i32
      %parallel_loop3A_1907 = arith.constant 63 : i32
      %parallel_loop3A_1908 = arith.andi %parallel_loop3A_1904, %parallel_loop3A_1907 : i32
      %parallel_loop3A_1909 = arith.constant 4 : i32
      %parallel_loop3A_1910 = arith.shli %parallel_loop3A_1908, %parallel_loop3A_1909 : i32
      %parallel_loop3A_1911 = tpu.assume_multiple %parallel_loop3A_1910, 16 : i32
      %parallel_loop3A_1912 = arith.index_cast %parallel_loop3A_1906 : i32 to index
      %parallel_loop3A_1913 = arith.index_cast %parallel_loop3A_1911 : i32 to index
      %parallel_loop3A_1914 = tpu.vector_load %arg9[%parallel_loop3A_1912, %parallel_loop3A_1913] {strides = array<i32>} : memref<16x1024xf32, #tpu.memory_space<vmem>>, vector<1x16xf32>,
      %parallel_loop3A_1915 = vector.shape_cast %parallel_loop3A_1914 : vector<1x16xf32> to vector<16xf32>
      %parallel_loop3A_1916 = arith.index_cast %parallel_loop3A_1906 : i32 to index
      %parallel_loop3A_1917 = arith.index_cast %parallel_loop3A_1911 : i32 to index
      %parallel_loop3A_1918 = tpu.vector_load %arg7[%parallel_loop3A_1916, %parallel_loop3A_1917] {strides = array<i32>} : memref<16x1024xf32, #tpu.memory_space<vmem>>, vector<1x16xf32>,
      %parallel_loop3A_1919 = vector.shape_cast %parallel_loop3A_1918 : vector<1x16xf32> to vector<16xf32>
      %parallel_loop3A_1920 = vector.shape_cast %parallel_loop3A_1915 : vector<16xf32> to vector<1x16xf32>
      tpu.vector_store %arg7[%parallel_loop3A_1916, %parallel_loop3A_1917], %parallel_loop3A_1920 {add = true, strides = array<i32>} : memref<16x1024xf32, #tpu.memory_space<vmem>>, vector<1x16xf32>,
    } {sc.loop_unroll_factor = 8 : i64, sc.parallel_access}
    %dma_start3A_1119 = arith.constant 0 : i32
    %dma_start3A_1120 = arith.constant 0 : i32
    %dma_start3A_1121 = arith.constant 0 : i32
    %dma_start3A_1122 = tpu.memref_slice %arg11[%arg1, %dma_start3A_1119, %dma_start3A_1120, %dma_start3A_1121] : memref<16x2x16x1024xf32, #tpu.memory_space<vmem_shared>> -> memref<1x1x16x1024xf32, #tpu.memory_space<vmem_shared>>
    %dma_start3A_1123 = tpu.memref_squeeze %dma_start3A_1122 : memref<1x1x16x1024xf32, #tpu.memory_space<vmem_shared>> -> memref<16x1024xf32, #tpu.memory_space<vmem_shared>>
    %dma_start3A_1124 = arith.constant 0 : i32
    %dma_start3A_1125 = arith.constant 0 : i32
    %dma_start3A_1126 = tpu.memref_slice %arg11[%arg1, %dma_start3A_1119, %dma_start3A_1124, %dma_start3A_1125] : memref<16x2x16x1024xf32, #tpu.memory_space<vmem_shared>> -> memref<1x1x16x1024xf32, #tpu.memory_space<vmem_shared>>
    %dma_start3A_1127 = tpu.memref_squeeze %dma_start3A_1126 : memref<1x1x16x1024xf32, #tpu.memory_space<vmem_shared>> -> memref<16x1024xf32, #tpu.memory_space<vmem_shared>>
    tpu.enqueue_dma source(%arg7 : memref<16x1024xf32, #tpu.memory_space<vmem>>) target(%dma_start3A_1127 : memref<16x1024xf32, #tpu.memory_space<vmem_shared>>) target_semaphore(%arg18 : memref<!tpu.dma_semaphore, #tpu.memory_space<semaphore_mem>>)
    %dma_wait3A_1128 = arith.constant 3 : i32
    %dma_wait3A_1129 = arith.constant 0 : i32
    %dma_wait3A_1130 = tpu.memref_slice %arg2[%dma_wait3A_1128, %add3A_985, %dma_wait3A_1129] : memref<4x4096x1024xf32, #tpu.memory_space<hbm>> -> memref<1x16x1024xf32, #tpu.memory_space<hbm>>
    %dma_wait3A_1131 = tpu.memref_squeeze %dma_wait3A_1130 : memref<1x16x1024xf32, #tpu.memory_space<hbm>> -> memref<16x1024xf32, #tpu.memory_space<hbm>>
    %dma_wait3A_1132 = arith.constant 0 : i32
    %dma_wait3A_1133 = tpu.memref_slice %arg2[%dma_wait3A_1128, %add3A_985, %dma_wait3A_1132] : memref<4x4096x1024xf32, #tpu.memory_space<hbm>> -> memref<1x16x1024xf32, #tpu.memory_space<hbm>>
    %dma_wait3A_1134 = tpu.memref_squeeze %dma_wait3A_1133 : memref<1x16x1024xf32, #tpu.memory_space<hbm>> -> memref<16x1024xf32, #tpu.memory_space<hbm>>
    tpu.wait_dma2 semaphore(%arg15 : memref<!tpu.dma_semaphore, #tpu.memory_space<semaphore_mem>>) src(%dma_wait3A_1134 : memref<16x1024xf32, #tpu.memory_space<hbm>>) dst(%arg8 : memref<16x1024xf32, #tpu.memory_space<vmem>>)
    %dma_wait3A_1135 = arith.constant 0 : i32
    %dma_wait3A_1136 = arith.constant 0 : i32
    %dma_wait3A_1137 = arith.constant 0 : i32
    %dma_wait3A_1138 = tpu.memref_slice %arg11[%arg1, %dma_wait3A_1135, %dma_wait3A_1136, %dma_wait3A_1137] : memref<16x2x16x1024xf32, #tpu.memory_space<vmem_shared>> -> memref<1x1x16x1024xf32, #tpu.memory_space<vmem_shared>>
    %dma_wait3A_1139 = tpu.memref_squeeze %dma_wait3A_1138 : memref<1x1x16x1024xf32, #tpu.memory_space<vmem_shared>> -> memref<16x1024xf32, #tpu.memory_space<vmem_shared>>
    %dma_wait3A_1140 = arith.constant 0 : i32
    %dma_wait3A_1141 = arith.constant 0 : i32
    %dma_wait3A_1142 = tpu.memref_slice %arg11[%arg1, %dma_wait3A_1135, %dma_wait3A_1140, %dma_wait3A_1141] : memref<16x2x16x1024xf32, #tpu.memory_space<vmem_shared>> -> memref<1x1x16x1024xf32, #tpu.memory_space<vmem_shared>>
    %dma_wait3A_1143 = tpu.memref_squeeze %dma_wait3A_1142 : memref<1x1x16x1024xf32, #tpu.memory_space<vmem_shared>> -> memref<16x1024xf32, #tpu.memory_space<vmem_shared>>
    tpu.wait_dma2 semaphore(%arg18 : memref<!tpu.dma_semaphore, #tpu.memory_space<semaphore_mem>>) src(%arg7 : memref<16x1024xf32, #tpu.memory_space<vmem>>) dst(%dma_wait3A_1143 : memref<16x1024xf32, #tpu.memory_space<vmem_shared>>)
    %add3A_1144 = arith.constant 64 : i32
    %add3A_1145 = arith.addi %mul3A_2, %add3A_1144 : i32
    %dma_start3A_1146 = arith.constant 0 : i32
    %dma_start3A_1147 = arith.constant 2 : i32
    %dma_start3A_1148 = arith.constant 0 : i32
    %dma_start3A_1149 = tpu.memref_slice %arg4[%dma_start3A_1147, %add3A_1145, %dma_start3A_1148] : memref<4x4096x1024xf32, #tpu.memory_space<hbm>> -> memref<1x16x1024xf32, #tpu.memory_space<hbm>>
    %dma_start3A_1150 = tpu.memref_squeeze %dma_start3A_1149 : memref<1x16x1024xf32, #tpu.memory_space<hbm>> -> memref<16x1024xf32, #tpu.memory_space<hbm>>
    %dma_start3A_1151 = arith.constant 0 : i32
    %dma_start3A_1152 = arith.constant 0 : i32
    %dma_start3A_1153 = tpu.memref_slice %arg11[%arg1, %dma_start3A_1146, %dma_start3A_1151, %dma_start3A_1152] : memref<16x2x16x1024xf32, #tpu.memory_space<vmem_shared>> -> memref<1x1x16x1024xf32, #tpu.memory_space<vmem_shared>>
    %dma_start3A_1154 = tpu.memref_squeeze %dma_start3A_1153 : memref<1x1x16x1024xf32, #tpu.memory_space<vmem_shared>> -> memref<16x1024xf32, #tpu.memory_space<vmem_shared>>
    tpu.enqueue_dma source(%dma_start3A_1154 : memref<16x1024xf32, #tpu.memory_space<vmem_shared>>) target(%dma_start3A_1150 : memref<16x1024xf32, #tpu.memory_space<hbm>>) target_semaphore(%arg20 : memref<!tpu.dma_semaphore, #tpu.memory_space<semaphore_mem>>)
    %add3A_1155 = arith.constant 80 : i32
    %add3A_1156 = arith.addi %mul3A_2, %add3A_1155 : i32
    %dma_start3A_1157 = arith.constant 2 : i32
    %dma_start3A_1158 = arith.constant 0 : i32
    %dma_start3A_1159 = tpu.memref_slice %arg2[%dma_start3A_1157, %add3A_1156, %dma_start3A_1158] : memref<4x4096x1024xf32, #tpu.memory_space<hbm>> -> memref<1x16x1024xf32, #tpu.memory_space<hbm>>
    %dma_start3A_1160 = tpu.memref_squeeze %dma_start3A_1159 : memref<1x16x1024xf32, #tpu.memory_space<hbm>> -> memref<16x1024xf32, #tpu.memory_space<hbm>>
    %dma_start3A_1161 = arith.constant 0 : i32
    %dma_start3A_1162 = tpu.memref_slice %arg2[%dma_start3A_1157, %add3A_1156, %dma_start3A_1161] : memref<4x4096x1024xf32, #tpu.memory_space<hbm>> -> memref<1x16x1024xf32, #tpu.memory_space<hbm>>
    %dma_start3A_1163 = tpu.memref_squeeze %dma_start3A_1162 : memref<1x16x1024xf32, #tpu.memory_space<hbm>> -> memref<16x1024xf32, #tpu.memory_space<hbm>>
    tpu.enqueue_dma source(%dma_start3A_1163 : memref<16x1024xf32, #tpu.memory_space<hbm>>) target(%arg7 : memref<16x1024xf32, #tpu.memory_space<vmem>>) target_semaphore(%arg14 : memref<!tpu.dma_semaphore, #tpu.memory_space<semaphore_mem>>)
    %dma_wait3A_1164 = arith.constant 1 : i32
    %dma_wait3A_1165 = arith.constant 1 : i32
    %dma_wait3A_1166 = arith.constant 0 : i32
    %dma_wait3A_1167 = tpu.memref_slice %arg4[%dma_wait3A_1165, %add3A_1088, %dma_wait3A_1166] : memref<4x4096x1024xf32, #tpu.memory_space<hbm>> -> memref<1x16x1024xf32, #tpu.memory_space<hbm>>
    %dma_wait3A_1168 = tpu.memref_squeeze %dma_wait3A_1167 : memref<1x16x1024xf32, #tpu.memory_space<hbm>> -> memref<16x1024xf32, #tpu.memory_space<hbm>>
    %dma_wait3A_1169 = arith.constant 0 : i32
    %dma_wait3A_1170 = arith.constant 0 : i32
    %dma_wait3A_1171 = tpu.memref_slice %arg11[%arg1, %dma_wait3A_1164, %dma_wait3A_1169, %dma_wait3A_1170] : memref<16x2x16x1024xf32, #tpu.memory_space<vmem_shared>> -> memref<1x1x16x1024xf32, #tpu.memory_space<vmem_shared>>
    %dma_wait3A_1172 = tpu.memref_squeeze %dma_wait3A_1171 : memref<1x1x16x1024xf32, #tpu.memory_space<vmem_shared>> -> memref<16x1024xf32, #tpu.memory_space<vmem_shared>>
    tpu.wait_dma2 semaphore(%arg21 : memref<!tpu.dma_semaphore, #tpu.memory_space<semaphore_mem>>) src(%dma_wait3A_1172 : memref<16x1024xf32, #tpu.memory_space<vmem_shared>>) dst(%dma_wait3A_1168 : memref<16x1024xf32, #tpu.memory_space<hbm>>)
    %parallel_loop3A_1173 = arith.constant 0 : i32
    %parallel_loop3A_1174 = arith.constant 1024 : i32
    %parallel_loop3A_1175 = arith.constant 1 : i32
    scf.for %parallel_loop3A_1904 = %parallel_loop3A_1173 to %parallel_loop3A_1174 step %parallel_loop3A_1175  : i32 {
      %parallel_loop3A_1905 = arith.constant 6 : i32
      %parallel_loop3A_1906 = arith.shrui %parallel_loop3A_1904, %parallel_loop3A_1905 : i32
      %parallel_loop3A_1907 = arith.constant 63 : i32
      %parallel_loop3A_1908 = arith.andi %parallel_loop3A_1904, %parallel_loop3A_1907 : i32
      %parallel_loop3A_1909 = arith.constant 4 : i32
      %parallel_loop3A_1910 = arith.shli %parallel_loop3A_1908, %parallel_loop3A_1909 : i32
      %parallel_loop3A_1911 = tpu.assume_multiple %parallel_loop3A_1910, 16 : i32
      %parallel_loop3A_1912 = arith.index_cast %parallel_loop3A_1906 : i32 to index
      %parallel_loop3A_1913 = arith.index_cast %parallel_loop3A_1911 : i32 to index
      %parallel_loop3A_1914 = tpu.vector_load %arg9[%parallel_loop3A_1912, %parallel_loop3A_1913] {strides = array<i32>} : memref<16x1024xf32, #tpu.memory_space<vmem>>, vector<1x16xf32>,
      %parallel_loop3A_1915 = vector.shape_cast %parallel_loop3A_1914 : vector<1x16xf32> to vector<16xf32>
      %parallel_loop3A_1916 = arith.index_cast %parallel_loop3A_1906 : i32 to index
      %parallel_loop3A_1917 = arith.index_cast %parallel_loop3A_1911 : i32 to index
      %parallel_loop3A_1918 = tpu.vector_load %arg8[%parallel_loop3A_1916, %parallel_loop3A_1917] {strides = array<i32>} : memref<16x1024xf32, #tpu.memory_space<vmem>>, vector<1x16xf32>,
      %parallel_loop3A_1919 = vector.shape_cast %parallel_loop3A_1918 : vector<1x16xf32> to vector<16xf32>
      %parallel_loop3A_1920 = vector.shape_cast %parallel_loop3A_1915 : vector<16xf32> to vector<1x16xf32>
      tpu.vector_store %arg8[%parallel_loop3A_1916, %parallel_loop3A_1917], %parallel_loop3A_1920 {add = true, strides = array<i32>} : memref<16x1024xf32, #tpu.memory_space<vmem>>, vector<1x16xf32>,
    } {sc.loop_unroll_factor = 8 : i64, sc.parallel_access}
    %dma_start3A_1176 = arith.constant 1 : i32
    %dma_start3A_1177 = arith.constant 0 : i32
    %dma_start3A_1178 = arith.constant 0 : i32
    %dma_start3A_1179 = tpu.memref_slice %arg11[%arg1, %dma_start3A_1176, %dma_start3A_1177, %dma_start3A_1178] : memref<16x2x16x1024xf32, #tpu.memory_space<vmem_shared>> -> memref<1x1x16x1024xf32, #tpu.memory_space<vmem_shared>>
    %dma_start3A_1180 = tpu.memref_squeeze %dma_start3A_1179 : memref<1x1x16x1024xf32, #tpu.memory_space<vmem_shared>> -> memref<16x1024xf32, #tpu.memory_space<vmem_shared>>
    %dma_start3A_1181 = arith.constant 0 : i32
    %dma_start3A_1182 = arith.constant 0 : i32
    %dma_start3A_1183 = tpu.memref_slice %arg11[%arg1, %dma_start3A_1176, %dma_start3A_1181, %dma_start3A_1182] : memref<16x2x16x1024xf32, #tpu.memory_space<vmem_shared>> -> memref<1x1x16x1024xf32, #tpu.memory_space<vmem_shared>>
    %dma_start3A_1184 = tpu.memref_squeeze %dma_start3A_1183 : memref<1x1x16x1024xf32, #tpu.memory_space<vmem_shared>> -> memref<16x1024xf32, #tpu.memory_space<vmem_shared>>
    tpu.enqueue_dma source(%arg8 : memref<16x1024xf32, #tpu.memory_space<vmem>>) target(%dma_start3A_1184 : memref<16x1024xf32, #tpu.memory_space<vmem_shared>>) target_semaphore(%arg19 : memref<!tpu.dma_semaphore, #tpu.memory_space<semaphore_mem>>)
    %add3A_1185 = arith.constant 96 : i32
    %add3A_1186 = arith.addi %mul3A_2, %add3A_1185 : i32
    %dma_start3A_1187 = arith.constant 0 : i32
    %dma_start3A_1188 = tpu.memref_slice %arg3[%add3A_1186, %dma_start3A_1187] : memref<8192x1024xf32, #tpu.memory_space<hbm>> -> memref<16x1024xf32, #tpu.memory_space<hbm>>
    %dma_start3A_1189 = arith.constant 0 : i32
    %dma_start3A_1190 = tpu.memref_slice %arg3[%add3A_1186, %dma_start3A_1189] : memref<8192x1024xf32, #tpu.memory_space<hbm>> -> memref<16x1024xf32, #tpu.memory_space<hbm>>
    tpu.enqueue_dma source(%dma_start3A_1190 : memref<16x1024xf32, #tpu.memory_space<hbm>>) target(%arg9 : memref<16x1024xf32, #tpu.memory_space<vmem>>) target_semaphore(%arg16 : memref<!tpu.dma_semaphore, #tpu.memory_space<semaphore_mem>>)
    %dma_wait3A_1191 = arith.constant 0 : i32
    %dma_wait3A_1192 = arith.constant 0 : i32
    %dma_wait3A_1193 = tpu.memref_slice %arg2[%dma_wait3A_1191, %add3A_1042, %dma_wait3A_1192] : memref<4x4096x1024xf32, #tpu.memory_space<hbm>> -> memref<1x16x1024xf32, #tpu.memory_space<hbm>>
    %dma_wait3A_1194 = tpu.memref_squeeze %dma_wait3A_1193 : memref<1x16x1024xf32, #tpu.memory_space<hbm>> -> memref<16x1024xf32, #tpu.memory_space<hbm>>
    %dma_wait3A_1195 = arith.constant 0 : i32
    %dma_wait3A_1196 = tpu.memref_slice %arg2[%dma_wait3A_1191, %add3A_1042, %dma_wait3A_1195] : memref<4x4096x1024xf32, #tpu.memory_space<hbm>> -> memref<1x16x1024xf32, #tpu.memory_space<hbm>>
    %dma_wait3A_1197 = tpu.memref_squeeze %dma_wait3A_1196 : memref<1x16x1024xf32, #tpu.memory_space<hbm>> -> memref<16x1024xf32, #tpu.memory_space<hbm>>
    tpu.wait_dma2 semaphore(%arg12 : memref<!tpu.dma_semaphore, #tpu.memory_space<semaphore_mem>>) src(%dma_wait3A_1197 : memref<16x1024xf32, #tpu.memory_space<hbm>>) dst(%arg5 : memref<16x1024xf32, #tpu.memory_space<vmem>>)
    %dma_wait3A_1198 = arith.constant 0 : i32
    %dma_wait3A_1199 = tpu.memref_slice %arg3[%add3A_948, %dma_wait3A_1198] : memref<8192x1024xf32, #tpu.memory_space<hbm>> -> memref<16x1024xf32, #tpu.memory_space<hbm>>
    %dma_wait3A_1200 = arith.constant 0 : i32
    %dma_wait3A_1201 = tpu.memref_slice %arg3[%add3A_948, %dma_wait3A_1200] : memref<8192x1024xf32, #tpu.memory_space<hbm>> -> memref<16x1024xf32, #tpu.memory_space<hbm>>
    tpu.wait_dma2 semaphore(%arg17 : memref<!tpu.dma_semaphore, #tpu.memory_space<semaphore_mem>>) src(%dma_wait3A_1201 : memref<16x1024xf32, #tpu.memory_space<hbm>>) dst(%arg10 : memref<16x1024xf32, #tpu.memory_space<vmem>>)
    %dma_wait3A_1202 = arith.constant 1 : i32
    %dma_wait3A_1203 = arith.constant 0 : i32
    %dma_wait3A_1204 = arith.constant 0 : i32
    %dma_wait3A_1205 = tpu.memref_slice %arg11[%arg1, %dma_wait3A_1202, %dma_wait3A_1203, %dma_wait3A_1204] : memref<16x2x16x1024xf32, #tpu.memory_space<vmem_shared>> -> memref<1x1x16x1024xf32, #tpu.memory_space<vmem_shared>>
    %dma_wait3A_1206 = tpu.memref_squeeze %dma_wait3A_1205 : memref<1x1x16x1024xf32, #tpu.memory_space<vmem_shared>> -> memref<16x1024xf32, #tpu.memory_space<vmem_shared>>
    %dma_wait3A_1207 = arith.constant 0 : i32
    %dma_wait3A_1208 = arith.constant 0 : i32
    %dma_wait3A_1209 = tpu.memref_slice %arg11[%arg1, %dma_wait3A_1202, %dma_wait3A_1207, %dma_wait3A_1208] : memref<16x2x16x1024xf32, #tpu.memory_space<vmem_shared>> -> memref<1x1x16x1024xf32, #tpu.memory_space<vmem_shared>>
    %dma_wait3A_1210 = tpu.memref_squeeze %dma_wait3A_1209 : memref<1x1x16x1024xf32, #tpu.memory_space<vmem_shared>> -> memref<16x1024xf32, #tpu.memory_space<vmem_shared>>
    tpu.wait_dma2 semaphore(%arg19 : memref<!tpu.dma_semaphore, #tpu.memory_space<semaphore_mem>>) src(%arg8 : memref<16x1024xf32, #tpu.memory_space<vmem>>) dst(%dma_wait3A_1210 : memref<16x1024xf32, #tpu.memory_space<vmem_shared>>)
    %add3A_1211 = arith.constant 64 : i32
    %add3A_1212 = arith.addi %mul3A_2, %add3A_1211 : i32
    %dma_start3A_1213 = arith.constant 1 : i32
    %dma_start3A_1214 = arith.constant 3 : i32
    %dma_start3A_1215 = arith.constant 0 : i32
    %dma_start3A_1216 = tpu.memref_slice %arg4[%dma_start3A_1214, %add3A_1212, %dma_start3A_1215] : memref<4x4096x1024xf32, #tpu.memory_space<hbm>> -> memref<1x16x1024xf32, #tpu.memory_space<hbm>>
    %dma_start3A_1217 = tpu.memref_squeeze %dma_start3A_1216 : memref<1x16x1024xf32, #tpu.memory_space<hbm>> -> memref<16x1024xf32, #tpu.memory_space<hbm>>
    %dma_start3A_1218 = arith.constant 0 : i32
    %dma_start3A_1219 = arith.constant 0 : i32
    %dma_start3A_1220 = tpu.memref_slice %arg11[%arg1, %dma_start3A_1213, %dma_start3A_1218, %dma_start3A_1219] : memref<16x2x16x1024xf32, #tpu.memory_space<vmem_shared>> -> memref<1x1x16x1024xf32, #tpu.memory_space<vmem_shared>>
    %dma_start3A_1221 = tpu.memref_squeeze %dma_start3A_1220 : memref<1x1x16x1024xf32, #tpu.memory_space<vmem_shared>> -> memref<16x1024xf32, #tpu.memory_space<vmem_shared>>
    tpu.enqueue_dma source(%dma_start3A_1221 : memref<16x1024xf32, #tpu.memory_space<vmem_shared>>) target(%dma_start3A_1217 : memref<16x1024xf32, #tpu.memory_space<hbm>>) target_semaphore(%arg21 : memref<!tpu.dma_semaphore, #tpu.memory_space<semaphore_mem>>)
    %add3A_1222 = arith.constant 80 : i32
    %add3A_1223 = arith.addi %mul3A_2, %add3A_1222 : i32
    %dma_start3A_1224 = arith.constant 3 : i32
    %dma_start3A_1225 = arith.constant 0 : i32
    %dma_start3A_1226 = tpu.memref_slice %arg2[%dma_start3A_1224, %add3A_1223, %dma_start3A_1225] : memref<4x4096x1024xf32, #tpu.memory_space<hbm>> -> memref<1x16x1024xf32, #tpu.memory_space<hbm>>
    %dma_start3A_1227 = tpu.memref_squeeze %dma_start3A_1226 : memref<1x16x1024xf32, #tpu.memory_space<hbm>> -> memref<16x1024xf32, #tpu.memory_space<hbm>>
    %dma_start3A_1228 = arith.constant 0 : i32
    %dma_start3A_1229 = tpu.memref_slice %arg2[%dma_start3A_1224, %add3A_1223, %dma_start3A_1228] : memref<4x4096x1024xf32, #tpu.memory_space<hbm>> -> memref<1x16x1024xf32, #tpu.memory_space<hbm>>
    %dma_start3A_1230 = tpu.memref_squeeze %dma_start3A_1229 : memref<1x16x1024xf32, #tpu.memory_space<hbm>> -> memref<16x1024xf32, #tpu.memory_space<hbm>>
    tpu.enqueue_dma source(%dma_start3A_1230 : memref<16x1024xf32, #tpu.memory_space<hbm>>) target(%arg8 : memref<16x1024xf32, #tpu.memory_space<vmem>>) target_semaphore(%arg15 : memref<!tpu.dma_semaphore, #tpu.memory_space<semaphore_mem>>)
    %dma_wait3A_1231 = arith.constant 0 : i32
    %dma_wait3A_1232 = arith.constant 2 : i32
    %dma_wait3A_1233 = arith.constant 0 : i32
    %dma_wait3A_1234 = tpu.memref_slice %arg4[%dma_wait3A_1232, %add3A_1145, %dma_wait3A_1233] : memref<4x4096x1024xf32, #tpu.memory_space<hbm>> -> memref<1x16x1024xf32, #tpu.memory_space<hbm>>
    %dma_wait3A_1235 = tpu.memref_squeeze %dma_wait3A_1234 : memref<1x16x1024xf32, #tpu.memory_space<hbm>> -> memref<16x1024xf32, #tpu.memory_space<hbm>>
    %dma_wait3A_1236 = arith.constant 0 : i32
    %dma_wait3A_1237 = arith.constant 0 : i32
    %dma_wait3A_1238 = tpu.memref_slice %arg11[%arg1, %dma_wait3A_1231, %dma_wait3A_1236, %dma_wait3A_1237] : memref<16x2x16x1024xf32, #tpu.memory_space<vmem_shared>> -> memref<1x1x16x1024xf32, #tpu.memory_space<vmem_shared>>
    %dma_wait3A_1239 = tpu.memref_squeeze %dma_wait3A_1238 : memref<1x1x16x1024xf32, #tpu.memory_space<vmem_shared>> -> memref<16x1024xf32, #tpu.memory_space<vmem_shared>>
    tpu.wait_dma2 semaphore(%arg20 : memref<!tpu.dma_semaphore, #tpu.memory_space<semaphore_mem>>) src(%dma_wait3A_1239 : memref<16x1024xf32, #tpu.memory_space<vmem_shared>>) dst(%dma_wait3A_1235 : memref<16x1024xf32, #tpu.memory_space<hbm>>)
    %parallel_loop3A_1240 = arith.constant 0 : i32
    %parallel_loop3A_1241 = arith.constant 1024 : i32
    %parallel_loop3A_1242 = arith.constant 1 : i32
    scf.for %parallel_loop3A_1904 = %parallel_loop3A_1240 to %parallel_loop3A_1241 step %parallel_loop3A_1242  : i32 {
      %parallel_loop3A_1905 = arith.constant 6 : i32
      %parallel_loop3A_1906 = arith.shrui %parallel_loop3A_1904, %parallel_loop3A_1905 : i32
      %parallel_loop3A_1907 = arith.constant 63 : i32
      %parallel_loop3A_1908 = arith.andi %parallel_loop3A_1904, %parallel_loop3A_1907 : i32
      %parallel_loop3A_1909 = arith.constant 4 : i32
      %parallel_loop3A_1910 = arith.shli %parallel_loop3A_1908, %parallel_loop3A_1909 : i32
      %parallel_loop3A_1911 = tpu.assume_multiple %parallel_loop3A_1910, 16 : i32
      %parallel_loop3A_1912 = arith.index_cast %parallel_loop3A_1906 : i32 to index
      %parallel_loop3A_1913 = arith.index_cast %parallel_loop3A_1911 : i32 to index
      %parallel_loop3A_1914 = tpu.vector_load %arg10[%parallel_loop3A_1912, %parallel_loop3A_1913] {strides = array<i32>} : memref<16x1024xf32, #tpu.memory_space<vmem>>, vector<1x16xf32>,
      %parallel_loop3A_1915 = vector.shape_cast %parallel_loop3A_1914 : vector<1x16xf32> to vector<16xf32>
      %parallel_loop3A_1916 = arith.index_cast %parallel_loop3A_1906 : i32 to index
      %parallel_loop3A_1917 = arith.index_cast %parallel_loop3A_1911 : i32 to index
      %parallel_loop3A_1918 = tpu.vector_load %arg5[%parallel_loop3A_1916, %parallel_loop3A_1917] {strides = array<i32>} : memref<16x1024xf32, #tpu.memory_space<vmem>>, vector<1x16xf32>,
      %parallel_loop3A_1919 = vector.shape_cast %parallel_loop3A_1918 : vector<1x16xf32> to vector<16xf32>
      %parallel_loop3A_1920 = vector.shape_cast %parallel_loop3A_1915 : vector<16xf32> to vector<1x16xf32>
      tpu.vector_store %arg5[%parallel_loop3A_1916, %parallel_loop3A_1917], %parallel_loop3A_1920 {add = true, strides = array<i32>} : memref<16x1024xf32, #tpu.memory_space<vmem>>, vector<1x16xf32>,
    } {sc.loop_unroll_factor = 8 : i64, sc.parallel_access}
    %dma_start3A_1243 = arith.constant 0 : i32
    %dma_start3A_1244 = arith.constant 0 : i32
    %dma_start3A_1245 = arith.constant 0 : i32
    %dma_start3A_1246 = tpu.memref_slice %arg11[%arg1, %dma_start3A_1243, %dma_start3A_1244, %dma_start3A_1245] : memref<16x2x16x1024xf32, #tpu.memory_space<vmem_shared>> -> memref<1x1x16x1024xf32, #tpu.memory_space<vmem_shared>>
    %dma_start3A_1247 = tpu.memref_squeeze %dma_start3A_1246 : memref<1x1x16x1024xf32, #tpu.memory_space<vmem_shared>> -> memref<16x1024xf32, #tpu.memory_space<vmem_shared>>
    %dma_start3A_1248 = arith.constant 0 : i32
    %dma_start3A_1249 = arith.constant 0 : i32
    %dma_start3A_1250 = tpu.memref_slice %arg11[%arg1, %dma_start3A_1243, %dma_start3A_1248, %dma_start3A_1249] : memref<16x2x16x1024xf32, #tpu.memory_space<vmem_shared>> -> memref<1x1x16x1024xf32, #tpu.memory_space<vmem_shared>>
    %dma_start3A_1251 = tpu.memref_squeeze %dma_start3A_1250 : memref<1x1x16x1024xf32, #tpu.memory_space<vmem_shared>> -> memref<16x1024xf32, #tpu.memory_space<vmem_shared>>
    tpu.enqueue_dma source(%arg5 : memref<16x1024xf32, #tpu.memory_space<vmem>>) target(%dma_start3A_1251 : memref<16x1024xf32, #tpu.memory_space<vmem_shared>>) target_semaphore(%arg18 : memref<!tpu.dma_semaphore, #tpu.memory_space<semaphore_mem>>)
    %dma_wait3A_1252 = arith.constant 1 : i32
    %dma_wait3A_1253 = arith.constant 0 : i32
    %dma_wait3A_1254 = tpu.memref_slice %arg2[%dma_wait3A_1252, %add3A_1099, %dma_wait3A_1253] : memref<4x4096x1024xf32, #tpu.memory_space<hbm>> -> memref<1x16x1024xf32, #tpu.memory_space<hbm>>
    %dma_wait3A_1255 = tpu.memref_squeeze %dma_wait3A_1254 : memref<1x16x1024xf32, #tpu.memory_space<hbm>> -> memref<16x1024xf32, #tpu.memory_space<hbm>>
    %dma_wait3A_1256 = arith.constant 0 : i32
    %dma_wait3A_1257 = tpu.memref_slice %arg2[%dma_wait3A_1252, %add3A_1099, %dma_wait3A_1256] : memref<4x4096x1024xf32, #tpu.memory_space<hbm>> -> memref<1x16x1024xf32, #tpu.memory_space<hbm>>
    %dma_wait3A_1258 = tpu.memref_squeeze %dma_wait3A_1257 : memref<1x16x1024xf32, #tpu.memory_space<hbm>> -> memref<16x1024xf32, #tpu.memory_space<hbm>>
    tpu.wait_dma2 semaphore(%arg13 : memref<!tpu.dma_semaphore, #tpu.memory_space<semaphore_mem>>) src(%dma_wait3A_1258 : memref<16x1024xf32, #tpu.memory_space<hbm>>) dst(%arg6 : memref<16x1024xf32, #tpu.memory_space<vmem>>)
    %dma_wait3A_1259 = arith.constant 0 : i32
    %dma_wait3A_1260 = arith.constant 0 : i32
    %dma_wait3A_1261 = arith.constant 0 : i32
    %dma_wait3A_1262 = tpu.memref_slice %arg11[%arg1, %dma_wait3A_1259, %dma_wait3A_1260, %dma_wait3A_1261] : memref<16x2x16x1024xf32, #tpu.memory_space<vmem_shared>> -> memref<1x1x16x1024xf32, #tpu.memory_space<vmem_shared>>
    %dma_wait3A_1263 = tpu.memref_squeeze %dma_wait3A_1262 : memref<1x1x16x1024xf32, #tpu.memory_space<vmem_shared>> -> memref<16x1024xf32, #tpu.memory_space<vmem_shared>>
    %dma_wait3A_1264 = arith.constant 0 : i32
    %dma_wait3A_1265 = arith.constant 0 : i32
    %dma_wait3A_1266 = tpu.memref_slice %arg11[%arg1, %dma_wait3A_1259, %dma_wait3A_1264, %dma_wait3A_1265] : memref<16x2x16x1024xf32, #tpu.memory_space<vmem_shared>> -> memref<1x1x16x1024xf32, #tpu.memory_space<vmem_shared>>
    %dma_wait3A_1267 = tpu.memref_squeeze %dma_wait3A_1266 : memref<1x1x16x1024xf32, #tpu.memory_space<vmem_shared>> -> memref<16x1024xf32, #tpu.memory_space<vmem_shared>>
    tpu.wait_dma2 semaphore(%arg18 : memref<!tpu.dma_semaphore, #tpu.memory_space<semaphore_mem>>) src(%arg5 : memref<16x1024xf32, #tpu.memory_space<vmem>>) dst(%dma_wait3A_1267 : memref<16x1024xf32, #tpu.memory_space<vmem_shared>>)
    %add3A_1268 = arith.constant 80 : i32
    %add3A_1269 = arith.addi %mul3A_2, %add3A_1268 : i32
    %dma_start3A_1270 = arith.constant 0 : i32
    %dma_start3A_1271 = arith.constant 0 : i32
    %dma_start3A_1272 = arith.constant 0 : i32
    %dma_start3A_1273 = tpu.memref_slice %arg4[%dma_start3A_1271, %add3A_1269, %dma_start3A_1272] : memref<4x4096x1024xf32, #tpu.memory_space<hbm>> -> memref<1x16x1024xf32, #tpu.memory_space<hbm>>
    %dma_start3A_1274 = tpu.memref_squeeze %dma_start3A_1273 : memref<1x16x1024xf32, #tpu.memory_space<hbm>> -> memref<16x1024xf32, #tpu.memory_space<hbm>>
    %dma_start3A_1275 = arith.constant 0 : i32
    %dma_start3A_1276 = arith.constant 0 : i32
    %dma_start3A_1277 = tpu.memref_slice %arg11[%arg1, %dma_start3A_1270, %dma_start3A_1275, %dma_start3A_1276] : memref<16x2x16x1024xf32, #tpu.memory_space<vmem_shared>> -> memref<1x1x16x1024xf32, #tpu.memory_space<vmem_shared>>
    %dma_start3A_1278 = tpu.memref_squeeze %dma_start3A_1277 : memref<1x1x16x1024xf32, #tpu.memory_space<vmem_shared>> -> memref<16x1024xf32, #tpu.memory_space<vmem_shared>>
    tpu.enqueue_dma source(%dma_start3A_1278 : memref<16x1024xf32, #tpu.memory_space<vmem_shared>>) target(%dma_start3A_1274 : memref<16x1024xf32, #tpu.memory_space<hbm>>) target_semaphore(%arg20 : memref<!tpu.dma_semaphore, #tpu.memory_space<semaphore_mem>>)
    %add3A_1279 = arith.constant 96 : i32
    %add3A_1280 = arith.addi %mul3A_2, %add3A_1279 : i32
    %dma_start3A_1281 = arith.constant 0 : i32
    %dma_start3A_1282 = arith.constant 0 : i32
    %dma_start3A_1283 = tpu.memref_slice %arg2[%dma_start3A_1281, %add3A_1280, %dma_start3A_1282] : memref<4x4096x1024xf32, #tpu.memory_space<hbm>> -> memref<1x16x1024xf32, #tpu.memory_space<hbm>>
    %dma_start3A_1284 = tpu.memref_squeeze %dma_start3A_1283 : memref<1x16x1024xf32, #tpu.memory_space<hbm>> -> memref<16x1024xf32, #tpu.memory_space<hbm>>
    %dma_start3A_1285 = arith.constant 0 : i32
    %dma_start3A_1286 = tpu.memref_slice %arg2[%dma_start3A_1281, %add3A_1280, %dma_start3A_1285] : memref<4x4096x1024xf32, #tpu.memory_space<hbm>> -> memref<1x16x1024xf32, #tpu.memory_space<hbm>>
    %dma_start3A_1287 = tpu.memref_squeeze %dma_start3A_1286 : memref<1x16x1024xf32, #tpu.memory_space<hbm>> -> memref<16x1024xf32, #tpu.memory_space<hbm>>
    tpu.enqueue_dma source(%dma_start3A_1287 : memref<16x1024xf32, #tpu.memory_space<hbm>>) target(%arg5 : memref<16x1024xf32, #tpu.memory_space<vmem>>) target_semaphore(%arg12 : memref<!tpu.dma_semaphore, #tpu.memory_space<semaphore_mem>>)
    %dma_wait3A_1288 = arith.constant 1 : i32
    %dma_wait3A_1289 = arith.constant 3 : i32
    %dma_wait3A_1290 = arith.constant 0 : i32
    %dma_wait3A_1291 = tpu.memref_slice %arg4[%dma_wait3A_1289, %add3A_1212, %dma_wait3A_1290] : memref<4x4096x1024xf32, #tpu.memory_space<hbm>> -> memref<1x16x1024xf32, #tpu.memory_space<hbm>>
    %dma_wait3A_1292 = tpu.memref_squeeze %dma_wait3A_1291 : memref<1x16x1024xf32, #tpu.memory_space<hbm>> -> memref<16x1024xf32, #tpu.memory_space<hbm>>
    %dma_wait3A_1293 = arith.constant 0 : i32
    %dma_wait3A_1294 = arith.constant 0 : i32
    %dma_wait3A_1295 = tpu.memref_slice %arg11[%arg1, %dma_wait3A_1288, %dma_wait3A_1293, %dma_wait3A_1294] : memref<16x2x16x1024xf32, #tpu.memory_space<vmem_shared>> -> memref<1x1x16x1024xf32, #tpu.memory_space<vmem_shared>>
    %dma_wait3A_1296 = tpu.memref_squeeze %dma_wait3A_1295 : memref<1x1x16x1024xf32, #tpu.memory_space<vmem_shared>> -> memref<16x1024xf32, #tpu.memory_space<vmem_shared>>
    tpu.wait_dma2 semaphore(%arg21 : memref<!tpu.dma_semaphore, #tpu.memory_space<semaphore_mem>>) src(%dma_wait3A_1296 : memref<16x1024xf32, #tpu.memory_space<vmem_shared>>) dst(%dma_wait3A_1292 : memref<16x1024xf32, #tpu.memory_space<hbm>>)
    %parallel_loop3A_1297 = arith.constant 0 : i32
    %parallel_loop3A_1298 = arith.constant 1024 : i32
    %parallel_loop3A_1299 = arith.constant 1 : i32
    scf.for %parallel_loop3A_1904 = %parallel_loop3A_1297 to %parallel_loop3A_1298 step %parallel_loop3A_1299  : i32 {
      %parallel_loop3A_1905 = arith.constant 6 : i32
      %parallel_loop3A_1906 = arith.shrui %parallel_loop3A_1904, %parallel_loop3A_1905 : i32
      %parallel_loop3A_1907 = arith.constant 63 : i32
      %parallel_loop3A_1908 = arith.andi %parallel_loop3A_1904, %parallel_loop3A_1907 : i32
      %parallel_loop3A_1909 = arith.constant 4 : i32
      %parallel_loop3A_1910 = arith.shli %parallel_loop3A_1908, %parallel_loop3A_1909 : i32
      %parallel_loop3A_1911 = tpu.assume_multiple %parallel_loop3A_1910, 16 : i32
      %parallel_loop3A_1912 = arith.index_cast %parallel_loop3A_1906 : i32 to index
      %parallel_loop3A_1913 = arith.index_cast %parallel_loop3A_1911 : i32 to index
      %parallel_loop3A_1914 = tpu.vector_load %arg10[%parallel_loop3A_1912, %parallel_loop3A_1913] {strides = array<i32>} : memref<16x1024xf32, #tpu.memory_space<vmem>>, vector<1x16xf32>,
      %parallel_loop3A_1915 = vector.shape_cast %parallel_loop3A_1914 : vector<1x16xf32> to vector<16xf32>
      %parallel_loop3A_1916 = arith.index_cast %parallel_loop3A_1906 : i32 to index
      %parallel_loop3A_1917 = arith.index_cast %parallel_loop3A_1911 : i32 to index
      %parallel_loop3A_1918 = tpu.vector_load %arg6[%parallel_loop3A_1916, %parallel_loop3A_1917] {strides = array<i32>} : memref<16x1024xf32, #tpu.memory_space<vmem>>, vector<1x16xf32>,
      %parallel_loop3A_1919 = vector.shape_cast %parallel_loop3A_1918 : vector<1x16xf32> to vector<16xf32>
      %parallel_loop3A_1920 = vector.shape_cast %parallel_loop3A_1915 : vector<16xf32> to vector<1x16xf32>
      tpu.vector_store %arg6[%parallel_loop3A_1916, %parallel_loop3A_1917], %parallel_loop3A_1920 {add = true, strides = array<i32>} : memref<16x1024xf32, #tpu.memory_space<vmem>>, vector<1x16xf32>,
    } {sc.loop_unroll_factor = 8 : i64, sc.parallel_access}
    %dma_start3A_1300 = arith.constant 1 : i32
    %dma_start3A_1301 = arith.constant 0 : i32
    %dma_start3A_1302 = arith.constant 0 : i32
    %dma_start3A_1303 = tpu.memref_slice %arg11[%arg1, %dma_start3A_1300, %dma_start3A_1301, %dma_start3A_1302] : memref<16x2x16x1024xf32, #tpu.memory_space<vmem_shared>> -> memref<1x1x16x1024xf32, #tpu.memory_space<vmem_shared>>
    %dma_start3A_1304 = tpu.memref_squeeze %dma_start3A_1303 : memref<1x1x16x1024xf32, #tpu.memory_space<vmem_shared>> -> memref<16x1024xf32, #tpu.memory_space<vmem_shared>>
    %dma_start3A_1305 = arith.constant 0 : i32
    %dma_start3A_1306 = arith.constant 0 : i32
    %dma_start3A_1307 = tpu.memref_slice %arg11[%arg1, %dma_start3A_1300, %dma_start3A_1305, %dma_start3A_1306] : memref<16x2x16x1024xf32, #tpu.memory_space<vmem_shared>> -> memref<1x1x16x1024xf32, #tpu.memory_space<vmem_shared>>
    %dma_start3A_1308 = tpu.memref_squeeze %dma_start3A_1307 : memref<1x1x16x1024xf32, #tpu.memory_space<vmem_shared>> -> memref<16x1024xf32, #tpu.memory_space<vmem_shared>>
    tpu.enqueue_dma source(%arg6 : memref<16x1024xf32, #tpu.memory_space<vmem>>) target(%dma_start3A_1308 : memref<16x1024xf32, #tpu.memory_space<vmem_shared>>) target_semaphore(%arg19 : memref<!tpu.dma_semaphore, #tpu.memory_space<semaphore_mem>>)
    %dma_wait3A_1309 = arith.constant 2 : i32
    %dma_wait3A_1310 = arith.constant 0 : i32
    %dma_wait3A_1311 = tpu.memref_slice %arg2[%dma_wait3A_1309, %add3A_1156, %dma_wait3A_1310] : memref<4x4096x1024xf32, #tpu.memory_space<hbm>> -> memref<1x16x1024xf32, #tpu.memory_space<hbm>>
    %dma_wait3A_1312 = tpu.memref_squeeze %dma_wait3A_1311 : memref<1x16x1024xf32, #tpu.memory_space<hbm>> -> memref<16x1024xf32, #tpu.memory_space<hbm>>
    %dma_wait3A_1313 = arith.constant 0 : i32
    %dma_wait3A_1314 = tpu.memref_slice %arg2[%dma_wait3A_1309, %add3A_1156, %dma_wait3A_1313] : memref<4x4096x1024xf32, #tpu.memory_space<hbm>> -> memref<1x16x1024xf32, #tpu.memory_space<hbm>>
    %dma_wait3A_1315 = tpu.memref_squeeze %dma_wait3A_1314 : memref<1x16x1024xf32, #tpu.memory_space<hbm>> -> memref<16x1024xf32, #tpu.memory_space<hbm>>
    tpu.wait_dma2 semaphore(%arg14 : memref<!tpu.dma_semaphore, #tpu.memory_space<semaphore_mem>>) src(%dma_wait3A_1315 : memref<16x1024xf32, #tpu.memory_space<hbm>>) dst(%arg7 : memref<16x1024xf32, #tpu.memory_space<vmem>>)
    %dma_wait3A_1316 = arith.constant 1 : i32
    %dma_wait3A_1317 = arith.constant 0 : i32
    %dma_wait3A_1318 = arith.constant 0 : i32
    %dma_wait3A_1319 = tpu.memref_slice %arg11[%arg1, %dma_wait3A_1316, %dma_wait3A_1317, %dma_wait3A_1318] : memref<16x2x16x1024xf32, #tpu.memory_space<vmem_shared>> -> memref<1x1x16x1024xf32, #tpu.memory_space<vmem_shared>>
    %dma_wait3A_1320 = tpu.memref_squeeze %dma_wait3A_1319 : memref<1x1x16x1024xf32, #tpu.memory_space<vmem_shared>> -> memref<16x1024xf32, #tpu.memory_space<vmem_shared>>
    %dma_wait3A_1321 = arith.constant 0 : i32
    %dma_wait3A_1322 = arith.constant 0 : i32
    %dma_wait3A_1323 = tpu.memref_slice %arg11[%arg1, %dma_wait3A_1316, %dma_wait3A_1321, %dma_wait3A_1322] : memref<16x2x16x1024xf32, #tpu.memory_space<vmem_shared>> -> memref<1x1x16x1024xf32, #tpu.memory_space<vmem_shared>>
    %dma_wait3A_1324 = tpu.memref_squeeze %dma_wait3A_1323 : memref<1x1x16x1024xf32, #tpu.memory_space<vmem_shared>> -> memref<16x1024xf32, #tpu.memory_space<vmem_shared>>
    tpu.wait_dma2 semaphore(%arg19 : memref<!tpu.dma_semaphore, #tpu.memory_space<semaphore_mem>>) src(%arg6 : memref<16x1024xf32, #tpu.memory_space<vmem>>) dst(%dma_wait3A_1324 : memref<16x1024xf32, #tpu.memory_space<vmem_shared>>)
    %add3A_1325 = arith.constant 80 : i32
    %add3A_1326 = arith.addi %mul3A_2, %add3A_1325 : i32
    %dma_start3A_1327 = arith.constant 1 : i32
    %dma_start3A_1328 = arith.constant 1 : i32
    %dma_start3A_1329 = arith.constant 0 : i32
    %dma_start3A_1330 = tpu.memref_slice %arg4[%dma_start3A_1328, %add3A_1326, %dma_start3A_1329] : memref<4x4096x1024xf32, #tpu.memory_space<hbm>> -> memref<1x16x1024xf32, #tpu.memory_space<hbm>>
    %dma_start3A_1331 = tpu.memref_squeeze %dma_start3A_1330 : memref<1x16x1024xf32, #tpu.memory_space<hbm>> -> memref<16x1024xf32, #tpu.memory_space<hbm>>
    %dma_start3A_1332 = arith.constant 0 : i32
    %dma_start3A_1333 = arith.constant 0 : i32
    %dma_start3A_1334 = tpu.memref_slice %arg11[%arg1, %dma_start3A_1327, %dma_start3A_1332, %dma_start3A_1333] : memref<16x2x16x1024xf32, #tpu.memory_space<vmem_shared>> -> memref<1x1x16x1024xf32, #tpu.memory_space<vmem_shared>>
    %dma_start3A_1335 = tpu.memref_squeeze %dma_start3A_1334 : memref<1x1x16x1024xf32, #tpu.memory_space<vmem_shared>> -> memref<16x1024xf32, #tpu.memory_space<vmem_shared>>
    tpu.enqueue_dma source(%dma_start3A_1335 : memref<16x1024xf32, #tpu.memory_space<vmem_shared>>) target(%dma_start3A_1331 : memref<16x1024xf32, #tpu.memory_space<hbm>>) target_semaphore(%arg21 : memref<!tpu.dma_semaphore, #tpu.memory_space<semaphore_mem>>)
    %add3A_1336 = arith.constant 96 : i32
    %add3A_1337 = arith.addi %mul3A_2, %add3A_1336 : i32
    %dma_start3A_1338 = arith.constant 1 : i32
    %dma_start3A_1339 = arith.constant 0 : i32
    %dma_start3A_1340 = tpu.memref_slice %arg2[%dma_start3A_1338, %add3A_1337, %dma_start3A_1339] : memref<4x4096x1024xf32, #tpu.memory_space<hbm>> -> memref<1x16x1024xf32, #tpu.memory_space<hbm>>
    %dma_start3A_1341 = tpu.memref_squeeze %dma_start3A_1340 : memref<1x16x1024xf32, #tpu.memory_space<hbm>> -> memref<16x1024xf32, #tpu.memory_space<hbm>>
    %dma_start3A_1342 = arith.constant 0 : i32
    %dma_start3A_1343 = tpu.memref_slice %arg2[%dma_start3A_1338, %add3A_1337, %dma_start3A_1342] : memref<4x4096x1024xf32, #tpu.memory_space<hbm>> -> memref<1x16x1024xf32, #tpu.memory_space<hbm>>
    %dma_start3A_1344 = tpu.memref_squeeze %dma_start3A_1343 : memref<1x16x1024xf32, #tpu.memory_space<hbm>> -> memref<16x1024xf32, #tpu.memory_space<hbm>>
    tpu.enqueue_dma source(%dma_start3A_1344 : memref<16x1024xf32, #tpu.memory_space<hbm>>) target(%arg6 : memref<16x1024xf32, #tpu.memory_space<vmem>>) target_semaphore(%arg13 : memref<!tpu.dma_semaphore, #tpu.memory_space<semaphore_mem>>)
    %dma_wait3A_1345 = arith.constant 0 : i32
    %dma_wait3A_1346 = arith.constant 0 : i32
    %dma_wait3A_1347 = arith.constant 0 : i32
    %dma_wait3A_1348 = tpu.memref_slice %arg4[%dma_wait3A_1346, %add3A_1269, %dma_wait3A_1347] : memref<4x4096x1024xf32, #tpu.memory_space<hbm>> -> memref<1x16x1024xf32, #tpu.memory_space<hbm>>
    %dma_wait3A_1349 = tpu.memref_squeeze %dma_wait3A_1348 : memref<1x16x1024xf32, #tpu.memory_space<hbm>> -> memref<16x1024xf32, #tpu.memory_space<hbm>>
    %dma_wait3A_1350 = arith.constant 0 : i32
    %dma_wait3A_1351 = arith.constant 0 : i32
    %dma_wait3A_1352 = tpu.memref_slice %arg11[%arg1, %dma_wait3A_1345, %dma_wait3A_1350, %dma_wait3A_1351] : memref<16x2x16x1024xf32, #tpu.memory_space<vmem_shared>> -> memref<1x1x16x1024xf32, #tpu.memory_space<vmem_shared>>
    %dma_wait3A_1353 = tpu.memref_squeeze %dma_wait3A_1352 : memref<1x1x16x1024xf32, #tpu.memory_space<vmem_shared>> -> memref<16x1024xf32, #tpu.memory_space<vmem_shared>>
    tpu.wait_dma2 semaphore(%arg20 : memref<!tpu.dma_semaphore, #tpu.memory_space<semaphore_mem>>) src(%dma_wait3A_1353 : memref<16x1024xf32, #tpu.memory_space<vmem_shared>>) dst(%dma_wait3A_1349 : memref<16x1024xf32, #tpu.memory_space<hbm>>)
    %parallel_loop3A_1354 = arith.constant 0 : i32
    %parallel_loop3A_1355 = arith.constant 1024 : i32
    %parallel_loop3A_1356 = arith.constant 1 : i32
    scf.for %parallel_loop3A_1904 = %parallel_loop3A_1354 to %parallel_loop3A_1355 step %parallel_loop3A_1356  : i32 {
      %parallel_loop3A_1905 = arith.constant 6 : i32
      %parallel_loop3A_1906 = arith.shrui %parallel_loop3A_1904, %parallel_loop3A_1905 : i32
      %parallel_loop3A_1907 = arith.constant 63 : i32
      %parallel_loop3A_1908 = arith.andi %parallel_loop3A_1904, %parallel_loop3A_1907 : i32
      %parallel_loop3A_1909 = arith.constant 4 : i32
      %parallel_loop3A_1910 = arith.shli %parallel_loop3A_1908, %parallel_loop3A_1909 : i32
      %parallel_loop3A_1911 = tpu.assume_multiple %parallel_loop3A_1910, 16 : i32
      %parallel_loop3A_1912 = arith.index_cast %parallel_loop3A_1906 : i32 to index
      %parallel_loop3A_1913 = arith.index_cast %parallel_loop3A_1911 : i32 to index
      %parallel_loop3A_1914 = tpu.vector_load %arg10[%parallel_loop3A_1912, %parallel_loop3A_1913] {strides = array<i32>} : memref<16x1024xf32, #tpu.memory_space<vmem>>, vector<1x16xf32>,
      %parallel_loop3A_1915 = vector.shape_cast %parallel_loop3A_1914 : vector<1x16xf32> to vector<16xf32>
      %parallel_loop3A_1916 = arith.index_cast %parallel_loop3A_1906 : i32 to index
      %parallel_loop3A_1917 = arith.index_cast %parallel_loop3A_1911 : i32 to index
      %parallel_loop3A_1918 = tpu.vector_load %arg7[%parallel_loop3A_1916, %parallel_loop3A_1917] {strides = array<i32>} : memref<16x1024xf32, #tpu.memory_space<vmem>>, vector<1x16xf32>,
      %parallel_loop3A_1919 = vector.shape_cast %parallel_loop3A_1918 : vector<1x16xf32> to vector<16xf32>
      %parallel_loop3A_1920 = vector.shape_cast %parallel_loop3A_1915 : vector<16xf32> to vector<1x16xf32>
      tpu.vector_store %arg7[%parallel_loop3A_1916, %parallel_loop3A_1917], %parallel_loop3A_1920 {add = true, strides = array<i32>} : memref<16x1024xf32, #tpu.memory_space<vmem>>, vector<1x16xf32>,
    } {sc.loop_unroll_factor = 8 : i64, sc.parallel_access}
    %dma_start3A_1357 = arith.constant 0 : i32
    %dma_start3A_1358 = arith.constant 0 : i32
    %dma_start3A_1359 = arith.constant 0 : i32
    %dma_start3A_1360 = tpu.memref_slice %arg11[%arg1, %dma_start3A_1357, %dma_start3A_1358, %dma_start3A_1359] : memref<16x2x16x1024xf32, #tpu.memory_space<vmem_shared>> -> memref<1x1x16x1024xf32, #tpu.memory_space<vmem_shared>>
    %dma_start3A_1361 = tpu.memref_squeeze %dma_start3A_1360 : memref<1x1x16x1024xf32, #tpu.memory_space<vmem_shared>> -> memref<16x1024xf32, #tpu.memory_space<vmem_shared>>
    %dma_start3A_1362 = arith.constant 0 : i32
    %dma_start3A_1363 = arith.constant 0 : i32
    %dma_start3A_1364 = tpu.memref_slice %arg11[%arg1, %dma_start3A_1357, %dma_start3A_1362, %dma_start3A_1363] : memref<16x2x16x1024xf32, #tpu.memory_space<vmem_shared>> -> memref<1x1x16x1024xf32, #tpu.memory_space<vmem_shared>>
    %dma_start3A_1365 = tpu.memref_squeeze %dma_start3A_1364 : memref<1x1x16x1024xf32, #tpu.memory_space<vmem_shared>> -> memref<16x1024xf32, #tpu.memory_space<vmem_shared>>
    tpu.enqueue_dma source(%arg7 : memref<16x1024xf32, #tpu.memory_space<vmem>>) target(%dma_start3A_1365 : memref<16x1024xf32, #tpu.memory_space<vmem_shared>>) target_semaphore(%arg18 : memref<!tpu.dma_semaphore, #tpu.memory_space<semaphore_mem>>)
    %dma_wait3A_1366 = arith.constant 3 : i32
    %dma_wait3A_1367 = arith.constant 0 : i32
    %dma_wait3A_1368 = tpu.memref_slice %arg2[%dma_wait3A_1366, %add3A_1223, %dma_wait3A_1367] : memref<4x4096x1024xf32, #tpu.memory_space<hbm>> -> memref<1x16x1024xf32, #tpu.memory_space<hbm>>
    %dma_wait3A_1369 = tpu.memref_squeeze %dma_wait3A_1368 : memref<1x16x1024xf32, #tpu.memory_space<hbm>> -> memref<16x1024xf32, #tpu.memory_space<hbm>>
    %dma_wait3A_1370 = arith.constant 0 : i32
    %dma_wait3A_1371 = tpu.memref_slice %arg2[%dma_wait3A_1366, %add3A_1223, %dma_wait3A_1370] : memref<4x4096x1024xf32, #tpu.memory_space<hbm>> -> memref<1x16x1024xf32, #tpu.memory_space<hbm>>
    %dma_wait3A_1372 = tpu.memref_squeeze %dma_wait3A_1371 : memref<1x16x1024xf32, #tpu.memory_space<hbm>> -> memref<16x1024xf32, #tpu.memory_space<hbm>>
    tpu.wait_dma2 semaphore(%arg15 : memref<!tpu.dma_semaphore, #tpu.memory_space<semaphore_mem>>) src(%dma_wait3A_1372 : memref<16x1024xf32, #tpu.memory_space<hbm>>) dst(%arg8 : memref<16x1024xf32, #tpu.memory_space<vmem>>)
    %dma_wait3A_1373 = arith.constant 0 : i32
    %dma_wait3A_1374 = arith.constant 0 : i32
    %dma_wait3A_1375 = arith.constant 0 : i32
    %dma_wait3A_1376 = tpu.memref_slice %arg11[%arg1, %dma_wait3A_1373, %dma_wait3A_1374, %dma_wait3A_1375] : memref<16x2x16x1024xf32, #tpu.memory_space<vmem_shared>> -> memref<1x1x16x1024xf32, #tpu.memory_space<vmem_shared>>
    %dma_wait3A_1377 = tpu.memref_squeeze %dma_wait3A_1376 : memref<1x1x16x1024xf32, #tpu.memory_space<vmem_shared>> -> memref<16x1024xf32, #tpu.memory_space<vmem_shared>>
    %dma_wait3A_1378 = arith.constant 0 : i32
    %dma_wait3A_1379 = arith.constant 0 : i32
    %dma_wait3A_1380 = tpu.memref_slice %arg11[%arg1, %dma_wait3A_1373, %dma_wait3A_1378, %dma_wait3A_1379] : memref<16x2x16x1024xf32, #tpu.memory_space<vmem_shared>> -> memref<1x1x16x1024xf32, #tpu.memory_space<vmem_shared>>
    %dma_wait3A_1381 = tpu.memref_squeeze %dma_wait3A_1380 : memref<1x1x16x1024xf32, #tpu.memory_space<vmem_shared>> -> memref<16x1024xf32, #tpu.memory_space<vmem_shared>>
    tpu.wait_dma2 semaphore(%arg18 : memref<!tpu.dma_semaphore, #tpu.memory_space<semaphore_mem>>) src(%arg7 : memref<16x1024xf32, #tpu.memory_space<vmem>>) dst(%dma_wait3A_1381 : memref<16x1024xf32, #tpu.memory_space<vmem_shared>>)
    %add3A_1382 = arith.constant 80 : i32
    %add3A_1383 = arith.addi %mul3A_2, %add3A_1382 : i32
    %dma_start3A_1384 = arith.constant 0 : i32
    %dma_start3A_1385 = arith.constant 2 : i32
    %dma_start3A_1386 = arith.constant 0 : i32
    %dma_start3A_1387 = tpu.memref_slice %arg4[%dma_start3A_1385, %add3A_1383, %dma_start3A_1386] : memref<4x4096x1024xf32, #tpu.memory_space<hbm>> -> memref<1x16x1024xf32, #tpu.memory_space<hbm>>
    %dma_start3A_1388 = tpu.memref_squeeze %dma_start3A_1387 : memref<1x16x1024xf32, #tpu.memory_space<hbm>> -> memref<16x1024xf32, #tpu.memory_space<hbm>>
    %dma_start3A_1389 = arith.constant 0 : i32
    %dma_start3A_1390 = arith.constant 0 : i32
    %dma_start3A_1391 = tpu.memref_slice %arg11[%arg1, %dma_start3A_1384, %dma_start3A_1389, %dma_start3A_1390] : memref<16x2x16x1024xf32, #tpu.memory_space<vmem_shared>> -> memref<1x1x16x1024xf32, #tpu.memory_space<vmem_shared>>
    %dma_start3A_1392 = tpu.memref_squeeze %dma_start3A_1391 : memref<1x1x16x1024xf32, #tpu.memory_space<vmem_shared>> -> memref<16x1024xf32, #tpu.memory_space<vmem_shared>>
    tpu.enqueue_dma source(%dma_start3A_1392 : memref<16x1024xf32, #tpu.memory_space<vmem_shared>>) target(%dma_start3A_1388 : memref<16x1024xf32, #tpu.memory_space<hbm>>) target_semaphore(%arg20 : memref<!tpu.dma_semaphore, #tpu.memory_space<semaphore_mem>>)
    %add3A_1393 = arith.constant 96 : i32
    %add3A_1394 = arith.addi %mul3A_2, %add3A_1393 : i32
    %dma_start3A_1395 = arith.constant 2 : i32
    %dma_start3A_1396 = arith.constant 0 : i32
    %dma_start3A_1397 = tpu.memref_slice %arg2[%dma_start3A_1395, %add3A_1394, %dma_start3A_1396] : memref<4x4096x1024xf32, #tpu.memory_space<hbm>> -> memref<1x16x1024xf32, #tpu.memory_space<hbm>>
    %dma_start3A_1398 = tpu.memref_squeeze %dma_start3A_1397 : memref<1x16x1024xf32, #tpu.memory_space<hbm>> -> memref<16x1024xf32, #tpu.memory_space<hbm>>
    %dma_start3A_1399 = arith.constant 0 : i32
    %dma_start3A_1400 = tpu.memref_slice %arg2[%dma_start3A_1395, %add3A_1394, %dma_start3A_1399] : memref<4x4096x1024xf32, #tpu.memory_space<hbm>> -> memref<1x16x1024xf32, #tpu.memory_space<hbm>>
    %dma_start3A_1401 = tpu.memref_squeeze %dma_start3A_1400 : memref<1x16x1024xf32, #tpu.memory_space<hbm>> -> memref<16x1024xf32, #tpu.memory_space<hbm>>
    tpu.enqueue_dma source(%dma_start3A_1401 : memref<16x1024xf32, #tpu.memory_space<hbm>>) target(%arg7 : memref<16x1024xf32, #tpu.memory_space<vmem>>) target_semaphore(%arg14 : memref<!tpu.dma_semaphore, #tpu.memory_space<semaphore_mem>>)
    %dma_wait3A_1402 = arith.constant 1 : i32
    %dma_wait3A_1403 = arith.constant 1 : i32
    %dma_wait3A_1404 = arith.constant 0 : i32
    %dma_wait3A_1405 = tpu.memref_slice %arg4[%dma_wait3A_1403, %add3A_1326, %dma_wait3A_1404] : memref<4x4096x1024xf32, #tpu.memory_space<hbm>> -> memref<1x16x1024xf32, #tpu.memory_space<hbm>>
    %dma_wait3A_1406 = tpu.memref_squeeze %dma_wait3A_1405 : memref<1x16x1024xf32, #tpu.memory_space<hbm>> -> memref<16x1024xf32, #tpu.memory_space<hbm>>
    %dma_wait3A_1407 = arith.constant 0 : i32
    %dma_wait3A_1408 = arith.constant 0 : i32
    %dma_wait3A_1409 = tpu.memref_slice %arg11[%arg1, %dma_wait3A_1402, %dma_wait3A_1407, %dma_wait3A_1408] : memref<16x2x16x1024xf32, #tpu.memory_space<vmem_shared>> -> memref<1x1x16x1024xf32, #tpu.memory_space<vmem_shared>>
    %dma_wait3A_1410 = tpu.memref_squeeze %dma_wait3A_1409 : memref<1x1x16x1024xf32, #tpu.memory_space<vmem_shared>> -> memref<16x1024xf32, #tpu.memory_space<vmem_shared>>
    tpu.wait_dma2 semaphore(%arg21 : memref<!tpu.dma_semaphore, #tpu.memory_space<semaphore_mem>>) src(%dma_wait3A_1410 : memref<16x1024xf32, #tpu.memory_space<vmem_shared>>) dst(%dma_wait3A_1406 : memref<16x1024xf32, #tpu.memory_space<hbm>>)
    %parallel_loop3A_1411 = arith.constant 0 : i32
    %parallel_loop3A_1412 = arith.constant 1024 : i32
    %parallel_loop3A_1413 = arith.constant 1 : i32
    scf.for %parallel_loop3A_1904 = %parallel_loop3A_1411 to %parallel_loop3A_1412 step %parallel_loop3A_1413  : i32 {
      %parallel_loop3A_1905 = arith.constant 6 : i32
      %parallel_loop3A_1906 = arith.shrui %parallel_loop3A_1904, %parallel_loop3A_1905 : i32
      %parallel_loop3A_1907 = arith.constant 63 : i32
      %parallel_loop3A_1908 = arith.andi %parallel_loop3A_1904, %parallel_loop3A_1907 : i32
      %parallel_loop3A_1909 = arith.constant 4 : i32
      %parallel_loop3A_1910 = arith.shli %parallel_loop3A_1908, %parallel_loop3A_1909 : i32
      %parallel_loop3A_1911 = tpu.assume_multiple %parallel_loop3A_1910, 16 : i32
      %parallel_loop3A_1912 = arith.index_cast %parallel_loop3A_1906 : i32 to index
      %parallel_loop3A_1913 = arith.index_cast %parallel_loop3A_1911 : i32 to index
      %parallel_loop3A_1914 = tpu.vector_load %arg10[%parallel_loop3A_1912, %parallel_loop3A_1913] {strides = array<i32>} : memref<16x1024xf32, #tpu.memory_space<vmem>>, vector<1x16xf32>,
      %parallel_loop3A_1915 = vector.shape_cast %parallel_loop3A_1914 : vector<1x16xf32> to vector<16xf32>
      %parallel_loop3A_1916 = arith.index_cast %parallel_loop3A_1906 : i32 to index
      %parallel_loop3A_1917 = arith.index_cast %parallel_loop3A_1911 : i32 to index
      %parallel_loop3A_1918 = tpu.vector_load %arg8[%parallel_loop3A_1916, %parallel_loop3A_1917] {strides = array<i32>} : memref<16x1024xf32, #tpu.memory_space<vmem>>, vector<1x16xf32>,
      %parallel_loop3A_1919 = vector.shape_cast %parallel_loop3A_1918 : vector<1x16xf32> to vector<16xf32>
      %parallel_loop3A_1920 = vector.shape_cast %parallel_loop3A_1915 : vector<16xf32> to vector<1x16xf32>
      tpu.vector_store %arg8[%parallel_loop3A_1916, %parallel_loop3A_1917], %parallel_loop3A_1920 {add = true, strides = array<i32>} : memref<16x1024xf32, #tpu.memory_space<vmem>>, vector<1x16xf32>,
    } {sc.loop_unroll_factor = 8 : i64, sc.parallel_access}
    %dma_start3A_1414 = arith.constant 1 : i32
    %dma_start3A_1415 = arith.constant 0 : i32
    %dma_start3A_1416 = arith.constant 0 : i32
    %dma_start3A_1417 = tpu.memref_slice %arg11[%arg1, %dma_start3A_1414, %dma_start3A_1415, %dma_start3A_1416] : memref<16x2x16x1024xf32, #tpu.memory_space<vmem_shared>> -> memref<1x1x16x1024xf32, #tpu.memory_space<vmem_shared>>
    %dma_start3A_1418 = tpu.memref_squeeze %dma_start3A_1417 : memref<1x1x16x1024xf32, #tpu.memory_space<vmem_shared>> -> memref<16x1024xf32, #tpu.memory_space<vmem_shared>>
    %dma_start3A_1419 = arith.constant 0 : i32
    %dma_start3A_1420 = arith.constant 0 : i32
    %dma_start3A_1421 = tpu.memref_slice %arg11[%arg1, %dma_start3A_1414, %dma_start3A_1419, %dma_start3A_1420] : memref<16x2x16x1024xf32, #tpu.memory_space<vmem_shared>> -> memref<1x1x16x1024xf32, #tpu.memory_space<vmem_shared>>
    %dma_start3A_1422 = tpu.memref_squeeze %dma_start3A_1421 : memref<1x1x16x1024xf32, #tpu.memory_space<vmem_shared>> -> memref<16x1024xf32, #tpu.memory_space<vmem_shared>>
    tpu.enqueue_dma source(%arg8 : memref<16x1024xf32, #tpu.memory_space<vmem>>) target(%dma_start3A_1422 : memref<16x1024xf32, #tpu.memory_space<vmem_shared>>) target_semaphore(%arg19 : memref<!tpu.dma_semaphore, #tpu.memory_space<semaphore_mem>>)
    %add3A_1423 = arith.constant 112 : i32
    %add3A_1424 = arith.addi %mul3A_2, %add3A_1423 : i32
    %dma_start3A_1425 = arith.constant 0 : i32
    %dma_start3A_1426 = tpu.memref_slice %arg3[%add3A_1424, %dma_start3A_1425] : memref<8192x1024xf32, #tpu.memory_space<hbm>> -> memref<16x1024xf32, #tpu.memory_space<hbm>>
    %dma_start3A_1427 = arith.constant 0 : i32
    %dma_start3A_1428 = tpu.memref_slice %arg3[%add3A_1424, %dma_start3A_1427] : memref<8192x1024xf32, #tpu.memory_space<hbm>> -> memref<16x1024xf32, #tpu.memory_space<hbm>>
    tpu.enqueue_dma source(%dma_start3A_1428 : memref<16x1024xf32, #tpu.memory_space<hbm>>) target(%arg10 : memref<16x1024xf32, #tpu.memory_space<vmem>>) target_semaphore(%arg17 : memref<!tpu.dma_semaphore, #tpu.memory_space<semaphore_mem>>)
    %dma_wait3A_1429 = arith.constant 0 : i32
    %dma_wait3A_1430 = arith.constant 0 : i32
    %dma_wait3A_1431 = tpu.memref_slice %arg2[%dma_wait3A_1429, %add3A_1280, %dma_wait3A_1430] : memref<4x4096x1024xf32, #tpu.memory_space<hbm>> -> memref<1x16x1024xf32, #tpu.memory_space<hbm>>
    %dma_wait3A_1432 = tpu.memref_squeeze %dma_wait3A_1431 : memref<1x16x1024xf32, #tpu.memory_space<hbm>> -> memref<16x1024xf32, #tpu.memory_space<hbm>>
    %dma_wait3A_1433 = arith.constant 0 : i32
    %dma_wait3A_1434 = tpu.memref_slice %arg2[%dma_wait3A_1429, %add3A_1280, %dma_wait3A_1433] : memref<4x4096x1024xf32, #tpu.memory_space<hbm>> -> memref<1x16x1024xf32, #tpu.memory_space<hbm>>
    %dma_wait3A_1435 = tpu.memref_squeeze %dma_wait3A_1434 : memref<1x16x1024xf32, #tpu.memory_space<hbm>> -> memref<16x1024xf32, #tpu.memory_space<hbm>>
    tpu.wait_dma2 semaphore(%arg12 : memref<!tpu.dma_semaphore, #tpu.memory_space<semaphore_mem>>) src(%dma_wait3A_1435 : memref<16x1024xf32, #tpu.memory_space<hbm>>) dst(%arg5 : memref<16x1024xf32, #tpu.memory_space<vmem>>)
    %dma_wait3A_1436 = arith.constant 0 : i32
    %dma_wait3A_1437 = tpu.memref_slice %arg3[%add3A_1186, %dma_wait3A_1436] : memref<8192x1024xf32, #tpu.memory_space<hbm>> -> memref<16x1024xf32, #tpu.memory_space<hbm>>
    %dma_wait3A_1438 = arith.constant 0 : i32
    %dma_wait3A_1439 = tpu.memref_slice %arg3[%add3A_1186, %dma_wait3A_1438] : memref<8192x1024xf32, #tpu.memory_space<hbm>> -> memref<16x1024xf32, #tpu.memory_space<hbm>>
    tpu.wait_dma2 semaphore(%arg16 : memref<!tpu.dma_semaphore, #tpu.memory_space<semaphore_mem>>) src(%dma_wait3A_1439 : memref<16x1024xf32, #tpu.memory_space<hbm>>) dst(%arg9 : memref<16x1024xf32, #tpu.memory_space<vmem>>)
    %dma_wait3A_1440 = arith.constant 1 : i32
    %dma_wait3A_1441 = arith.constant 0 : i32
    %dma_wait3A_1442 = arith.constant 0 : i32
    %dma_wait3A_1443 = tpu.memref_slice %arg11[%arg1, %dma_wait3A_1440, %dma_wait3A_1441, %dma_wait3A_1442] : memref<16x2x16x1024xf32, #tpu.memory_space<vmem_shared>> -> memref<1x1x16x1024xf32, #tpu.memory_space<vmem_shared>>
    %dma_wait3A_1444 = tpu.memref_squeeze %dma_wait3A_1443 : memref<1x1x16x1024xf32, #tpu.memory_space<vmem_shared>> -> memref<16x1024xf32, #tpu.memory_space<vmem_shared>>
    %dma_wait3A_1445 = arith.constant 0 : i32
    %dma_wait3A_1446 = arith.constant 0 : i32
    %dma_wait3A_1447 = tpu.memref_slice %arg11[%arg1, %dma_wait3A_1440, %dma_wait3A_1445, %dma_wait3A_1446] : memref<16x2x16x1024xf32, #tpu.memory_space<vmem_shared>> -> memref<1x1x16x1024xf32, #tpu.memory_space<vmem_shared>>
    %dma_wait3A_1448 = tpu.memref_squeeze %dma_wait3A_1447 : memref<1x1x16x1024xf32, #tpu.memory_space<vmem_shared>> -> memref<16x1024xf32, #tpu.memory_space<vmem_shared>>
    tpu.wait_dma2 semaphore(%arg19 : memref<!tpu.dma_semaphore, #tpu.memory_space<semaphore_mem>>) src(%arg8 : memref<16x1024xf32, #tpu.memory_space<vmem>>) dst(%dma_wait3A_1448 : memref<16x1024xf32, #tpu.memory_space<vmem_shared>>)
    %add3A_1449 = arith.constant 80 : i32
    %add3A_1450 = arith.addi %mul3A_2, %add3A_1449 : i32
    %dma_start3A_1451 = arith.constant 1 : i32
    %dma_start3A_1452 = arith.constant 3 : i32
    %dma_start3A_1453 = arith.constant 0 : i32
    %dma_start3A_1454 = tpu.memref_slice %arg4[%dma_start3A_1452, %add3A_1450, %dma_start3A_1453] : memref<4x4096x1024xf32, #tpu.memory_space<hbm>> -> memref<1x16x1024xf32, #tpu.memory_space<hbm>>
    %dma_start3A_1455 = tpu.memref_squeeze %dma_start3A_1454 : memref<1x16x1024xf32, #tpu.memory_space<hbm>> -> memref<16x1024xf32, #tpu.memory_space<hbm>>
    %dma_start3A_1456 = arith.constant 0 : i32
    %dma_start3A_1457 = arith.constant 0 : i32
    %dma_start3A_1458 = tpu.memref_slice %arg11[%arg1, %dma_start3A_1451, %dma_start3A_1456, %dma_start3A_1457] : memref<16x2x16x1024xf32, #tpu.memory_space<vmem_shared>> -> memref<1x1x16x1024xf32, #tpu.memory_space<vmem_shared>>
    %dma_start3A_1459 = tpu.memref_squeeze %dma_start3A_1458 : memref<1x1x16x1024xf32, #tpu.memory_space<vmem_shared>> -> memref<16x1024xf32, #tpu.memory_space<vmem_shared>>
    tpu.enqueue_dma source(%dma_start3A_1459 : memref<16x1024xf32, #tpu.memory_space<vmem_shared>>) target(%dma_start3A_1455 : memref<16x1024xf32, #tpu.memory_space<hbm>>) target_semaphore(%arg21 : memref<!tpu.dma_semaphore, #tpu.memory_space<semaphore_mem>>)
    %add3A_1460 = arith.constant 96 : i32
    %add3A_1461 = arith.addi %mul3A_2, %add3A_1460 : i32
    %dma_start3A_1462 = arith.constant 3 : i32
    %dma_start3A_1463 = arith.constant 0 : i32
    %dma_start3A_1464 = tpu.memref_slice %arg2[%dma_start3A_1462, %add3A_1461, %dma_start3A_1463] : memref<4x4096x1024xf32, #tpu.memory_space<hbm>> -> memref<1x16x1024xf32, #tpu.memory_space<hbm>>
    %dma_start3A_1465 = tpu.memref_squeeze %dma_start3A_1464 : memref<1x16x1024xf32, #tpu.memory_space<hbm>> -> memref<16x1024xf32, #tpu.memory_space<hbm>>
    %dma_start3A_1466 = arith.constant 0 : i32
    %dma_start3A_1467 = tpu.memref_slice %arg2[%dma_start3A_1462, %add3A_1461, %dma_start3A_1466] : memref<4x4096x1024xf32, #tpu.memory_space<hbm>> -> memref<1x16x1024xf32, #tpu.memory_space<hbm>>
    %dma_start3A_1468 = tpu.memref_squeeze %dma_start3A_1467 : memref<1x16x1024xf32, #tpu.memory_space<hbm>> -> memref<16x1024xf32, #tpu.memory_space<hbm>>
    tpu.enqueue_dma source(%dma_start3A_1468 : memref<16x1024xf32, #tpu.memory_space<hbm>>) target(%arg8 : memref<16x1024xf32, #tpu.memory_space<vmem>>) target_semaphore(%arg15 : memref<!tpu.dma_semaphore, #tpu.memory_space<semaphore_mem>>)
    %dma_wait3A_1469 = arith.constant 0 : i32
    %dma_wait3A_1470 = arith.constant 2 : i32
    %dma_wait3A_1471 = arith.constant 0 : i32
    %dma_wait3A_1472 = tpu.memref_slice %arg4[%dma_wait3A_1470, %add3A_1383, %dma_wait3A_1471] : memref<4x4096x1024xf32, #tpu.memory_space<hbm>> -> memref<1x16x1024xf32, #tpu.memory_space<hbm>>
    %dma_wait3A_1473 = tpu.memref_squeeze %dma_wait3A_1472 : memref<1x16x1024xf32, #tpu.memory_space<hbm>> -> memref<16x1024xf32, #tpu.memory_space<hbm>>
    %dma_wait3A_1474 = arith.constant 0 : i32
    %dma_wait3A_1475 = arith.constant 0 : i32
    %dma_wait3A_1476 = tpu.memref_slice %arg11[%arg1, %dma_wait3A_1469, %dma_wait3A_1474, %dma_wait3A_1475] : memref<16x2x16x1024xf32, #tpu.memory_space<vmem_shared>> -> memref<1x1x16x1024xf32, #tpu.memory_space<vmem_shared>>
    %dma_wait3A_1477 = tpu.memref_squeeze %dma_wait3A_1476 : memref<1x1x16x1024xf32, #tpu.memory_space<vmem_shared>> -> memref<16x1024xf32, #tpu.memory_space<vmem_shared>>
    tpu.wait_dma2 semaphore(%arg20 : memref<!tpu.dma_semaphore, #tpu.memory_space<semaphore_mem>>) src(%dma_wait3A_1477 : memref<16x1024xf32, #tpu.memory_space<vmem_shared>>) dst(%dma_wait3A_1473 : memref<16x1024xf32, #tpu.memory_space<hbm>>)
    %parallel_loop3A_1478 = arith.constant 0 : i32
    %parallel_loop3A_1479 = arith.constant 1024 : i32
    %parallel_loop3A_1480 = arith.constant 1 : i32
    scf.for %parallel_loop3A_1904 = %parallel_loop3A_1478 to %parallel_loop3A_1479 step %parallel_loop3A_1480  : i32 {
      %parallel_loop3A_1905 = arith.constant 6 : i32
      %parallel_loop3A_1906 = arith.shrui %parallel_loop3A_1904, %parallel_loop3A_1905 : i32
      %parallel_loop3A_1907 = arith.constant 63 : i32
      %parallel_loop3A_1908 = arith.andi %parallel_loop3A_1904, %parallel_loop3A_1907 : i32
      %parallel_loop3A_1909 = arith.constant 4 : i32
      %parallel_loop3A_1910 = arith.shli %parallel_loop3A_1908, %parallel_loop3A_1909 : i32
      %parallel_loop3A_1911 = tpu.assume_multiple %parallel_loop3A_1910, 16 : i32
      %parallel_loop3A_1912 = arith.index_cast %parallel_loop3A_1906 : i32 to index
      %parallel_loop3A_1913 = arith.index_cast %parallel_loop3A_1911 : i32 to index
      %parallel_loop3A_1914 = tpu.vector_load %arg9[%parallel_loop3A_1912, %parallel_loop3A_1913] {strides = array<i32>} : memref<16x1024xf32, #tpu.memory_space<vmem>>, vector<1x16xf32>,
      %parallel_loop3A_1915 = vector.shape_cast %parallel_loop3A_1914 : vector<1x16xf32> to vector<16xf32>
      %parallel_loop3A_1916 = arith.index_cast %parallel_loop3A_1906 : i32 to index
      %parallel_loop3A_1917 = arith.index_cast %parallel_loop3A_1911 : i32 to index
      %parallel_loop3A_1918 = tpu.vector_load %arg5[%parallel_loop3A_1916, %parallel_loop3A_1917] {strides = array<i32>} : memref<16x1024xf32, #tpu.memory_space<vmem>>, vector<1x16xf32>,
      %parallel_loop3A_1919 = vector.shape_cast %parallel_loop3A_1918 : vector<1x16xf32> to vector<16xf32>
      %parallel_loop3A_1920 = vector.shape_cast %parallel_loop3A_1915 : vector<16xf32> to vector<1x16xf32>
      tpu.vector_store %arg5[%parallel_loop3A_1916, %parallel_loop3A_1917], %parallel_loop3A_1920 {add = true, strides = array<i32>} : memref<16x1024xf32, #tpu.memory_space<vmem>>, vector<1x16xf32>,
    } {sc.loop_unroll_factor = 8 : i64, sc.parallel_access}
    %dma_start3A_1481 = arith.constant 0 : i32
    %dma_start3A_1482 = arith.constant 0 : i32
    %dma_start3A_1483 = arith.constant 0 : i32
    %dma_start3A_1484 = tpu.memref_slice %arg11[%arg1, %dma_start3A_1481, %dma_start3A_1482, %dma_start3A_1483] : memref<16x2x16x1024xf32, #tpu.memory_space<vmem_shared>> -> memref<1x1x16x1024xf32, #tpu.memory_space<vmem_shared>>
    %dma_start3A_1485 = tpu.memref_squeeze %dma_start3A_1484 : memref<1x1x16x1024xf32, #tpu.memory_space<vmem_shared>> -> memref<16x1024xf32, #tpu.memory_space<vmem_shared>>
    %dma_start3A_1486 = arith.constant 0 : i32
    %dma_start3A_1487 = arith.constant 0 : i32
    %dma_start3A_1488 = tpu.memref_slice %arg11[%arg1, %dma_start3A_1481, %dma_start3A_1486, %dma_start3A_1487] : memref<16x2x16x1024xf32, #tpu.memory_space<vmem_shared>> -> memref<1x1x16x1024xf32, #tpu.memory_space<vmem_shared>>
    %dma_start3A_1489 = tpu.memref_squeeze %dma_start3A_1488 : memref<1x1x16x1024xf32, #tpu.memory_space<vmem_shared>> -> memref<16x1024xf32, #tpu.memory_space<vmem_shared>>
    tpu.enqueue_dma source(%arg5 : memref<16x1024xf32, #tpu.memory_space<vmem>>) target(%dma_start3A_1489 : memref<16x1024xf32, #tpu.memory_space<vmem_shared>>) target_semaphore(%arg18 : memref<!tpu.dma_semaphore, #tpu.memory_space<semaphore_mem>>)
    %dma_wait3A_1490 = arith.constant 1 : i32
    %dma_wait3A_1491 = arith.constant 0 : i32
    %dma_wait3A_1492 = tpu.memref_slice %arg2[%dma_wait3A_1490, %add3A_1337, %dma_wait3A_1491] : memref<4x4096x1024xf32, #tpu.memory_space<hbm>> -> memref<1x16x1024xf32, #tpu.memory_space<hbm>>
    %dma_wait3A_1493 = tpu.memref_squeeze %dma_wait3A_1492 : memref<1x16x1024xf32, #tpu.memory_space<hbm>> -> memref<16x1024xf32, #tpu.memory_space<hbm>>
    %dma_wait3A_1494 = arith.constant 0 : i32
    %dma_wait3A_1495 = tpu.memref_slice %arg2[%dma_wait3A_1490, %add3A_1337, %dma_wait3A_1494] : memref<4x4096x1024xf32, #tpu.memory_space<hbm>> -> memref<1x16x1024xf32, #tpu.memory_space<hbm>>
    %dma_wait3A_1496 = tpu.memref_squeeze %dma_wait3A_1495 : memref<1x16x1024xf32, #tpu.memory_space<hbm>> -> memref<16x1024xf32, #tpu.memory_space<hbm>>
    tpu.wait_dma2 semaphore(%arg13 : memref<!tpu.dma_semaphore, #tpu.memory_space<semaphore_mem>>) src(%dma_wait3A_1496 : memref<16x1024xf32, #tpu.memory_space<hbm>>) dst(%arg6 : memref<16x1024xf32, #tpu.memory_space<vmem>>)
    %dma_wait3A_1497 = arith.constant 0 : i32
    %dma_wait3A_1498 = arith.constant 0 : i32
    %dma_wait3A_1499 = arith.constant 0 : i32
    %dma_wait3A_1500 = tpu.memref_slice %arg11[%arg1, %dma_wait3A_1497, %dma_wait3A_1498, %dma_wait3A_1499] : memref<16x2x16x1024xf32, #tpu.memory_space<vmem_shared>> -> memref<1x1x16x1024xf32, #tpu.memory_space<vmem_shared>>
    %dma_wait3A_1501 = tpu.memref_squeeze %dma_wait3A_1500 : memref<1x1x16x1024xf32, #tpu.memory_space<vmem_shared>> -> memref<16x1024xf32, #tpu.memory_space<vmem_shared>>
    %dma_wait3A_1502 = arith.constant 0 : i32
    %dma_wait3A_1503 = arith.constant 0 : i32
    %dma_wait3A_1504 = tpu.memref_slice %arg11[%arg1, %dma_wait3A_1497, %dma_wait3A_1502, %dma_wait3A_1503] : memref<16x2x16x1024xf32, #tpu.memory_space<vmem_shared>> -> memref<1x1x16x1024xf32, #tpu.memory_space<vmem_shared>>
    %dma_wait3A_1505 = tpu.memref_squeeze %dma_wait3A_1504 : memref<1x1x16x1024xf32, #tpu.memory_space<vmem_shared>> -> memref<16x1024xf32, #tpu.memory_space<vmem_shared>>
    tpu.wait_dma2 semaphore(%arg18 : memref<!tpu.dma_semaphore, #tpu.memory_space<semaphore_mem>>) src(%arg5 : memref<16x1024xf32, #tpu.memory_space<vmem>>) dst(%dma_wait3A_1505 : memref<16x1024xf32, #tpu.memory_space<vmem_shared>>)
    %add3A_1506 = arith.constant 96 : i32
    %add3A_1507 = arith.addi %mul3A_2, %add3A_1506 : i32
    %dma_start3A_1508 = arith.constant 0 : i32
    %dma_start3A_1509 = arith.constant 0 : i32
    %dma_start3A_1510 = arith.constant 0 : i32
    %dma_start3A_1511 = tpu.memref_slice %arg4[%dma_start3A_1509, %add3A_1507, %dma_start3A_1510] : memref<4x4096x1024xf32, #tpu.memory_space<hbm>> -> memref<1x16x1024xf32, #tpu.memory_space<hbm>>
    %dma_start3A_1512 = tpu.memref_squeeze %dma_start3A_1511 : memref<1x16x1024xf32, #tpu.memory_space<hbm>> -> memref<16x1024xf32, #tpu.memory_space<hbm>>
    %dma_start3A_1513 = arith.constant 0 : i32
    %dma_start3A_1514 = arith.constant 0 : i32
    %dma_start3A_1515 = tpu.memref_slice %arg11[%arg1, %dma_start3A_1508, %dma_start3A_1513, %dma_start3A_1514] : memref<16x2x16x1024xf32, #tpu.memory_space<vmem_shared>> -> memref<1x1x16x1024xf32, #tpu.memory_space<vmem_shared>>
    %dma_start3A_1516 = tpu.memref_squeeze %dma_start3A_1515 : memref<1x1x16x1024xf32, #tpu.memory_space<vmem_shared>> -> memref<16x1024xf32, #tpu.memory_space<vmem_shared>>
    tpu.enqueue_dma source(%dma_start3A_1516 : memref<16x1024xf32, #tpu.memory_space<vmem_shared>>) target(%dma_start3A_1512 : memref<16x1024xf32, #tpu.memory_space<hbm>>) target_semaphore(%arg20 : memref<!tpu.dma_semaphore, #tpu.memory_space<semaphore_mem>>)
    %add3A_1517 = arith.constant 112 : i32
    %add3A_1518 = arith.addi %mul3A_2, %add3A_1517 : i32
    %dma_start3A_1519 = arith.constant 0 : i32
    %dma_start3A_1520 = arith.constant 0 : i32
    %dma_start3A_1521 = tpu.memref_slice %arg2[%dma_start3A_1519, %add3A_1518, %dma_start3A_1520] : memref<4x4096x1024xf32, #tpu.memory_space<hbm>> -> memref<1x16x1024xf32, #tpu.memory_space<hbm>>
    %dma_start3A_1522 = tpu.memref_squeeze %dma_start3A_1521 : memref<1x16x1024xf32, #tpu.memory_space<hbm>> -> memref<16x1024xf32, #tpu.memory_space<hbm>>
    %dma_start3A_1523 = arith.constant 0 : i32
    %dma_start3A_1524 = tpu.memref_slice %arg2[%dma_start3A_1519, %add3A_1518, %dma_start3A_1523] : memref<4x4096x1024xf32, #tpu.memory_space<hbm>> -> memref<1x16x1024xf32, #tpu.memory_space<hbm>>
    %dma_start3A_1525 = tpu.memref_squeeze %dma_start3A_1524 : memref<1x16x1024xf32, #tpu.memory_space<hbm>> -> memref<16x1024xf32, #tpu.memory_space<hbm>>
    tpu.enqueue_dma source(%dma_start3A_1525 : memref<16x1024xf32, #tpu.memory_space<hbm>>) target(%arg5 : memref<16x1024xf32, #tpu.memory_space<vmem>>) target_semaphore(%arg12 : memref<!tpu.dma_semaphore, #tpu.memory_space<semaphore_mem>>)
    %dma_wait3A_1526 = arith.constant 1 : i32
    %dma_wait3A_1527 = arith.constant 3 : i32
    %dma_wait3A_1528 = arith.constant 0 : i32
    %dma_wait3A_1529 = tpu.memref_slice %arg4[%dma_wait3A_1527, %add3A_1450, %dma_wait3A_1528] : memref<4x4096x1024xf32, #tpu.memory_space<hbm>> -> memref<1x16x1024xf32, #tpu.memory_space<hbm>>
    %dma_wait3A_1530 = tpu.memref_squeeze %dma_wait3A_1529 : memref<1x16x1024xf32, #tpu.memory_space<hbm>> -> memref<16x1024xf32, #tpu.memory_space<hbm>>
    %dma_wait3A_1531 = arith.constant 0 : i32
    %dma_wait3A_1532 = arith.constant 0 : i32
    %dma_wait3A_1533 = tpu.memref_slice %arg11[%arg1, %dma_wait3A_1526, %dma_wait3A_1531, %dma_wait3A_1532] : memref<16x2x16x1024xf32, #tpu.memory_space<vmem_shared>> -> memref<1x1x16x1024xf32, #tpu.memory_space<vmem_shared>>
    %dma_wait3A_1534 = tpu.memref_squeeze %dma_wait3A_1533 : memref<1x1x16x1024xf32, #tpu.memory_space<vmem_shared>> -> memref<16x1024xf32, #tpu.memory_space<vmem_shared>>
    tpu.wait_dma2 semaphore(%arg21 : memref<!tpu.dma_semaphore, #tpu.memory_space<semaphore_mem>>) src(%dma_wait3A_1534 : memref<16x1024xf32, #tpu.memory_space<vmem_shared>>) dst(%dma_wait3A_1530 : memref<16x1024xf32, #tpu.memory_space<hbm>>)
    %parallel_loop3A_1535 = arith.constant 0 : i32
    %parallel_loop3A_1536 = arith.constant 1024 : i32
    %parallel_loop3A_1537 = arith.constant 1 : i32
    scf.for %parallel_loop3A_1904 = %parallel_loop3A_1535 to %parallel_loop3A_1536 step %parallel_loop3A_1537  : i32 {
      %parallel_loop3A_1905 = arith.constant 6 : i32
      %parallel_loop3A_1906 = arith.shrui %parallel_loop3A_1904, %parallel_loop3A_1905 : i32
      %parallel_loop3A_1907 = arith.constant 63 : i32
      %parallel_loop3A_1908 = arith.andi %parallel_loop3A_1904, %parallel_loop3A_1907 : i32
      %parallel_loop3A_1909 = arith.constant 4 : i32
      %parallel_loop3A_1910 = arith.shli %parallel_loop3A_1908, %parallel_loop3A_1909 : i32
      %parallel_loop3A_1911 = tpu.assume_multiple %parallel_loop3A_1910, 16 : i32
      %parallel_loop3A_1912 = arith.index_cast %parallel_loop3A_1906 : i32 to index
      %parallel_loop3A_1913 = arith.index_cast %parallel_loop3A_1911 : i32 to index
      %parallel_loop3A_1914 = tpu.vector_load %arg9[%parallel_loop3A_1912, %parallel_loop3A_1913] {strides = array<i32>} : memref<16x1024xf32, #tpu.memory_space<vmem>>, vector<1x16xf32>,
      %parallel_loop3A_1915 = vector.shape_cast %parallel_loop3A_1914 : vector<1x16xf32> to vector<16xf32>
      %parallel_loop3A_1916 = arith.index_cast %parallel_loop3A_1906 : i32 to index
      %parallel_loop3A_1917 = arith.index_cast %parallel_loop3A_1911 : i32 to index
      %parallel_loop3A_1918 = tpu.vector_load %arg6[%parallel_loop3A_1916, %parallel_loop3A_1917] {strides = array<i32>} : memref<16x1024xf32, #tpu.memory_space<vmem>>, vector<1x16xf32>,
      %parallel_loop3A_1919 = vector.shape_cast %parallel_loop3A_1918 : vector<1x16xf32> to vector<16xf32>
      %parallel_loop3A_1920 = vector.shape_cast %parallel_loop3A_1915 : vector<16xf32> to vector<1x16xf32>
      tpu.vector_store %arg6[%parallel_loop3A_1916, %parallel_loop3A_1917], %parallel_loop3A_1920 {add = true, strides = array<i32>} : memref<16x1024xf32, #tpu.memory_space<vmem>>, vector<1x16xf32>,
    } {sc.loop_unroll_factor = 8 : i64, sc.parallel_access}
    %dma_start3A_1538 = arith.constant 1 : i32
    %dma_start3A_1539 = arith.constant 0 : i32
    %dma_start3A_1540 = arith.constant 0 : i32
    %dma_start3A_1541 = tpu.memref_slice %arg11[%arg1, %dma_start3A_1538, %dma_start3A_1539, %dma_start3A_1540] : memref<16x2x16x1024xf32, #tpu.memory_space<vmem_shared>> -> memref<1x1x16x1024xf32, #tpu.memory_space<vmem_shared>>
    %dma_start3A_1542 = tpu.memref_squeeze %dma_start3A_1541 : memref<1x1x16x1024xf32, #tpu.memory_space<vmem_shared>> -> memref<16x1024xf32, #tpu.memory_space<vmem_shared>>
    %dma_start3A_1543 = arith.constant 0 : i32
    %dma_start3A_1544 = arith.constant 0 : i32
    %dma_start3A_1545 = tpu.memref_slice %arg11[%arg1, %dma_start3A_1538, %dma_start3A_1543, %dma_start3A_1544] : memref<16x2x16x1024xf32, #tpu.memory_space<vmem_shared>> -> memref<1x1x16x1024xf32, #tpu.memory_space<vmem_shared>>
    %dma_start3A_1546 = tpu.memref_squeeze %dma_start3A_1545 : memref<1x1x16x1024xf32, #tpu.memory_space<vmem_shared>> -> memref<16x1024xf32, #tpu.memory_space<vmem_shared>>
    tpu.enqueue_dma source(%arg6 : memref<16x1024xf32, #tpu.memory_space<vmem>>) target(%dma_start3A_1546 : memref<16x1024xf32, #tpu.memory_space<vmem_shared>>) target_semaphore(%arg19 : memref<!tpu.dma_semaphore, #tpu.memory_space<semaphore_mem>>)
    %dma_wait3A_1547 = arith.constant 2 : i32
    %dma_wait3A_1548 = arith.constant 0 : i32
    %dma_wait3A_1549 = tpu.memref_slice %arg2[%dma_wait3A_1547, %add3A_1394, %dma_wait3A_1548] : memref<4x4096x1024xf32, #tpu.memory_space<hbm>> -> memref<1x16x1024xf32, #tpu.memory_space<hbm>>
    %dma_wait3A_1550 = tpu.memref_squeeze %dma_wait3A_1549 : memref<1x16x1024xf32, #tpu.memory_space<hbm>> -> memref<16x1024xf32, #tpu.memory_space<hbm>>
    %dma_wait3A_1551 = arith.constant 0 : i32
    %dma_wait3A_1552 = tpu.memref_slice %arg2[%dma_wait3A_1547, %add3A_1394, %dma_wait3A_1551] : memref<4x4096x1024xf32, #tpu.memory_space<hbm>> -> memref<1x16x1024xf32, #tpu.memory_space<hbm>>
    %dma_wait3A_1553 = tpu.memref_squeeze %dma_wait3A_1552 : memref<1x16x1024xf32, #tpu.memory_space<hbm>> -> memref<16x1024xf32, #tpu.memory_space<hbm>>
    tpu.wait_dma2 semaphore(%arg14 : memref<!tpu.dma_semaphore, #tpu.memory_space<semaphore_mem>>) src(%dma_wait3A_1553 : memref<16x1024xf32, #tpu.memory_space<hbm>>) dst(%arg7 : memref<16x1024xf32, #tpu.memory_space<vmem>>)
    %dma_wait3A_1554 = arith.constant 1 : i32
    %dma_wait3A_1555 = arith.constant 0 : i32
    %dma_wait3A_1556 = arith.constant 0 : i32
    %dma_wait3A_1557 = tpu.memref_slice %arg11[%arg1, %dma_wait3A_1554, %dma_wait3A_1555, %dma_wait3A_1556] : memref<16x2x16x1024xf32, #tpu.memory_space<vmem_shared>> -> memref<1x1x16x1024xf32, #tpu.memory_space<vmem_shared>>
    %dma_wait3A_1558 = tpu.memref_squeeze %dma_wait3A_1557 : memref<1x1x16x1024xf32, #tpu.memory_space<vmem_shared>> -> memref<16x1024xf32, #tpu.memory_space<vmem_shared>>
    %dma_wait3A_1559 = arith.constant 0 : i32
    %dma_wait3A_1560 = arith.constant 0 : i32
    %dma_wait3A_1561 = tpu.memref_slice %arg11[%arg1, %dma_wait3A_1554, %dma_wait3A_1559, %dma_wait3A_1560] : memref<16x2x16x1024xf32, #tpu.memory_space<vmem_shared>> -> memref<1x1x16x1024xf32, #tpu.memory_space<vmem_shared>>
    %dma_wait3A_1562 = tpu.memref_squeeze %dma_wait3A_1561 : memref<1x1x16x1024xf32, #tpu.memory_space<vmem_shared>> -> memref<16x1024xf32, #tpu.memory_space<vmem_shared>>
    tpu.wait_dma2 semaphore(%arg19 : memref<!tpu.dma_semaphore, #tpu.memory_space<semaphore_mem>>) src(%arg6 : memref<16x1024xf32, #tpu.memory_space<vmem>>) dst(%dma_wait3A_1562 : memref<16x1024xf32, #tpu.memory_space<vmem_shared>>)
    %add3A_1563 = arith.constant 96 : i32
    %add3A_1564 = arith.addi %mul3A_2, %add3A_1563 : i32
    %dma_start3A_1565 = arith.constant 1 : i32
    %dma_start3A_1566 = arith.constant 1 : i32
    %dma_start3A_1567 = arith.constant 0 : i32
    %dma_start3A_1568 = tpu.memref_slice %arg4[%dma_start3A_1566, %add3A_1564, %dma_start3A_1567] : memref<4x4096x1024xf32, #tpu.memory_space<hbm>> -> memref<1x16x1024xf32, #tpu.memory_space<hbm>>
    %dma_start3A_1569 = tpu.memref_squeeze %dma_start3A_1568 : memref<1x16x1024xf32, #tpu.memory_space<hbm>> -> memref<16x1024xf32, #tpu.memory_space<hbm>>
    %dma_start3A_1570 = arith.constant 0 : i32
    %dma_start3A_1571 = arith.constant 0 : i32
    %dma_start3A_1572 = tpu.memref_slice %arg11[%arg1, %dma_start3A_1565, %dma_start3A_1570, %dma_start3A_1571] : memref<16x2x16x1024xf32, #tpu.memory_space<vmem_shared>> -> memref<1x1x16x1024xf32, #tpu.memory_space<vmem_shared>>
    %dma_start3A_1573 = tpu.memref_squeeze %dma_start3A_1572 : memref<1x1x16x1024xf32, #tpu.memory_space<vmem_shared>> -> memref<16x1024xf32, #tpu.memory_space<vmem_shared>>
    tpu.enqueue_dma source(%dma_start3A_1573 : memref<16x1024xf32, #tpu.memory_space<vmem_shared>>) target(%dma_start3A_1569 : memref<16x1024xf32, #tpu.memory_space<hbm>>) target_semaphore(%arg21 : memref<!tpu.dma_semaphore, #tpu.memory_space<semaphore_mem>>)
    %add3A_1574 = arith.constant 112 : i32
    %add3A_1575 = arith.addi %mul3A_2, %add3A_1574 : i32
    %dma_start3A_1576 = arith.constant 1 : i32
    %dma_start3A_1577 = arith.constant 0 : i32
    %dma_start3A_1578 = tpu.memref_slice %arg2[%dma_start3A_1576, %add3A_1575, %dma_start3A_1577] : memref<4x4096x1024xf32, #tpu.memory_space<hbm>> -> memref<1x16x1024xf32, #tpu.memory_space<hbm>>
    %dma_start3A_1579 = tpu.memref_squeeze %dma_start3A_1578 : memref<1x16x1024xf32, #tpu.memory_space<hbm>> -> memref<16x1024xf32, #tpu.memory_space<hbm>>
    %dma_start3A_1580 = arith.constant 0 : i32
    %dma_start3A_1581 = tpu.memref_slice %arg2[%dma_start3A_1576, %add3A_1575, %dma_start3A_1580] : memref<4x4096x1024xf32, #tpu.memory_space<hbm>> -> memref<1x16x1024xf32, #tpu.memory_space<hbm>>
    %dma_start3A_1582 = tpu.memref_squeeze %dma_start3A_1581 : memref<1x16x1024xf32, #tpu.memory_space<hbm>> -> memref<16x1024xf32, #tpu.memory_space<hbm>>
    tpu.enqueue_dma source(%dma_start3A_1582 : memref<16x1024xf32, #tpu.memory_space<hbm>>) target(%arg6 : memref<16x1024xf32, #tpu.memory_space<vmem>>) target_semaphore(%arg13 : memref<!tpu.dma_semaphore, #tpu.memory_space<semaphore_mem>>)
    %dma_wait3A_1583 = arith.constant 0 : i32
    %dma_wait3A_1584 = arith.constant 0 : i32
    %dma_wait3A_1585 = arith.constant 0 : i32
    %dma_wait3A_1586 = tpu.memref_slice %arg4[%dma_wait3A_1584, %add3A_1507, %dma_wait3A_1585] : memref<4x4096x1024xf32, #tpu.memory_space<hbm>> -> memref<1x16x1024xf32, #tpu.memory_space<hbm>>
    %dma_wait3A_1587 = tpu.memref_squeeze %dma_wait3A_1586 : memref<1x16x1024xf32, #tpu.memory_space<hbm>> -> memref<16x1024xf32, #tpu.memory_space<hbm>>
    %dma_wait3A_1588 = arith.constant 0 : i32
    %dma_wait3A_1589 = arith.constant 0 : i32
    %dma_wait3A_1590 = tpu.memref_slice %arg11[%arg1, %dma_wait3A_1583, %dma_wait3A_1588, %dma_wait3A_1589] : memref<16x2x16x1024xf32, #tpu.memory_space<vmem_shared>> -> memref<1x1x16x1024xf32, #tpu.memory_space<vmem_shared>>
    %dma_wait3A_1591 = tpu.memref_squeeze %dma_wait3A_1590 : memref<1x1x16x1024xf32, #tpu.memory_space<vmem_shared>> -> memref<16x1024xf32, #tpu.memory_space<vmem_shared>>
    tpu.wait_dma2 semaphore(%arg20 : memref<!tpu.dma_semaphore, #tpu.memory_space<semaphore_mem>>) src(%dma_wait3A_1591 : memref<16x1024xf32, #tpu.memory_space<vmem_shared>>) dst(%dma_wait3A_1587 : memref<16x1024xf32, #tpu.memory_space<hbm>>)
    %parallel_loop3A_1592 = arith.constant 0 : i32
    %parallel_loop3A_1593 = arith.constant 1024 : i32
    %parallel_loop3A_1594 = arith.constant 1 : i32
    scf.for %parallel_loop3A_1904 = %parallel_loop3A_1592 to %parallel_loop3A_1593 step %parallel_loop3A_1594  : i32 {
      %parallel_loop3A_1905 = arith.constant 6 : i32
      %parallel_loop3A_1906 = arith.shrui %parallel_loop3A_1904, %parallel_loop3A_1905 : i32
      %parallel_loop3A_1907 = arith.constant 63 : i32
      %parallel_loop3A_1908 = arith.andi %parallel_loop3A_1904, %parallel_loop3A_1907 : i32
      %parallel_loop3A_1909 = arith.constant 4 : i32
      %parallel_loop3A_1910 = arith.shli %parallel_loop3A_1908, %parallel_loop3A_1909 : i32
      %parallel_loop3A_1911 = tpu.assume_multiple %parallel_loop3A_1910, 16 : i32
      %parallel_loop3A_1912 = arith.index_cast %parallel_loop3A_1906 : i32 to index
      %parallel_loop3A_1913 = arith.index_cast %parallel_loop3A_1911 : i32 to index
      %parallel_loop3A_1914 = tpu.vector_load %arg9[%parallel_loop3A_1912, %parallel_loop3A_1913] {strides = array<i32>} : memref<16x1024xf32, #tpu.memory_space<vmem>>, vector<1x16xf32>,
      %parallel_loop3A_1915 = vector.shape_cast %parallel_loop3A_1914 : vector<1x16xf32> to vector<16xf32>
      %parallel_loop3A_1916 = arith.index_cast %parallel_loop3A_1906 : i32 to index
      %parallel_loop3A_1917 = arith.index_cast %parallel_loop3A_1911 : i32 to index
      %parallel_loop3A_1918 = tpu.vector_load %arg7[%parallel_loop3A_1916, %parallel_loop3A_1917] {strides = array<i32>} : memref<16x1024xf32, #tpu.memory_space<vmem>>, vector<1x16xf32>,
      %parallel_loop3A_1919 = vector.shape_cast %parallel_loop3A_1918 : vector<1x16xf32> to vector<16xf32>
      %parallel_loop3A_1920 = vector.shape_cast %parallel_loop3A_1915 : vector<16xf32> to vector<1x16xf32>
      tpu.vector_store %arg7[%parallel_loop3A_1916, %parallel_loop3A_1917], %parallel_loop3A_1920 {add = true, strides = array<i32>} : memref<16x1024xf32, #tpu.memory_space<vmem>>, vector<1x16xf32>,
    } {sc.loop_unroll_factor = 8 : i64, sc.parallel_access}
    %dma_start3A_1595 = arith.constant 0 : i32
    %dma_start3A_1596 = arith.constant 0 : i32
    %dma_start3A_1597 = arith.constant 0 : i32
    %dma_start3A_1598 = tpu.memref_slice %arg11[%arg1, %dma_start3A_1595, %dma_start3A_1596, %dma_start3A_1597] : memref<16x2x16x1024xf32, #tpu.memory_space<vmem_shared>> -> memref<1x1x16x1024xf32, #tpu.memory_space<vmem_shared>>
    %dma_start3A_1599 = tpu.memref_squeeze %dma_start3A_1598 : memref<1x1x16x1024xf32, #tpu.memory_space<vmem_shared>> -> memref<16x1024xf32, #tpu.memory_space<vmem_shared>>
    %dma_start3A_1600 = arith.constant 0 : i32
    %dma_start3A_1601 = arith.constant 0 : i32
    %dma_start3A_1602 = tpu.memref_slice %arg11[%arg1, %dma_start3A_1595, %dma_start3A_1600, %dma_start3A_1601] : memref<16x2x16x1024xf32, #tpu.memory_space<vmem_shared>> -> memref<1x1x16x1024xf32, #tpu.memory_space<vmem_shared>>
    %dma_start3A_1603 = tpu.memref_squeeze %dma_start3A_1602 : memref<1x1x16x1024xf32, #tpu.memory_space<vmem_shared>> -> memref<16x1024xf32, #tpu.memory_space<vmem_shared>>
    tpu.enqueue_dma source(%arg7 : memref<16x1024xf32, #tpu.memory_space<vmem>>) target(%dma_start3A_1603 : memref<16x1024xf32, #tpu.memory_space<vmem_shared>>) target_semaphore(%arg18 : memref<!tpu.dma_semaphore, #tpu.memory_space<semaphore_mem>>)
    %dma_wait3A_1604 = arith.constant 3 : i32
    %dma_wait3A_1605 = arith.constant 0 : i32
    %dma_wait3A_1606 = tpu.memref_slice %arg2[%dma_wait3A_1604, %add3A_1461, %dma_wait3A_1605] : memref<4x4096x1024xf32, #tpu.memory_space<hbm>> -> memref<1x16x1024xf32, #tpu.memory_space<hbm>>
    %dma_wait3A_1607 = tpu.memref_squeeze %dma_wait3A_1606 : memref<1x16x1024xf32, #tpu.memory_space<hbm>> -> memref<16x1024xf32, #tpu.memory_space<hbm>>
    %dma_wait3A_1608 = arith.constant 0 : i32
    %dma_wait3A_1609 = tpu.memref_slice %arg2[%dma_wait3A_1604, %add3A_1461, %dma_wait3A_1608] : memref<4x4096x1024xf32, #tpu.memory_space<hbm>> -> memref<1x16x1024xf32, #tpu.memory_space<hbm>>
    %dma_wait3A_1610 = tpu.memref_squeeze %dma_wait3A_1609 : memref<1x16x1024xf32, #tpu.memory_space<hbm>> -> memref<16x1024xf32, #tpu.memory_space<hbm>>
    tpu.wait_dma2 semaphore(%arg15 : memref<!tpu.dma_semaphore, #tpu.memory_space<semaphore_mem>>) src(%dma_wait3A_1610 : memref<16x1024xf32, #tpu.memory_space<hbm>>) dst(%arg8 : memref<16x1024xf32, #tpu.memory_space<vmem>>)
    %dma_wait3A_1611 = arith.constant 0 : i32
    %dma_wait3A_1612 = arith.constant 0 : i32
    %dma_wait3A_1613 = arith.constant 0 : i32
    %dma_wait3A_1614 = tpu.memref_slice %arg11[%arg1, %dma_wait3A_1611, %dma_wait3A_1612, %dma_wait3A_1613] : memref<16x2x16x1024xf32, #tpu.memory_space<vmem_shared>> -> memref<1x1x16x1024xf32, #tpu.memory_space<vmem_shared>>
    %dma_wait3A_1615 = tpu.memref_squeeze %dma_wait3A_1614 : memref<1x1x16x1024xf32, #tpu.memory_space<vmem_shared>> -> memref<16x1024xf32, #tpu.memory_space<vmem_shared>>
    %dma_wait3A_1616 = arith.constant 0 : i32
    %dma_wait3A_1617 = arith.constant 0 : i32
    %dma_wait3A_1618 = tpu.memref_slice %arg11[%arg1, %dma_wait3A_1611, %dma_wait3A_1616, %dma_wait3A_1617] : memref<16x2x16x1024xf32, #tpu.memory_space<vmem_shared>> -> memref<1x1x16x1024xf32, #tpu.memory_space<vmem_shared>>
    %dma_wait3A_1619 = tpu.memref_squeeze %dma_wait3A_1618 : memref<1x1x16x1024xf32, #tpu.memory_space<vmem_shared>> -> memref<16x1024xf32, #tpu.memory_space<vmem_shared>>
    tpu.wait_dma2 semaphore(%arg18 : memref<!tpu.dma_semaphore, #tpu.memory_space<semaphore_mem>>) src(%arg7 : memref<16x1024xf32, #tpu.memory_space<vmem>>) dst(%dma_wait3A_1619 : memref<16x1024xf32, #tpu.memory_space<vmem_shared>>)
    %add3A_1620 = arith.constant 96 : i32
    %add3A_1621 = arith.addi %mul3A_2, %add3A_1620 : i32
    %dma_start3A_1622 = arith.constant 0 : i32
    %dma_start3A_1623 = arith.constant 2 : i32
    %dma_start3A_1624 = arith.constant 0 : i32
    %dma_start3A_1625 = tpu.memref_slice %arg4[%dma_start3A_1623, %add3A_1621, %dma_start3A_1624] : memref<4x4096x1024xf32, #tpu.memory_space<hbm>> -> memref<1x16x1024xf32, #tpu.memory_space<hbm>>
    %dma_start3A_1626 = tpu.memref_squeeze %dma_start3A_1625 : memref<1x16x1024xf32, #tpu.memory_space<hbm>> -> memref<16x1024xf32, #tpu.memory_space<hbm>>
    %dma_start3A_1627 = arith.constant 0 : i32
    %dma_start3A_1628 = arith.constant 0 : i32
    %dma_start3A_1629 = tpu.memref_slice %arg11[%arg1, %dma_start3A_1622, %dma_start3A_1627, %dma_start3A_1628] : memref<16x2x16x1024xf32, #tpu.memory_space<vmem_shared>> -> memref<1x1x16x1024xf32, #tpu.memory_space<vmem_shared>>
    %dma_start3A_1630 = tpu.memref_squeeze %dma_start3A_1629 : memref<1x1x16x1024xf32, #tpu.memory_space<vmem_shared>> -> memref<16x1024xf32, #tpu.memory_space<vmem_shared>>
    tpu.enqueue_dma source(%dma_start3A_1630 : memref<16x1024xf32, #tpu.memory_space<vmem_shared>>) target(%dma_start3A_1626 : memref<16x1024xf32, #tpu.memory_space<hbm>>) target_semaphore(%arg20 : memref<!tpu.dma_semaphore, #tpu.memory_space<semaphore_mem>>)
    %add3A_1631 = arith.constant 112 : i32
    %add3A_1632 = arith.addi %mul3A_2, %add3A_1631 : i32
    %dma_start3A_1633 = arith.constant 2 : i32
    %dma_start3A_1634 = arith.constant 0 : i32
    %dma_start3A_1635 = tpu.memref_slice %arg2[%dma_start3A_1633, %add3A_1632, %dma_start3A_1634] : memref<4x4096x1024xf32, #tpu.memory_space<hbm>> -> memref<1x16x1024xf32, #tpu.memory_space<hbm>>
    %dma_start3A_1636 = tpu.memref_squeeze %dma_start3A_1635 : memref<1x16x1024xf32, #tpu.memory_space<hbm>> -> memref<16x1024xf32, #tpu.memory_space<hbm>>
    %dma_start3A_1637 = arith.constant 0 : i32
    %dma_start3A_1638 = tpu.memref_slice %arg2[%dma_start3A_1633, %add3A_1632, %dma_start3A_1637] : memref<4x4096x1024xf32, #tpu.memory_space<hbm>> -> memref<1x16x1024xf32, #tpu.memory_space<hbm>>
    %dma_start3A_1639 = tpu.memref_squeeze %dma_start3A_1638 : memref<1x16x1024xf32, #tpu.memory_space<hbm>> -> memref<16x1024xf32, #tpu.memory_space<hbm>>
    tpu.enqueue_dma source(%dma_start3A_1639 : memref<16x1024xf32, #tpu.memory_space<hbm>>) target(%arg7 : memref<16x1024xf32, #tpu.memory_space<vmem>>) target_semaphore(%arg14 : memref<!tpu.dma_semaphore, #tpu.memory_space<semaphore_mem>>)
    %dma_wait3A_1640 = arith.constant 1 : i32
    %dma_wait3A_1641 = arith.constant 1 : i32
    %dma_wait3A_1642 = arith.constant 0 : i32
    %dma_wait3A_1643 = tpu.memref_slice %arg4[%dma_wait3A_1641, %add3A_1564, %dma_wait3A_1642] : memref<4x4096x1024xf32, #tpu.memory_space<hbm>> -> memref<1x16x1024xf32, #tpu.memory_space<hbm>>
    %dma_wait3A_1644 = tpu.memref_squeeze %dma_wait3A_1643 : memref<1x16x1024xf32, #tpu.memory_space<hbm>> -> memref<16x1024xf32, #tpu.memory_space<hbm>>
    %dma_wait3A_1645 = arith.constant 0 : i32
    %dma_wait3A_1646 = arith.constant 0 : i32
    %dma_wait3A_1647 = tpu.memref_slice %arg11[%arg1, %dma_wait3A_1640, %dma_wait3A_1645, %dma_wait3A_1646] : memref<16x2x16x1024xf32, #tpu.memory_space<vmem_shared>> -> memref<1x1x16x1024xf32, #tpu.memory_space<vmem_shared>>
    %dma_wait3A_1648 = tpu.memref_squeeze %dma_wait3A_1647 : memref<1x1x16x1024xf32, #tpu.memory_space<vmem_shared>> -> memref<16x1024xf32, #tpu.memory_space<vmem_shared>>
    tpu.wait_dma2 semaphore(%arg21 : memref<!tpu.dma_semaphore, #tpu.memory_space<semaphore_mem>>) src(%dma_wait3A_1648 : memref<16x1024xf32, #tpu.memory_space<vmem_shared>>) dst(%dma_wait3A_1644 : memref<16x1024xf32, #tpu.memory_space<hbm>>)
    %parallel_loop3A_1649 = arith.constant 0 : i32
    %parallel_loop3A_1650 = arith.constant 1024 : i32
    %parallel_loop3A_1651 = arith.constant 1 : i32
    scf.for %parallel_loop3A_1904 = %parallel_loop3A_1649 to %parallel_loop3A_1650 step %parallel_loop3A_1651  : i32 {
      %parallel_loop3A_1905 = arith.constant 6 : i32
      %parallel_loop3A_1906 = arith.shrui %parallel_loop3A_1904, %parallel_loop3A_1905 : i32
      %parallel_loop3A_1907 = arith.constant 63 : i32
      %parallel_loop3A_1908 = arith.andi %parallel_loop3A_1904, %parallel_loop3A_1907 : i32
      %parallel_loop3A_1909 = arith.constant 4 : i32
      %parallel_loop3A_1910 = arith.shli %parallel_loop3A_1908, %parallel_loop3A_1909 : i32
      %parallel_loop3A_1911 = tpu.assume_multiple %parallel_loop3A_1910, 16 : i32
      %parallel_loop3A_1912 = arith.index_cast %parallel_loop3A_1906 : i32 to index
      %parallel_loop3A_1913 = arith.index_cast %parallel_loop3A_1911 : i32 to index
      %parallel_loop3A_1914 = tpu.vector_load %arg9[%parallel_loop3A_1912, %parallel_loop3A_1913] {strides = array<i32>} : memref<16x1024xf32, #tpu.memory_space<vmem>>, vector<1x16xf32>,
      %parallel_loop3A_1915 = vector.shape_cast %parallel_loop3A_1914 : vector<1x16xf32> to vector<16xf32>
      %parallel_loop3A_1916 = arith.index_cast %parallel_loop3A_1906 : i32 to index
      %parallel_loop3A_1917 = arith.index_cast %parallel_loop3A_1911 : i32 to index
      %parallel_loop3A_1918 = tpu.vector_load %arg8[%parallel_loop3A_1916, %parallel_loop3A_1917] {strides = array<i32>} : memref<16x1024xf32, #tpu.memory_space<vmem>>, vector<1x16xf32>,
      %parallel_loop3A_1919 = vector.shape_cast %parallel_loop3A_1918 : vector<1x16xf32> to vector<16xf32>
      %parallel_loop3A_1920 = vector.shape_cast %parallel_loop3A_1915 : vector<16xf32> to vector<1x16xf32>
      tpu.vector_store %arg8[%parallel_loop3A_1916, %parallel_loop3A_1917], %parallel_loop3A_1920 {add = true, strides = array<i32>} : memref<16x1024xf32, #tpu.memory_space<vmem>>, vector<1x16xf32>,
    } {sc.loop_unroll_factor = 8 : i64, sc.parallel_access}
    %dma_start3A_1652 = arith.constant 1 : i32
    %dma_start3A_1653 = arith.constant 0 : i32
    %dma_start3A_1654 = arith.constant 0 : i32
    %dma_start3A_1655 = tpu.memref_slice %arg11[%arg1, %dma_start3A_1652, %dma_start3A_1653, %dma_start3A_1654] : memref<16x2x16x1024xf32, #tpu.memory_space<vmem_shared>> -> memref<1x1x16x1024xf32, #tpu.memory_space<vmem_shared>>
    %dma_start3A_1656 = tpu.memref_squeeze %dma_start3A_1655 : memref<1x1x16x1024xf32, #tpu.memory_space<vmem_shared>> -> memref<16x1024xf32, #tpu.memory_space<vmem_shared>>
    %dma_start3A_1657 = arith.constant 0 : i32
    %dma_start3A_1658 = arith.constant 0 : i32
    %dma_start3A_1659 = tpu.memref_slice %arg11[%arg1, %dma_start3A_1652, %dma_start3A_1657, %dma_start3A_1658] : memref<16x2x16x1024xf32, #tpu.memory_space<vmem_shared>> -> memref<1x1x16x1024xf32, #tpu.memory_space<vmem_shared>>
    %dma_start3A_1660 = tpu.memref_squeeze %dma_start3A_1659 : memref<1x1x16x1024xf32, #tpu.memory_space<vmem_shared>> -> memref<16x1024xf32, #tpu.memory_space<vmem_shared>>
    tpu.enqueue_dma source(%arg8 : memref<16x1024xf32, #tpu.memory_space<vmem>>) target(%dma_start3A_1660 : memref<16x1024xf32, #tpu.memory_space<vmem_shared>>) target_semaphore(%arg19 : memref<!tpu.dma_semaphore, #tpu.memory_space<semaphore_mem>>)
    %dma_wait3A_1661 = arith.constant 0 : i32
    %dma_wait3A_1662 = arith.constant 0 : i32
    %dma_wait3A_1663 = tpu.memref_slice %arg2[%dma_wait3A_1661, %add3A_1518, %dma_wait3A_1662] : memref<4x4096x1024xf32, #tpu.memory_space<hbm>> -> memref<1x16x1024xf32, #tpu.memory_space<hbm>>
    %dma_wait3A_1664 = tpu.memref_squeeze %dma_wait3A_1663 : memref<1x16x1024xf32, #tpu.memory_space<hbm>> -> memref<16x1024xf32, #tpu.memory_space<hbm>>
    %dma_wait3A_1665 = arith.constant 0 : i32
    %dma_wait3A_1666 = tpu.memref_slice %arg2[%dma_wait3A_1661, %add3A_1518, %dma_wait3A_1665] : memref<4x4096x1024xf32, #tpu.memory_space<hbm>> -> memref<1x16x1024xf32, #tpu.memory_space<hbm>>
    %dma_wait3A_1667 = tpu.memref_squeeze %dma_wait3A_1666 : memref<1x16x1024xf32, #tpu.memory_space<hbm>> -> memref<16x1024xf32, #tpu.memory_space<hbm>>
    tpu.wait_dma2 semaphore(%arg12 : memref<!tpu.dma_semaphore, #tpu.memory_space<semaphore_mem>>) src(%dma_wait3A_1667 : memref<16x1024xf32, #tpu.memory_space<hbm>>) dst(%arg5 : memref<16x1024xf32, #tpu.memory_space<vmem>>)
    %dma_wait3A_1668 = arith.constant 0 : i32
    %dma_wait3A_1669 = tpu.memref_slice %arg3[%add3A_1424, %dma_wait3A_1668] : memref<8192x1024xf32, #tpu.memory_space<hbm>> -> memref<16x1024xf32, #tpu.memory_space<hbm>>
    %dma_wait3A_1670 = arith.constant 0 : i32
    %dma_wait3A_1671 = tpu.memref_slice %arg3[%add3A_1424, %dma_wait3A_1670] : memref<8192x1024xf32, #tpu.memory_space<hbm>> -> memref<16x1024xf32, #tpu.memory_space<hbm>>
    tpu.wait_dma2 semaphore(%arg17 : memref<!tpu.dma_semaphore, #tpu.memory_space<semaphore_mem>>) src(%dma_wait3A_1671 : memref<16x1024xf32, #tpu.memory_space<hbm>>) dst(%arg10 : memref<16x1024xf32, #tpu.memory_space<vmem>>)
    %dma_wait3A_1672 = arith.constant 1 : i32
    %dma_wait3A_1673 = arith.constant 0 : i32
    %dma_wait3A_1674 = arith.constant 0 : i32
    %dma_wait3A_1675 = tpu.memref_slice %arg11[%arg1, %dma_wait3A_1672, %dma_wait3A_1673, %dma_wait3A_1674] : memref<16x2x16x1024xf32, #tpu.memory_space<vmem_shared>> -> memref<1x1x16x1024xf32, #tpu.memory_space<vmem_shared>>
    %dma_wait3A_1676 = tpu.memref_squeeze %dma_wait3A_1675 : memref<1x1x16x1024xf32, #tpu.memory_space<vmem_shared>> -> memref<16x1024xf32, #tpu.memory_space<vmem_shared>>
    %dma_wait3A_1677 = arith.constant 0 : i32
    %dma_wait3A_1678 = arith.constant 0 : i32
    %dma_wait3A_1679 = tpu.memref_slice %arg11[%arg1, %dma_wait3A_1672, %dma_wait3A_1677, %dma_wait3A_1678] : memref<16x2x16x1024xf32, #tpu.memory_space<vmem_shared>> -> memref<1x1x16x1024xf32, #tpu.memory_space<vmem_shared>>
    %dma_wait3A_1680 = tpu.memref_squeeze %dma_wait3A_1679 : memref<1x1x16x1024xf32, #tpu.memory_space<vmem_shared>> -> memref<16x1024xf32, #tpu.memory_space<vmem_shared>>
    tpu.wait_dma2 semaphore(%arg19 : memref<!tpu.dma_semaphore, #tpu.memory_space<semaphore_mem>>) src(%arg8 : memref<16x1024xf32, #tpu.memory_space<vmem>>) dst(%dma_wait3A_1680 : memref<16x1024xf32, #tpu.memory_space<vmem_shared>>)
    %add3A_1681 = arith.constant 96 : i32
    %add3A_1682 = arith.addi %mul3A_2, %add3A_1681 : i32
    %dma_start3A_1683 = arith.constant 1 : i32
    %dma_start3A_1684 = arith.constant 3 : i32
    %dma_start3A_1685 = arith.constant 0 : i32
    %dma_start3A_1686 = tpu.memref_slice %arg4[%dma_start3A_1684, %add3A_1682, %dma_start3A_1685] : memref<4x4096x1024xf32, #tpu.memory_space<hbm>> -> memref<1x16x1024xf32, #tpu.memory_space<hbm>>
    %dma_start3A_1687 = tpu.memref_squeeze %dma_start3A_1686 : memref<1x16x1024xf32, #tpu.memory_space<hbm>> -> memref<16x1024xf32, #tpu.memory_space<hbm>>
    %dma_start3A_1688 = arith.constant 0 : i32
    %dma_start3A_1689 = arith.constant 0 : i32
    %dma_start3A_1690 = tpu.memref_slice %arg11[%arg1, %dma_start3A_1683, %dma_start3A_1688, %dma_start3A_1689] : memref<16x2x16x1024xf32, #tpu.memory_space<vmem_shared>> -> memref<1x1x16x1024xf32, #tpu.memory_space<vmem_shared>>
    %dma_start3A_1691 = tpu.memref_squeeze %dma_start3A_1690 : memref<1x1x16x1024xf32, #tpu.memory_space<vmem_shared>> -> memref<16x1024xf32, #tpu.memory_space<vmem_shared>>
    tpu.enqueue_dma source(%dma_start3A_1691 : memref<16x1024xf32, #tpu.memory_space<vmem_shared>>) target(%dma_start3A_1687 : memref<16x1024xf32, #tpu.memory_space<hbm>>) target_semaphore(%arg21 : memref<!tpu.dma_semaphore, #tpu.memory_space<semaphore_mem>>)
    %add3A_1692 = arith.constant 112 : i32
    %add3A_1693 = arith.addi %mul3A_2, %add3A_1692 : i32
    %dma_start3A_1694 = arith.constant 3 : i32
    %dma_start3A_1695 = arith.constant 0 : i32
    %dma_start3A_1696 = tpu.memref_slice %arg2[%dma_start3A_1694, %add3A_1693, %dma_start3A_1695] : memref<4x4096x1024xf32, #tpu.memory_space<hbm>> -> memref<1x16x1024xf32, #tpu.memory_space<hbm>>
    %dma_start3A_1697 = tpu.memref_squeeze %dma_start3A_1696 : memref<1x16x1024xf32, #tpu.memory_space<hbm>> -> memref<16x1024xf32, #tpu.memory_space<hbm>>
    %dma_start3A_1698 = arith.constant 0 : i32
    %dma_start3A_1699 = tpu.memref_slice %arg2[%dma_start3A_1694, %add3A_1693, %dma_start3A_1698] : memref<4x4096x1024xf32, #tpu.memory_space<hbm>> -> memref<1x16x1024xf32, #tpu.memory_space<hbm>>
    %dma_start3A_1700 = tpu.memref_squeeze %dma_start3A_1699 : memref<1x16x1024xf32, #tpu.memory_space<hbm>> -> memref<16x1024xf32, #tpu.memory_space<hbm>>
    tpu.enqueue_dma source(%dma_start3A_1700 : memref<16x1024xf32, #tpu.memory_space<hbm>>) target(%arg8 : memref<16x1024xf32, #tpu.memory_space<vmem>>) target_semaphore(%arg15 : memref<!tpu.dma_semaphore, #tpu.memory_space<semaphore_mem>>)
    %dma_wait3A_1701 = arith.constant 0 : i32
    %dma_wait3A_1702 = arith.constant 2 : i32
    %dma_wait3A_1703 = arith.constant 0 : i32
    %dma_wait3A_1704 = tpu.memref_slice %arg4[%dma_wait3A_1702, %add3A_1621, %dma_wait3A_1703] : memref<4x4096x1024xf32, #tpu.memory_space<hbm>> -> memref<1x16x1024xf32, #tpu.memory_space<hbm>>
    %dma_wait3A_1705 = tpu.memref_squeeze %dma_wait3A_1704 : memref<1x16x1024xf32, #tpu.memory_space<hbm>> -> memref<16x1024xf32, #tpu.memory_space<hbm>>
    %dma_wait3A_1706 = arith.constant 0 : i32
    %dma_wait3A_1707 = arith.constant 0 : i32
    %dma_wait3A_1708 = tpu.memref_slice %arg11[%arg1, %dma_wait3A_1701, %dma_wait3A_1706, %dma_wait3A_1707] : memref<16x2x16x1024xf32, #tpu.memory_space<vmem_shared>> -> memref<1x1x16x1024xf32, #tpu.memory_space<vmem_shared>>
    %dma_wait3A_1709 = tpu.memref_squeeze %dma_wait3A_1708 : memref<1x1x16x1024xf32, #tpu.memory_space<vmem_shared>> -> memref<16x1024xf32, #tpu.memory_space<vmem_shared>>
    tpu.wait_dma2 semaphore(%arg20 : memref<!tpu.dma_semaphore, #tpu.memory_space<semaphore_mem>>) src(%dma_wait3A_1709 : memref<16x1024xf32, #tpu.memory_space<vmem_shared>>) dst(%dma_wait3A_1705 : memref<16x1024xf32, #tpu.memory_space<hbm>>)
    %parallel_loop3A_1710 = arith.constant 0 : i32
    %parallel_loop3A_1711 = arith.constant 1024 : i32
    %parallel_loop3A_1712 = arith.constant 1 : i32
    scf.for %parallel_loop3A_1904 = %parallel_loop3A_1710 to %parallel_loop3A_1711 step %parallel_loop3A_1712  : i32 {
      %parallel_loop3A_1905 = arith.constant 6 : i32
      %parallel_loop3A_1906 = arith.shrui %parallel_loop3A_1904, %parallel_loop3A_1905 : i32
      %parallel_loop3A_1907 = arith.constant 63 : i32
      %parallel_loop3A_1908 = arith.andi %parallel_loop3A_1904, %parallel_loop3A_1907 : i32
      %parallel_loop3A_1909 = arith.constant 4 : i32
      %parallel_loop3A_1910 = arith.shli %parallel_loop3A_1908, %parallel_loop3A_1909 : i32
      %parallel_loop3A_1911 = tpu.assume_multiple %parallel_loop3A_1910, 16 : i32
      %parallel_loop3A_1912 = arith.index_cast %parallel_loop3A_1906 : i32 to index
      %parallel_loop3A_1913 = arith.index_cast %parallel_loop3A_1911 : i32 to index
      %parallel_loop3A_1914 = tpu.vector_load %arg10[%parallel_loop3A_1912, %parallel_loop3A_1913] {strides = array<i32>} : memref<16x1024xf32, #tpu.memory_space<vmem>>, vector<1x16xf32>,
      %parallel_loop3A_1915 = vector.shape_cast %parallel_loop3A_1914 : vector<1x16xf32> to vector<16xf32>
      %parallel_loop3A_1916 = arith.index_cast %parallel_loop3A_1906 : i32 to index
      %parallel_loop3A_1917 = arith.index_cast %parallel_loop3A_1911 : i32 to index
      %parallel_loop3A_1918 = tpu.vector_load %arg5[%parallel_loop3A_1916, %parallel_loop3A_1917] {strides = array<i32>} : memref<16x1024xf32, #tpu.memory_space<vmem>>, vector<1x16xf32>,
      %parallel_loop3A_1919 = vector.shape_cast %parallel_loop3A_1918 : vector<1x16xf32> to vector<16xf32>
      %parallel_loop3A_1920 = vector.shape_cast %parallel_loop3A_1915 : vector<16xf32> to vector<1x16xf32>
      tpu.vector_store %arg5[%parallel_loop3A_1916, %parallel_loop3A_1917], %parallel_loop3A_1920 {add = true, strides = array<i32>} : memref<16x1024xf32, #tpu.memory_space<vmem>>, vector<1x16xf32>,
    } {sc.loop_unroll_factor = 8 : i64, sc.parallel_access}
    %dma_start3A_1713 = arith.constant 0 : i32
    %dma_start3A_1714 = arith.constant 0 : i32
    %dma_start3A_1715 = arith.constant 0 : i32
    %dma_start3A_1716 = tpu.memref_slice %arg11[%arg1, %dma_start3A_1713, %dma_start3A_1714, %dma_start3A_1715] : memref<16x2x16x1024xf32, #tpu.memory_space<vmem_shared>> -> memref<1x1x16x1024xf32, #tpu.memory_space<vmem_shared>>
    %dma_start3A_1717 = tpu.memref_squeeze %dma_start3A_1716 : memref<1x1x16x1024xf32, #tpu.memory_space<vmem_shared>> -> memref<16x1024xf32, #tpu.memory_space<vmem_shared>>
    %dma_start3A_1718 = arith.constant 0 : i32
    %dma_start3A_1719 = arith.constant 0 : i32
    %dma_start3A_1720 = tpu.memref_slice %arg11[%arg1, %dma_start3A_1713, %dma_start3A_1718, %dma_start3A_1719] : memref<16x2x16x1024xf32, #tpu.memory_space<vmem_shared>> -> memref<1x1x16x1024xf32, #tpu.memory_space<vmem_shared>>
    %dma_start3A_1721 = tpu.memref_squeeze %dma_start3A_1720 : memref<1x1x16x1024xf32, #tpu.memory_space<vmem_shared>> -> memref<16x1024xf32, #tpu.memory_space<vmem_shared>>
    tpu.enqueue_dma source(%arg5 : memref<16x1024xf32, #tpu.memory_space<vmem>>) target(%dma_start3A_1721 : memref<16x1024xf32, #tpu.memory_space<vmem_shared>>) target_semaphore(%arg18 : memref<!tpu.dma_semaphore, #tpu.memory_space<semaphore_mem>>)
    %dma_wait3A_1722 = arith.constant 1 : i32
    %dma_wait3A_1723 = arith.constant 0 : i32
    %dma_wait3A_1724 = tpu.memref_slice %arg2[%dma_wait3A_1722, %add3A_1575, %dma_wait3A_1723] : memref<4x4096x1024xf32, #tpu.memory_space<hbm>> -> memref<1x16x1024xf32, #tpu.memory_space<hbm>>
    %dma_wait3A_1725 = tpu.memref_squeeze %dma_wait3A_1724 : memref<1x16x1024xf32, #tpu.memory_space<hbm>> -> memref<16x1024xf32, #tpu.memory_space<hbm>>
    %dma_wait3A_1726 = arith.constant 0 : i32
    %dma_wait3A_1727 = tpu.memref_slice %arg2[%dma_wait3A_1722, %add3A_1575, %dma_wait3A_1726] : memref<4x4096x1024xf32, #tpu.memory_space<hbm>> -> memref<1x16x1024xf32, #tpu.memory_space<hbm>>
    %dma_wait3A_1728 = tpu.memref_squeeze %dma_wait3A_1727 : memref<1x16x1024xf32, #tpu.memory_space<hbm>> -> memref<16x1024xf32, #tpu.memory_space<hbm>>
    tpu.wait_dma2 semaphore(%arg13 : memref<!tpu.dma_semaphore, #tpu.memory_space<semaphore_mem>>) src(%dma_wait3A_1728 : memref<16x1024xf32, #tpu.memory_space<hbm>>) dst(%arg6 : memref<16x1024xf32, #tpu.memory_space<vmem>>)
    %dma_wait3A_1729 = arith.constant 0 : i32
    %dma_wait3A_1730 = arith.constant 0 : i32
    %dma_wait3A_1731 = arith.constant 0 : i32
    %dma_wait3A_1732 = tpu.memref_slice %arg11[%arg1, %dma_wait3A_1729, %dma_wait3A_1730, %dma_wait3A_1731] : memref<16x2x16x1024xf32, #tpu.memory_space<vmem_shared>> -> memref<1x1x16x1024xf32, #tpu.memory_space<vmem_shared>>
    %dma_wait3A_1733 = tpu.memref_squeeze %dma_wait3A_1732 : memref<1x1x16x1024xf32, #tpu.memory_space<vmem_shared>> -> memref<16x1024xf32, #tpu.memory_space<vmem_shared>>
    %dma_wait3A_1734 = arith.constant 0 : i32
    %dma_wait3A_1735 = arith.constant 0 : i32
    %dma_wait3A_1736 = tpu.memref_slice %arg11[%arg1, %dma_wait3A_1729, %dma_wait3A_1734, %dma_wait3A_1735] : memref<16x2x16x1024xf32, #tpu.memory_space<vmem_shared>> -> memref<1x1x16x1024xf32, #tpu.memory_space<vmem_shared>>
    %dma_wait3A_1737 = tpu.memref_squeeze %dma_wait3A_1736 : memref<1x1x16x1024xf32, #tpu.memory_space<vmem_shared>> -> memref<16x1024xf32, #tpu.memory_space<vmem_shared>>
    tpu.wait_dma2 semaphore(%arg18 : memref<!tpu.dma_semaphore, #tpu.memory_space<semaphore_mem>>) src(%arg5 : memref<16x1024xf32, #tpu.memory_space<vmem>>) dst(%dma_wait3A_1737 : memref<16x1024xf32, #tpu.memory_space<vmem_shared>>)
    %add3A_1738 = arith.constant 112 : i32
    %add3A_1739 = arith.addi %mul3A_2, %add3A_1738 : i32
    %dma_start3A_1740 = arith.constant 0 : i32
    %dma_start3A_1741 = arith.constant 0 : i32
    %dma_start3A_1742 = arith.constant 0 : i32
    %dma_start3A_1743 = tpu.memref_slice %arg4[%dma_start3A_1741, %add3A_1739, %dma_start3A_1742] : memref<4x4096x1024xf32, #tpu.memory_space<hbm>> -> memref<1x16x1024xf32, #tpu.memory_space<hbm>>
    %dma_start3A_1744 = tpu.memref_squeeze %dma_start3A_1743 : memref<1x16x1024xf32, #tpu.memory_space<hbm>> -> memref<16x1024xf32, #tpu.memory_space<hbm>>
    %dma_start3A_1745 = arith.constant 0 : i32
    %dma_start3A_1746 = arith.constant 0 : i32
    %dma_start3A_1747 = tpu.memref_slice %arg11[%arg1, %dma_start3A_1740, %dma_start3A_1745, %dma_start3A_1746] : memref<16x2x16x1024xf32, #tpu.memory_space<vmem_shared>> -> memref<1x1x16x1024xf32, #tpu.memory_space<vmem_shared>>
    %dma_start3A_1748 = tpu.memref_squeeze %dma_start3A_1747 : memref<1x1x16x1024xf32, #tpu.memory_space<vmem_shared>> -> memref<16x1024xf32, #tpu.memory_space<vmem_shared>>
    tpu.enqueue_dma source(%dma_start3A_1748 : memref<16x1024xf32, #tpu.memory_space<vmem_shared>>) target(%dma_start3A_1744 : memref<16x1024xf32, #tpu.memory_space<hbm>>) target_semaphore(%arg20 : memref<!tpu.dma_semaphore, #tpu.memory_space<semaphore_mem>>)
    %dma_wait3A_1749 = arith.constant 1 : i32
    %dma_wait3A_1750 = arith.constant 3 : i32
    %dma_wait3A_1751 = arith.constant 0 : i32
    %dma_wait3A_1752 = tpu.memref_slice %arg4[%dma_wait3A_1750, %add3A_1682, %dma_wait3A_1751] : memref<4x4096x1024xf32, #tpu.memory_space<hbm>> -> memref<1x16x1024xf32, #tpu.memory_space<hbm>>
    %dma_wait3A_1753 = tpu.memref_squeeze %dma_wait3A_1752 : memref<1x16x1024xf32, #tpu.memory_space<hbm>> -> memref<16x1024xf32, #tpu.memory_space<hbm>>
    %dma_wait3A_1754 = arith.constant 0 : i32
    %dma_wait3A_1755 = arith.constant 0 : i32
    %dma_wait3A_1756 = tpu.memref_slice %arg11[%arg1, %dma_wait3A_1749, %dma_wait3A_1754, %dma_wait3A_1755] : memref<16x2x16x1024xf32, #tpu.memory_space<vmem_shared>> -> memref<1x1x16x1024xf32, #tpu.memory_space<vmem_shared>>
    %dma_wait3A_1757 = tpu.memref_squeeze %dma_wait3A_1756 : memref<1x1x16x1024xf32, #tpu.memory_space<vmem_shared>> -> memref<16x1024xf32, #tpu.memory_space<vmem_shared>>
    tpu.wait_dma2 semaphore(%arg21 : memref<!tpu.dma_semaphore, #tpu.memory_space<semaphore_mem>>) src(%dma_wait3A_1757 : memref<16x1024xf32, #tpu.memory_space<vmem_shared>>) dst(%dma_wait3A_1753 : memref<16x1024xf32, #tpu.memory_space<hbm>>)
    %parallel_loop3A_1758 = arith.constant 0 : i32
    %parallel_loop3A_1759 = arith.constant 1024 : i32
    %parallel_loop3A_1760 = arith.constant 1 : i32
    scf.for %parallel_loop3A_1904 = %parallel_loop3A_1758 to %parallel_loop3A_1759 step %parallel_loop3A_1760  : i32 {
      %parallel_loop3A_1905 = arith.constant 6 : i32
      %parallel_loop3A_1906 = arith.shrui %parallel_loop3A_1904, %parallel_loop3A_1905 : i32
      %parallel_loop3A_1907 = arith.constant 63 : i32
      %parallel_loop3A_1908 = arith.andi %parallel_loop3A_1904, %parallel_loop3A_1907 : i32
      %parallel_loop3A_1909 = arith.constant 4 : i32
      %parallel_loop3A_1910 = arith.shli %parallel_loop3A_1908, %parallel_loop3A_1909 : i32
      %parallel_loop3A_1911 = tpu.assume_multiple %parallel_loop3A_1910, 16 : i32
      %parallel_loop3A_1912 = arith.index_cast %parallel_loop3A_1906 : i32 to index
      %parallel_loop3A_1913 = arith.index_cast %parallel_loop3A_1911 : i32 to index
      %parallel_loop3A_1914 = tpu.vector_load %arg10[%parallel_loop3A_1912, %parallel_loop3A_1913] {strides = array<i32>} : memref<16x1024xf32, #tpu.memory_space<vmem>>, vector<1x16xf32>,
      %parallel_loop3A_1915 = vector.shape_cast %parallel_loop3A_1914 : vector<1x16xf32> to vector<16xf32>
      %parallel_loop3A_1916 = arith.index_cast %parallel_loop3A_1906 : i32 to index
      %parallel_loop3A_1917 = arith.index_cast %parallel_loop3A_1911 : i32 to index
      %parallel_loop3A_1918 = tpu.vector_load %arg6[%parallel_loop3A_1916, %parallel_loop3A_1917] {strides = array<i32>} : memref<16x1024xf32, #tpu.memory_space<vmem>>, vector<1x16xf32>,
      %parallel_loop3A_1919 = vector.shape_cast %parallel_loop3A_1918 : vector<1x16xf32> to vector<16xf32>
      %parallel_loop3A_1920 = vector.shape_cast %parallel_loop3A_1915 : vector<16xf32> to vector<1x16xf32>
      tpu.vector_store %arg6[%parallel_loop3A_1916, %parallel_loop3A_1917], %parallel_loop3A_1920 {add = true, strides = array<i32>} : memref<16x1024xf32, #tpu.memory_space<vmem>>, vector<1x16xf32>,
    } {sc.loop_unroll_factor = 8 : i64, sc.parallel_access}
    %dma_start3A_1761 = arith.constant 1 : i32
    %dma_start3A_1762 = arith.constant 0 : i32
    %dma_start3A_1763 = arith.constant 0 : i32
    %dma_start3A_1764 = tpu.memref_slice %arg11[%arg1, %dma_start3A_1761, %dma_start3A_1762, %dma_start3A_1763] : memref<16x2x16x1024xf32, #tpu.memory_space<vmem_shared>> -> memref<1x1x16x1024xf32, #tpu.memory_space<vmem_shared>>
    %dma_start3A_1765 = tpu.memref_squeeze %dma_start3A_1764 : memref<1x1x16x1024xf32, #tpu.memory_space<vmem_shared>> -> memref<16x1024xf32, #tpu.memory_space<vmem_shared>>
    %dma_start3A_1766 = arith.constant 0 : i32
    %dma_start3A_1767 = arith.constant 0 : i32
    %dma_start3A_1768 = tpu.memref_slice %arg11[%arg1, %dma_start3A_1761, %dma_start3A_1766, %dma_start3A_1767] : memref<16x2x16x1024xf32, #tpu.memory_space<vmem_shared>> -> memref<1x1x16x1024xf32, #tpu.memory_space<vmem_shared>>
    %dma_start3A_1769 = tpu.memref_squeeze %dma_start3A_1768 : memref<1x1x16x1024xf32, #tpu.memory_space<vmem_shared>> -> memref<16x1024xf32, #tpu.memory_space<vmem_shared>>
    tpu.enqueue_dma source(%arg6 : memref<16x1024xf32, #tpu.memory_space<vmem>>) target(%dma_start3A_1769 : memref<16x1024xf32, #tpu.memory_space<vmem_shared>>) target_semaphore(%arg19 : memref<!tpu.dma_semaphore, #tpu.memory_space<semaphore_mem>>)
    %dma_wait3A_1770 = arith.constant 2 : i32
    %dma_wait3A_1771 = arith.constant 0 : i32
    %dma_wait3A_1772 = tpu.memref_slice %arg2[%dma_wait3A_1770, %add3A_1632, %dma_wait3A_1771] : memref<4x4096x1024xf32, #tpu.memory_space<hbm>> -> memref<1x16x1024xf32, #tpu.memory_space<hbm>>
    %dma_wait3A_1773 = tpu.memref_squeeze %dma_wait3A_1772 : memref<1x16x1024xf32, #tpu.memory_space<hbm>> -> memref<16x1024xf32, #tpu.memory_space<hbm>>
    %dma_wait3A_1774 = arith.constant 0 : i32
    %dma_wait3A_1775 = tpu.memref_slice %arg2[%dma_wait3A_1770, %add3A_1632, %dma_wait3A_1774] : memref<4x4096x1024xf32, #tpu.memory_space<hbm>> -> memref<1x16x1024xf32, #tpu.memory_space<hbm>>
    %dma_wait3A_1776 = tpu.memref_squeeze %dma_wait3A_1775 : memref<1x16x1024xf32, #tpu.memory_space<hbm>> -> memref<16x1024xf32, #tpu.memory_space<hbm>>
    tpu.wait_dma2 semaphore(%arg14 : memref<!tpu.dma_semaphore, #tpu.memory_space<semaphore_mem>>) src(%dma_wait3A_1776 : memref<16x1024xf32, #tpu.memory_space<hbm>>) dst(%arg7 : memref<16x1024xf32, #tpu.memory_space<vmem>>)
    %dma_wait3A_1777 = arith.constant 1 : i32
    %dma_wait3A_1778 = arith.constant 0 : i32
    %dma_wait3A_1779 = arith.constant 0 : i32
    %dma_wait3A_1780 = tpu.memref_slice %arg11[%arg1, %dma_wait3A_1777, %dma_wait3A_1778, %dma_wait3A_1779] : memref<16x2x16x1024xf32, #tpu.memory_space<vmem_shared>> -> memref<1x1x16x1024xf32, #tpu.memory_space<vmem_shared>>
    %dma_wait3A_1781 = tpu.memref_squeeze %dma_wait3A_1780 : memref<1x1x16x1024xf32, #tpu.memory_space<vmem_shared>> -> memref<16x1024xf32, #tpu.memory_space<vmem_shared>>
    %dma_wait3A_1782 = arith.constant 0 : i32
    %dma_wait3A_1783 = arith.constant 0 : i32
    %dma_wait3A_1784 = tpu.memref_slice %arg11[%arg1, %dma_wait3A_1777, %dma_wait3A_1782, %dma_wait3A_1783] : memref<16x2x16x1024xf32, #tpu.memory_space<vmem_shared>> -> memref<1x1x16x1024xf32, #tpu.memory_space<vmem_shared>>
    %dma_wait3A_1785 = tpu.memref_squeeze %dma_wait3A_1784 : memref<1x1x16x1024xf32, #tpu.memory_space<vmem_shared>> -> memref<16x1024xf32, #tpu.memory_space<vmem_shared>>
    tpu.wait_dma2 semaphore(%arg19 : memref<!tpu.dma_semaphore, #tpu.memory_space<semaphore_mem>>) src(%arg6 : memref<16x1024xf32, #tpu.memory_space<vmem>>) dst(%dma_wait3A_1785 : memref<16x1024xf32, #tpu.memory_space<vmem_shared>>)
    %add3A_1786 = arith.constant 112 : i32
    %add3A_1787 = arith.addi %mul3A_2, %add3A_1786 : i32
    %dma_start3A_1788 = arith.constant 1 : i32
    %dma_start3A_1789 = arith.constant 1 : i32
    %dma_start3A_1790 = arith.constant 0 : i32
    %dma_start3A_1791 = tpu.memref_slice %arg4[%dma_start3A_1789, %add3A_1787, %dma_start3A_1790] : memref<4x4096x1024xf32, #tpu.memory_space<hbm>> -> memref<1x16x1024xf32, #tpu.memory_space<hbm>>
    %dma_start3A_1792 = tpu.memref_squeeze %dma_start3A_1791 : memref<1x16x1024xf32, #tpu.memory_space<hbm>> -> memref<16x1024xf32, #tpu.memory_space<hbm>>
    %dma_start3A_1793 = arith.constant 0 : i32
    %dma_start3A_1794 = arith.constant 0 : i32
    %dma_start3A_1795 = tpu.memref_slice %arg11[%arg1, %dma_start3A_1788, %dma_start3A_1793, %dma_start3A_1794] : memref<16x2x16x1024xf32, #tpu.memory_space<vmem_shared>> -> memref<1x1x16x1024xf32, #tpu.memory_space<vmem_shared>>
    %dma_start3A_1796 = tpu.memref_squeeze %dma_start3A_1795 : memref<1x1x16x1024xf32, #tpu.memory_space<vmem_shared>> -> memref<16x1024xf32, #tpu.memory_space<vmem_shared>>
    tpu.enqueue_dma source(%dma_start3A_1796 : memref<16x1024xf32, #tpu.memory_space<vmem_shared>>) target(%dma_start3A_1792 : memref<16x1024xf32, #tpu.memory_space<hbm>>) target_semaphore(%arg21 : memref<!tpu.dma_semaphore, #tpu.memory_space<semaphore_mem>>)
    %dma_wait3A_1797 = arith.constant 0 : i32
    %dma_wait3A_1798 = arith.constant 0 : i32
    %dma_wait3A_1799 = arith.constant 0 : i32
    %dma_wait3A_1800 = tpu.memref_slice %arg4[%dma_wait3A_1798, %add3A_1739, %dma_wait3A_1799] : memref<4x4096x1024xf32, #tpu.memory_space<hbm>> -> memref<1x16x1024xf32, #tpu.memory_space<hbm>>
    %dma_wait3A_1801 = tpu.memref_squeeze %dma_wait3A_1800 : memref<1x16x1024xf32, #tpu.memory_space<hbm>> -> memref<16x1024xf32, #tpu.memory_space<hbm>>
    %dma_wait3A_1802 = arith.constant 0 : i32
    %dma_wait3A_1803 = arith.constant 0 : i32
    %dma_wait3A_1804 = tpu.memref_slice %arg11[%arg1, %dma_wait3A_1797, %dma_wait3A_1802, %dma_wait3A_1803] : memref<16x2x16x1024xf32, #tpu.memory_space<vmem_shared>> -> memref<1x1x16x1024xf32, #tpu.memory_space<vmem_shared>>
    %dma_wait3A_1805 = tpu.memref_squeeze %dma_wait3A_1804 : memref<1x1x16x1024xf32, #tpu.memory_space<vmem_shared>> -> memref<16x1024xf32, #tpu.memory_space<vmem_shared>>
    tpu.wait_dma2 semaphore(%arg20 : memref<!tpu.dma_semaphore, #tpu.memory_space<semaphore_mem>>) src(%dma_wait3A_1805 : memref<16x1024xf32, #tpu.memory_space<vmem_shared>>) dst(%dma_wait3A_1801 : memref<16x1024xf32, #tpu.memory_space<hbm>>)
    %parallel_loop3A_1806 = arith.constant 0 : i32
    %parallel_loop3A_1807 = arith.constant 1024 : i32
    %parallel_loop3A_1808 = arith.constant 1 : i32
    scf.for %parallel_loop3A_1904 = %parallel_loop3A_1806 to %parallel_loop3A_1807 step %parallel_loop3A_1808  : i32 {
      %parallel_loop3A_1905 = arith.constant 6 : i32
      %parallel_loop3A_1906 = arith.shrui %parallel_loop3A_1904, %parallel_loop3A_1905 : i32
      %parallel_loop3A_1907 = arith.constant 63 : i32
      %parallel_loop3A_1908 = arith.andi %parallel_loop3A_1904, %parallel_loop3A_1907 : i32
      %parallel_loop3A_1909 = arith.constant 4 : i32
      %parallel_loop3A_1910 = arith.shli %parallel_loop3A_1908, %parallel_loop3A_1909 : i32
      %parallel_loop3A_1911 = tpu.assume_multiple %parallel_loop3A_1910, 16 : i32
      %parallel_loop3A_1912 = arith.index_cast %parallel_loop3A_1906 : i32 to index
      %parallel_loop3A_1913 = arith.index_cast %parallel_loop3A_1911 : i32 to index
      %parallel_loop3A_1914 = tpu.vector_load %arg10[%parallel_loop3A_1912, %parallel_loop3A_1913] {strides = array<i32>} : memref<16x1024xf32, #tpu.memory_space<vmem>>, vector<1x16xf32>,
      %parallel_loop3A_1915 = vector.shape_cast %parallel_loop3A_1914 : vector<1x16xf32> to vector<16xf32>
      %parallel_loop3A_1916 = arith.index_cast %parallel_loop3A_1906 : i32 to index
      %parallel_loop3A_1917 = arith.index_cast %parallel_loop3A_1911 : i32 to index
      %parallel_loop3A_1918 = tpu.vector_load %arg7[%parallel_loop3A_1916, %parallel_loop3A_1917] {strides = array<i32>} : memref<16x1024xf32, #tpu.memory_space<vmem>>, vector<1x16xf32>,
      %parallel_loop3A_1919 = vector.shape_cast %parallel_loop3A_1918 : vector<1x16xf32> to vector<16xf32>
      %parallel_loop3A_1920 = vector.shape_cast %parallel_loop3A_1915 : vector<16xf32> to vector<1x16xf32>
      tpu.vector_store %arg7[%parallel_loop3A_1916, %parallel_loop3A_1917], %parallel_loop3A_1920 {add = true, strides = array<i32>} : memref<16x1024xf32, #tpu.memory_space<vmem>>, vector<1x16xf32>,
    } {sc.loop_unroll_factor = 8 : i64, sc.parallel_access}
    %dma_start3A_1809 = arith.constant 0 : i32
    %dma_start3A_1810 = arith.constant 0 : i32
    %dma_start3A_1811 = arith.constant 0 : i32
    %dma_start3A_1812 = tpu.memref_slice %arg11[%arg1, %dma_start3A_1809, %dma_start3A_1810, %dma_start3A_1811] : memref<16x2x16x1024xf32, #tpu.memory_space<vmem_shared>> -> memref<1x1x16x1024xf32, #tpu.memory_space<vmem_shared>>
    %dma_start3A_1813 = tpu.memref_squeeze %dma_start3A_1812 : memref<1x1x16x1024xf32, #tpu.memory_space<vmem_shared>> -> memref<16x1024xf32, #tpu.memory_space<vmem_shared>>
    %dma_start3A_1814 = arith.constant 0 : i32
    %dma_start3A_1815 = arith.constant 0 : i32
    %dma_start3A_1816 = tpu.memref_slice %arg11[%arg1, %dma_start3A_1809, %dma_start3A_1814, %dma_start3A_1815] : memref<16x2x16x1024xf32, #tpu.memory_space<vmem_shared>> -> memref<1x1x16x1024xf32, #tpu.memory_space<vmem_shared>>
    %dma_start3A_1817 = tpu.memref_squeeze %dma_start3A_1816 : memref<1x1x16x1024xf32, #tpu.memory_space<vmem_shared>> -> memref<16x1024xf32, #tpu.memory_space<vmem_shared>>
    tpu.enqueue_dma source(%arg7 : memref<16x1024xf32, #tpu.memory_space<vmem>>) target(%dma_start3A_1817 : memref<16x1024xf32, #tpu.memory_space<vmem_shared>>) target_semaphore(%arg18 : memref<!tpu.dma_semaphore, #tpu.memory_space<semaphore_mem>>)
    %dma_wait3A_1818 = arith.constant 3 : i32
    %dma_wait3A_1819 = arith.constant 0 : i32
    %dma_wait3A_1820 = tpu.memref_slice %arg2[%dma_wait3A_1818, %add3A_1693, %dma_wait3A_1819] : memref<4x4096x1024xf32, #tpu.memory_space<hbm>> -> memref<1x16x1024xf32, #tpu.memory_space<hbm>>
    %dma_wait3A_1821 = tpu.memref_squeeze %dma_wait3A_1820 : memref<1x16x1024xf32, #tpu.memory_space<hbm>> -> memref<16x1024xf32, #tpu.memory_space<hbm>>
    %dma_wait3A_1822 = arith.constant 0 : i32
    %dma_wait3A_1823 = tpu.memref_slice %arg2[%dma_wait3A_1818, %add3A_1693, %dma_wait3A_1822] : memref<4x4096x1024xf32, #tpu.memory_space<hbm>> -> memref<1x16x1024xf32, #tpu.memory_space<hbm>>
    %dma_wait3A_1824 = tpu.memref_squeeze %dma_wait3A_1823 : memref<1x16x1024xf32, #tpu.memory_space<hbm>> -> memref<16x1024xf32, #tpu.memory_space<hbm>>
    tpu.wait_dma2 semaphore(%arg15 : memref<!tpu.dma_semaphore, #tpu.memory_space<semaphore_mem>>) src(%dma_wait3A_1824 : memref<16x1024xf32, #tpu.memory_space<hbm>>) dst(%arg8 : memref<16x1024xf32, #tpu.memory_space<vmem>>)
    %dma_wait3A_1825 = arith.constant 0 : i32
    %dma_wait3A_1826 = arith.constant 0 : i32
    %dma_wait3A_1827 = arith.constant 0 : i32
    %dma_wait3A_1828 = tpu.memref_slice %arg11[%arg1, %dma_wait3A_1825, %dma_wait3A_1826, %dma_wait3A_1827] : memref<16x2x16x1024xf32, #tpu.memory_space<vmem_shared>> -> memref<1x1x16x1024xf32, #tpu.memory_space<vmem_shared>>
    %dma_wait3A_1829 = tpu.memref_squeeze %dma_wait3A_1828 : memref<1x1x16x1024xf32, #tpu.memory_space<vmem_shared>> -> memref<16x1024xf32, #tpu.memory_space<vmem_shared>>
    %dma_wait3A_1830 = arith.constant 0 : i32
    %dma_wait3A_1831 = arith.constant 0 : i32
    %dma_wait3A_1832 = tpu.memref_slice %arg11[%arg1, %dma_wait3A_1825, %dma_wait3A_1830, %dma_wait3A_1831] : memref<16x2x16x1024xf32, #tpu.memory_space<vmem_shared>> -> memref<1x1x16x1024xf32, #tpu.memory_space<vmem_shared>>
    %dma_wait3A_1833 = tpu.memref_squeeze %dma_wait3A_1832 : memref<1x1x16x1024xf32, #tpu.memory_space<vmem_shared>> -> memref<16x1024xf32, #tpu.memory_space<vmem_shared>>
    tpu.wait_dma2 semaphore(%arg18 : memref<!tpu.dma_semaphore, #tpu.memory_space<semaphore_mem>>) src(%arg7 : memref<16x1024xf32, #tpu.memory_space<vmem>>) dst(%dma_wait3A_1833 : memref<16x1024xf32, #tpu.memory_space<vmem_shared>>)
    %add3A_1834 = arith.constant 112 : i32
    %add3A_1835 = arith.addi %mul3A_2, %add3A_1834 : i32
    %dma_start3A_1836 = arith.constant 0 : i32
    %dma_start3A_1837 = arith.constant 2 : i32
    %dma_start3A_1838 = arith.constant 0 : i32
    %dma_start3A_1839 = tpu.memref_slice %arg4[%dma_start3A_1837, %add3A_1835, %dma_start3A_1838] : memref<4x4096x1024xf32, #tpu.memory_space<hbm>> -> memref<1x16x1024xf32, #tpu.memory_space<hbm>>
    %dma_start3A_1840 = tpu.memref_squeeze %dma_start3A_1839 : memref<1x16x1024xf32, #tpu.memory_space<hbm>> -> memref<16x1024xf32, #tpu.memory_space<hbm>>
    %dma_start3A_1841 = arith.constant 0 : i32
    %dma_start3A_1842 = arith.constant 0 : i32
    %dma_start3A_1843 = tpu.memref_slice %arg11[%arg1, %dma_start3A_1836, %dma_start3A_1841, %dma_start3A_1842] : memref<16x2x16x1024xf32, #tpu.memory_space<vmem_shared>> -> memref<1x1x16x1024xf32, #tpu.memory_space<vmem_shared>>
    %dma_start3A_1844 = tpu.memref_squeeze %dma_start3A_1843 : memref<1x1x16x1024xf32, #tpu.memory_space<vmem_shared>> -> memref<16x1024xf32, #tpu.memory_space<vmem_shared>>
    tpu.enqueue_dma source(%dma_start3A_1844 : memref<16x1024xf32, #tpu.memory_space<vmem_shared>>) target(%dma_start3A_1840 : memref<16x1024xf32, #tpu.memory_space<hbm>>) target_semaphore(%arg20 : memref<!tpu.dma_semaphore, #tpu.memory_space<semaphore_mem>>)
    %dma_wait3A_1845 = arith.constant 1 : i32
    %dma_wait3A_1846 = arith.constant 1 : i32
    %dma_wait3A_1847 = arith.constant 0 : i32
    %dma_wait3A_1848 = tpu.memref_slice %arg4[%dma_wait3A_1846, %add3A_1787, %dma_wait3A_1847] : memref<4x4096x1024xf32, #tpu.memory_space<hbm>> -> memref<1x16x1024xf32, #tpu.memory_space<hbm>>
    %dma_wait3A_1849 = tpu.memref_squeeze %dma_wait3A_1848 : memref<1x16x1024xf32, #tpu.memory_space<hbm>> -> memref<16x1024xf32, #tpu.memory_space<hbm>>
    %dma_wait3A_1850 = arith.constant 0 : i32
    %dma_wait3A_1851 = arith.constant 0 : i32
    %dma_wait3A_1852 = tpu.memref_slice %arg11[%arg1, %dma_wait3A_1845, %dma_wait3A_1850, %dma_wait3A_1851] : memref<16x2x16x1024xf32, #tpu.memory_space<vmem_shared>> -> memref<1x1x16x1024xf32, #tpu.memory_space<vmem_shared>>
    %dma_wait3A_1853 = tpu.memref_squeeze %dma_wait3A_1852 : memref<1x1x16x1024xf32, #tpu.memory_space<vmem_shared>> -> memref<16x1024xf32, #tpu.memory_space<vmem_shared>>
    tpu.wait_dma2 semaphore(%arg21 : memref<!tpu.dma_semaphore, #tpu.memory_space<semaphore_mem>>) src(%dma_wait3A_1853 : memref<16x1024xf32, #tpu.memory_space<vmem_shared>>) dst(%dma_wait3A_1849 : memref<16x1024xf32, #tpu.memory_space<hbm>>)
    %parallel_loop3A_1854 = arith.constant 0 : i32
    %parallel_loop3A_1855 = arith.constant 1024 : i32
    %parallel_loop3A_1856 = arith.constant 1 : i32
    scf.for %parallel_loop3A_1904 = %parallel_loop3A_1854 to %parallel_loop3A_1855 step %parallel_loop3A_1856  : i32 {
      %parallel_loop3A_1905 = arith.constant 6 : i32
      %parallel_loop3A_1906 = arith.shrui %parallel_loop3A_1904, %parallel_loop3A_1905 : i32
      %parallel_loop3A_1907 = arith.constant 63 : i32
      %parallel_loop3A_1908 = arith.andi %parallel_loop3A_1904, %parallel_loop3A_1907 : i32
      %parallel_loop3A_1909 = arith.constant 4 : i32
      %parallel_loop3A_1910 = arith.shli %parallel_loop3A_1908, %parallel_loop3A_1909 : i32
      %parallel_loop3A_1911 = tpu.assume_multiple %parallel_loop3A_1910, 16 : i32
      %parallel_loop3A_1912 = arith.index_cast %parallel_loop3A_1906 : i32 to index
      %parallel_loop3A_1913 = arith.index_cast %parallel_loop3A_1911 : i32 to index
      %parallel_loop3A_1914 = tpu.vector_load %arg10[%parallel_loop3A_1912, %parallel_loop3A_1913] {strides = array<i32>} : memref<16x1024xf32, #tpu.memory_space<vmem>>, vector<1x16xf32>,
      %parallel_loop3A_1915 = vector.shape_cast %parallel_loop3A_1914 : vector<1x16xf32> to vector<16xf32>
      %parallel_loop3A_1916 = arith.index_cast %parallel_loop3A_1906 : i32 to index
      %parallel_loop3A_1917 = arith.index_cast %parallel_loop3A_1911 : i32 to index
      %parallel_loop3A_1918 = tpu.vector_load %arg8[%parallel_loop3A_1916, %parallel_loop3A_1917] {strides = array<i32>} : memref<16x1024xf32, #tpu.memory_space<vmem>>, vector<1x16xf32>,
      %parallel_loop3A_1919 = vector.shape_cast %parallel_loop3A_1918 : vector<1x16xf32> to vector<16xf32>
      %parallel_loop3A_1920 = vector.shape_cast %parallel_loop3A_1915 : vector<16xf32> to vector<1x16xf32>
      tpu.vector_store %arg8[%parallel_loop3A_1916, %parallel_loop3A_1917], %parallel_loop3A_1920 {add = true, strides = array<i32>} : memref<16x1024xf32, #tpu.memory_space<vmem>>, vector<1x16xf32>,
    } {sc.loop_unroll_factor = 8 : i64, sc.parallel_access}
    %dma_start3A_1857 = arith.constant 1 : i32
    %dma_start3A_1858 = arith.constant 0 : i32
    %dma_start3A_1859 = arith.constant 0 : i32
    %dma_start3A_1860 = tpu.memref_slice %arg11[%arg1, %dma_start3A_1857, %dma_start3A_1858, %dma_start3A_1859] : memref<16x2x16x1024xf32, #tpu.memory_space<vmem_shared>> -> memref<1x1x16x1024xf32, #tpu.memory_space<vmem_shared>>
    %dma_start3A_1861 = tpu.memref_squeeze %dma_start3A_1860 : memref<1x1x16x1024xf32, #tpu.memory_space<vmem_shared>> -> memref<16x1024xf32, #tpu.memory_space<vmem_shared>>
    %dma_start3A_1862 = arith.constant 0 : i32
    %dma_start3A_1863 = arith.constant 0 : i32
    %dma_start3A_1864 = tpu.memref_slice %arg11[%arg1, %dma_start3A_1857, %dma_start3A_1862, %dma_start3A_1863] : memref<16x2x16x1024xf32, #tpu.memory_space<vmem_shared>> -> memref<1x1x16x1024xf32, #tpu.memory_space<vmem_shared>>
    %dma_start3A_1865 = tpu.memref_squeeze %dma_start3A_1864 : memref<1x1x16x1024xf32, #tpu.memory_space<vmem_shared>> -> memref<16x1024xf32, #tpu.memory_space<vmem_shared>>
    tpu.enqueue_dma source(%arg8 : memref<16x1024xf32, #tpu.memory_space<vmem>>) target(%dma_start3A_1865 : memref<16x1024xf32, #tpu.memory_space<vmem_shared>>) target_semaphore(%arg19 : memref<!tpu.dma_semaphore, #tpu.memory_space<semaphore_mem>>)
    %dma_wait3A_1866 = arith.constant 1 : i32
    %dma_wait3A_1867 = arith.constant 0 : i32
    %dma_wait3A_1868 = arith.constant 0 : i32
    %dma_wait3A_1869 = tpu.memref_slice %arg11[%arg1, %dma_wait3A_1866, %dma_wait3A_1867, %dma_wait3A_1868] : memref<16x2x16x1024xf32, #tpu.memory_space<vmem_shared>> -> memref<1x1x16x1024xf32, #tpu.memory_space<vmem_shared>>
    %dma_wait3A_1870 = tpu.memref_squeeze %dma_wait3A_1869 : memref<1x1x16x1024xf32, #tpu.memory_space<vmem_shared>> -> memref<16x1024xf32, #tpu.memory_space<vmem_shared>>
    %dma_wait3A_1871 = arith.constant 0 : i32
    %dma_wait3A_1872 = arith.constant 0 : i32
    %dma_wait3A_1873 = tpu.memref_slice %arg11[%arg1, %dma_wait3A_1866, %dma_wait3A_1871, %dma_wait3A_1872] : memref<16x2x16x1024xf32, #tpu.memory_space<vmem_shared>> -> memref<1x1x16x1024xf32, #tpu.memory_space<vmem_shared>>
    %dma_wait3A_1874 = tpu.memref_squeeze %dma_wait3A_1873 : memref<1x1x16x1024xf32, #tpu.memory_space<vmem_shared>> -> memref<16x1024xf32, #tpu.memory_space<vmem_shared>>
    tpu.wait_dma2 semaphore(%arg19 : memref<!tpu.dma_semaphore, #tpu.memory_space<semaphore_mem>>) src(%arg8 : memref<16x1024xf32, #tpu.memory_space<vmem>>) dst(%dma_wait3A_1874 : memref<16x1024xf32, #tpu.memory_space<vmem_shared>>)
    %add3A_1875 = arith.constant 112 : i32
    %add3A_1876 = arith.addi %mul3A_2, %add3A_1875 : i32
    %dma_start3A_1877 = arith.constant 1 : i32
    %dma_start3A_1878 = arith.constant 3 : i32
    %dma_start3A_1879 = arith.constant 0 : i32
    %dma_start3A_1880 = tpu.memref_slice %arg4[%dma_start3A_1878, %add3A_1876, %dma_start3A_1879] : memref<4x4096x1024xf32, #tpu.memory_space<hbm>> -> memref<1x16x1024xf32, #tpu.memory_space<hbm>>
    %dma_start3A_1881 = tpu.memref_squeeze %dma_start3A_1880 : memref<1x16x1024xf32, #tpu.memory_space<hbm>> -> memref<16x1024xf32, #tpu.memory_space<hbm>>
    %dma_start3A_1882 = arith.constant 0 : i32
    %dma_start3A_1883 = arith.constant 0 : i32
    %dma_start3A_1884 = tpu.memref_slice %arg11[%arg1, %dma_start3A_1877, %dma_start3A_1882, %dma_start3A_1883] : memref<16x2x16x1024xf32, #tpu.memory_space<vmem_shared>> -> memref<1x1x16x1024xf32, #tpu.memory_space<vmem_shared>>
    %dma_start3A_1885 = tpu.memref_squeeze %dma_start3A_1884 : memref<1x1x16x1024xf32, #tpu.memory_space<vmem_shared>> -> memref<16x1024xf32, #tpu.memory_space<vmem_shared>>
    tpu.enqueue_dma source(%dma_start3A_1885 : memref<16x1024xf32, #tpu.memory_space<vmem_shared>>) target(%dma_start3A_1881 : memref<16x1024xf32, #tpu.memory_space<hbm>>) target_semaphore(%arg21 : memref<!tpu.dma_semaphore, #tpu.memory_space<semaphore_mem>>)
    %dma_wait3A_1886 = arith.constant 0 : i32
    %dma_wait3A_1887 = arith.constant 2 : i32
    %dma_wait3A_1888 = arith.constant 0 : i32
    %dma_wait3A_1889 = tpu.memref_slice %arg4[%dma_wait3A_1887, %add3A_1835, %dma_wait3A_1888] : memref<4x4096x1024xf32, #tpu.memory_space<hbm>> -> memref<1x16x1024xf32, #tpu.memory_space<hbm>>
    %dma_wait3A_1890 = tpu.memref_squeeze %dma_wait3A_1889 : memref<1x16x1024xf32, #tpu.memory_space<hbm>> -> memref<16x1024xf32, #tpu.memory_space<hbm>>
    %dma_wait3A_1891 = arith.constant 0 : i32
    %dma_wait3A_1892 = arith.constant 0 : i32
    %dma_wait3A_1893 = tpu.memref_slice %arg11[%arg1, %dma_wait3A_1886, %dma_wait3A_1891, %dma_wait3A_1892] : memref<16x2x16x1024xf32, #tpu.memory_space<vmem_shared>> -> memref<1x1x16x1024xf32, #tpu.memory_space<vmem_shared>>
    %dma_wait3A_1894 = tpu.memref_squeeze %dma_wait3A_1893 : memref<1x1x16x1024xf32, #tpu.memory_space<vmem_shared>> -> memref<16x1024xf32, #tpu.memory_space<vmem_shared>>
    tpu.wait_dma2 semaphore(%arg20 : memref<!tpu.dma_semaphore, #tpu.memory_space<semaphore_mem>>) src(%dma_wait3A_1894 : memref<16x1024xf32, #tpu.memory_space<vmem_shared>>) dst(%dma_wait3A_1890 : memref<16x1024xf32, #tpu.memory_space<hbm>>)
    %dma_wait3A_1895 = arith.constant 1 : i32
    %dma_wait3A_1896 = arith.constant 3 : i32
    %dma_wait3A_1897 = arith.constant 0 : i32
    %dma_wait3A_1898 = tpu.memref_slice %arg4[%dma_wait3A_1896, %add3A_1876, %dma_wait3A_1897] : memref<4x4096x1024xf32, #tpu.memory_space<hbm>> -> memref<1x16x1024xf32, #tpu.memory_space<hbm>>
    %dma_wait3A_1899 = tpu.memref_squeeze %dma_wait3A_1898 : memref<1x16x1024xf32, #tpu.memory_space<hbm>> -> memref<16x1024xf32, #tpu.memory_space<hbm>>
    %dma_wait3A_1900 = arith.constant 0 : i32
    %dma_wait3A_1901 = arith.constant 0 : i32
    %dma_wait3A_1902 = tpu.memref_slice %arg11[%arg1, %dma_wait3A_1895, %dma_wait3A_1900, %dma_wait3A_1901] : memref<16x2x16x1024xf32, #tpu.memory_space<vmem_shared>> -> memref<1x1x16x1024xf32, #tpu.memory_space<vmem_shared>>
    %dma_wait3A_1903 = tpu.memref_squeeze %dma_wait3A_1902 : memref<1x1x16x1024xf32, #tpu.memory_space<vmem_shared>> -> memref<16x1024xf32, #tpu.memory_space<vmem_shared>>
    tpu.wait_dma2 semaphore(%arg21 : memref<!tpu.dma_semaphore, #tpu.memory_space<semaphore_mem>>) src(%dma_wait3A_1903 : memref<16x1024xf32, #tpu.memory_space<vmem_shared>>) dst(%dma_wait3A_1899 : memref<16x1024xf32, #tpu.memory_space<hbm>>)
    return
  }
}

</mosaic_0001>

<sc_bundles>
// kernel: kernel.3.cloned.1.call-start
scs
__scs_entry_jumppad:
0x0: {  	(pc) =	sbr.rel $0x88, $3  }
0x1: {  	(tag) =	ssettag $0x0;
	lr =	simm.s32 $0x1  }
0x2: {  	[smem:$0x3F9F] =	sst lr;
	_ =	strace $0xD0000000  }
0x3: {  	_ = 	snop  }
0x4: {  	_ = 	snop  }
0x5: {  	_ = 	snop  }
0x6: {  	_ = 	snop  }
0x7: {  	_ = 	snop  }
__scs_overlays_trampoline_lowered:
0x8: {  	[smem:$0x3FAE] =	sst s0  }
0x9: {  	[smem:$0x3FAF] =	sst s1  }
0xa: {  	[smem:$0x3FB0] =	sst s2  }
0xb: {  	[smem:$0x3FB1] =	sst s3  }
0xc: {  	[smem:$0x3FB2] =	sst s4  }
0xd: {  	[smem:$0x3FB3] =	sst s5  }
0xe: {  	[smem:$0x3FB4] =	sst s6  }
0xf: {  	[smem:$0x3FB5] =	sst s7  }
0x10: {  	[smem:$0x3FB6] =	sst s8  }
0x11: {  	[smem:$0x3FB7] =	sst s9;
	s0 =	simm.s32 @!p0 $0x0  }
0x12: {  	s1 =	sld [smem:$0x3F9D];
	s0 =	simm.s32 @p0 $0x1  }
0x13: {  	[smem:$0x3FB8] =	sst s0;
	s0 =	simm.s32 @!p1 $0x0  }
0x14: {  	s2 =	sld [smem:$0x3F9C];
	s0 =	simm.s32 @p1 $0x1  }
0x15: {  	[smem:$0x3FB9] =	sst s0;
	s0 =	simm.s32 @!p2 $0x0  }
0x16: {  	s3 =	sld [smem:$0x3FDB];
	s0 =	simm.s32 @p2 $0x1  }
0x17: {  	s4 =	simm.s32 $0x1BF5;
	[smem:$0x3FBB] =	sst s0  }
0x18: {  	s0 =	sld [smem:$0x3F9E];
	_ =	swait.ge [sflag:s4], $0x0  }
0x19: {  	s7 =	sld [smem:$0x3F9F]  }
0x1a: {  	s8 =	sadd.s32 $0xFFFFE003, lr  }
0x1b: {  	s9 =	sadd.s32 $0xFFFFFEF7, lr;
	s5 =	simm.s32 $0xFFFFFFFF;
	p2 =	slt.u32 s8, $0xFFFFF086  }
0x1c: {  	p1 =	slt.u32 s9, $0xF7A;
	s5 =	simm.s32 @!p2 $0x0  }
0x1d: {  	s5 =	simm.s32 @p1 $0x1;
	p0 =	seq.s32 s7, s2  }
0x1e: {  	s7 =	smul.u32 @!p0 $0xF7A, s2;
	p2 =	seq.s32 @!p0 s5, $0x0  }
0x1f: {  	s9 =	smul.u32 $0xF7A, s1;
	s8 =	simm.s32 @!p0 $0x1BF5;
	p2 =	por !p2, p0  }
0x20: {  	[sflag:s8] =	ssyncset.s32 @!p0 $0xFFFFF086;
	s6 =	sadd.s32 @!p0 s3, s7;
	s7 =	simm.s32 @!p0 $0x108  }
0x21: {  	s3 =	sadd.s32 s3, s9;
	s6 =	sadd.s32 @!p0 $0x88, s6;
	s7 =	simm.s32 @p2 $0x1082  }
0x22: {  	[simem:s7], [sflag:s8] =	dma.local @!p0 [hbm:s6], $0xF7A  }
0x23: {  	s9 =	sor.u32 $0xD0000000, s2;
	s6 =	simm.s32 $0x108;
	_ =	swait.ge @!p0 [sflag:s8], $0x0  }
0x24: {  	s3 =	sadd.s32 $0x88, s3;
	s6 =	simm.s32 @!p1 $0x1082;
	[sflag:s4] =	ssyncset.s32 $0xFFFFF086  }
0x25: {  	[simem:s6], [sflag:s4] =	dma.local [hbm:s3], $0xF7A  }
0x26: {  	[smem:$0x3F9F] =	sst s1;
	(tag) =	ssettag s2;
	_ =	strace s9  }
0x27: {  	s1 =	sld [smem:$0x3FAF]  }
0x28: {  	s2 =	sld [smem:$0x3FB0]  }
0x29: {  	s4 =	sld [smem:$0x3FB2]  }
0x2a: {  	p0 =	seq.s32 s5, $0x0;
	s5 =	sld [smem:$0x3FB3]  }
0x2b: {  	s6 =	sld [smem:$0x3FB4]  }
0x2c: {  	s7 =	sld [smem:$0x3FB5]  }
0x2d: {  	s3 =	simm.s32 $0x108;
	s8 =	sld [smem:$0x3FB6]  }
0x2e: {  	s3 =	simm.s32 @!p0 $0x1082;
	s9 =	sld [smem:$0x3FB7]  }
0x2f: {  	lr =	sadd.s32 s0, s3;
	s0 =	sld [smem:$0x3FAE]  }
0x30: {  	s3 =	sld [smem:$0x3FB1]  }
0x31: {  	[smem:$0x3FBA] =	sst s10  }
0x32: {  	s10 =	sld [smem:$0x3FB8];
	_ =	sdelay $0x3  }
0x33: {  	p0 =	seq.s32 s10, $0x1;
	s10 =	sld [smem:$0x3FBA];
	_ =	sdelay $0x3  }
0x34: {  	[smem:$0x3FBA] =	sst s10  }
0x35: {  	s10 =	sld [smem:$0x3FB9];
	_ =	sdelay $0x3  }
0x36: {  	p1 =	seq.s32 s10, $0x1;
	s10 =	sld [smem:$0x3FBA];
	_ =	sdelay $0x3  }
0x37: {  	[smem:$0x3FBA] =	sst s10  }
0x38: {  	s10 =	sld [smem:$0x3FBB]  }
0x39: {  	_ = 	snop;
	(pc) =	sbr.ind lr, $3  }
0x3a: {  	_ = 	snop  }
0x3b: {  	_ = 	snop  }
0x3c: {  	p2 =	seq.s32 s10, $0x1;
	s10 =	sld [smem:$0x3FBA]  }
0x3d: {  	_ =	shalt  }
0x3e: {  	_ =	shalt  }
0x3f: {  	_ =	shalt  }
0x40: {  	_ =	shalt  }
0x41: {  	_ =	shalt  }
0x42: {  	_ =	shalt  }
0x43: {  	_ =	shalt  }
0x44: {  	_ =	shalt  }
0x45: {  	_ =	shalt  }
0x46: {  	_ =	shalt  }
0x47: {  	_ =	shalt  }
0x48: {  	_ =	shalt  }
0x49: {  	_ =	shalt  }
0x4a: {  	_ =	shalt  }
0x4b: {  	_ =	shalt  }
0x4c: {  	_ =	shalt  }
0x4d: {  	_ =	shalt  }
0x4e: {  	_ =	shalt  }
0x4f: {  	_ =	shalt  }
0x50: {  	_ =	shalt  }
0x51: {  	_ =	shalt  }
0x52: {  	_ =	shalt  }
0x53: {  	_ =	shalt  }
0x54: {  	_ =	shalt  }
0x55: {  	_ =	shalt  }
0x56: {  	_ =	shalt  }
0x57: {  	_ =	shalt  }
0x58: {  	_ =	shalt  }
0x59: {  	_ =	shalt  }
0x5a: {  	_ =	shalt  }
0x5b: {  	_ =	shalt  }
0x5c: {  	_ =	shalt  }
0x5d: {  	_ =	shalt  }
0x5e: {  	_ =	shalt  }
0x5f: {  	_ =	shalt  }
0x60: {  	_ =	shalt  }
0x61: {  	_ =	shalt  }
0x62: {  	_ =	shalt  }
0x63: {  	_ =	shalt  }
0x64: {  	_ =	shalt  }
0x65: {  	_ =	shalt  }
0x66: {  	_ =	shalt  }
0x67: {  	_ =	shalt  }
0x68: {  	_ =	shalt  }
0x69: {  	_ =	shalt  }
0x6a: {  	_ =	shalt  }
0x6b: {  	_ =	shalt  }
0x6c: {  	_ =	shalt  }
0x6d: {  	_ =	shalt  }
0x6e: {  	_ =	shalt  }
0x6f: {  	_ =	shalt  }
0x70: {  	_ =	shalt  }
0x71: {  	_ =	shalt  }
0x72: {  	_ =	shalt  }
0x73: {  	_ =	shalt  }
0x74: {  	_ =	shalt  }
0x75: {  	_ =	shalt  }
0x76: {  	_ =	shalt  }
0x77: {  	_ =	shalt  }
0x78: {  	_ =	shalt  }
0x79: {  	_ =	shalt  }
0x7a: {  	_ =	shalt  }
0x7b: {  	_ =	shalt  }
0x7c: {  	_ =	shalt  }
0x7d: {  	_ =	shalt  }
0x7e: {  	_ =	shalt  }
0x7f: {  	_ =	shalt  }
0x80: {  	_ =	shalt  }
0x81: {  	_ =	shalt  }
0x82: {  	_ =	shalt  }
0x83: {  	_ =	shalt  }
0x84: {  	_ =	shalt  }
0x85: {  	_ =	shalt  }
0x86: {  	_ =	shalt  }
0x87: {  	_ =	shalt  }
.Lfunc_end0:
.L_simem_size_0:
called_computation_lowered:
.L_overlay_start_0:
0x88: {  	s2 =	sld [smem:$0x3FD9]  }
0x89: {  	s3 =	sld [smem:$0x3FFE];
	_ =	sdelay $0x1  }
0x8a: {  	s1 =	srdreg.scid  }
0x8b: {  	s0 =	sand.u32 $0x1, s1  }
0x8c: {  	s18 =	sshll.u32 s0, $0xA;
	s2 =	sadd.s32 s3, s2  }
0x8d: {  	s2 =	sadd.s32 s2, s18  }
0x8e: {  	[smem:$0x3FC6] =	sst s2  }
0x8f: {  	_ = 	snop  }
0x90: {  	s2 =	sld [smem:$0x3FC9]  }
0x91: {  	s19 =	sld [smem:$0x3FC8]  }
0x92: {  	s4 =	sld [smem:$0x3FD0];
	(tm) =	ssettm $0x1  }
0x93: {  	s5 =	sld [smem:$0x3FFB];
	_ =	sdelay $0x3  }
0x94: {  	_ =	strace s5  }
0x95: {  	s5 =	sld [smem:$0x3FFC];
	_ =	sdelay $0x3  }
0x96: {  	_ =	strace s5  }
0x97: {  	s5 =	sld [smem:$0x3FFD];
	_ =	sdelay $0x3  }
0x98: {  	_ =	strace s5  }
0x99: {  	_ =	strace $0x8FFFFFFF  }
0x9a: {  	s20 =	sld [smem:$0x3FDB];
	_ =	sdelay $0x1  }
0x9b: {  	s6 =	simm.s32 $_scs_section_size  }
0x9c: {  	s7 =	simm.s32 $_size__tile_overlayer_lowered;
	s8 =	simm.s32 $_tile_overlayer_lowered  }
0x9d: {  	s23 =	simm.s32 $0x1BFF;
	s22 =	sshll.u32 s8, $0x1;
	s5 =	sadd.s32 s6, s20  }
0x9e: {  	s9 =	simm.s32 $0x0;
	s21 =	sshll.u32 s7, $0x1;
	s7 =	sadd.s32 s22, s5  }
0x9f: {  	[timem:s9], [sflag:s23] =	dma.local [hbm:s7], s21  }
0xa0: {  	_ =	swait.ge [sflag:s23], s21  }
0xa1: {  	s6 =	ssub.s32 $0x0, s21;
	[sflag:s23] =	ssyncset.done $0x0  }
0xa2: {  	[sflag:s23] =	ssyncadd.s32 s6;
	_ =	sdelay $0x1  }
0xa3: {  	s24 =	simm.s32 $0x1B8B  }
0xa4: {  	_ =	swait.ge [sflag:s24], $0x1  }
0xa5: {  	[sflag:s24] =	ssyncset.done $0x0  }
0xa6: {  	s25 =	simm.s32 $0x1B8E;
	[sflag:s24] =	ssyncadd.s32 $0xFFFFFFFF  }
0xa7: {  	s26 =	simm.s32 $execute0_lowered;
	[smem:$0x3FD2] =	sst s25  }
0xa8: {  	s6 =	sshll.u32 s26, $0x1;
	_ =	strace $0x80000046;
	[dreg:$0x1] =	wrdreg $0xFFFFFFFF  }
0xa9: {  	s28 =	simm.s32 $_size_execute0_lowered;
	s5 =	sadd.s32 s5, s6;
	[dreg:$0x0] =	wrdreg $0x0  }
0xaa: {  	s6 =	sshll.u32 s28, $0x1;
	[dreg:$0x2] =	wrdreg s5  }
0xab: {  	[dreg:$0x3] =	wrdreg s6  }
0xac: {  	[dreg:$0x4] =	wrdreg $0xC0  }
0xad: {  	_ =	task [dreg:s9], $0x5FFFF  }
0xae: {  	[dreg:$0x1] =	wrdreg $0xFFFFFFFF  }
0xaf: {  	[dreg:$0x0] =	wrdreg $0x60  }
0xb0: {  	[dreg:$0x2] =	wrdreg s2  }
0xb1: {  	[dreg:$0x3] =	wrdreg s19  }
0xb2: {  	[dreg:$0x4] =	wrdreg s4  }
0xb3: {  	[dreg:$0x5] =	wrdreg $0x180000  }
0xb4: {  	[dreg:$0x6] =	wrdreg $0x9  }
0xb5: {  	_ =	task.clear_ibuf [dreg:s9], $0x7FFFF;
	_ =	strace $0x90000046  }
0xb6: {  	s29 =	simm.s32 $0x9;
	_ =	strace $0x80000048  }
0xb7: {  	_ =	swait.ge [sflag:s29], $0x1  }
0xb8: {  	[sflag:s29] =	ssyncadd.s32 $0xFFFFFFFF  }
0xb9: {  	_ =	strace $0x90000048  }
0xba: {  	_ =	sfence  }
0xbb: {  	s30 =	sld [smem:$0x0];
	_ =	sdelay $0x2  }
0xbc: {  	s31 =	sshll.u32 s1, $0xD;
	s1 =	sshrl.u32 s1, $0x2  }
0xbd: {  	s3 =	sand.u32 $0x4000, s31;
	s1 =	sadd.s32 s1, s30  }
0xbe: {  	s0 =	sor.u32 s3, s0;
	s1 =	sshll.u32 s1, $0x11  }
0xbf: {  	s0 =	sor.u32 s1, s0  }
0xc0: {  	s0 =	sadd.s32 $0x8F2B, s0  }
0xc1: {  	[sflag:s0] =	ssyncadd.remote.s32 $0x1  }
0xc2: {  	_ =	sfence.sel $0xFFFF  }
0xc3: {  	[dreg:$0x0] =	wrdreg $0xFFFFFFFF;
	(pc) =	sbr.abs _section_cstart, $3  }
0xc4: {  	[dreg:$0x1] =	wrdreg $0xFFFFFFFF  }
0xc5: {  	_ =	task.clear_ibuf [dreg:s9], $0x2FFFF;
	_ =	strace $0x9FFFFFFF  }
0xc6: {  	(tm) =	ssettm $0x7FFFFFFF  }
0xc7: {  	_ =	shalt  }
tec
execute0_lowered:
.L_overlay_start_1:
0x0: {  	(tag) =	ssettag $0x1  }
0x1: {  	s1 =	srdreg.scid  }
0x2: {  	s2 =	rddreg [dreg:$0x0];
	s4 =	stileid.u32;
	s1 =	sand.u32 $0x1, s1  }
0x3: {  	s5 =	rddreg [dreg:$0x1];
	s7 =	sshll.u32 s4, $0xF;
	s19 =	sshll.u32 s1, $0xE  }
0x4: {  	s0 =	rddreg [dreg:$0x2];
	s4 =	sor.u32 s19, s7  }
0x5: {  	s6 =	rddreg [dreg:$0x3];
	s20 =	simm.s32 $0x0;
	s21 =	sor.u32 $0x80000, s4  }
0x6: {  	[smem:$0x7FF] =	sst s20;
	s9 =	sor.u32 $0x100000, s4;
	s22 =	sadd.s32 s2, s21  }
0x7: {  	s10 =	sor.u32 $0x800, s4;
	s23 =	sadd.s32 s2, s9;
	[dreg:$0x5] =	wrdreg s22  }
0x8: {  	s11 =	sor.u32 $0x180000, s4;
	s24 =	sadd.s32 s5, s10;
	[dreg:$0x6] =	wrdreg s23  }
0x9: {  	s25 =	sadd.s32 s2, s11;
	[dreg:$0x7] =	wrdreg s24  }
0xa: {  	s3 =	ssub.s32 $0x2, s1;
	s12 =	sadd.s32 s2, s10;
	[dreg:$0x8] =	wrdreg s25  }
0xb: {  	s26 =	sor.u32 $0x80800, s4;
	s13 =	sadd.s32 s0, s21;
	[dreg:$0x9] =	wrdreg s12  }
0xc: {  	s6 =	sadd.s32 s7, s6;
	s14 =	sadd.s32 s2, s26;
	[dreg:$0xa] =	wrdreg s13  }
0xd: {  	s16 =	sor.u32 $0x100800, s4;
	s15 =	sadd.s32 s0, s9;
	[dreg:$0xb] =	wrdreg s14  }
0xe: {  	s17 =	sor.u32 $0x1000, s4;
	s18 =	sadd.s32 s2, s16;
	[dreg:$0xc] =	wrdreg s15  }
0xf: {  	s8 =	sshrl.u32 s3, $0x1;
	s19 =	sadd.s32 s5, s17;
	[dreg:$0xd] =	wrdreg s18  }
0x10: {  	s3 =	ssub.s32 s3, s8;
	s20 =	sadd.s32 s0, s11;
	[dreg:$0xe] =	wrdreg s19  }
0x11: {  	s8 =	sor.u32 $0x81000, s4;
	s7 =	sadd.s32 s0, s17;
	[dreg:$0xf] =	wrdreg s20  }
0x12: {  	s9 =	sadd.s32 s2, s8;
	[dreg:$0x16] =	wrdreg s7  }
0x13: {  	s22 =	sadd.s32 s0, s10;
	[dreg:$0x17] =	wrdreg s9  }
0x14: {  	s23 =	sadd.s32 s2, s17;
	[dreg:$0x11] =	wrdreg s22  }
0x15: {  	s24 =	sadd.s32 s0, s26;
	[dreg:$0x12] =	wrdreg s23  }
0x16: {  	s25 =	sadd.s32 s0, s16;
	[dreg:$0x13] =	wrdreg s24  }
0x17: {  	s11 =	sor.u32 $0x101000, s4;
	s10 =	sadd.s32 s0, s8;
	[dreg:$0x14] =	wrdreg s25  }
0x18: {  	s12 =	sor.u32 $0x180800, s4;
	s13 =	sadd.s32 s0, s11;
	[dreg:$0x18] =	wrdreg s10  }
0x19: {  	s21 =	sadd.s32 s2, s12;
	[dreg:$0x1a] =	wrdreg s13  }
0x1a: {  	s26 =	sadd.s32 s0, s12;
	[dreg:$0x10] =	wrdreg s21  }
0x1b: {  	s14 =	sor.u32 $0x181000, s4;
	s12 =	sadd.s32 s2, s11;
	[dreg:$0x15] =	wrdreg s26  }
0x1c: {  	s15 =	sadd.s32 s2, s14;
	[dreg:$0x19] =	wrdreg s12  }
0x1d: {  	s17 =	sor.u32 $0x1800, s4;
	s16 =	sadd.s32 s0, s14;
	[dreg:$0x1b] =	wrdreg s15  }
0x1e: {  	s18 =	sadd.s32 s5, s17;
	[dreg:$0x1c] =	wrdreg s16  }
0x1f: {  	s20 =	sor.u32 $0x81800, s4;
	s19 =	sadd.s32 s2, s17;
	[dreg:$0x1d] =	wrdreg s18  }
0x20: {  	s22 =	sadd.s32 s2, s20;
	[dreg:$0x1e] =	wrdreg s19  }
0x21: {  	s9 =	sor.u32 $0x2000, s4;
	s24 =	sadd.s32 s0, s20;
	[smem:$0x7D0] =	sst s22  }
0x22: {  	s13 =	sadd.s32 s2, s9;
	[smem:$0x7D1] =	sst s24  }
0x23: {  	s14 =	sadd.s32 s0, s9;
	[smem:$0x7D7] =	sst s13  }
0x24: {  	s23 =	sor.u32 $0x101800, s4;
	s21 =	sadd.s32 s0, s17;
	[smem:$0x7D8] =	sst s14  }
0x25: {  	s25 =	sadd.s32 s2, s23;
	[dreg:$0x1f] =	wrdreg s21  }
0x26: {  	s7 =	sadd.s32 s0, s23;
	[smem:$0x7D2] =	sst s25  }
0x27: {  	s26 =	sor.u32 $0x181800, s4;
	s12 =	sadd.s32 s5, s9;
	[smem:$0x7D3] =	sst s7  }
0x28: {  	s10 =	sadd.s32 s2, s26;
	[smem:$0x7D6] =	sst s12  }
0x29: {  	s15 =	sor.u32 $0x82000, s4;
	s11 =	sadd.s32 s0, s26;
	[smem:$0x7D4] =	sst s10  }
0x2a: {  	s17 =	sadd.s32 s2, s15;
	[smem:$0x7D5] =	sst s11  }
0x2b: {  	s16 =	sor.u32 $0x102000, s4;
	s18 =	sadd.s32 s0, s15;
	[smem:$0x7D9] =	sst s17  }
0x2c: {  	s19 =	sadd.s32 s2, s16;
	[smem:$0x7DA] =	sst s18  }
0x2d: {  	s22 =	sor.u32 $0x182000, s4;
	s20 =	sadd.s32 s0, s16;
	[smem:$0x7DB] =	sst s19  }
0x2e: {  	s23 =	sadd.s32 s2, s22;
	[smem:$0x7DC] =	sst s20  }
0x2f: {  	s24 =	sadd.s32 s0, s22;
	[smem:$0x7DD] =	sst s23  }
0x30: {  	s21 =	sor.u32 $0x2800, s4;
	s15 =	sadd.s32 s5, s4;
	[smem:$0x7DE] =	sst s24  }
0x31: {  	s25 =	sadd.s32 s5, s21;
	[smem:$0x7E6] =	sst s15  }
0x32: {  	s26 =	sadd.s32 s2, s21;
	[smem:$0x7DF] =	sst s25  }
0x33: {  	s9 =	sor.u32 $0x82800, s4;
	s8 =	sadd.s32 s0, s21;
	[smem:$0x7E0] =	sst s26  }
0x34: {  	s10 =	sadd.s32 s2, s9;
	[smem:$0x7E1] =	sst s8  }
0x35: {  	s12 =	sor.u32 $0x102800, s4;
	s11 =	sadd.s32 s0, s9;
	[smem:$0x7E2] =	sst s10  }
0x36: {  	s13 =	sadd.s32 s2, s12;
	[smem:$0x7E3] =	sst s11  }
0x37: {  	s16 =	sor.u32 $0x3000, s4;
	s14 =	sadd.s32 s0, s12;
	[smem:$0x7E4] =	sst s13  }
0x38: {  	s18 =	sadd.s32 s5, s16;
	[smem:$0x7E5] =	sst s14  }
0x39: {  	s22 =	sadd.s32 s2, s16;
	[smem:$0x7E7] =	sst s18  }
0x3a: {  	s24 =	sadd.s32 s0, s16;
	[smem:$0x7EB] =	sst s22  }
0x3b: {  	s15 =	sadd.s32 s2, s4;
	[smem:$0x7EC] =	sst s24  }
0x3c: {  	s9 =	sor.u32 $0x3800, s4;
	s16 =	sadd.s32 s0, s4;
	[smem:$0x7F3] =	sst s15  }
0x3d: {  	s17 =	sor.u32 $0x182800, s4;
	s19 =	sadd.s32 s5, s9;
	[smem:$0x7F4] =	sst s16  }
0x3e: {  	s20 =	sadd.s32 s2, s17;
	[smem:$0x7E8] =	sst s19  }
0x3f: {  	s23 =	sor.u32 $0x83000, s4;
	s21 =	sadd.s32 s0, s17;
	[smem:$0x7E9] =	sst s20  }
0x40: {  	s25 =	sadd.s32 s2, s23;
	[smem:$0x7EA] =	sst s21  }
0x41: {  	s28 =	simm.s32 $0x7;
	s8 =	sadd.s32 s0, s23;
	[smem:$0x7ED] =	sst s25  }
0x42: {  	s26 =	sor.u32 $0x103000, s4;
	s23 =	sadd.s32 s0, s9;
	[smem:$0x7EE] =	sst s8  }
0x43: {  	s29 =	simm.s32 $0x3;
	s10 =	sadd.s32 s2, s26;
	[smem:$0x7F9] =	sst s23  }
0x44: {  	s11 =	sor.u32 $0x183000, s4;
	s12 =	sadd.s32 s0, s26;
	[smem:$0x7EF] =	sst s10  }
0x45: {  	s30 =	simm.s32 $0x8;
	s13 =	sadd.s32 s2, s11;
	[smem:$0x7F0] =	sst s12  }
0x46: {  	s31 =	simm.s32 $0x9;
	s14 =	sadd.s32 s0, s11;
	[smem:$0x7F1] =	sst s13  }
0x47: {  	s17 =	sor.u32 $0x83800, s4;
	s19 =	sadd.s32 s2, s9;
	[smem:$0x7F2] =	sst s14  }
0x48: {  	s18 =	sor.u32 $0x103800, s4;
	s20 =	sadd.s32 s2, s17;
	[smem:$0x7F5] =	sst s19  }
0x49: {  	s4 =	sor.u32 $0x183800, s4;
	s21 =	sadd.s32 s2, s18;
	[smem:$0x7F6] =	sst s20  }
0x4a: {  	s22 =	sadd.s32 s2, s4;
	s24 =	sadd.s32 s0, s17;
	[smem:$0x7F7] =	sst s21  }
0x4b: {  	s25 =	sadd.s32 s0, s18;
	s0 =	sadd.s32 s0, s4;
	[smem:$0x7F8] =	sst s22  }
0x4c: {  	s26 =	smax.u32 s3, $0x1;
	s18 =	sadd.s32 $0x4000, s6;
	[smem:$0x7FA] =	sst s24  }
0x4d: {  	s23 =	simm.s32 $0x1;
	s2 =	simm.s32 $0xA;
	[smem:$0x7FB] =	sst s25  }
0x4e: {  	s4 =	simm.s32 $0x0;
	[smem:$0x7FC] =	sst s0;
	s20 =	simm.s32 $0x4000  }
0x4f: {  	s21 =	simm.s32 $0x8000;
	s25 =	simm.s32 $0xC000;
	s0 =	simm.s32 $0x4  }
0x50: {  	_ =	strace $0x80000047;
	[smem:$0x7FD] =	sst s26;
	s26 =	simm.s32 $0x2  }
.LBB2_1:
0x51: {  	s3 =	sld [smem:$0x7E6];
	_ =	sdelay $0x1  }
0x52: {  	s1 =	simm.s32 $0x0;
	s5 =	simm.s32 $0x10000;
	s12 =	sld [smem:$0x7F3]  }
0x53: {  	[tilespmem:s5], [sflag:$0x5] =	stream.linear.gather [hbm4b:s3+s1], $0x4000, $0x38;
	v63 =	vld [tilespmem:$0x0]  }
0x54: {  	_ = 	snop  }
0x55: {  	[tilespmem:s1], [sflag:$0x1] =	stream.linear.gather [hbm4b:s12+s1], $0x4000, $0x38;
	v63 =	vld [tilespmem:$0x0]  }
0x56: {  	s13 =	rddreg [dreg:$0x5]  }
0x57: {  	[tilespmem:s20], [sflag:$0x2] =	stream.linear.gather [hbm4b:s13+s1], $0x4000, $0x38;
	v63 =	vld [tilespmem:$0x0]  }
0x58: {  	s14 =	rddreg [dreg:$0x6]  }
0x59: {  	[tilespmem:s21], [sflag:$0x3] =	stream.linear.gather [hbm4b:s14+s1], $0x4000, $0x38;
	v63 =	vld [tilespmem:$0x0]  }
0x5a: {  	s15 =	rddreg [dreg:$0x7];
	s16 =	simm.s32 $0x14000  }
0x5b: {  	[tilespmem:s16], [sflag:$0x6] =	stream.linear.gather [hbm4b:s15+s1], $0x4000, $0x38;
	v63 =	vld [tilespmem:$0x0]  }
0x5c: {  	_ =	swait.ge [sflag:s23], $0x4000  }
0x5d: {  	[sflag:s23] =	ssyncset.done $0x0  }
0x5e: {  	s17 =	simm.s32 $0x5;
	[sflag:s23] =	ssyncadd.s32 $0xFFFFC000  }
0x5f: {  	s22 =	sand.u32 $0x2000, s1;
	s7 =	sand.u32 $0x1C00, s1;
	_ =	swait.ge [sflag:s17], $0x4000  }
0x60: {  	s24 =	sand.u32 $0x380, s1;
	s5 =	sor.u32 s7, s22;
	[sflag:s17] =	ssyncset.done $0x0  }
0x61: {  	s7 =	sor.u32 s24, s5;
	s19 =	rddreg [dreg:$0x8];
	[sflag:s17] =	ssyncadd.s32 $0xFFFFC000  }
0x62: {  	[tilespmem:s25], [sflag:$0x4] =	stream.linear.gather [hbm4b:s19+s1], $0x4000, $0x38;
	v63 =	vld [tilespmem:$0x0]  }
0x63: {  	v0 =	vld [tilespmem:s7+$0x10070]  }
0x64: {  	v3 =	vld [tilespmem:s7+$0x10000]  }
0x65: {  	v4 =	vld [tilespmem:s7+$0x10010]  }
0x66: {  	v5 =	vld [tilespmem:s7+$0x10020]  }
0x67: {  	v6 =	vld [tilespmem:s7+$0x10030]  }
0x68: {  	v2 =	vld [tilespmem:s7+$0x10040]  }
0x69: {  	s5 =	sor.u32 $0x70, s7;
	v1 =	vld [tilespmem:s7+$0x10050]  }
0x6a: {  	[tilespmem:s5+$0x0] =	vst.add.f32.msk $0xffff, v0  }
0x6b: {  	v0 =	vld [tilespmem:s7+$0x10060]  }
0x6c: {  	s8 =	sor.u32 $0x10, s7;
	[tilespmem:s7+$0x0] =	vst.add.f32.msk $0xffff, v3  }
0x6d: {  	s9 =	sor.u32 $0x20, s7;
	s12 =	sor.u32 $0x40, s7;
	s11 =	sor.u32 $0x50, s7;
	[tilespmem:s8+$0x0] =	vst.add.f32.msk $0xffff, v4  }
0x6e: {  	s10 =	sor.u32 $0x60, s7;
	s13 =	sor.u32 $0x30, s7;
	s5 =	simm.s32 $0x0;
	[tilespmem:s9+$0x0] =	vst.add.f32.msk $0xffff, v5  }
0x6f: {  	[tilespmem:s13+$0x0] =	vst.add.f32.msk $0xffff, v6;
	s7 =	simm.s32 $0x10;
	s8 =	simm.s32 $0x400;
	s9 =	simm.s32 $0x80  }
.LBB2_2:
0x70: {  	s13 =	sand.u32 $0x2000, s9;
	s14 =	sand.u32 $0x1C00, s8;
	s5 =	sadd.s32 $0x8, s5;
	[tilespmem:s12+$0x0] =	vst.add.f32.msk $0xffff, v2  }
0x71: {  	s12 =	sor.u32 s14, s13;
	s13 =	sand.u32 $0x380, s7;
	p0 =	slt.u32 s5, $0x3F8;
	[tilespmem:s11+$0x0] =	vst.add.f32.msk $0xffff, v1  }
0x72: {  	s13 =	sor.u32 s13, s12;
	[tilespmem:s10+$0x0] =	vst.add.f32.msk $0xffff, v0  }
0x73: {  	s14 =	sor.u32 $0x10, s13;
	s15 =	sor.u32 $0x20, s13;
	s16 =	sor.u32 $0x30, s13;
	v0 =	vld [tilespmem:s13+$0x10070]  }
0x74: {  	s12 =	sor.u32 $0x40, s13;
	s11 =	sor.u32 $0x50, s13;
	s10 =	sor.u32 $0x60, s13;
	v3 =	vld [tilespmem:s13+$0x10000]  }
0x75: {  	v4 =	vld [tilespmem:s13+$0x10010]  }
0x76: {  	v5 =	vld [tilespmem:s13+$0x10020]  }
0x77: {  	s17 =	sor.u32 $0x70, s13;
	v6 =	vld [tilespmem:s13+$0x10030]  }
0x78: {  	[tilespmem:s17+$0x0] =	vst.add.f32.msk $0xffff, v0  }
0x79: {  	v2 =	vld [tilespmem:s13+$0x10040]  }
0x7a: {  	v1 =	vld [tilespmem:s13+$0x10050]  }
.Ltmp0:
0x7b: {  	v0 =	vld [tilespmem:s13+$0x10060];
	(pc) =	sbr.rel @p0 .LBB2_2-.Ltmp0, $4  }
0x7c: {  	[tilespmem:s13+$0x0] =	vst.add.f32.msk $0xffff, v3  }
0x7d: {  	[tilespmem:s14+$0x0] =	vst.add.f32.msk $0xffff, v4  }
0x7e: {  	[tilespmem:s15+$0x0] =	vst.add.f32.msk $0xffff, v5  }
0x7f: {  	s8 =	sadd.s32 $0x400, s8;
	s9 =	sadd.s32 $0x80, s9;
	s7 =	sadd.s32 $0x10, s7;
	[tilespmem:s16+$0x0] =	vst.add.f32.msk $0xffff, v6  }
0x80: {  	[tilespmem:s12+$0x0] =	vst.add.f32.msk $0xffff, v2  }
0x81: {  	[tilespmem:s11+$0x0] =	vst.add.f32.msk $0xffff, v1  }
0x82: {  	[tilespmem:s10+$0x0] =	vst.add.f32.msk $0xffff, v0;
	s9 =	simm.s32 $0x0  }
0x83: {  	[spmem:s6] =	stream.linear.scatter [tilespmem:s9], [sflag:$0x7], $0x4000, $0x38;
	v63 =	vld [tilespmem:$0x0]  }
0x84: {  	_ =	swait.ge [sflag:s26], $0x4000  }
0x85: {  	[sflag:s26] =	ssyncset.done $0x0  }
0x86: {  	[sflag:s26] =	ssyncadd.s32 $0xFFFFC000  }
0x87: {  	_ =	swait.ge [sflag:s28], $0x4000  }
0x88: {  	s1 =	stileid.u32;
	s15 =	sld [smem:$0x7F4]  }
0x89: {  	s8 =	sshll.u32 s1, $0x6;
	[sflag:s28] =	ssyncset.done $0x0  }
0x8a: {  	s7 =	sshrl.u32 s6, $0x3;
	s5 =	sor.u32 $0x1C09, s8;
	[sflag:s28] =	ssyncadd.s32 $0xFFFFC000  }
0x8b: {  	[hbm:s15], [sflag:s5] =	dma.local [spmem:s7], $0x800  }
0x8c: {  	s16 =	sand.u32 $0x2000, s9;
	s17 =	sand.u32 $0x1C00, s9;
	s1 =	rddreg [dreg:$0x9]  }
0x8d: {  	[tilespmem:s9], [sflag:$0x1] =	stream.linear.gather [hbm4b:s1+s9], $0x4000, $0x38;
	v63 =	vld [tilespmem:$0x0]  }
0x8e: {  	s10 =	sor.u32 s17, s16;
	s9 =	sand.u32 $0x380, s9  }
0x8f: {  	s10 =	sor.u32 s9, s10  }
0x90: {  	v0 =	vld [tilespmem:s10+$0x10070]  }
0x91: {  	v3 =	vld [tilespmem:s10+$0x10000]  }
0x92: {  	v4 =	vld [tilespmem:s10+$0x10010]  }
0x93: {  	v5 =	vld [tilespmem:s10+$0x10020]  }
0x94: {  	v6 =	vld [tilespmem:s10+$0x10030]  }
0x95: {  	v2 =	vld [tilespmem:s10+$0x10040]  }
0x96: {  	s9 =	sor.u32 $0x4070, s10;
	v1 =	vld [tilespmem:s10+$0x10060]  }
0x97: {  	[tilespmem:s9+$0x0] =	vst.add.f32.msk $0xffff, v0  }
0x98: {  	s19 =	sor.u32 $0x4000, s10;
	v0 =	vld [tilespmem:s10+$0x10050]  }
0x99: {  	s22 =	sor.u32 $0x4010, s10;
	[tilespmem:s19+$0x0] =	vst.add.f32.msk $0xffff, v3  }
0x9a: {  	s11 =	simm.s32 $0x400;
	s12 =	simm.s32 $0x80;
	s24 =	sor.u32 $0x4020, s10;
	[tilespmem:s22+$0x0] =	vst.add.f32.msk $0xffff, v4  }
0x9b: {  	s16 =	sor.u32 $0x4030, s10;
	s15 =	sor.u32 $0x4040, s10;
	s13 =	sor.u32 $0x4050, s10;
	[tilespmem:s24+$0x0] =	vst.add.f32.msk $0xffff, v5  }
0x9c: {  	s14 =	sor.u32 $0x4060, s10;
	s9 =	simm.s32 $0x0;
	[tilespmem:s16+$0x0] =	vst.add.f32.msk $0xffff, v6;
	s10 =	simm.s32 $0x10  }
.LBB2_4:
0x9d: {  	s16 =	sand.u32 $0x2000, s12;
	s17 =	sand.u32 $0x1C00, s11;
	s9 =	sadd.s32 $0x8, s9;
	[tilespmem:s15+$0x0] =	vst.add.f32.msk $0xffff, v2  }
0x9e: {  	s15 =	sor.u32 s17, s16;
	s16 =	sand.u32 $0x380, s10;
	p0 =	slt.u32 s9, $0x3F8;
	[tilespmem:s13+$0x0] =	vst.add.f32.msk $0xffff, v0  }
0x9f: {  	s16 =	sor.u32 s16, s15;
	[tilespmem:s14+$0x0] =	vst.add.f32.msk $0xffff, v1  }
0xa0: {  	s17 =	sor.u32 $0x4000, s16;
	s19 =	sor.u32 $0x4010, s16;
	s22 =	sor.u32 $0x4020, s16;
	v0 =	vld [tilespmem:s16+$0x10070]  }
0xa1: {  	s1 =	sor.u32 $0x4030, s16;
	s15 =	sor.u32 $0x4040, s16;
	s13 =	sor.u32 $0x4050, s16;
	v3 =	vld [tilespmem:s16+$0x10000]  }
0xa2: {  	s14 =	sor.u32 $0x4060, s16;
	v4 =	vld [tilespmem:s16+$0x10010]  }
0xa3: {  	v5 =	vld [tilespmem:s16+$0x10020]  }
0xa4: {  	s24 =	sor.u32 $0x4070, s16;
	v6 =	vld [tilespmem:s16+$0x10030]  }
0xa5: {  	[tilespmem:s24+$0x0] =	vst.add.f32.msk $0xffff, v0  }
0xa6: {  	v2 =	vld [tilespmem:s16+$0x10040]  }
0xa7: {  	v0 =	vld [tilespmem:s16+$0x10050]  }
.Ltmp1:
0xa8: {  	v1 =	vld [tilespmem:s16+$0x10060];
	(pc) =	sbr.rel @p0 .LBB2_4-.Ltmp1, $4  }
0xa9: {  	[tilespmem:s17+$0x0] =	vst.add.f32.msk $0xffff, v3  }
0xaa: {  	[tilespmem:s19+$0x0] =	vst.add.f32.msk $0xffff, v4  }
0xab: {  	[tilespmem:s22+$0x0] =	vst.add.f32.msk $0xffff, v5  }
0xac: {  	s11 =	sadd.s32 $0x400, s11;
	s12 =	sadd.s32 $0x80, s12;
	s10 =	sadd.s32 $0x10, s10;
	[tilespmem:s1+$0x0] =	vst.add.f32.msk $0xffff, v6  }
0xad: {  	[tilespmem:s15+$0x0] =	vst.add.f32.msk $0xffff, v2  }
0xae: {  	[tilespmem:s13+$0x0] =	vst.add.f32.msk $0xffff, v0  }
0xaf: {  	[tilespmem:s14+$0x0] =	vst.add.f32.msk $0xffff, v1  }
0xb0: {  	[spmem:s18] =	stream.linear.scatter [tilespmem:s20], [sflag:$0x8], $0x4000, $0x38;
	v63 =	vld [tilespmem:$0x0]  }
0xb1: {  	_ =	swait.ge [sflag:s29], $0x4000  }
0xb2: {  	[sflag:s29] =	ssyncset.done $0x0  }
0xb3: {  	[sflag:s29] =	ssyncadd.s32 $0xFFFFC000  }
0xb4: {  	_ =	swait.ge [sflag:s30], $0x4000  }
0xb5: {  	s8 =	sor.u32 $0x1C0A, s8;
	[sflag:s30] =	ssyncset.done $0x0  }
0xb6: {  	s9 =	sshrl.u32 s18, $0x3;
	s1 =	rddreg [dreg:$0xa];
	[sflag:s30] =	ssyncadd.s32 $0xFFFFC000  }
0xb7: {  	[hbm:s1], [sflag:s8] =	dma.local [spmem:s9], $0x800  }
0xb8: {  	s17 =	simm.s32 $0x0;
	s3 =	rddreg [dreg:$0xb]  }
0xb9: {  	[tilespmem:s20], [sflag:$0x2] =	stream.linear.gather [hbm4b:s3+s17], $0x4000, $0x38;
	v63 =	vld [tilespmem:$0x0]  }
0xba: {  	s10 =	sand.u32 $0x2000, s17;
	s11 =	sand.u32 $0x1C00, s17;
	_ =	swait.ge [sflag:s31], $0x800  }
0xbb: {  	s10 =	sor.u32 s11, s10;
	s1 =	sand.u32 $0x380, s17;
	[sflag:s31] =	ssyncset.done $0x0  }
0xbc: {  	s1 =	sor.u32 s1, s10;
	[sflag:s31] =	ssyncadd.s32 $0xFFFFF800  }
0xbd: {  	v0 =	vld [tilespmem:s1+$0x10070]  }
0xbe: {  	v3 =	vld [tilespmem:s1+$0x10000]  }
0xbf: {  	v4 =	vld [tilespmem:s1+$0x10010]  }
0xc0: {  	v5 =	vld [tilespmem:s1+$0x10020]  }
0xc1: {  	v6 =	vld [tilespmem:s1+$0x10030]  }
0xc2: {  	v2 =	vld [tilespmem:s1+$0x10040]  }
0xc3: {  	s10 =	sor.u32 $0x8070, s1;
	v1 =	vld [tilespmem:s1+$0x10060]  }
0xc4: {  	[tilespmem:s10+$0x0] =	vst.add.f32.msk $0xffff, v0  }
0xc5: {  	s19 =	sor.u32 $0x8000, s1;
	v0 =	vld [tilespmem:s1+$0x10050]  }
0xc6: {  	s22 =	sor.u32 $0x8010, s1;
	[tilespmem:s19+$0x0] =	vst.add.f32.msk $0xffff, v3  }
0xc7: {  	s13 =	simm.s32 $0x80;
	s11 =	simm.s32 $0x10;
	s12 =	sor.u32 $0x8020, s1;
	[tilespmem:s22+$0x0] =	vst.add.f32.msk $0xffff, v4  }
0xc8: {  	s24 =	sor.u32 $0x8030, s1;
	s16 =	sor.u32 $0x8040, s1;
	s14 =	sor.u32 $0x8050, s1;
	[tilespmem:s12+$0x0] =	vst.add.f32.msk $0xffff, v5  }
0xc9: {  	s15 =	sor.u32 $0x8060, s1;
	s10 =	simm.s32 $0x0;
	[tilespmem:s24+$0x0] =	vst.add.f32.msk $0xffff, v6;
	s12 =	simm.s32 $0x400  }
.LBB2_6:
0xca: {  	s1 =	sand.u32 $0x2000, s13;
	s17 =	sand.u32 $0x1C00, s12;
	s10 =	sadd.s32 $0x8, s10;
	[tilespmem:s16+$0x0] =	vst.add.f32.msk $0xffff, v2  }
0xcb: {  	s16 =	sand.u32 $0x380, s11;
	s1 =	sor.u32 s17, s1;
	p0 =	slt.u32 s10, $0x3F8;
	[tilespmem:s14+$0x0] =	vst.add.f32.msk $0xffff, v0  }
0xcc: {  	s1 =	sor.u32 s16, s1;
	[tilespmem:s15+$0x0] =	vst.add.f32.msk $0xffff, v1  }
0xcd: {  	s17 =	sor.u32 $0x8000, s1;
	s19 =	sor.u32 $0x8010, s1;
	s22 =	sor.u32 $0x8020, s1;
	v0 =	vld [tilespmem:s1+$0x10070]  }
0xce: {  	s24 =	sor.u32 $0x8030, s1;
	s16 =	sor.u32 $0x8040, s1;
	s14 =	sor.u32 $0x8050, s1;
	v3 =	vld [tilespmem:s1+$0x10000]  }
0xcf: {  	s15 =	sor.u32 $0x8060, s1;
	v4 =	vld [tilespmem:s1+$0x10010]  }
0xd0: {  	v5 =	vld [tilespmem:s1+$0x10020]  }
0xd1: {  	s3 =	sor.u32 $0x8070, s1;
	v6 =	vld [tilespmem:s1+$0x10030]  }
0xd2: {  	[tilespmem:s3+$0x0] =	vst.add.f32.msk $0xffff, v0  }
0xd3: {  	v2 =	vld [tilespmem:s1+$0x10040]  }
0xd4: {  	v0 =	vld [tilespmem:s1+$0x10050]  }
.Ltmp2:
0xd5: {  	v1 =	vld [tilespmem:s1+$0x10060];
	(pc) =	sbr.rel @p0 .LBB2_6-.Ltmp2, $4  }
0xd6: {  	[tilespmem:s17+$0x0] =	vst.add.f32.msk $0xffff, v3  }
0xd7: {  	[tilespmem:s19+$0x0] =	vst.add.f32.msk $0xffff, v4  }
0xd8: {  	[tilespmem:s22+$0x0] =	vst.add.f32.msk $0xffff, v5  }
0xd9: {  	s11 =	sadd.s32 $0x10, s11;
	s12 =	sadd.s32 $0x400, s12;
	s13 =	sadd.s32 $0x80, s13;
	[tilespmem:s24+$0x0] =	vst.add.f32.msk $0xffff, v6  }
0xda: {  	[tilespmem:s16+$0x0] =	vst.add.f32.msk $0xffff, v2  }
0xdb: {  	[tilespmem:s14+$0x0] =	vst.add.f32.msk $0xffff, v0  }
0xdc: {  	[tilespmem:s15+$0x0] =	vst.add.f32.msk $0xffff, v1  }
0xdd: {  	[spmem:s6] =	stream.linear.scatter [tilespmem:s21], [sflag:$0x7], $0x4000, $0x38;
	v63 =	vld [tilespmem:$0x0]  }
0xde: {  	_ =	swait.ge [sflag:s0], $0x4000  }
0xdf: {  	[sflag:s0] =	ssyncset.done $0x0  }
0xe0: {  	[sflag:s0] =	ssyncadd.s32 $0xFFFFC000  }
0xe1: {  	_ =	swait.ge [sflag:s28], $0x4000  }
0xe2: {  	[sflag:s28] =	ssyncset.done $0x0  }
0xe3: {  	s1 =	rddreg [dreg:$0xc];
	[sflag:s28] =	ssyncadd.s32 $0xFFFFC000  }
0xe4: {  	[hbm:s1], [sflag:s5] =	dma.local [spmem:s7], $0x800  }
0xe5: {  	s17 =	simm.s32 $0x0;
	s3 =	rddreg [dreg:$0xd]  }
0xe6: {  	[tilespmem:s21], [sflag:$0x3] =	stream.linear.gather [hbm4b:s3+s17], $0x4000, $0x38;
	v63 =	vld [tilespmem:$0x0]  }
0xe7: {  	s19 =	sand.u32 $0x2000, s17;
	s10 =	sand.u32 $0x1C00, s17;
	_ =	swait.ge [sflag:s2], $0x800  }
0xe8: {  	s1 =	sand.u32 $0x380, s17;
	s3 =	sor.u32 s10, s19;
	[sflag:s2] =	ssyncset.done $0x0  }
0xe9: {  	s1 =	sor.u32 s1, s3;
	[sflag:s2] =	ssyncadd.s32 $0xFFFFF800  }
0xea: {  	v0 =	vld [tilespmem:s1+$0x10070]  }
0xeb: {  	v3 =	vld [tilespmem:s1+$0x10000]  }
0xec: {  	v4 =	vld [tilespmem:s1+$0x10010]  }
0xed: {  	v5 =	vld [tilespmem:s1+$0x10020]  }
0xee: {  	v6 =	vld [tilespmem:s1+$0x10030]  }
0xef: {  	v2 =	vld [tilespmem:s1+$0x10040]  }
0xf0: {  	s3 =	sor.u32 $0xC070, s1;
	v1 =	vld [tilespmem:s1+$0x10060]  }
0xf1: {  	[tilespmem:s3+$0x0] =	vst.add.f32.msk $0xffff, v0  }
0xf2: {  	s22 =	sor.u32 $0xC000, s1;
	v0 =	vld [tilespmem:s1+$0x10050]  }
0xf3: {  	s11 =	sor.u32 $0xC010, s1;
	[tilespmem:s22+$0x0] =	vst.add.f32.msk $0xffff, v3  }
0xf4: {  	s13 =	simm.s32 $0x80;
	s10 =	simm.s32 $0x0;
	s24 =	sor.u32 $0xC020, s1;
	[tilespmem:s11+$0x0] =	vst.add.f32.msk $0xffff, v4  }
0xf5: {  	s12 =	sor.u32 $0xC030, s1;
	s16 =	sor.u32 $0xC040, s1;
	s14 =	sor.u32 $0xC050, s1;
	[tilespmem:s24+$0x0] =	vst.add.f32.msk $0xffff, v5  }
0xf6: {  	s15 =	sor.u32 $0xC060, s1;
	[tilespmem:s12+$0x0] =	vst.add.f32.msk $0xffff, v6;
	s11 =	simm.s32 $0x10;
	s12 =	simm.s32 $0x400  }
.LBB2_8:
0xf7: {  	s1 =	sand.u32 $0x2000, s13;
	s3 =	sand.u32 $0x1C00, s12;
	s10 =	sadd.s32 $0x8, s10;
	[tilespmem:s16+$0x0] =	vst.add.f32.msk $0xffff, v2  }
0xf8: {  	s1 =	sor.u32 s3, s1;
	s3 =	sand.u32 $0x380, s11;
	p0 =	slt.u32 s10, $0x3F8;
	[tilespmem:s14+$0x0] =	vst.add.f32.msk $0xffff, v0  }
0xf9: {  	s1 =	sor.u32 s3, s1;
	[tilespmem:s15+$0x0] =	vst.add.f32.msk $0xffff, v1  }
0xfa: {  	s3 =	sor.u32 $0xC000, s1;
	s17 =	sor.u32 $0xC010, s1;
	s19 =	sor.u32 $0xC020, s1;
	v0 =	vld [tilespmem:s1+$0x10070]  }
0xfb: {  	s22 =	sor.u32 $0xC030, s1;
	s16 =	sor.u32 $0xC040, s1;
	s14 =	sor.u32 $0xC050, s1;
	v3 =	vld [tilespmem:s1+$0x10000]  }
0xfc: {  	s15 =	sor.u32 $0xC060, s1;
	v4 =	vld [tilespmem:s1+$0x10010]  }
0xfd: {  	v5 =	vld [tilespmem:s1+$0x10020]  }
0xfe: {  	s24 =	sor.u32 $0xC070, s1;
	v6 =	vld [tilespmem:s1+$0x10030]  }
0xff: {  	[tilespmem:s24+$0x0] =	vst.add.f32.msk $0xffff, v0  }
0x100: {  	v2 =	vld [tilespmem:s1+$0x10040]  }
0x101: {  	v0 =	vld [tilespmem:s1+$0x10050]  }
.Ltmp3:
0x102: {  	v1 =	vld [tilespmem:s1+$0x10060];
	(pc) =	sbr.rel @p0 .LBB2_8-.Ltmp3, $4  }
0x103: {  	[tilespmem:s3+$0x0] =	vst.add.f32.msk $0xffff, v3  }
0x104: {  	[tilespmem:s17+$0x0] =	vst.add.f32.msk $0xffff, v4  }
0x105: {  	[tilespmem:s19+$0x0] =	vst.add.f32.msk $0xffff, v5  }
0x106: {  	s12 =	sadd.s32 $0x400, s12;
	s13 =	sadd.s32 $0x80, s13;
	s11 =	sadd.s32 $0x10, s11;
	[tilespmem:s22+$0x0] =	vst.add.f32.msk $0xffff, v6  }
0x107: {  	[tilespmem:s16+$0x0] =	vst.add.f32.msk $0xffff, v2  }
0x108: {  	[tilespmem:s14+$0x0] =	vst.add.f32.msk $0xffff, v0  }
0x109: {  	[tilespmem:s15+$0x0] =	vst.add.f32.msk $0xffff, v1  }
0x10a: {  	[spmem:s18] =	stream.linear.scatter [tilespmem:s25], [sflag:$0x8], $0x4000, $0x38;
	v63 =	vld [tilespmem:$0x0]  }
0x10b: {  	s1 =	simm.s32 $0x0;
	s10 =	simm.s32 $0x10000;
	s3 =	rddreg [dreg:$0xe]  }
0x10c: {  	[tilespmem:s10], [sflag:$0x5] =	stream.linear.gather [hbm4b:s3+s1], $0x4000, $0x38;
	v63 =	vld [tilespmem:$0x0]  }
0x10d: {  	_ =	swait.ge [sflag:s23], $0x4000  }
0x10e: {  	[sflag:s23] =	ssyncset.done $0x0  }
0x10f: {  	s16 =	simm.s32 $0x6;
	[sflag:s23] =	ssyncadd.s32 $0xFFFFC000  }
0x110: {  	_ =	swait.ge [sflag:s16], $0x4000  }
0x111: {  	[sflag:s16] =	ssyncset.done $0x0  }
0x112: {  	[sflag:s16] =	ssyncadd.s32 $0xFFFFC000  }
0x113: {  	_ =	swait.ge [sflag:s30], $0x4000  }
0x114: {  	[sflag:s30] =	ssyncset.done $0x0  }
0x115: {  	s17 =	rddreg [dreg:$0xf];
	[sflag:s30] =	ssyncadd.s32 $0xFFFFC000  }
0x116: {  	[hbm:s17], [sflag:s8] =	dma.local [spmem:s9], $0x800  }
0x117: {  	s3 =	rddreg [dreg:$0x10]  }
0x118: {  	[tilespmem:s25], [sflag:$0x4] =	stream.linear.gather [hbm4b:s3+s1], $0x4000, $0x38;
	v63 =	vld [tilespmem:$0x0]  }
0x119: {  	s19 =	sand.u32 $0x2000, s1;
	s22 =	sand.u32 $0x1C00, s1;
	_ =	swait.ge [sflag:s31], $0x800  }
0x11a: {  	s3 =	sor.u32 s22, s19;
	s1 =	sand.u32 $0x380, s1;
	[sflag:s31] =	ssyncset.done $0x0  }
0x11b: {  	s1 =	sor.u32 s1, s3;
	[sflag:s31] =	ssyncadd.s32 $0xFFFFF800  }
0x11c: {  	v0 =	vld [tilespmem:s1+$0x14070]  }
0x11d: {  	v3 =	vld [tilespmem:s1+$0x14000]  }
0x11e: {  	v4 =	vld [tilespmem:s1+$0x14010]  }
0x11f: {  	v5 =	vld [tilespmem:s1+$0x14020]  }
0x120: {  	v6 =	vld [tilespmem:s1+$0x14030]  }
0x121: {  	v2 =	vld [tilespmem:s1+$0x14040]  }
0x122: {  	s3 =	sor.u32 $0x70, s1;
	v1 =	vld [tilespmem:s1+$0x14050]  }
0x123: {  	[tilespmem:s3+$0x0] =	vst.add.f32.msk $0xffff, v0  }
0x124: {  	v0 =	vld [tilespmem:s1+$0x14060]  }
0x125: {  	s24 =	sor.u32 $0x10, s1;
	[tilespmem:s1+$0x0] =	vst.add.f32.msk $0xffff, v3  }
0x126: {  	s13 =	simm.s32 $0x80;
	s10 =	simm.s32 $0x0;
	s11 =	sor.u32 $0x20, s1;
	[tilespmem:s24+$0x0] =	vst.add.f32.msk $0xffff, v4  }
0x127: {  	s12 =	sor.u32 $0x30, s1;
	s16 =	sor.u32 $0x40, s1;
	s15 =	sor.u32 $0x50, s1;
	[tilespmem:s11+$0x0] =	vst.add.f32.msk $0xffff, v5  }
0x128: {  	s14 =	sor.u32 $0x60, s1;
	[tilespmem:s12+$0x0] =	vst.add.f32.msk $0xffff, v6;
	s11 =	simm.s32 $0x10;
	s12 =	simm.s32 $0x400  }
.LBB2_10:
0x129: {  	s1 =	sand.u32 $0x2000, s13;
	s3 =	sand.u32 $0x1C00, s12;
	s10 =	sadd.s32 $0x8, s10;
	[tilespmem:s16+$0x0] =	vst.add.f32.msk $0xffff, v2  }
0x12a: {  	s1 =	sor.u32 s3, s1;
	s3 =	sand.u32 $0x380, s11;
	p0 =	slt.u32 s10, $0x3F8;
	[tilespmem:s15+$0x0] =	vst.add.f32.msk $0xffff, v1  }
0x12b: {  	s1 =	sor.u32 s3, s1;
	[tilespmem:s14+$0x0] =	vst.add.f32.msk $0xffff, v0  }
0x12c: {  	s3 =	sor.u32 $0x10, s1;
	s17 =	sor.u32 $0x20, s1;
	s19 =	sor.u32 $0x30, s1;
	v0 =	vld [tilespmem:s1+$0x14070]  }
0x12d: {  	s16 =	sor.u32 $0x40, s1;
	s15 =	sor.u32 $0x50, s1;
	s14 =	sor.u32 $0x60, s1;
	v3 =	vld [tilespmem:s1+$0x14000]  }
0x12e: {  	v4 =	vld [tilespmem:s1+$0x14010]  }
0x12f: {  	v5 =	vld [tilespmem:s1+$0x14020]  }
0x130: {  	s22 =	sor.u32 $0x70, s1;
	v6 =	vld [tilespmem:s1+$0x14030]  }
0x131: {  	[tilespmem:s22+$0x0] =	vst.add.f32.msk $0xffff, v0  }
0x132: {  	v2 =	vld [tilespmem:s1+$0x14040]  }
0x133: {  	v1 =	vld [tilespmem:s1+$0x14050]  }
.Ltmp4:
0x134: {  	v0 =	vld [tilespmem:s1+$0x14060];
	(pc) =	sbr.rel @p0 .LBB2_10-.Ltmp4, $4  }
0x135: {  	[tilespmem:s1+$0x0] =	vst.add.f32.msk $0xffff, v3  }
0x136: {  	[tilespmem:s3+$0x0] =	vst.add.f32.msk $0xffff, v4  }
0x137: {  	[tilespmem:s17+$0x0] =	vst.add.f32.msk $0xffff, v5  }
0x138: {  	s12 =	sadd.s32 $0x400, s12;
	s13 =	sadd.s32 $0x80, s13;
	s11 =	sadd.s32 $0x10, s11;
	[tilespmem:s19+$0x0] =	vst.add.f32.msk $0xffff, v6  }
0x139: {  	[tilespmem:s16+$0x0] =	vst.add.f32.msk $0xffff, v2  }
0x13a: {  	[tilespmem:s15+$0x0] =	vst.add.f32.msk $0xffff, v1  }
0x13b: {  	[tilespmem:s14+$0x0] =	vst.add.f32.msk $0xffff, v0;
	s1 =	simm.s32 $0x0  }
0x13c: {  	[spmem:s6] =	stream.linear.scatter [tilespmem:s1], [sflag:$0x7], $0x4000, $0x38;
	v63 =	vld [tilespmem:$0x0]  }
0x13d: {  	_ =	swait.ge [sflag:s26], $0x4000  }
0x13e: {  	[sflag:s26] =	ssyncset.done $0x0  }
0x13f: {  	[sflag:s26] =	ssyncadd.s32 $0xFFFFC000  }
0x140: {  	_ =	swait.ge [sflag:s28], $0x4000  }
0x141: {  	[sflag:s28] =	ssyncset.done $0x0  }
0x142: {  	s3 =	rddreg [dreg:$0x11];
	[sflag:s28] =	ssyncadd.s32 $0xFFFFC000  }
0x143: {  	[hbm:s3], [sflag:s5] =	dma.local [spmem:s7], $0x800  }
0x144: {  	s3 =	rddreg [dreg:$0x12]  }
0x145: {  	[tilespmem:s1], [sflag:$0x1] =	stream.linear.gather [hbm4b:s3+s1], $0x4000, $0x38;
	v63 =	vld [tilespmem:$0x0]  }
0x146: {  	s19 =	sand.u32 $0x2000, s1;
	s10 =	sand.u32 $0x1C00, s1;
	_ =	swait.ge [sflag:s2], $0x800  }
0x147: {  	s3 =	sor.u32 s10, s19;
	s1 =	sand.u32 $0x380, s1;
	[sflag:s2] =	ssyncset.done $0x0  }
0x148: {  	s1 =	sor.u32 s1, s3;
	[sflag:s2] =	ssyncadd.s32 $0xFFFFF800  }
0x149: {  	v0 =	vld [tilespmem:s1+$0x14070]  }
0x14a: {  	v3 =	vld [tilespmem:s1+$0x14000]  }
0x14b: {  	v4 =	vld [tilespmem:s1+$0x14010]  }
0x14c: {  	v5 =	vld [tilespmem:s1+$0x14020]  }
0x14d: {  	v6 =	vld [tilespmem:s1+$0x14030]  }
0x14e: {  	v2 =	vld [tilespmem:s1+$0x14040]  }
0x14f: {  	s3 =	sor.u32 $0x4070, s1;
	v1 =	vld [tilespmem:s1+$0x14060]  }
0x150: {  	[tilespmem:s3+$0x0] =	vst.add.f32.msk $0xffff, v0  }
0x151: {  	s22 =	sor.u32 $0x4000, s1;
	v0 =	vld [tilespmem:s1+$0x14050]  }
0x152: {  	s11 =	sor.u32 $0x4010, s1;
	[tilespmem:s22+$0x0] =	vst.add.f32.msk $0xffff, v3  }
0x153: {  	s13 =	simm.s32 $0x80;
	s10 =	simm.s32 $0x0;
	s24 =	sor.u32 $0x4020, s1;
	[tilespmem:s11+$0x0] =	vst.add.f32.msk $0xffff, v4  }
0x154: {  	s12 =	sor.u32 $0x4030, s1;
	s16 =	sor.u32 $0x4040, s1;
	s14 =	sor.u32 $0x4050, s1;
	[tilespmem:s24+$0x0] =	vst.add.f32.msk $0xffff, v5  }
0x155: {  	s15 =	sor.u32 $0x4060, s1;
	[tilespmem:s12+$0x0] =	vst.add.f32.msk $0xffff, v6;
	s11 =	simm.s32 $0x10;
	s12 =	simm.s32 $0x400  }
.LBB2_12:
0x156: {  	s1 =	sand.u32 $0x2000, s13;
	s3 =	sand.u32 $0x1C00, s12;
	s10 =	sadd.s32 $0x8, s10;
	[tilespmem:s16+$0x0] =	vst.add.f32.msk $0xffff, v2  }
0x157: {  	s1 =	sor.u32 s3, s1;
	s3 =	sand.u32 $0x380, s11;
	p0 =	slt.u32 s10, $0x3F8;
	[tilespmem:s14+$0x0] =	vst.add.f32.msk $0xffff, v0  }
0x158: {  	s1 =	sor.u32 s3, s1;
	[tilespmem:s15+$0x0] =	vst.add.f32.msk $0xffff, v1  }
0x159: {  	s3 =	sor.u32 $0x4000, s1;
	s17 =	sor.u32 $0x4010, s1;
	s19 =	sor.u32 $0x4020, s1;
	v0 =	vld [tilespmem:s1+$0x14070]  }
0x15a: {  	s22 =	sor.u32 $0x4030, s1;
	s16 =	sor.u32 $0x4040, s1;
	s14 =	sor.u32 $0x4050, s1;
	v3 =	vld [tilespmem:s1+$0x14000]  }
0x15b: {  	s15 =	sor.u32 $0x4060, s1;
	v4 =	vld [tilespmem:s1+$0x14010]  }
0x15c: {  	v5 =	vld [tilespmem:s1+$0x14020]  }
0x15d: {  	s24 =	sor.u32 $0x4070, s1;
	v6 =	vld [tilespmem:s1+$0x14030]  }
0x15e: {  	[tilespmem:s24+$0x0] =	vst.add.f32.msk $0xffff, v0  }
0x15f: {  	v2 =	vld [tilespmem:s1+$0x14040]  }
0x160: {  	v0 =	vld [tilespmem:s1+$0x14050]  }
.Ltmp5:
0x161: {  	v1 =	vld [tilespmem:s1+$0x14060];
	(pc) =	sbr.rel @p0 .LBB2_12-.Ltmp5, $4  }
0x162: {  	[tilespmem:s3+$0x0] =	vst.add.f32.msk $0xffff, v3  }
0x163: {  	[tilespmem:s17+$0x0] =	vst.add.f32.msk $0xffff, v4  }
0x164: {  	[tilespmem:s19+$0x0] =	vst.add.f32.msk $0xffff, v5  }
0x165: {  	s12 =	sadd.s32 $0x400, s12;
	s13 =	sadd.s32 $0x80, s13;
	s11 =	sadd.s32 $0x10, s11;
	[tilespmem:s22+$0x0] =	vst.add.f32.msk $0xffff, v6  }
0x166: {  	[tilespmem:s16+$0x0] =	vst.add.f32.msk $0xffff, v2  }
0x167: {  	[tilespmem:s14+$0x0] =	vst.add.f32.msk $0xffff, v0  }
0x168: {  	[tilespmem:s15+$0x0] =	vst.add.f32.msk $0xffff, v1  }
0x169: {  	[spmem:s18] =	stream.linear.scatter [tilespmem:s20], [sflag:$0x8], $0x4000, $0x38;
	v63 =	vld [tilespmem:$0x0]  }
0x16a: {  	_ =	swait.ge [sflag:s29], $0x4000  }
0x16b: {  	[sflag:s29] =	ssyncset.done $0x0  }
0x16c: {  	[sflag:s29] =	ssyncadd.s32 $0xFFFFC000  }
0x16d: {  	_ =	swait.ge [sflag:s30], $0x4000  }
0x16e: {  	[sflag:s30] =	ssyncset.done $0x0  }
0x16f: {  	s1 =	rddreg [dreg:$0x13];
	[sflag:s30] =	ssyncadd.s32 $0xFFFFC000  }
0x170: {  	[hbm:s1], [sflag:s8] =	dma.local [spmem:s9], $0x800  }
0x171: {  	s17 =	simm.s32 $0x0;
	s3 =	rddreg [dreg:$0x17]  }
0x172: {  	[tilespmem:s20], [sflag:$0x2] =	stream.linear.gather [hbm4b:s3+s17], $0x4000, $0x38;
	v63 =	vld [tilespmem:$0x0]  }
0x173: {  	s19 =	sand.u32 $0x2000, s17;
	s10 =	sand.u32 $0x1C00, s17;
	_ =	swait.ge [sflag:s31], $0x800  }
0x174: {  	s1 =	sand.u32 $0x380, s17;
	s3 =	sor.u32 s10, s19;
	[sflag:s31] =	ssyncset.done $0x0  }
0x175: {  	s1 =	sor.u32 s1, s3;
	[sflag:s31] =	ssyncadd.s32 $0xFFFFF800  }
0x176: {  	v0 =	vld [tilespmem:s1+$0x14070]  }
0x177: {  	v3 =	vld [tilespmem:s1+$0x14000]  }
0x178: {  	v4 =	vld [tilespmem:s1+$0x14010]  }
0x179: {  	v5 =	vld [tilespmem:s1+$0x14020]  }
0x17a: {  	v6 =	vld [tilespmem:s1+$0x14030]  }
0x17b: {  	v2 =	vld [tilespmem:s1+$0x14040]  }
0x17c: {  	s3 =	sor.u32 $0x8070, s1;
	v1 =	vld [tilespmem:s1+$0x14060]  }
0x17d: {  	[tilespmem:s3+$0x0] =	vst.add.f32.msk $0xffff, v0  }
0x17e: {  	s22 =	sor.u32 $0x8000, s1;
	v0 =	vld [tilespmem:s1+$0x14050]  }
0x17f: {  	s11 =	sor.u32 $0x8010, s1;
	[tilespmem:s22+$0x0] =	vst.add.f32.msk $0xffff, v3  }
0x180: {  	s13 =	simm.s32 $0x80;
	s10 =	simm.s32 $0x0;
	s24 =	sor.u32 $0x8020, s1;
	[tilespmem:s11+$0x0] =	vst.add.f32.msk $0xffff, v4  }
0x181: {  	s12 =	sor.u32 $0x8030, s1;
	s16 =	sor.u32 $0x8040, s1;
	s14 =	sor.u32 $0x8050, s1;
	[tilespmem:s24+$0x0] =	vst.add.f32.msk $0xffff, v5  }
0x182: {  	s15 =	sor.u32 $0x8060, s1;
	[tilespmem:s12+$0x0] =	vst.add.f32.msk $0xffff, v6;
	s11 =	simm.s32 $0x10;
	s12 =	simm.s32 $0x400  }
.LBB2_14:
0x183: {  	s1 =	sand.u32 $0x2000, s13;
	s3 =	sand.u32 $0x1C00, s12;
	s10 =	sadd.s32 $0x8, s10;
	[tilespmem:s16+$0x0] =	vst.add.f32.msk $0xffff, v2  }
0x184: {  	s1 =	sor.u32 s3, s1;
	s3 =	sand.u32 $0x380, s11;
	p0 =	slt.u32 s10, $0x3F8;
	[tilespmem:s14+$0x0] =	vst.add.f32.msk $0xffff, v0  }
0x185: {  	s1 =	sor.u32 s3, s1;
	[tilespmem:s15+$0x0] =	vst.add.f32.msk $0xffff, v1  }
0x186: {  	s3 =	sor.u32 $0x8000, s1;
	s17 =	sor.u32 $0x8010, s1;
	s19 =	sor.u32 $0x8020, s1;
	v0 =	vld [tilespmem:s1+$0x14070]  }
0x187: {  	s22 =	sor.u32 $0x8030, s1;
	s16 =	sor.u32 $0x8040, s1;
	s14 =	sor.u32 $0x8050, s1;
	v3 =	vld [tilespmem:s1+$0x14000]  }
0x188: {  	s15 =	sor.u32 $0x8060, s1;
	v4 =	vld [tilespmem:s1+$0x14010]  }
0x189: {  	v5 =	vld [tilespmem:s1+$0x14020]  }
0x18a: {  	s24 =	sor.u32 $0x8070, s1;
	v6 =	vld [tilespmem:s1+$0x14030]  }
0x18b: {  	[tilespmem:s24+$0x0] =	vst.add.f32.msk $0xffff, v0  }
0x18c: {  	v2 =	vld [tilespmem:s1+$0x14040]  }
0x18d: {  	v0 =	vld [tilespmem:s1+$0x14050]  }
.Ltmp6:
0x18e: {  	v1 =	vld [tilespmem:s1+$0x14060];
	(pc) =	sbr.rel @p0 .LBB2_14-.Ltmp6, $4  }
0x18f: {  	[tilespmem:s3+$0x0] =	vst.add.f32.msk $0xffff, v3  }
0x190: {  	[tilespmem:s17+$0x0] =	vst.add.f32.msk $0xffff, v4  }
0x191: {  	[tilespmem:s19+$0x0] =	vst.add.f32.msk $0xffff, v5  }
0x192: {  	s12 =	sadd.s32 $0x400, s12;
	s13 =	sadd.s32 $0x80, s13;
	s11 =	sadd.s32 $0x10, s11;
	[tilespmem:s22+$0x0] =	vst.add.f32.msk $0xffff, v6  }
0x193: {  	[tilespmem:s16+$0x0] =	vst.add.f32.msk $0xffff, v2  }
0x194: {  	[tilespmem:s14+$0x0] =	vst.add.f32.msk $0xffff, v0  }
0x195: {  	[tilespmem:s15+$0x0] =	vst.add.f32.msk $0xffff, v1  }
0x196: {  	[spmem:s6] =	stream.linear.scatter [tilespmem:s21], [sflag:$0x7], $0x4000, $0x38;
	v63 =	vld [tilespmem:$0x0]  }
0x197: {  	_ =	swait.ge [sflag:s0], $0x4000  }
0x198: {  	[sflag:s0] =	ssyncset.done $0x0  }
0x199: {  	[sflag:s0] =	ssyncadd.s32 $0xFFFFC000  }
0x19a: {  	_ =	swait.ge [sflag:s28], $0x4000  }
0x19b: {  	[sflag:s28] =	ssyncset.done $0x0  }
0x19c: {  	s1 =	rddreg [dreg:$0x14];
	[sflag:s28] =	ssyncadd.s32 $0xFFFFC000  }
0x19d: {  	[hbm:s1], [sflag:s5] =	dma.local [spmem:s7], $0x800  }
0x19e: {  	s17 =	simm.s32 $0x0;
	s3 =	rddreg [dreg:$0x19]  }
0x19f: {  	[tilespmem:s21], [sflag:$0x3] =	stream.linear.gather [hbm4b:s3+s17], $0x4000, $0x38;
	v63 =	vld [tilespmem:$0x0]  }
0x1a0: {  	s19 =	sand.u32 $0x2000, s17;
	s10 =	sand.u32 $0x1C00, s17;
	_ =	swait.ge [sflag:s2], $0x800  }
0x1a1: {  	s1 =	sand.u32 $0x380, s17;
	s3 =	sor.u32 s10, s19;
	[sflag:s2] =	ssyncset.done $0x0  }
0x1a2: {  	s1 =	sor.u32 s1, s3;
	[sflag:s2] =	ssyncadd.s32 $0xFFFFF800  }
0x1a3: {  	v0 =	vld [tilespmem:s1+$0x14070]  }
0x1a4: {  	v3 =	vld [tilespmem:s1+$0x14000]  }
0x1a5: {  	v4 =	vld [tilespmem:s1+$0x14010]  }
0x1a6: {  	v5 =	vld [tilespmem:s1+$0x14020]  }
0x1a7: {  	v6 =	vld [tilespmem:s1+$0x14030]  }
0x1a8: {  	v2 =	vld [tilespmem:s1+$0x14040]  }
0x1a9: {  	s3 =	sor.u32 $0xC070, s1;
	v1 =	vld [tilespmem:s1+$0x14060]  }
0x1aa: {  	[tilespmem:s3+$0x0] =	vst.add.f32.msk $0xffff, v0  }
0x1ab: {  	s22 =	sor.u32 $0xC000, s1;
	v0 =	vld [tilespmem:s1+$0x14050]  }
0x1ac: {  	s11 =	sor.u32 $0xC010, s1;
	[tilespmem:s22+$0x0] =	vst.add.f32.msk $0xffff, v3  }
0x1ad: {  	s13 =	simm.s32 $0x80;
	s10 =	simm.s32 $0x0;
	s24 =	sor.u32 $0xC020, s1;
	[tilespmem:s11+$0x0] =	vst.add.f32.msk $0xffff, v4  }
0x1ae: {  	s12 =	sor.u32 $0xC030, s1;
	s16 =	sor.u32 $0xC040, s1;
	s14 =	sor.u32 $0xC050, s1;
	[tilespmem:s24+$0x0] =	vst.add.f32.msk $0xffff, v5  }
0x1af: {  	s15 =	sor.u32 $0xC060, s1;
	[tilespmem:s12+$0x0] =	vst.add.f32.msk $0xffff, v6;
	s11 =	simm.s32 $0x10;
	s12 =	simm.s32 $0x400  }
.LBB2_16:
0x1b0: {  	s1 =	sand.u32 $0x2000, s13;
	s3 =	sand.u32 $0x1C00, s12;
	s10 =	sadd.s32 $0x8, s10;
	[tilespmem:s16+$0x0] =	vst.add.f32.msk $0xffff, v2  }
0x1b1: {  	s1 =	sor.u32 s3, s1;
	s3 =	sand.u32 $0x380, s11;
	p0 =	slt.u32 s10, $0x3F8;
	[tilespmem:s14+$0x0] =	vst.add.f32.msk $0xffff, v0  }
0x1b2: {  	s1 =	sor.u32 s3, s1;
	[tilespmem:s15+$0x0] =	vst.add.f32.msk $0xffff, v1  }
0x1b3: {  	s3 =	sor.u32 $0xC000, s1;
	s17 =	sor.u32 $0xC010, s1;
	s19 =	sor.u32 $0xC020, s1;
	v0 =	vld [tilespmem:s1+$0x14070]  }
0x1b4: {  	s22 =	sor.u32 $0xC030, s1;
	s16 =	sor.u32 $0xC040, s1;
	s14 =	sor.u32 $0xC050, s1;
	v3 =	vld [tilespmem:s1+$0x14000]  }
0x1b5: {  	s15 =	sor.u32 $0xC060, s1;
	v4 =	vld [tilespmem:s1+$0x14010]  }
0x1b6: {  	v5 =	vld [tilespmem:s1+$0x14020]  }
0x1b7: {  	s24 =	sor.u32 $0xC070, s1;
	v6 =	vld [tilespmem:s1+$0x14030]  }
0x1b8: {  	[tilespmem:s24+$0x0] =	vst.add.f32.msk $0xffff, v0  }
0x1b9: {  	v2 =	vld [tilespmem:s1+$0x14040]  }
0x1ba: {  	v0 =	vld [tilespmem:s1+$0x14050]  }
.Ltmp7:
0x1bb: {  	v1 =	vld [tilespmem:s1+$0x14060];
	(pc) =	sbr.rel @p0 .LBB2_16-.Ltmp7, $4  }
0x1bc: {  	[tilespmem:s3+$0x0] =	vst.add.f32.msk $0xffff, v3  }
0x1bd: {  	[tilespmem:s17+$0x0] =	vst.add.f32.msk $0xffff, v4  }
0x1be: {  	[tilespmem:s19+$0x0] =	vst.add.f32.msk $0xffff, v5  }
0x1bf: {  	s12 =	sadd.s32 $0x400, s12;
	s13 =	sadd.s32 $0x80, s13;
	s11 =	sadd.s32 $0x10, s11;
	[tilespmem:s22+$0x0] =	vst.add.f32.msk $0xffff, v6  }
0x1c0: {  	[tilespmem:s16+$0x0] =	vst.add.f32.msk $0xffff, v2  }
0x1c1: {  	[tilespmem:s14+$0x0] =	vst.add.f32.msk $0xffff, v0  }
0x1c2: {  	[tilespmem:s15+$0x0] =	vst.add.f32.msk $0xffff, v1  }
0x1c3: {  	[spmem:s18] =	stream.linear.scatter [tilespmem:s25], [sflag:$0x8], $0x4000, $0x38;
	v63 =	vld [tilespmem:$0x0]  }
0x1c4: {  	s1 =	simm.s32 $0x0;
	s10 =	simm.s32 $0x14000;
	s3 =	rddreg [dreg:$0x1d]  }
0x1c5: {  	[tilespmem:s10], [sflag:$0x6] =	stream.linear.gather [hbm4b:s3+s1], $0x4000, $0x38;
	v63 =	vld [tilespmem:$0x0]  }
0x1c6: {  	_ =	swait.ge [sflag:s23], $0x4000  }
0x1c7: {  	[sflag:s23] =	ssyncset.done $0x0  }
0x1c8: {  	s16 =	simm.s32 $0x5;
	[sflag:s23] =	ssyncadd.s32 $0xFFFFC000  }
0x1c9: {  	_ =	swait.ge [sflag:s16], $0x4000  }
0x1ca: {  	[sflag:s16] =	ssyncset.done $0x0  }
0x1cb: {  	[sflag:s16] =	ssyncadd.s32 $0xFFFFC000  }
0x1cc: {  	_ =	swait.ge [sflag:s30], $0x4000  }
0x1cd: {  	[sflag:s30] =	ssyncset.done $0x0  }
0x1ce: {  	s17 =	rddreg [dreg:$0x15];
	[sflag:s30] =	ssyncadd.s32 $0xFFFFC000  }
0x1cf: {  	[hbm:s17], [sflag:s8] =	dma.local [spmem:s9], $0x800  }
0x1d0: {  	s3 =	rddreg [dreg:$0x1b]  }
0x1d1: {  	[tilespmem:s25], [sflag:$0x4] =	stream.linear.gather [hbm4b:s3+s1], $0x4000, $0x38;
	v63 =	vld [tilespmem:$0x0]  }
0x1d2: {  	s19 =	sand.u32 $0x2000, s1;
	s22 =	sand.u32 $0x1C00, s1;
	_ =	swait.ge [sflag:s31], $0x800  }
0x1d3: {  	s3 =	sor.u32 s22, s19;
	s1 =	sand.u32 $0x380, s1;
	[sflag:s31] =	ssyncset.done $0x0  }
0x1d4: {  	s1 =	sor.u32 s1, s3;
	[sflag:s31] =	ssyncadd.s32 $0xFFFFF800  }
0x1d5: {  	v0 =	vld [tilespmem:s1+$0x10070]  }
0x1d6: {  	v3 =	vld [tilespmem:s1+$0x10000]  }
0x1d7: {  	v4 =	vld [tilespmem:s1+$0x10010]  }
0x1d8: {  	v5 =	vld [tilespmem:s1+$0x10020]  }
0x1d9: {  	v6 =	vld [tilespmem:s1+$0x10030]  }
0x1da: {  	v2 =	vld [tilespmem:s1+$0x10040]  }
0x1db: {  	s3 =	sor.u32 $0x70, s1;
	v1 =	vld [tilespmem:s1+$0x10050]  }
0x1dc: {  	[tilespmem:s3+$0x0] =	vst.add.f32.msk $0xffff, v0  }
0x1dd: {  	v0 =	vld [tilespmem:s1+$0x10060]  }
0x1de: {  	s24 =	sor.u32 $0x10, s1;
	[tilespmem:s1+$0x0] =	vst.add.f32.msk $0xffff, v3  }
0x1df: {  	s13 =	simm.s32 $0x80;
	s10 =	simm.s32 $0x0;
	s11 =	sor.u32 $0x20, s1;
	[tilespmem:s24+$0x0] =	vst.add.f32.msk $0xffff, v4  }
0x1e0: {  	s12 =	sor.u32 $0x30, s1;
	s16 =	sor.u32 $0x40, s1;
	s15 =	sor.u32 $0x50, s1;
	[tilespmem:s11+$0x0] =	vst.add.f32.msk $0xffff, v5  }
0x1e1: {  	s14 =	sor.u32 $0x60, s1;
	[tilespmem:s12+$0x0] =	vst.add.f32.msk $0xffff, v6;
	s11 =	simm.s32 $0x10;
	s12 =	simm.s32 $0x400  }
.LBB2_18:
0x1e2: {  	s1 =	sand.u32 $0x2000, s13;
	s3 =	sand.u32 $0x1C00, s12;
	s10 =	sadd.s32 $0x8, s10;
	[tilespmem:s16+$0x0] =	vst.add.f32.msk $0xffff, v2  }
0x1e3: {  	s1 =	sor.u32 s3, s1;
	s3 =	sand.u32 $0x380, s11;
	p0 =	slt.u32 s10, $0x3F8;
	[tilespmem:s15+$0x0] =	vst.add.f32.msk $0xffff, v1  }
0x1e4: {  	s1 =	sor.u32 s3, s1;
	[tilespmem:s14+$0x0] =	vst.add.f32.msk $0xffff, v0  }
0x1e5: {  	s3 =	sor.u32 $0x10, s1;
	s17 =	sor.u32 $0x20, s1;
	s19 =	sor.u32 $0x30, s1;
	v0 =	vld [tilespmem:s1+$0x10070]  }
0x1e6: {  	s16 =	sor.u32 $0x40, s1;
	s15 =	sor.u32 $0x50, s1;
	s14 =	sor.u32 $0x60, s1;
	v3 =	vld [tilespmem:s1+$0x10000]  }
0x1e7: {  	v4 =	vld [tilespmem:s1+$0x10010]  }
0x1e8: {  	v5 =	vld [tilespmem:s1+$0x10020]  }
0x1e9: {  	s22 =	sor.u32 $0x70, s1;
	v6 =	vld [tilespmem:s1+$0x10030]  }
0x1ea: {  	[tilespmem:s22+$0x0] =	vst.add.f32.msk $0xffff, v0  }
0x1eb: {  	v2 =	vld [tilespmem:s1+$0x10040]  }
0x1ec: {  	v1 =	vld [tilespmem:s1+$0x10050]  }
.Ltmp8:
0x1ed: {  	v0 =	vld [tilespmem:s1+$0x10060];
	(pc) =	sbr.rel @p0 .LBB2_18-.Ltmp8, $4  }
0x1ee: {  	[tilespmem:s1+$0x0] =	vst.add.f32.msk $0xffff, v3  }
0x1ef: {  	[tilespmem:s3+$0x0] =	vst.add.f32.msk $0xffff, v4  }
0x1f0: {  	[tilespmem:s17+$0x0] =	vst.add.f32.msk $0xffff, v5  }
0x1f1: {  	s12 =	sadd.s32 $0x400, s12;
	s13 =	sadd.s32 $0x80, s13;
	s11 =	sadd.s32 $0x10, s11;
	[tilespmem:s19+$0x0] =	vst.add.f32.msk $0xffff, v6  }
0x1f2: {  	[tilespmem:s16+$0x0] =	vst.add.f32.msk $0xffff, v2  }
0x1f3: {  	[tilespmem:s15+$0x0] =	vst.add.f32.msk $0xffff, v1  }
0x1f4: {  	[tilespmem:s14+$0x0] =	vst.add.f32.msk $0xffff, v0;
	s1 =	simm.s32 $0x0  }
0x1f5: {  	[spmem:s6] =	stream.linear.scatter [tilespmem:s1], [sflag:$0x7], $0x4000, $0x38;
	v63 =	vld [tilespmem:$0x0]  }
0x1f6: {  	_ =	swait.ge [sflag:s26], $0x4000  }
0x1f7: {  	[sflag:s26] =	ssyncset.done $0x0  }
0x1f8: {  	[sflag:s26] =	ssyncadd.s32 $0xFFFFC000  }
0x1f9: {  	_ =	swait.ge [sflag:s28], $0x4000  }
0x1fa: {  	[sflag:s28] =	ssyncset.done $0x0  }
0x1fb: {  	s3 =	rddreg [dreg:$0x16];
	[sflag:s28] =	ssyncadd.s32 $0xFFFFC000  }
0x1fc: {  	[hbm:s3], [sflag:s5] =	dma.local [spmem:s7], $0x800  }
0x1fd: {  	s3 =	rddreg [dreg:$0x1e]  }
0x1fe: {  	[tilespmem:s1], [sflag:$0x1] =	stream.linear.gather [hbm4b:s3+s1], $0x4000, $0x38;
	v63 =	vld [tilespmem:$0x0]  }
0x1ff: {  	s19 =	sand.u32 $0x2000, s1;
	s10 =	sand.u32 $0x1C00, s1;
	_ =	swait.ge [sflag:s2], $0x800  }
0x200: {  	s3 =	sor.u32 s10, s19;
	s1 =	sand.u32 $0x380, s1;
	[sflag:s2] =	ssyncset.done $0x0  }
0x201: {  	s1 =	sor.u32 s1, s3;
	[sflag:s2] =	ssyncadd.s32 $0xFFFFF800  }
0x202: {  	v0 =	vld [tilespmem:s1+$0x10070]  }
0x203: {  	v3 =	vld [tilespmem:s1+$0x10000]  }
0x204: {  	v4 =	vld [tilespmem:s1+$0x10010]  }
0x205: {  	v5 =	vld [tilespmem:s1+$0x10020]  }
0x206: {  	v6 =	vld [tilespmem:s1+$0x10030]  }
0x207: {  	v2 =	vld [tilespmem:s1+$0x10040]  }
0x208: {  	s3 =	sor.u32 $0x4070, s1;
	v1 =	vld [tilespmem:s1+$0x10060]  }
0x209: {  	[tilespmem:s3+$0x0] =	vst.add.f32.msk $0xffff, v0  }
0x20a: {  	s22 =	sor.u32 $0x4000, s1;
	v0 =	vld [tilespmem:s1+$0x10050]  }
0x20b: {  	s11 =	sor.u32 $0x4010, s1;
	[tilespmem:s22+$0x0] =	vst.add.f32.msk $0xffff, v3  }
0x20c: {  	s13 =	simm.s32 $0x80;
	s10 =	simm.s32 $0x0;
	s24 =	sor.u32 $0x4020, s1;
	[tilespmem:s11+$0x0] =	vst.add.f32.msk $0xffff, v4  }
0x20d: {  	s12 =	sor.u32 $0x4030, s1;
	s16 =	sor.u32 $0x4040, s1;
	s14 =	sor.u32 $0x4050, s1;
	[tilespmem:s24+$0x0] =	vst.add.f32.msk $0xffff, v5  }
0x20e: {  	s15 =	sor.u32 $0x4060, s1;
	[tilespmem:s12+$0x0] =	vst.add.f32.msk $0xffff, v6;
	s11 =	simm.s32 $0x10;
	s12 =	simm.s32 $0x400  }
.LBB2_20:
0x20f: {  	s1 =	sand.u32 $0x2000, s13;
	s3 =	sand.u32 $0x1C00, s12;
	s10 =	sadd.s32 $0x8, s10;
	[tilespmem:s16+$0x0] =	vst.add.f32.msk $0xffff, v2  }
0x210: {  	s1 =	sor.u32 s3, s1;
	s3 =	sand.u32 $0x380, s11;
	p0 =	slt.u32 s10, $0x3F8;
	[tilespmem:s14+$0x0] =	vst.add.f32.msk $0xffff, v0  }
0x211: {  	s1 =	sor.u32 s3, s1;
	[tilespmem:s15+$0x0] =	vst.add.f32.msk $0xffff, v1  }
0x212: {  	s3 =	sor.u32 $0x4000, s1;
	s17 =	sor.u32 $0x4010, s1;
	s19 =	sor.u32 $0x4020, s1;
	v0 =	vld [tilespmem:s1+$0x10070]  }
0x213: {  	s22 =	sor.u32 $0x4030, s1;
	s16 =	sor.u32 $0x4040, s1;
	s14 =	sor.u32 $0x4050, s1;
	v3 =	vld [tilespmem:s1+$0x10000]  }
0x214: {  	s15 =	sor.u32 $0x4060, s1;
	v4 =	vld [tilespmem:s1+$0x10010]  }
0x215: {  	v5 =	vld [tilespmem:s1+$0x10020]  }
0x216: {  	s24 =	sor.u32 $0x4070, s1;
	v6 =	vld [tilespmem:s1+$0x10030]  }
0x217: {  	[tilespmem:s24+$0x0] =	vst.add.f32.msk $0xffff, v0  }
0x218: {  	v2 =	vld [tilespmem:s1+$0x10040]  }
0x219: {  	v0 =	vld [tilespmem:s1+$0x10050]  }
.Ltmp9:
0x21a: {  	v1 =	vld [tilespmem:s1+$0x10060];
	(pc) =	sbr.rel @p0 .LBB2_20-.Ltmp9, $4  }
0x21b: {  	[tilespmem:s3+$0x0] =	vst.add.f32.msk $0xffff, v3  }
0x21c: {  	[tilespmem:s17+$0x0] =	vst.add.f32.msk $0xffff, v4  }
0x21d: {  	[tilespmem:s19+$0x0] =	vst.add.f32.msk $0xffff, v5  }
0x21e: {  	s12 =	sadd.s32 $0x400, s12;
	s13 =	sadd.s32 $0x80, s13;
	s11 =	sadd.s32 $0x10, s11;
	[tilespmem:s22+$0x0] =	vst.add.f32.msk $0xffff, v6  }
0x21f: {  	[tilespmem:s16+$0x0] =	vst.add.f32.msk $0xffff, v2  }
0x220: {  	[tilespmem:s14+$0x0] =	vst.add.f32.msk $0xffff, v0  }
0x221: {  	[tilespmem:s15+$0x0] =	vst.add.f32.msk $0xffff, v1  }
0x222: {  	[spmem:s18] =	stream.linear.scatter [tilespmem:s20], [sflag:$0x8], $0x4000, $0x38;
	v63 =	vld [tilespmem:$0x0]  }
0x223: {  	_ =	swait.ge [sflag:s29], $0x4000  }
0x224: {  	[sflag:s29] =	ssyncset.done $0x0  }
0x225: {  	[sflag:s29] =	ssyncadd.s32 $0xFFFFC000  }
0x226: {  	_ =	swait.ge [sflag:s30], $0x4000  }
0x227: {  	[sflag:s30] =	ssyncset.done $0x0  }
0x228: {  	s1 =	rddreg [dreg:$0x18];
	[sflag:s30] =	ssyncadd.s32 $0xFFFFC000  }
0x229: {  	[hbm:s1], [sflag:s8] =	dma.local [spmem:s9], $0x800  }
0x22a: {  	s3 =	sld [smem:$0x7D0];
	_ =	sdelay $0x1  }
0x22b: {  	s17 =	simm.s32 $0x0  }
0x22c: {  	[tilespmem:s20], [sflag:$0x2] =	stream.linear.gather [hbm4b:s3+s17], $0x4000, $0x38;
	v63 =	vld [tilespmem:$0x0]  }
0x22d: {  	s19 =	sand.u32 $0x2000, s17;
	s10 =	sand.u32 $0x1C00, s17;
	_ =	swait.ge [sflag:s31], $0x800  }
0x22e: {  	s1 =	sand.u32 $0x380, s17;
	s3 =	sor.u32 s10, s19;
	[sflag:s31] =	ssyncset.done $0x0  }
0x22f: {  	s1 =	sor.u32 s1, s3;
	[sflag:s31] =	ssyncadd.s32 $0xFFFFF800  }
0x230: {  	v0 =	vld [tilespmem:s1+$0x10070]  }
0x231: {  	v3 =	vld [tilespmem:s1+$0x10000]  }
0x232: {  	v4 =	vld [tilespmem:s1+$0x10010]  }
0x233: {  	v5 =	vld [tilespmem:s1+$0x10020]  }
0x234: {  	v6 =	vld [tilespmem:s1+$0x10030]  }
0x235: {  	v2 =	vld [tilespmem:s1+$0x10040]  }
0x236: {  	s3 =	sor.u32 $0x8070, s1;
	v1 =	vld [tilespmem:s1+$0x10060]  }
0x237: {  	[tilespmem:s3+$0x0] =	vst.add.f32.msk $0xffff, v0  }
0x238: {  	s22 =	sor.u32 $0x8000, s1;
	v0 =	vld [tilespmem:s1+$0x10050]  }
0x239: {  	s11 =	sor.u32 $0x8010, s1;
	[tilespmem:s22+$0x0] =	vst.add.f32.msk $0xffff, v3  }
0x23a: {  	s13 =	simm.s32 $0x80;
	s10 =	simm.s32 $0x0;
	s24 =	sor.u32 $0x8020, s1;
	[tilespmem:s11+$0x0] =	vst.add.f32.msk $0xffff, v4  }
0x23b: {  	s12 =	sor.u32 $0x8030, s1;
	s16 =	sor.u32 $0x8040, s1;
	s14 =	sor.u32 $0x8050, s1;
	[tilespmem:s24+$0x0] =	vst.add.f32.msk $0xffff, v5  }
0x23c: {  	s15 =	sor.u32 $0x8060, s1;
	[tilespmem:s12+$0x0] =	vst.add.f32.msk $0xffff, v6;
	s11 =	simm.s32 $0x10;
	s12 =	simm.s32 $0x400  }
.LBB2_22:
0x23d: {  	s1 =	sand.u32 $0x2000, s13;
	s3 =	sand.u32 $0x1C00, s12;
	s10 =	sadd.s32 $0x8, s10;
	[tilespmem:s16+$0x0] =	vst.add.f32.msk $0xffff, v2  }
0x23e: {  	s1 =	sor.u32 s3, s1;
	s3 =	sand.u32 $0x380, s11;
	p0 =	slt.u32 s10, $0x3F8;
	[tilespmem:s14+$0x0] =	vst.add.f32.msk $0xffff, v0  }
0x23f: {  	s1 =	sor.u32 s3, s1;
	[tilespmem:s15+$0x0] =	vst.add.f32.msk $0xffff, v1  }
0x240: {  	s3 =	sor.u32 $0x8000, s1;
	s17 =	sor.u32 $0x8010, s1;
	s19 =	sor.u32 $0x8020, s1;
	v0 =	vld [tilespmem:s1+$0x10070]  }
0x241: {  	s22 =	sor.u32 $0x8030, s1;
	s16 =	sor.u32 $0x8040, s1;
	s14 =	sor.u32 $0x8050, s1;
	v3 =	vld [tilespmem:s1+$0x10000]  }
0x242: {  	s15 =	sor.u32 $0x8060, s1;
	v4 =	vld [tilespmem:s1+$0x10010]  }
0x243: {  	v5 =	vld [tilespmem:s1+$0x10020]  }
0x244: {  	s24 =	sor.u32 $0x8070, s1;
	v6 =	vld [tilespmem:s1+$0x10030]  }
0x245: {  	[tilespmem:s24+$0x0] =	vst.add.f32.msk $0xffff, v0  }
0x246: {  	v2 =	vld [tilespmem:s1+$0x10040]  }
0x247: {  	v0 =	vld [tilespmem:s1+$0x10050]  }
.Ltmp10:
0x248: {  	v1 =	vld [tilespmem:s1+$0x10060];
	(pc) =	sbr.rel @p0 .LBB2_22-.Ltmp10, $4  }
0x249: {  	[tilespmem:s3+$0x0] =	vst.add.f32.msk $0xffff, v3  }
0x24a: {  	[tilespmem:s17+$0x0] =	vst.add.f32.msk $0xffff, v4  }
0x24b: {  	[tilespmem:s19+$0x0] =	vst.add.f32.msk $0xffff, v5  }
0x24c: {  	s12 =	sadd.s32 $0x400, s12;
	s13 =	sadd.s32 $0x80, s13;
	s11 =	sadd.s32 $0x10, s11;
	[tilespmem:s22+$0x0] =	vst.add.f32.msk $0xffff, v6  }
0x24d: {  	[tilespmem:s16+$0x0] =	vst.add.f32.msk $0xffff, v2  }
0x24e: {  	[tilespmem:s14+$0x0] =	vst.add.f32.msk $0xffff, v0  }
0x24f: {  	[tilespmem:s15+$0x0] =	vst.add.f32.msk $0xffff, v1  }
0x250: {  	[spmem:s6] =	stream.linear.scatter [tilespmem:s21], [sflag:$0x7], $0x4000, $0x38;
	v63 =	vld [tilespmem:$0x0]  }
0x251: {  	_ =	swait.ge [sflag:s0], $0x4000  }
0x252: {  	[sflag:s0] =	ssyncset.done $0x0  }
0x253: {  	[sflag:s0] =	ssyncadd.s32 $0xFFFFC000  }
0x254: {  	_ =	swait.ge [sflag:s28], $0x4000  }
0x255: {  	[sflag:s28] =	ssyncset.done $0x0  }
0x256: {  	s1 =	rddreg [dreg:$0x1a];
	[sflag:s28] =	ssyncadd.s32 $0xFFFFC000  }
0x257: {  	[hbm:s1], [sflag:s5] =	dma.local [spmem:s7], $0x800  }
0x258: {  	s3 =	sld [smem:$0x7D2];
	_ =	sdelay $0x1  }
0x259: {  	s17 =	simm.s32 $0x0  }
0x25a: {  	[tilespmem:s21], [sflag:$0x3] =	stream.linear.gather [hbm4b:s3+s17], $0x4000, $0x38;
	v63 =	vld [tilespmem:$0x0]  }
0x25b: {  	s19 =	sand.u32 $0x2000, s17;
	s10 =	sand.u32 $0x1C00, s17;
	_ =	swait.ge [sflag:s2], $0x800  }
0x25c: {  	s1 =	sand.u32 $0x380, s17;
	s3 =	sor.u32 s10, s19;
	[sflag:s2] =	ssyncset.done $0x0  }
0x25d: {  	s1 =	sor.u32 s1, s3;
	[sflag:s2] =	ssyncadd.s32 $0xFFFFF800  }
0x25e: {  	v0 =	vld [tilespmem:s1+$0x10070]  }
0x25f: {  	v3 =	vld [tilespmem:s1+$0x10000]  }
0x260: {  	v4 =	vld [tilespmem:s1+$0x10010]  }
0x261: {  	v5 =	vld [tilespmem:s1+$0x10020]  }
0x262: {  	v6 =	vld [tilespmem:s1+$0x10030]  }
0x263: {  	v2 =	vld [tilespmem:s1+$0x10040]  }
0x264: {  	s3 =	sor.u32 $0xC070, s1;
	v1 =	vld [tilespmem:s1+$0x10060]  }
0x265: {  	[tilespmem:s3+$0x0] =	vst.add.f32.msk $0xffff, v0  }
0x266: {  	s22 =	sor.u32 $0xC000, s1;
	v0 =	vld [tilespmem:s1+$0x10050]  }
0x267: {  	s11 =	sor.u32 $0xC010, s1;
	[tilespmem:s22+$0x0] =	vst.add.f32.msk $0xffff, v3  }
0x268: {  	s13 =	simm.s32 $0x80;
	s10 =	simm.s32 $0x0;
	s24 =	sor.u32 $0xC020, s1;
	[tilespmem:s11+$0x0] =	vst.add.f32.msk $0xffff, v4  }
0x269: {  	s12 =	sor.u32 $0xC030, s1;
	s16 =	sor.u32 $0xC040, s1;
	s14 =	sor.u32 $0xC050, s1;
	[tilespmem:s24+$0x0] =	vst.add.f32.msk $0xffff, v5  }
0x26a: {  	s15 =	sor.u32 $0xC060, s1;
	[tilespmem:s12+$0x0] =	vst.add.f32.msk $0xffff, v6;
	s11 =	simm.s32 $0x10;
	s12 =	simm.s32 $0x400  }
.LBB2_24:
0x26b: {  	s1 =	sand.u32 $0x2000, s13;
	s3 =	sand.u32 $0x1C00, s12;
	s10 =	sadd.s32 $0x8, s10;
	[tilespmem:s16+$0x0] =	vst.add.f32.msk $0xffff, v2  }
0x26c: {  	s1 =	sor.u32 s3, s1;
	s3 =	sand.u32 $0x380, s11;
	p0 =	slt.u32 s10, $0x3F8;
	[tilespmem:s14+$0x0] =	vst.add.f32.msk $0xffff, v0  }
0x26d: {  	s1 =	sor.u32 s3, s1;
	[tilespmem:s15+$0x0] =	vst.add.f32.msk $0xffff, v1  }
0x26e: {  	s3 =	sor.u32 $0xC000, s1;
	s17 =	sor.u32 $0xC010, s1;
	s19 =	sor.u32 $0xC020, s1;
	v0 =	vld [tilespmem:s1+$0x10070]  }
0x26f: {  	s22 =	sor.u32 $0xC030, s1;
	s16 =	sor.u32 $0xC040, s1;
	s14 =	sor.u32 $0xC050, s1;
	v3 =	vld [tilespmem:s1+$0x10000]  }
0x270: {  	s15 =	sor.u32 $0xC060, s1;
	v4 =	vld [tilespmem:s1+$0x10010]  }
0x271: {  	v5 =	vld [tilespmem:s1+$0x10020]  }
0x272: {  	s24 =	sor.u32 $0xC070, s1;
	v6 =	vld [tilespmem:s1+$0x10030]  }
0x273: {  	[tilespmem:s24+$0x0] =	vst.add.f32.msk $0xffff, v0  }
0x274: {  	v2 =	vld [tilespmem:s1+$0x10040]  }
0x275: {  	v0 =	vld [tilespmem:s1+$0x10050]  }
.Ltmp11:
0x276: {  	v1 =	vld [tilespmem:s1+$0x10060];
	(pc) =	sbr.rel @p0 .LBB2_24-.Ltmp11, $4  }
0x277: {  	[tilespmem:s3+$0x0] =	vst.add.f32.msk $0xffff, v3  }
0x278: {  	[tilespmem:s17+$0x0] =	vst.add.f32.msk $0xffff, v4  }
0x279: {  	[tilespmem:s19+$0x0] =	vst.add.f32.msk $0xffff, v5  }
0x27a: {  	s12 =	sadd.s32 $0x400, s12;
	s13 =	sadd.s32 $0x80, s13;
	s11 =	sadd.s32 $0x10, s11;
	[tilespmem:s22+$0x0] =	vst.add.f32.msk $0xffff, v6  }
0x27b: {  	[tilespmem:s16+$0x0] =	vst.add.f32.msk $0xffff, v2  }
0x27c: {  	[tilespmem:s14+$0x0] =	vst.add.f32.msk $0xffff, v0  }
0x27d: {  	[tilespmem:s15+$0x0] =	vst.add.f32.msk $0xffff, v1  }
0x27e: {  	s3 =	sld [smem:$0x7D6]  }
0x27f: {  	[spmem:s18] =	stream.linear.scatter [tilespmem:s25], [sflag:$0x8], $0x4000, $0x38;
	v63 =	vld [tilespmem:$0x0]  }
0x280: {  	s1 =	simm.s32 $0x0;
	s10 =	simm.s32 $0x10000  }
0x281: {  	[tilespmem:s10], [sflag:$0x5] =	stream.linear.gather [hbm4b:s3+s1], $0x4000, $0x38;
	v63 =	vld [tilespmem:$0x0]  }
0x282: {  	_ =	swait.ge [sflag:s23], $0x4000  }
0x283: {  	[sflag:s23] =	ssyncset.done $0x0  }
0x284: {  	s16 =	simm.s32 $0x6;
	[sflag:s23] =	ssyncadd.s32 $0xFFFFC000  }
0x285: {  	_ =	swait.ge [sflag:s16], $0x4000  }
0x286: {  	[sflag:s16] =	ssyncset.done $0x0  }
0x287: {  	[sflag:s16] =	ssyncadd.s32 $0xFFFFC000  }
0x288: {  	_ =	swait.ge [sflag:s30], $0x4000  }
0x289: {  	[sflag:s30] =	ssyncset.done $0x0  }
0x28a: {  	s17 =	rddreg [dreg:$0x1c];
	[sflag:s30] =	ssyncadd.s32 $0xFFFFC000  }
0x28b: {  	[hbm:s17], [sflag:s8] =	dma.local [spmem:s9], $0x800  }
0x28c: {  	s3 =	sld [smem:$0x7D4];
	_ =	sdelay $0x2  }
0x28d: {  	[tilespmem:s25], [sflag:$0x4] =	stream.linear.gather [hbm4b:s3+s1], $0x4000, $0x38;
	v63 =	vld [tilespmem:$0x0]  }
0x28e: {  	s19 =	sand.u32 $0x2000, s1;
	s22 =	sand.u32 $0x1C00, s1;
	_ =	swait.ge [sflag:s31], $0x800  }
0x28f: {  	s3 =	sor.u32 s22, s19;
	s1 =	sand.u32 $0x380, s1;
	[sflag:s31] =	ssyncset.done $0x0  }
0x290: {  	s1 =	sor.u32 s1, s3;
	[sflag:s31] =	ssyncadd.s32 $0xFFFFF800  }
0x291: {  	v0 =	vld [tilespmem:s1+$0x14070]  }
0x292: {  	v3 =	vld [tilespmem:s1+$0x14000]  }
0x293: {  	v4 =	vld [tilespmem:s1+$0x14010]  }
0x294: {  	v5 =	vld [tilespmem:s1+$0x14020]  }
0x295: {  	v6 =	vld [tilespmem:s1+$0x14030]  }
0x296: {  	v2 =	vld [tilespmem:s1+$0x14040]  }
0x297: {  	s3 =	sor.u32 $0x70, s1;
	v1 =	vld [tilespmem:s1+$0x14050]  }
0x298: {  	[tilespmem:s3+$0x0] =	vst.add.f32.msk $0xffff, v0  }
0x299: {  	v0 =	vld [tilespmem:s1+$0x14060]  }
0x29a: {  	s24 =	sor.u32 $0x10, s1;
	[tilespmem:s1+$0x0] =	vst.add.f32.msk $0xffff, v3  }
0x29b: {  	s13 =	simm.s32 $0x80;
	s10 =	simm.s32 $0x0;
	s11 =	sor.u32 $0x20, s1;
	[tilespmem:s24+$0x0] =	vst.add.f32.msk $0xffff, v4  }
0x29c: {  	s12 =	sor.u32 $0x30, s1;
	s16 =	sor.u32 $0x40, s1;
	s15 =	sor.u32 $0x50, s1;
	[tilespmem:s11+$0x0] =	vst.add.f32.msk $0xffff, v5  }
0x29d: {  	s14 =	sor.u32 $0x60, s1;
	[tilespmem:s12+$0x0] =	vst.add.f32.msk $0xffff, v6;
	s11 =	simm.s32 $0x10;
	s12 =	simm.s32 $0x400  }
.LBB2_26:
0x29e: {  	s1 =	sand.u32 $0x2000, s13;
	s3 =	sand.u32 $0x1C00, s12;
	s10 =	sadd.s32 $0x8, s10;
	[tilespmem:s16+$0x0] =	vst.add.f32.msk $0xffff, v2  }
0x29f: {  	s1 =	sor.u32 s3, s1;
	s3 =	sand.u32 $0x380, s11;
	p0 =	slt.u32 s10, $0x3F8;
	[tilespmem:s15+$0x0] =	vst.add.f32.msk $0xffff, v1  }
0x2a0: {  	s1 =	sor.u32 s3, s1;
	[tilespmem:s14+$0x0] =	vst.add.f32.msk $0xffff, v0  }
0x2a1: {  	s3 =	sor.u32 $0x10, s1;
	s17 =	sor.u32 $0x20, s1;
	s19 =	sor.u32 $0x30, s1;
	v0 =	vld [tilespmem:s1+$0x14070]  }
0x2a2: {  	s16 =	sor.u32 $0x40, s1;
	s15 =	sor.u32 $0x50, s1;
	s14 =	sor.u32 $0x60, s1;
	v3 =	vld [tilespmem:s1+$0x14000]  }
0x2a3: {  	v4 =	vld [tilespmem:s1+$0x14010]  }
0x2a4: {  	v5 =	vld [tilespmem:s1+$0x14020]  }
0x2a5: {  	s22 =	sor.u32 $0x70, s1;
	v6 =	vld [tilespmem:s1+$0x14030]  }
0x2a6: {  	[tilespmem:s22+$0x0] =	vst.add.f32.msk $0xffff, v0  }
0x2a7: {  	v2 =	vld [tilespmem:s1+$0x14040]  }
0x2a8: {  	v1 =	vld [tilespmem:s1+$0x14050]  }
.Ltmp12:
0x2a9: {  	v0 =	vld [tilespmem:s1+$0x14060];
	(pc) =	sbr.rel @p0 .LBB2_26-.Ltmp12, $4  }
0x2aa: {  	[tilespmem:s1+$0x0] =	vst.add.f32.msk $0xffff, v3  }
0x2ab: {  	[tilespmem:s3+$0x0] =	vst.add.f32.msk $0xffff, v4  }
0x2ac: {  	[tilespmem:s17+$0x0] =	vst.add.f32.msk $0xffff, v5  }
0x2ad: {  	s12 =	sadd.s32 $0x400, s12;
	s13 =	sadd.s32 $0x80, s13;
	s11 =	sadd.s32 $0x10, s11;
	[tilespmem:s19+$0x0] =	vst.add.f32.msk $0xffff, v6  }
0x2ae: {  	[tilespmem:s16+$0x0] =	vst.add.f32.msk $0xffff, v2  }
0x2af: {  	[tilespmem:s15+$0x0] =	vst.add.f32.msk $0xffff, v1  }
0x2b0: {  	[tilespmem:s14+$0x0] =	vst.add.f32.msk $0xffff, v0;
	s1 =	simm.s32 $0x0  }
0x2b1: {  	[spmem:s6] =	stream.linear.scatter [tilespmem:s1], [sflag:$0x7], $0x4000, $0x38;
	v63 =	vld [tilespmem:$0x0]  }
0x2b2: {  	_ =	swait.ge [sflag:s26], $0x4000  }
0x2b3: {  	[sflag:s26] =	ssyncset.done $0x0  }
0x2b4: {  	[sflag:s26] =	ssyncadd.s32 $0xFFFFC000  }
0x2b5: {  	_ =	swait.ge [sflag:s28], $0x4000  }
0x2b6: {  	[sflag:s28] =	ssyncset.done $0x0  }
0x2b7: {  	s3 =	rddreg [dreg:$0x1f];
	[sflag:s28] =	ssyncadd.s32 $0xFFFFC000  }
0x2b8: {  	[hbm:s3], [sflag:s5] =	dma.local [spmem:s7], $0x800  }
0x2b9: {  	s3 =	sld [smem:$0x7D7];
	_ =	sdelay $0x2  }
0x2ba: {  	[tilespmem:s1], [sflag:$0x1] =	stream.linear.gather [hbm4b:s3+s1], $0x4000, $0x38;
	v63 =	vld [tilespmem:$0x0]  }
0x2bb: {  	s19 =	sand.u32 $0x2000, s1;
	s10 =	sand.u32 $0x1C00, s1;
	_ =	swait.ge [sflag:s2], $0x800  }
0x2bc: {  	s3 =	sor.u32 s10, s19;
	s1 =	sand.u32 $0x380, s1;
	[sflag:s2] =	ssyncset.done $0x0  }
0x2bd: {  	s1 =	sor.u32 s1, s3;
	[sflag:s2] =	ssyncadd.s32 $0xFFFFF800  }
0x2be: {  	v0 =	vld [tilespmem:s1+$0x14070]  }
0x2bf: {  	v3 =	vld [tilespmem:s1+$0x14000]  }
0x2c0: {  	v4 =	vld [tilespmem:s1+$0x14010]  }
0x2c1: {  	v5 =	vld [tilespmem:s1+$0x14020]  }
0x2c2: {  	v6 =	vld [tilespmem:s1+$0x14030]  }
0x2c3: {  	v2 =	vld [tilespmem:s1+$0x14040]  }
0x2c4: {  	s3 =	sor.u32 $0x4070, s1;
	v1 =	vld [tilespmem:s1+$0x14060]  }
0x2c5: {  	[tilespmem:s3+$0x0] =	vst.add.f32.msk $0xffff, v0  }
0x2c6: {  	s22 =	sor.u32 $0x4000, s1;
	v0 =	vld [tilespmem:s1+$0x14050]  }
0x2c7: {  	s11 =	sor.u32 $0x4010, s1;
	[tilespmem:s22+$0x0] =	vst.add.f32.msk $0xffff, v3  }
0x2c8: {  	s13 =	simm.s32 $0x80;
	s10 =	simm.s32 $0x0;
	s24 =	sor.u32 $0x4020, s1;
	[tilespmem:s11+$0x0] =	vst.add.f32.msk $0xffff, v4  }
0x2c9: {  	s12 =	sor.u32 $0x4030, s1;
	s16 =	sor.u32 $0x4040, s1;
	s14 =	sor.u32 $0x4050, s1;
	[tilespmem:s24+$0x0] =	vst.add.f32.msk $0xffff, v5  }
0x2ca: {  	s15 =	sor.u32 $0x4060, s1;
	[tilespmem:s12+$0x0] =	vst.add.f32.msk $0xffff, v6;
	s11 =	simm.s32 $0x10;
	s12 =	simm.s32 $0x400  }
.LBB2_28:
0x2cb: {  	s1 =	sand.u32 $0x2000, s13;
	s3 =	sand.u32 $0x1C00, s12;
	s10 =	sadd.s32 $0x8, s10;
	[tilespmem:s16+$0x0] =	vst.add.f32.msk $0xffff, v2  }
0x2cc: {  	s1 =	sor.u32 s3, s1;
	s3 =	sand.u32 $0x380, s11;
	p0 =	slt.u32 s10, $0x3F8;
	[tilespmem:s14+$0x0] =	vst.add.f32.msk $0xffff, v0  }
0x2cd: {  	s1 =	sor.u32 s3, s1;
	[tilespmem:s15+$0x0] =	vst.add.f32.msk $0xffff, v1  }
0x2ce: {  	s3 =	sor.u32 $0x4000, s1;
	s17 =	sor.u32 $0x4010, s1;
	s19 =	sor.u32 $0x4020, s1;
	v0 =	vld [tilespmem:s1+$0x14070]  }
0x2cf: {  	s22 =	sor.u32 $0x4030, s1;
	s16 =	sor.u32 $0x4040, s1;
	s14 =	sor.u32 $0x4050, s1;
	v3 =	vld [tilespmem:s1+$0x14000]  }
0x2d0: {  	s15 =	sor.u32 $0x4060, s1;
	v4 =	vld [tilespmem:s1+$0x14010]  }
0x2d1: {  	v5 =	vld [tilespmem:s1+$0x14020]  }
0x2d2: {  	s24 =	sor.u32 $0x4070, s1;
	v6 =	vld [tilespmem:s1+$0x14030]  }
0x2d3: {  	[tilespmem:s24+$0x0] =	vst.add.f32.msk $0xffff, v0  }
0x2d4: {  	v2 =	vld [tilespmem:s1+$0x14040]  }
0x2d5: {  	v0 =	vld [tilespmem:s1+$0x14050]  }
.Ltmp13:
0x2d6: {  	v1 =	vld [tilespmem:s1+$0x14060];
	(pc) =	sbr.rel @p0 .LBB2_28-.Ltmp13, $4  }
0x2d7: {  	[tilespmem:s3+$0x0] =	vst.add.f32.msk $0xffff, v3  }
0x2d8: {  	[tilespmem:s17+$0x0] =	vst.add.f32.msk $0xffff, v4  }
0x2d9: {  	[tilespmem:s19+$0x0] =	vst.add.f32.msk $0xffff, v5  }
0x2da: {  	s12 =	sadd.s32 $0x400, s12;
	s13 =	sadd.s32 $0x80, s13;
	s11 =	sadd.s32 $0x10, s11;
	[tilespmem:s22+$0x0] =	vst.add.f32.msk $0xffff, v6  }
0x2db: {  	[tilespmem:s16+$0x0] =	vst.add.f32.msk $0xffff, v2  }
0x2dc: {  	[tilespmem:s14+$0x0] =	vst.add.f32.msk $0xffff, v0  }
0x2dd: {  	[tilespmem:s15+$0x0] =	vst.add.f32.msk $0xffff, v1  }
0x2de: {  	[spmem:s18] =	stream.linear.scatter [tilespmem:s20], [sflag:$0x8], $0x4000, $0x38;
	v63 =	vld [tilespmem:$0x0]  }
0x2df: {  	_ =	swait.ge [sflag:s29], $0x4000  }
0x2e0: {  	[sflag:s29] =	ssyncset.done $0x0  }
0x2e1: {  	[sflag:s29] =	ssyncadd.s32 $0xFFFFC000  }
0x2e2: {  	_ =	swait.ge [sflag:s30], $0x4000  }
0x2e3: {  	s1 =	sld [smem:$0x7D1]  }
0x2e4: {  	[sflag:s30] =	ssyncset.done $0x0  }
0x2e5: {  	[sflag:s30] =	ssyncadd.s32 $0xFFFFC000  }
0x2e6: {  	[hbm:s1], [sflag:s8] =	dma.local [spmem:s9], $0x800  }
0x2e7: {  	s3 =	sld [smem:$0x7D9];
	_ =	sdelay $0x1  }
0x2e8: {  	s17 =	simm.s32 $0x0  }
0x2e9: {  	[tilespmem:s20], [sflag:$0x2] =	stream.linear.gather [hbm4b:s3+s17], $0x4000, $0x38;
	v63 =	vld [tilespmem:$0x0]  }
0x2ea: {  	s19 =	sand.u32 $0x2000, s17;
	s10 =	sand.u32 $0x1C00, s17;
	_ =	swait.ge [sflag:s31], $0x800  }
0x2eb: {  	s1 =	sand.u32 $0x380, s17;
	s3 =	sor.u32 s10, s19;
	[sflag:s31] =	ssyncset.done $0x0  }
0x2ec: {  	s1 =	sor.u32 s1, s3;
	[sflag:s31] =	ssyncadd.s32 $0xFFFFF800  }
0x2ed: {  	v0 =	vld [tilespmem:s1+$0x14070]  }
0x2ee: {  	v3 =	vld [tilespmem:s1+$0x14000]  }
0x2ef: {  	v4 =	vld [tilespmem:s1+$0x14010]  }
0x2f0: {  	v5 =	vld [tilespmem:s1+$0x14020]  }
0x2f1: {  	v6 =	vld [tilespmem:s1+$0x14030]  }
0x2f2: {  	v2 =	vld [tilespmem:s1+$0x14040]  }
0x2f3: {  	s3 =	sor.u32 $0x8070, s1;
	v1 =	vld [tilespmem:s1+$0x14060]  }
0x2f4: {  	[tilespmem:s3+$0x0] =	vst.add.f32.msk $0xffff, v0  }
0x2f5: {  	s22 =	sor.u32 $0x8000, s1;
	v0 =	vld [tilespmem:s1+$0x14050]  }
0x2f6: {  	s11 =	sor.u32 $0x8010, s1;
	[tilespmem:s22+$0x0] =	vst.add.f32.msk $0xffff, v3  }
0x2f7: {  	s13 =	simm.s32 $0x80;
	s10 =	simm.s32 $0x0;
	s24 =	sor.u32 $0x8020, s1;
	[tilespmem:s11+$0x0] =	vst.add.f32.msk $0xffff, v4  }
0x2f8: {  	s12 =	sor.u32 $0x8030, s1;
	s16 =	sor.u32 $0x8040, s1;
	s14 =	sor.u32 $0x8050, s1;
	[tilespmem:s24+$0x0] =	vst.add.f32.msk $0xffff, v5  }
0x2f9: {  	s15 =	sor.u32 $0x8060, s1;
	[tilespmem:s12+$0x0] =	vst.add.f32.msk $0xffff, v6;
	s11 =	simm.s32 $0x10;
	s12 =	simm.s32 $0x400  }
.LBB2_30:
0x2fa: {  	s1 =	sand.u32 $0x2000, s13;
	s3 =	sand.u32 $0x1C00, s12;
	s10 =	sadd.s32 $0x8, s10;
	[tilespmem:s16+$0x0] =	vst.add.f32.msk $0xffff, v2  }
0x2fb: {  	s1 =	sor.u32 s3, s1;
	s3 =	sand.u32 $0x380, s11;
	p0 =	slt.u32 s10, $0x3F8;
	[tilespmem:s14+$0x0] =	vst.add.f32.msk $0xffff, v0  }
0x2fc: {  	s1 =	sor.u32 s3, s1;
	[tilespmem:s15+$0x0] =	vst.add.f32.msk $0xffff, v1  }
0x2fd: {  	s3 =	sor.u32 $0x8000, s1;
	s17 =	sor.u32 $0x8010, s1;
	s19 =	sor.u32 $0x8020, s1;
	v0 =	vld [tilespmem:s1+$0x14070]  }
0x2fe: {  	s22 =	sor.u32 $0x8030, s1;
	s16 =	sor.u32 $0x8040, s1;
	s14 =	sor.u32 $0x8050, s1;
	v3 =	vld [tilespmem:s1+$0x14000]  }
0x2ff: {  	s15 =	sor.u32 $0x8060, s1;
	v4 =	vld [tilespmem:s1+$0x14010]  }
0x300: {  	v5 =	vld [tilespmem:s1+$0x14020]  }
0x301: {  	s24 =	sor.u32 $0x8070, s1;
	v6 =	vld [tilespmem:s1+$0x14030]  }
0x302: {  	[tilespmem:s24+$0x0] =	vst.add.f32.msk $0xffff, v0  }
0x303: {  	v2 =	vld [tilespmem:s1+$0x14040]  }
0x304: {  	v0 =	vld [tilespmem:s1+$0x14050]  }
.Ltmp14:
0x305: {  	v1 =	vld [tilespmem:s1+$0x14060];
	(pc) =	sbr.rel @p0 .LBB2_30-.Ltmp14, $4  }
0x306: {  	[tilespmem:s3+$0x0] =	vst.add.f32.msk $0xffff, v3  }
0x307: {  	[tilespmem:s17+$0x0] =	vst.add.f32.msk $0xffff, v4  }
0x308: {  	[tilespmem:s19+$0x0] =	vst.add.f32.msk $0xffff, v5  }
0x309: {  	s12 =	sadd.s32 $0x400, s12;
	s13 =	sadd.s32 $0x80, s13;
	s11 =	sadd.s32 $0x10, s11;
	[tilespmem:s22+$0x0] =	vst.add.f32.msk $0xffff, v6  }
0x30a: {  	[tilespmem:s16+$0x0] =	vst.add.f32.msk $0xffff, v2  }
0x30b: {  	[tilespmem:s14+$0x0] =	vst.add.f32.msk $0xffff, v0  }
0x30c: {  	[tilespmem:s15+$0x0] =	vst.add.f32.msk $0xffff, v1  }
0x30d: {  	[spmem:s6] =	stream.linear.scatter [tilespmem:s21], [sflag:$0x7], $0x4000, $0x38;
	v63 =	vld [tilespmem:$0x0]  }
0x30e: {  	_ =	swait.ge [sflag:s0], $0x4000  }
0x30f: {  	[sflag:s0] =	ssyncset.done $0x0  }
0x310: {  	[sflag:s0] =	ssyncadd.s32 $0xFFFFC000  }
0x311: {  	_ =	swait.ge [sflag:s28], $0x4000  }
0x312: {  	s1 =	sld [smem:$0x7D3]  }
0x313: {  	[sflag:s28] =	ssyncset.done $0x0  }
0x314: {  	[sflag:s28] =	ssyncadd.s32 $0xFFFFC000  }
0x315: {  	[hbm:s1], [sflag:s5] =	dma.local [spmem:s7], $0x800  }
0x316: {  	s3 =	sld [smem:$0x7DB];
	_ =	sdelay $0x1  }
0x317: {  	s17 =	simm.s32 $0x0  }
0x318: {  	[tilespmem:s21], [sflag:$0x3] =	stream.linear.gather [hbm4b:s3+s17], $0x4000, $0x38;
	v63 =	vld [tilespmem:$0x0]  }
0x319: {  	s19 =	sand.u32 $0x2000, s17;
	s10 =	sand.u32 $0x1C00, s17;
	_ =	swait.ge [sflag:s2], $0x800  }
0x31a: {  	s1 =	sand.u32 $0x380, s17;
	s3 =	sor.u32 s10, s19;
	[sflag:s2] =	ssyncset.done $0x0  }
0x31b: {  	s1 =	sor.u32 s1, s3;
	[sflag:s2] =	ssyncadd.s32 $0xFFFFF800  }
0x31c: {  	v0 =	vld [tilespmem:s1+$0x14070]  }
0x31d: {  	v3 =	vld [tilespmem:s1+$0x14000]  }
0x31e: {  	v4 =	vld [tilespmem:s1+$0x14010]  }
0x31f: {  	v5 =	vld [tilespmem:s1+$0x14020]  }
0x320: {  	v6 =	vld [tilespmem:s1+$0x14030]  }
0x321: {  	v2 =	vld [tilespmem:s1+$0x14040]  }
0x322: {  	s3 =	sor.u32 $0xC070, s1;
	v1 =	vld [tilespmem:s1+$0x14060]  }
0x323: {  	[tilespmem:s3+$0x0] =	vst.add.f32.msk $0xffff, v0  }
0x324: {  	s22 =	sor.u32 $0xC000, s1;
	v0 =	vld [tilespmem:s1+$0x14050]  }
0x325: {  	s11 =	sor.u32 $0xC010, s1;
	[tilespmem:s22+$0x0] =	vst.add.f32.msk $0xffff, v3  }
0x326: {  	s13 =	simm.s32 $0x80;
	s10 =	simm.s32 $0x0;
	s24 =	sor.u32 $0xC020, s1;
	[tilespmem:s11+$0x0] =	vst.add.f32.msk $0xffff, v4  }
0x327: {  	s12 =	sor.u32 $0xC030, s1;
	s16 =	sor.u32 $0xC040, s1;
	s14 =	sor.u32 $0xC050, s1;
	[tilespmem:s24+$0x0] =	vst.add.f32.msk $0xffff, v5  }
0x328: {  	s15 =	sor.u32 $0xC060, s1;
	[tilespmem:s12+$0x0] =	vst.add.f32.msk $0xffff, v6;
	s11 =	simm.s32 $0x10;
	s12 =	simm.s32 $0x400  }
.LBB2_32:
0x329: {  	s1 =	sand.u32 $0x2000, s13;
	s3 =	sand.u32 $0x1C00, s12;
	s10 =	sadd.s32 $0x8, s10;
	[tilespmem:s16+$0x0] =	vst.add.f32.msk $0xffff, v2  }
0x32a: {  	s1 =	sor.u32 s3, s1;
	s3 =	sand.u32 $0x380, s11;
	p0 =	slt.u32 s10, $0x3F8;
	[tilespmem:s14+$0x0] =	vst.add.f32.msk $0xffff, v0  }
0x32b: {  	s1 =	sor.u32 s3, s1;
	[tilespmem:s15+$0x0] =	vst.add.f32.msk $0xffff, v1  }
0x32c: {  	s3 =	sor.u32 $0xC000, s1;
	s17 =	sor.u32 $0xC010, s1;
	s19 =	sor.u32 $0xC020, s1;
	v0 =	vld [tilespmem:s1+$0x14070]  }
0x32d: {  	s22 =	sor.u32 $0xC030, s1;
	s16 =	sor.u32 $0xC040, s1;
	s14 =	sor.u32 $0xC050, s1;
	v3 =	vld [tilespmem:s1+$0x14000]  }
0x32e: {  	s15 =	sor.u32 $0xC060, s1;
	v4 =	vld [tilespmem:s1+$0x14010]  }
0x32f: {  	v5 =	vld [tilespmem:s1+$0x14020]  }
0x330: {  	s24 =	sor.u32 $0xC070, s1;
	v6 =	vld [tilespmem:s1+$0x14030]  }
0x331: {  	[tilespmem:s24+$0x0] =	vst.add.f32.msk $0xffff, v0  }
0x332: {  	v2 =	vld [tilespmem:s1+$0x14040]  }
0x333: {  	v0 =	vld [tilespmem:s1+$0x14050]  }
.Ltmp15:
0x334: {  	v1 =	vld [tilespmem:s1+$0x14060];
	(pc) =	sbr.rel @p0 .LBB2_32-.Ltmp15, $4  }
0x335: {  	[tilespmem:s3+$0x0] =	vst.add.f32.msk $0xffff, v3  }
0x336: {  	[tilespmem:s17+$0x0] =	vst.add.f32.msk $0xffff, v4  }
0x337: {  	[tilespmem:s19+$0x0] =	vst.add.f32.msk $0xffff, v5  }
0x338: {  	s12 =	sadd.s32 $0x400, s12;
	s13 =	sadd.s32 $0x80, s13;
	s11 =	sadd.s32 $0x10, s11;
	[tilespmem:s22+$0x0] =	vst.add.f32.msk $0xffff, v6  }
0x339: {  	[tilespmem:s16+$0x0] =	vst.add.f32.msk $0xffff, v2  }
0x33a: {  	[tilespmem:s14+$0x0] =	vst.add.f32.msk $0xffff, v0  }
0x33b: {  	[tilespmem:s15+$0x0] =	vst.add.f32.msk $0xffff, v1  }
0x33c: {  	s3 =	sld [smem:$0x7DF]  }
0x33d: {  	[spmem:s18] =	stream.linear.scatter [tilespmem:s25], [sflag:$0x8], $0x4000, $0x38;
	v63 =	vld [tilespmem:$0x0]  }
0x33e: {  	s1 =	simm.s32 $0x0;
	s10 =	simm.s32 $0x14000  }
0x33f: {  	[tilespmem:s10], [sflag:$0x6] =	stream.linear.gather [hbm4b:s3+s1], $0x4000, $0x38;
	v63 =	vld [tilespmem:$0x0]  }
0x340: {  	_ =	swait.ge [sflag:s23], $0x4000  }
0x341: {  	[sflag:s23] =	ssyncset.done $0x0  }
0x342: {  	s16 =	simm.s32 $0x5;
	[sflag:s23] =	ssyncadd.s32 $0xFFFFC000  }
0x343: {  	_ =	swait.ge [sflag:s16], $0x4000  }
0x344: {  	[sflag:s16] =	ssyncset.done $0x0  }
0x345: {  	[sflag:s16] =	ssyncadd.s32 $0xFFFFC000  }
0x346: {  	_ =	swait.ge [sflag:s30], $0x4000  }
0x347: {  	s17 =	sld [smem:$0x7D5]  }
0x348: {  	[sflag:s30] =	ssyncset.done $0x0  }
0x349: {  	[sflag:s30] =	ssyncadd.s32 $0xFFFFC000  }
0x34a: {  	[hbm:s17], [sflag:s8] =	dma.local [spmem:s9], $0x800  }
0x34b: {  	s3 =	sld [smem:$0x7DD];
	_ =	sdelay $0x2  }
0x34c: {  	[tilespmem:s25], [sflag:$0x4] =	stream.linear.gather [hbm4b:s3+s1], $0x4000, $0x38;
	v63 =	vld [tilespmem:$0x0]  }
0x34d: {  	s19 =	sand.u32 $0x2000, s1;
	s22 =	sand.u32 $0x1C00, s1;
	_ =	swait.ge [sflag:s31], $0x800  }
0x34e: {  	s3 =	sor.u32 s22, s19;
	s1 =	sand.u32 $0x380, s1;
	[sflag:s31] =	ssyncset.done $0x0  }
0x34f: {  	s1 =	sor.u32 s1, s3;
	[sflag:s31] =	ssyncadd.s32 $0xFFFFF800  }
0x350: {  	v0 =	vld [tilespmem:s1+$0x10070]  }
0x351: {  	v3 =	vld [tilespmem:s1+$0x10000]  }
0x352: {  	v4 =	vld [tilespmem:s1+$0x10010]  }
0x353: {  	v5 =	vld [tilespmem:s1+$0x10020]  }
0x354: {  	v6 =	vld [tilespmem:s1+$0x10030]  }
0x355: {  	v2 =	vld [tilespmem:s1+$0x10040]  }
0x356: {  	s3 =	sor.u32 $0x70, s1;
	v1 =	vld [tilespmem:s1+$0x10050]  }
0x357: {  	[tilespmem:s3+$0x0] =	vst.add.f32.msk $0xffff, v0  }
0x358: {  	v0 =	vld [tilespmem:s1+$0x10060]  }
0x359: {  	s24 =	sor.u32 $0x10, s1;
	[tilespmem:s1+$0x0] =	vst.add.f32.msk $0xffff, v3  }
0x35a: {  	s13 =	simm.s32 $0x80;
	s10 =	simm.s32 $0x0;
	s11 =	sor.u32 $0x20, s1;
	[tilespmem:s24+$0x0] =	vst.add.f32.msk $0xffff, v4  }
0x35b: {  	s12 =	sor.u32 $0x30, s1;
	s16 =	sor.u32 $0x40, s1;
	s15 =	sor.u32 $0x50, s1;
	[tilespmem:s11+$0x0] =	vst.add.f32.msk $0xffff, v5  }
0x35c: {  	s14 =	sor.u32 $0x60, s1;
	[tilespmem:s12+$0x0] =	vst.add.f32.msk $0xffff, v6;
	s11 =	simm.s32 $0x10;
	s12 =	simm.s32 $0x400  }
.LBB2_34:
0x35d: {  	s1 =	sand.u32 $0x2000, s13;
	s3 =	sand.u32 $0x1C00, s12;
	s10 =	sadd.s32 $0x8, s10;
	[tilespmem:s16+$0x0] =	vst.add.f32.msk $0xffff, v2  }
0x35e: {  	s1 =	sor.u32 s3, s1;
	s3 =	sand.u32 $0x380, s11;
	p0 =	slt.u32 s10, $0x3F8;
	[tilespmem:s15+$0x0] =	vst.add.f32.msk $0xffff, v1  }
0x35f: {  	s1 =	sor.u32 s3, s1;
	[tilespmem:s14+$0x0] =	vst.add.f32.msk $0xffff, v0  }
0x360: {  	s3 =	sor.u32 $0x10, s1;
	s17 =	sor.u32 $0x20, s1;
	s19 =	sor.u32 $0x30, s1;
	v0 =	vld [tilespmem:s1+$0x10070]  }
0x361: {  	s16 =	sor.u32 $0x40, s1;
	s15 =	sor.u32 $0x50, s1;
	s14 =	sor.u32 $0x60, s1;
	v3 =	vld [tilespmem:s1+$0x10000]  }
0x362: {  	v4 =	vld [tilespmem:s1+$0x10010]  }
0x363: {  	v5 =	vld [tilespmem:s1+$0x10020]  }
0x364: {  	s22 =	sor.u32 $0x70, s1;
	v6 =	vld [tilespmem:s1+$0x10030]  }
0x365: {  	[tilespmem:s22+$0x0] =	vst.add.f32.msk $0xffff, v0  }
0x366: {  	v2 =	vld [tilespmem:s1+$0x10040]  }
0x367: {  	v1 =	vld [tilespmem:s1+$0x10050]  }
.Ltmp16:
0x368: {  	v0 =	vld [tilespmem:s1+$0x10060];
	(pc) =	sbr.rel @p0 .LBB2_34-.Ltmp16, $4  }
0x369: {  	[tilespmem:s1+$0x0] =	vst.add.f32.msk $0xffff, v3  }
0x36a: {  	[tilespmem:s3+$0x0] =	vst.add.f32.msk $0xffff, v4  }
0x36b: {  	[tilespmem:s17+$0x0] =	vst.add.f32.msk $0xffff, v5  }
0x36c: {  	s12 =	sadd.s32 $0x400, s12;
	s13 =	sadd.s32 $0x80, s13;
	s11 =	sadd.s32 $0x10, s11;
	[tilespmem:s19+$0x0] =	vst.add.f32.msk $0xffff, v6  }
0x36d: {  	[tilespmem:s16+$0x0] =	vst.add.f32.msk $0xffff, v2  }
0x36e: {  	[tilespmem:s15+$0x0] =	vst.add.f32.msk $0xffff, v1  }
0x36f: {  	[tilespmem:s14+$0x0] =	vst.add.f32.msk $0xffff, v0;
	s1 =	simm.s32 $0x0  }
0x370: {  	[spmem:s6] =	stream.linear.scatter [tilespmem:s1], [sflag:$0x7], $0x4000, $0x38;
	v63 =	vld [tilespmem:$0x0]  }
0x371: {  	_ =	swait.ge [sflag:s26], $0x4000  }
0x372: {  	[sflag:s26] =	ssyncset.done $0x0  }
0x373: {  	[sflag:s26] =	ssyncadd.s32 $0xFFFFC000  }
0x374: {  	_ =	swait.ge [sflag:s28], $0x4000  }
0x375: {  	s3 =	sld [smem:$0x7D8]  }
0x376: {  	[sflag:s28] =	ssyncset.done $0x0  }
0x377: {  	[sflag:s28] =	ssyncadd.s32 $0xFFFFC000  }
0x378: {  	[hbm:s3], [sflag:s5] =	dma.local [spmem:s7], $0x800  }
0x379: {  	s3 =	sld [smem:$0x7E0];
	_ =	sdelay $0x2  }
0x37a: {  	[tilespmem:s1], [sflag:$0x1] =	stream.linear.gather [hbm4b:s3+s1], $0x4000, $0x38;
	v63 =	vld [tilespmem:$0x0]  }
0x37b: {  	s19 =	sand.u32 $0x2000, s1;
	s10 =	sand.u32 $0x1C00, s1;
	_ =	swait.ge [sflag:s2], $0x800  }
0x37c: {  	s3 =	sor.u32 s10, s19;
	s1 =	sand.u32 $0x380, s1;
	[sflag:s2] =	ssyncset.done $0x0  }
0x37d: {  	s1 =	sor.u32 s1, s3;
	[sflag:s2] =	ssyncadd.s32 $0xFFFFF800  }
0x37e: {  	v0 =	vld [tilespmem:s1+$0x10070]  }
0x37f: {  	v3 =	vld [tilespmem:s1+$0x10000]  }
0x380: {  	v4 =	vld [tilespmem:s1+$0x10010]  }
0x381: {  	v5 =	vld [tilespmem:s1+$0x10020]  }
0x382: {  	v6 =	vld [tilespmem:s1+$0x10030]  }
0x383: {  	v2 =	vld [tilespmem:s1+$0x10040]  }
0x384: {  	s3 =	sor.u32 $0x4070, s1;
	v1 =	vld [tilespmem:s1+$0x10060]  }
0x385: {  	[tilespmem:s3+$0x0] =	vst.add.f32.msk $0xffff, v0  }
0x386: {  	s22 =	sor.u32 $0x4000, s1;
	v0 =	vld [tilespmem:s1+$0x10050]  }
0x387: {  	s11 =	sor.u32 $0x4010, s1;
	[tilespmem:s22+$0x0] =	vst.add.f32.msk $0xffff, v3  }
0x388: {  	s13 =	simm.s32 $0x80;
	s10 =	simm.s32 $0x0;
	s24 =	sor.u32 $0x4020, s1;
	[tilespmem:s11+$0x0] =	vst.add.f32.msk $0xffff, v4  }
0x389: {  	s12 =	sor.u32 $0x4030, s1;
	s16 =	sor.u32 $0x4040, s1;
	s14 =	sor.u32 $0x4050, s1;
	[tilespmem:s24+$0x0] =	vst.add.f32.msk $0xffff, v5  }
0x38a: {  	s15 =	sor.u32 $0x4060, s1;
	[tilespmem:s12+$0x0] =	vst.add.f32.msk $0xffff, v6;
	s11 =	simm.s32 $0x10;
	s12 =	simm.s32 $0x400  }
.LBB2_36:
0x38b: {  	s1 =	sand.u32 $0x2000, s13;
	s3 =	sand.u32 $0x1C00, s12;
	s10 =	sadd.s32 $0x8, s10;
	[tilespmem:s16+$0x0] =	vst.add.f32.msk $0xffff, v2  }
0x38c: {  	s1 =	sor.u32 s3, s1;
	s3 =	sand.u32 $0x380, s11;
	p0 =	slt.u32 s10, $0x3F8;
	[tilespmem:s14+$0x0] =	vst.add.f32.msk $0xffff, v0  }
0x38d: {  	s1 =	sor.u32 s3, s1;
	[tilespmem:s15+$0x0] =	vst.add.f32.msk $0xffff, v1  }
0x38e: {  	s3 =	sor.u32 $0x4000, s1;
	s17 =	sor.u32 $0x4010, s1;
	s19 =	sor.u32 $0x4020, s1;
	v0 =	vld [tilespmem:s1+$0x10070]  }
0x38f: {  	s22 =	sor.u32 $0x4030, s1;
	s16 =	sor.u32 $0x4040, s1;
	s14 =	sor.u32 $0x4050, s1;
	v3 =	vld [tilespmem:s1+$0x10000]  }
0x390: {  	s15 =	sor.u32 $0x4060, s1;
	v4 =	vld [tilespmem:s1+$0x10010]  }
0x391: {  	v5 =	vld [tilespmem:s1+$0x10020]  }
0x392: {  	s24 =	sor.u32 $0x4070, s1;
	v6 =	vld [tilespmem:s1+$0x10030]  }
0x393: {  	[tilespmem:s24+$0x0] =	vst.add.f32.msk $0xffff, v0  }
0x394: {  	v2 =	vld [tilespmem:s1+$0x10040]  }
0x395: {  	v0 =	vld [tilespmem:s1+$0x10050]  }
.Ltmp17:
0x396: {  	v1 =	vld [tilespmem:s1+$0x10060];
	(pc) =	sbr.rel @p0 .LBB2_36-.Ltmp17, $4  }
0x397: {  	[tilespmem:s3+$0x0] =	vst.add.f32.msk $0xffff, v3  }
0x398: {  	[tilespmem:s17+$0x0] =	vst.add.f32.msk $0xffff, v4  }
0x399: {  	[tilespmem:s19+$0x0] =	vst.add.f32.msk $0xffff, v5  }
0x39a: {  	s12 =	sadd.s32 $0x400, s12;
	s13 =	sadd.s32 $0x80, s13;
	s11 =	sadd.s32 $0x10, s11;
	[tilespmem:s22+$0x0] =	vst.add.f32.msk $0xffff, v6  }
0x39b: {  	[tilespmem:s16+$0x0] =	vst.add.f32.msk $0xffff, v2  }
0x39c: {  	[tilespmem:s14+$0x0] =	vst.add.f32.msk $0xffff, v0  }
0x39d: {  	[tilespmem:s15+$0x0] =	vst.add.f32.msk $0xffff, v1  }
0x39e: {  	[spmem:s18] =	stream.linear.scatter [tilespmem:s20], [sflag:$0x8], $0x4000, $0x38;
	v63 =	vld [tilespmem:$0x0]  }
0x39f: {  	_ =	swait.ge [sflag:s29], $0x4000  }
0x3a0: {  	[sflag:s29] =	ssyncset.done $0x0  }
0x3a1: {  	[sflag:s29] =	ssyncadd.s32 $0xFFFFC000  }
0x3a2: {  	_ =	swait.ge [sflag:s30], $0x4000  }
0x3a3: {  	s1 =	sld [smem:$0x7DA]  }
0x3a4: {  	[sflag:s30] =	ssyncset.done $0x0  }
0x3a5: {  	[sflag:s30] =	ssyncadd.s32 $0xFFFFC000  }
0x3a6: {  	[hbm:s1], [sflag:s8] =	dma.local [spmem:s9], $0x800  }
0x3a7: {  	s3 =	sld [smem:$0x7E2];
	_ =	sdelay $0x1  }
0x3a8: {  	s17 =	simm.s32 $0x0  }
0x3a9: {  	[tilespmem:s20], [sflag:$0x2] =	stream.linear.gather [hbm4b:s3+s17], $0x4000, $0x38;
	v63 =	vld [tilespmem:$0x0]  }
0x3aa: {  	s19 =	sand.u32 $0x2000, s17;
	s10 =	sand.u32 $0x1C00, s17;
	_ =	swait.ge [sflag:s31], $0x800  }
0x3ab: {  	s1 =	sand.u32 $0x380, s17;
	s3 =	sor.u32 s10, s19;
	[sflag:s31] =	ssyncset.done $0x0  }
0x3ac: {  	s1 =	sor.u32 s1, s3;
	[sflag:s31] =	ssyncadd.s32 $0xFFFFF800  }
0x3ad: {  	v0 =	vld [tilespmem:s1+$0x10070]  }
0x3ae: {  	v3 =	vld [tilespmem:s1+$0x10000]  }
0x3af: {  	v4 =	vld [tilespmem:s1+$0x10010]  }
0x3b0: {  	v5 =	vld [tilespmem:s1+$0x10020]  }
0x3b1: {  	v6 =	vld [tilespmem:s1+$0x10030]  }
0x3b2: {  	v2 =	vld [tilespmem:s1+$0x10040]  }
0x3b3: {  	s3 =	sor.u32 $0x8070, s1;
	v1 =	vld [tilespmem:s1+$0x10060]  }
0x3b4: {  	[tilespmem:s3+$0x0] =	vst.add.f32.msk $0xffff, v0  }
0x3b5: {  	s22 =	sor.u32 $0x8000, s1;
	v0 =	vld [tilespmem:s1+$0x10050]  }
0x3b6: {  	s11 =	sor.u32 $0x8010, s1;
	[tilespmem:s22+$0x0] =	vst.add.f32.msk $0xffff, v3  }
0x3b7: {  	s13 =	simm.s32 $0x80;
	s10 =	simm.s32 $0x0;
	s24 =	sor.u32 $0x8020, s1;
	[tilespmem:s11+$0x0] =	vst.add.f32.msk $0xffff, v4  }
0x3b8: {  	s12 =	sor.u32 $0x8030, s1;
	s16 =	sor.u32 $0x8040, s1;
	s14 =	sor.u32 $0x8050, s1;
	[tilespmem:s24+$0x0] =	vst.add.f32.msk $0xffff, v5  }
0x3b9: {  	s15 =	sor.u32 $0x8060, s1;
	[tilespmem:s12+$0x0] =	vst.add.f32.msk $0xffff, v6;
	s11 =	simm.s32 $0x10;
	s12 =	simm.s32 $0x400  }
.LBB2_38:
0x3ba: {  	s1 =	sand.u32 $0x2000, s13;
	s3 =	sand.u32 $0x1C00, s12;
	s10 =	sadd.s32 $0x8, s10;
	[tilespmem:s16+$0x0] =	vst.add.f32.msk $0xffff, v2  }
0x3bb: {  	s1 =	sor.u32 s3, s1;
	s3 =	sand.u32 $0x380, s11;
	p0 =	slt.u32 s10, $0x3F8;
	[tilespmem:s14+$0x0] =	vst.add.f32.msk $0xffff, v0  }
0x3bc: {  	s1 =	sor.u32 s3, s1;
	[tilespmem:s15+$0x0] =	vst.add.f32.msk $0xffff, v1  }
0x3bd: {  	s3 =	sor.u32 $0x8000, s1;
	s17 =	sor.u32 $0x8010, s1;
	s19 =	sor.u32 $0x8020, s1;
	v0 =	vld [tilespmem:s1+$0x10070]  }
0x3be: {  	s22 =	sor.u32 $0x8030, s1;
	s16 =	sor.u32 $0x8040, s1;
	s14 =	sor.u32 $0x8050, s1;
	v3 =	vld [tilespmem:s1+$0x10000]  }
0x3bf: {  	s15 =	sor.u32 $0x8060, s1;
	v4 =	vld [tilespmem:s1+$0x10010]  }
0x3c0: {  	v5 =	vld [tilespmem:s1+$0x10020]  }
0x3c1: {  	s24 =	sor.u32 $0x8070, s1;
	v6 =	vld [tilespmem:s1+$0x10030]  }
0x3c2: {  	[tilespmem:s24+$0x0] =	vst.add.f32.msk $0xffff, v0  }
0x3c3: {  	v2 =	vld [tilespmem:s1+$0x10040]  }
0x3c4: {  	v0 =	vld [tilespmem:s1+$0x10050]  }
.Ltmp18:
0x3c5: {  	v1 =	vld [tilespmem:s1+$0x10060];
	(pc) =	sbr.rel @p0 .LBB2_38-.Ltmp18, $4  }
0x3c6: {  	[tilespmem:s3+$0x0] =	vst.add.f32.msk $0xffff, v3  }
0x3c7: {  	[tilespmem:s17+$0x0] =	vst.add.f32.msk $0xffff, v4  }
0x3c8: {  	[tilespmem:s19+$0x0] =	vst.add.f32.msk $0xffff, v5  }
0x3c9: {  	s12 =	sadd.s32 $0x400, s12;
	s13 =	sadd.s32 $0x80, s13;
	s11 =	sadd.s32 $0x10, s11;
	[tilespmem:s22+$0x0] =	vst.add.f32.msk $0xffff, v6  }
0x3ca: {  	[tilespmem:s16+$0x0] =	vst.add.f32.msk $0xffff, v2  }
0x3cb: {  	[tilespmem:s14+$0x0] =	vst.add.f32.msk $0xffff, v0  }
0x3cc: {  	[tilespmem:s15+$0x0] =	vst.add.f32.msk $0xffff, v1  }
0x3cd: {  	[spmem:s6] =	stream.linear.scatter [tilespmem:s21], [sflag:$0x7], $0x4000, $0x38;
	v63 =	vld [tilespmem:$0x0]  }
0x3ce: {  	_ =	swait.ge [sflag:s0], $0x4000  }
0x3cf: {  	[sflag:s0] =	ssyncset.done $0x0  }
0x3d0: {  	[sflag:s0] =	ssyncadd.s32 $0xFFFFC000  }
0x3d1: {  	_ =	swait.ge [sflag:s28], $0x4000  }
0x3d2: {  	s1 =	sld [smem:$0x7DC]  }
0x3d3: {  	[sflag:s28] =	ssyncset.done $0x0  }
0x3d4: {  	[sflag:s28] =	ssyncadd.s32 $0xFFFFC000  }
0x3d5: {  	[hbm:s1], [sflag:s5] =	dma.local [spmem:s7], $0x800  }
0x3d6: {  	s3 =	sld [smem:$0x7E4];
	_ =	sdelay $0x1  }
0x3d7: {  	s17 =	simm.s32 $0x0  }
0x3d8: {  	[tilespmem:s21], [sflag:$0x3] =	stream.linear.gather [hbm4b:s3+s17], $0x4000, $0x38;
	v63 =	vld [tilespmem:$0x0]  }
0x3d9: {  	s19 =	sand.u32 $0x2000, s17;
	s10 =	sand.u32 $0x1C00, s17;
	_ =	swait.ge [sflag:s2], $0x800  }
0x3da: {  	s1 =	sand.u32 $0x380, s17;
	s3 =	sor.u32 s10, s19;
	[sflag:s2] =	ssyncset.done $0x0  }
0x3db: {  	s1 =	sor.u32 s1, s3;
	[sflag:s2] =	ssyncadd.s32 $0xFFFFF800  }
0x3dc: {  	v0 =	vld [tilespmem:s1+$0x10070]  }
0x3dd: {  	v3 =	vld [tilespmem:s1+$0x10000]  }
0x3de: {  	v4 =	vld [tilespmem:s1+$0x10010]  }
0x3df: {  	v5 =	vld [tilespmem:s1+$0x10020]  }
0x3e0: {  	v6 =	vld [tilespmem:s1+$0x10030]  }
0x3e1: {  	v2 =	vld [tilespmem:s1+$0x10040]  }
0x3e2: {  	s3 =	sor.u32 $0xC070, s1;
	v1 =	vld [tilespmem:s1+$0x10060]  }
0x3e3: {  	[tilespmem:s3+$0x0] =	vst.add.f32.msk $0xffff, v0  }
0x3e4: {  	s22 =	sor.u32 $0xC000, s1;
	v0 =	vld [tilespmem:s1+$0x10050]  }
0x3e5: {  	s11 =	sor.u32 $0xC010, s1;
	[tilespmem:s22+$0x0] =	vst.add.f32.msk $0xffff, v3  }
0x3e6: {  	s13 =	simm.s32 $0x80;
	s10 =	simm.s32 $0x0;
	s24 =	sor.u32 $0xC020, s1;
	[tilespmem:s11+$0x0] =	vst.add.f32.msk $0xffff, v4  }
0x3e7: {  	s12 =	sor.u32 $0xC030, s1;
	s16 =	sor.u32 $0xC040, s1;
	s14 =	sor.u32 $0xC050, s1;
	[tilespmem:s24+$0x0] =	vst.add.f32.msk $0xffff, v5  }
0x3e8: {  	s15 =	sor.u32 $0xC060, s1;
	[tilespmem:s12+$0x0] =	vst.add.f32.msk $0xffff, v6;
	s11 =	simm.s32 $0x10;
	s12 =	simm.s32 $0x400  }
.LBB2_40:
0x3e9: {  	s1 =	sand.u32 $0x2000, s13;
	s3 =	sand.u32 $0x1C00, s12;
	s10 =	sadd.s32 $0x8, s10;
	[tilespmem:s16+$0x0] =	vst.add.f32.msk $0xffff, v2  }
0x3ea: {  	s1 =	sor.u32 s3, s1;
	s3 =	sand.u32 $0x380, s11;
	p0 =	slt.u32 s10, $0x3F8;
	[tilespmem:s14+$0x0] =	vst.add.f32.msk $0xffff, v0  }
0x3eb: {  	s1 =	sor.u32 s3, s1;
	[tilespmem:s15+$0x0] =	vst.add.f32.msk $0xffff, v1  }
0x3ec: {  	s3 =	sor.u32 $0xC000, s1;
	s17 =	sor.u32 $0xC010, s1;
	s19 =	sor.u32 $0xC020, s1;
	v0 =	vld [tilespmem:s1+$0x10070]  }
0x3ed: {  	s22 =	sor.u32 $0xC030, s1;
	s16 =	sor.u32 $0xC040, s1;
	s14 =	sor.u32 $0xC050, s1;
	v3 =	vld [tilespmem:s1+$0x10000]  }
0x3ee: {  	s15 =	sor.u32 $0xC060, s1;
	v4 =	vld [tilespmem:s1+$0x10010]  }
0x3ef: {  	v5 =	vld [tilespmem:s1+$0x10020]  }
0x3f0: {  	s24 =	sor.u32 $0xC070, s1;
	v6 =	vld [tilespmem:s1+$0x10030]  }
0x3f1: {  	[tilespmem:s24+$0x0] =	vst.add.f32.msk $0xffff, v0  }
0x3f2: {  	v2 =	vld [tilespmem:s1+$0x10040]  }
0x3f3: {  	v0 =	vld [tilespmem:s1+$0x10050]  }
.Ltmp19:
0x3f4: {  	v1 =	vld [tilespmem:s1+$0x10060];
	(pc) =	sbr.rel @p0 .LBB2_40-.Ltmp19, $4  }
0x3f5: {  	[tilespmem:s3+$0x0] =	vst.add.f32.msk $0xffff, v3  }
0x3f6: {  	[tilespmem:s17+$0x0] =	vst.add.f32.msk $0xffff, v4  }
0x3f7: {  	[tilespmem:s19+$0x0] =	vst.add.f32.msk $0xffff, v5  }
0x3f8: {  	s12 =	sadd.s32 $0x400, s12;
	s13 =	sadd.s32 $0x80, s13;
	s11 =	sadd.s32 $0x10, s11;
	[tilespmem:s22+$0x0] =	vst.add.f32.msk $0xffff, v6  }
0x3f9: {  	[tilespmem:s16+$0x0] =	vst.add.f32.msk $0xffff, v2  }
0x3fa: {  	[tilespmem:s14+$0x0] =	vst.add.f32.msk $0xffff, v0  }
0x3fb: {  	[tilespmem:s15+$0x0] =	vst.add.f32.msk $0xffff, v1  }
0x3fc: {  	s3 =	sld [smem:$0x7E7]  }
0x3fd: {  	[spmem:s18] =	stream.linear.scatter [tilespmem:s25], [sflag:$0x8], $0x4000, $0x38;
	v63 =	vld [tilespmem:$0x0]  }
0x3fe: {  	s1 =	simm.s32 $0x0;
	s10 =	simm.s32 $0x10000  }
0x3ff: {  	[tilespmem:s10], [sflag:$0x5] =	stream.linear.gather [hbm4b:s3+s1], $0x4000, $0x38;
	v63 =	vld [tilespmem:$0x0]  }
0x400: {  	_ =	swait.ge [sflag:s23], $0x4000  }
0x401: {  	[sflag:s23] =	ssyncset.done $0x0  }
0x402: {  	s16 =	simm.s32 $0x6;
	[sflag:s23] =	ssyncadd.s32 $0xFFFFC000  }
0x403: {  	_ =	swait.ge [sflag:s16], $0x4000  }
0x404: {  	[sflag:s16] =	ssyncset.done $0x0  }
0x405: {  	[sflag:s16] =	ssyncadd.s32 $0xFFFFC000  }
0x406: {  	_ =	swait.ge [sflag:s30], $0x4000  }
0x407: {  	s17 =	sld [smem:$0x7DE]  }
0x408: {  	[sflag:s30] =	ssyncset.done $0x0  }
0x409: {  	[sflag:s30] =	ssyncadd.s32 $0xFFFFC000  }
0x40a: {  	[hbm:s17], [sflag:s8] =	dma.local [spmem:s9], $0x800  }
0x40b: {  	s3 =	sld [smem:$0x7E9];
	_ =	sdelay $0x2  }
0x40c: {  	[tilespmem:s25], [sflag:$0x4] =	stream.linear.gather [hbm4b:s3+s1], $0x4000, $0x38;
	v63 =	vld [tilespmem:$0x0]  }
0x40d: {  	s19 =	sand.u32 $0x2000, s1;
	s22 =	sand.u32 $0x1C00, s1;
	_ =	swait.ge [sflag:s31], $0x800  }
0x40e: {  	s3 =	sor.u32 s22, s19;
	s1 =	sand.u32 $0x380, s1;
	[sflag:s31] =	ssyncset.done $0x0  }
0x40f: {  	s1 =	sor.u32 s1, s3;
	[sflag:s31] =	ssyncadd.s32 $0xFFFFF800  }
0x410: {  	v0 =	vld [tilespmem:s1+$0x14070]  }
0x411: {  	v3 =	vld [tilespmem:s1+$0x14000]  }
0x412: {  	v4 =	vld [tilespmem:s1+$0x14010]  }
0x413: {  	v5 =	vld [tilespmem:s1+$0x14020]  }
0x414: {  	v6 =	vld [tilespmem:s1+$0x14030]  }
0x415: {  	v2 =	vld [tilespmem:s1+$0x14040]  }
0x416: {  	s3 =	sor.u32 $0x70, s1;
	v1 =	vld [tilespmem:s1+$0x14050]  }
0x417: {  	[tilespmem:s3+$0x0] =	vst.add.f32.msk $0xffff, v0  }
0x418: {  	v0 =	vld [tilespmem:s1+$0x14060]  }
0x419: {  	s24 =	sor.u32 $0x10, s1;
	[tilespmem:s1+$0x0] =	vst.add.f32.msk $0xffff, v3  }
0x41a: {  	s13 =	simm.s32 $0x80;
	s10 =	simm.s32 $0x0;
	s11 =	sor.u32 $0x20, s1;
	[tilespmem:s24+$0x0] =	vst.add.f32.msk $0xffff, v4  }
0x41b: {  	s12 =	sor.u32 $0x30, s1;
	s16 =	sor.u32 $0x40, s1;
	s15 =	sor.u32 $0x50, s1;
	[tilespmem:s11+$0x0] =	vst.add.f32.msk $0xffff, v5  }
0x41c: {  	s14 =	sor.u32 $0x60, s1;
	[tilespmem:s12+$0x0] =	vst.add.f32.msk $0xffff, v6;
	s11 =	simm.s32 $0x10;
	s12 =	simm.s32 $0x400  }
.LBB2_42:
0x41d: {  	s1 =	sand.u32 $0x2000, s13;
	s3 =	sand.u32 $0x1C00, s12;
	s10 =	sadd.s32 $0x8, s10;
	[tilespmem:s16+$0x0] =	vst.add.f32.msk $0xffff, v2  }
0x41e: {  	s1 =	sor.u32 s3, s1;
	s3 =	sand.u32 $0x380, s11;
	p0 =	slt.u32 s10, $0x3F8;
	[tilespmem:s15+$0x0] =	vst.add.f32.msk $0xffff, v1  }
0x41f: {  	s1 =	sor.u32 s3, s1;
	[tilespmem:s14+$0x0] =	vst.add.f32.msk $0xffff, v0  }
0x420: {  	s3 =	sor.u32 $0x10, s1;
	s17 =	sor.u32 $0x20, s1;
	s19 =	sor.u32 $0x30, s1;
	v0 =	vld [tilespmem:s1+$0x14070]  }
0x421: {  	s16 =	sor.u32 $0x40, s1;
	s15 =	sor.u32 $0x50, s1;
	s14 =	sor.u32 $0x60, s1;
	v3 =	vld [tilespmem:s1+$0x14000]  }
0x422: {  	v4 =	vld [tilespmem:s1+$0x14010]  }
0x423: {  	v5 =	vld [tilespmem:s1+$0x14020]  }
0x424: {  	s22 =	sor.u32 $0x70, s1;
	v6 =	vld [tilespmem:s1+$0x14030]  }
0x425: {  	[tilespmem:s22+$0x0] =	vst.add.f32.msk $0xffff, v0  }
0x426: {  	v2 =	vld [tilespmem:s1+$0x14040]  }
0x427: {  	v1 =	vld [tilespmem:s1+$0x14050]  }
.Ltmp20:
0x428: {  	v0 =	vld [tilespmem:s1+$0x14060];
	(pc) =	sbr.rel @p0 .LBB2_42-.Ltmp20, $4  }
0x429: {  	[tilespmem:s1+$0x0] =	vst.add.f32.msk $0xffff, v3  }
0x42a: {  	[tilespmem:s3+$0x0] =	vst.add.f32.msk $0xffff, v4  }
0x42b: {  	[tilespmem:s17+$0x0] =	vst.add.f32.msk $0xffff, v5  }
0x42c: {  	s12 =	sadd.s32 $0x400, s12;
	s13 =	sadd.s32 $0x80, s13;
	s11 =	sadd.s32 $0x10, s11;
	[tilespmem:s19+$0x0] =	vst.add.f32.msk $0xffff, v6  }
0x42d: {  	[tilespmem:s16+$0x0] =	vst.add.f32.msk $0xffff, v2  }
0x42e: {  	[tilespmem:s15+$0x0] =	vst.add.f32.msk $0xffff, v1  }
0x42f: {  	[tilespmem:s14+$0x0] =	vst.add.f32.msk $0xffff, v0;
	s1 =	simm.s32 $0x0  }
0x430: {  	[spmem:s6] =	stream.linear.scatter [tilespmem:s1], [sflag:$0x7], $0x4000, $0x38;
	v63 =	vld [tilespmem:$0x0]  }
0x431: {  	_ =	swait.ge [sflag:s26], $0x4000  }
0x432: {  	[sflag:s26] =	ssyncset.done $0x0  }
0x433: {  	[sflag:s26] =	ssyncadd.s32 $0xFFFFC000  }
0x434: {  	_ =	swait.ge [sflag:s28], $0x4000  }
0x435: {  	s3 =	sld [smem:$0x7E1]  }
0x436: {  	[sflag:s28] =	ssyncset.done $0x0  }
0x437: {  	[sflag:s28] =	ssyncadd.s32 $0xFFFFC000  }
0x438: {  	[hbm:s3], [sflag:s5] =	dma.local [spmem:s7], $0x800  }
0x439: {  	s3 =	sld [smem:$0x7EB];
	_ =	sdelay $0x2  }
0x43a: {  	[tilespmem:s1], [sflag:$0x1] =	stream.linear.gather [hbm4b:s3+s1], $0x4000, $0x38;
	v63 =	vld [tilespmem:$0x0]  }
0x43b: {  	s19 =	sand.u32 $0x2000, s1;
	s10 =	sand.u32 $0x1C00, s1;
	_ =	swait.ge [sflag:s2], $0x800  }
0x43c: {  	s3 =	sor.u32 s10, s19;
	s1 =	sand.u32 $0x380, s1;
	[sflag:s2] =	ssyncset.done $0x0  }
0x43d: {  	s1 =	sor.u32 s1, s3;
	[sflag:s2] =	ssyncadd.s32 $0xFFFFF800  }
0x43e: {  	v0 =	vld [tilespmem:s1+$0x14070]  }
0x43f: {  	v3 =	vld [tilespmem:s1+$0x14000]  }
0x440: {  	v4 =	vld [tilespmem:s1+$0x14010]  }
0x441: {  	v5 =	vld [tilespmem:s1+$0x14020]  }
0x442: {  	v6 =	vld [tilespmem:s1+$0x14030]  }
0x443: {  	v2 =	vld [tilespmem:s1+$0x14040]  }
0x444: {  	s3 =	sor.u32 $0x4070, s1;
	v1 =	vld [tilespmem:s1+$0x14060]  }
0x445: {  	[tilespmem:s3+$0x0] =	vst.add.f32.msk $0xffff, v0  }
0x446: {  	s22 =	sor.u32 $0x4000, s1;
	v0 =	vld [tilespmem:s1+$0x14050]  }
0x447: {  	s11 =	sor.u32 $0x4010, s1;
	[tilespmem:s22+$0x0] =	vst.add.f32.msk $0xffff, v3  }
0x448: {  	s13 =	simm.s32 $0x80;
	s10 =	simm.s32 $0x0;
	s24 =	sor.u32 $0x4020, s1;
	[tilespmem:s11+$0x0] =	vst.add.f32.msk $0xffff, v4  }
0x449: {  	s12 =	sor.u32 $0x4030, s1;
	s16 =	sor.u32 $0x4040, s1;
	s14 =	sor.u32 $0x4050, s1;
	[tilespmem:s24+$0x0] =	vst.add.f32.msk $0xffff, v5  }
0x44a: {  	s15 =	sor.u32 $0x4060, s1;
	[tilespmem:s12+$0x0] =	vst.add.f32.msk $0xffff, v6;
	s11 =	simm.s32 $0x10;
	s12 =	simm.s32 $0x400  }
.LBB2_44:
0x44b: {  	s1 =	sand.u32 $0x2000, s13;
	s3 =	sand.u32 $0x1C00, s12;
	s10 =	sadd.s32 $0x8, s10;
	[tilespmem:s16+$0x0] =	vst.add.f32.msk $0xffff, v2  }
0x44c: {  	s1 =	sor.u32 s3, s1;
	s3 =	sand.u32 $0x380, s11;
	p0 =	slt.u32 s10, $0x3F8;
	[tilespmem:s14+$0x0] =	vst.add.f32.msk $0xffff, v0  }
0x44d: {  	s1 =	sor.u32 s3, s1;
	[tilespmem:s15+$0x0] =	vst.add.f32.msk $0xffff, v1  }
0x44e: {  	s3 =	sor.u32 $0x4000, s1;
	s17 =	sor.u32 $0x4010, s1;
	s19 =	sor.u32 $0x4020, s1;
	v0 =	vld [tilespmem:s1+$0x14070]  }
0x44f: {  	s22 =	sor.u32 $0x4030, s1;
	s16 =	sor.u32 $0x4040, s1;
	s14 =	sor.u32 $0x4050, s1;
	v3 =	vld [tilespmem:s1+$0x14000]  }
0x450: {  	s15 =	sor.u32 $0x4060, s1;
	v4 =	vld [tilespmem:s1+$0x14010]  }
0x451: {  	v5 =	vld [tilespmem:s1+$0x14020]  }
0x452: {  	s24 =	sor.u32 $0x4070, s1;
	v6 =	vld [tilespmem:s1+$0x14030]  }
0x453: {  	[tilespmem:s24+$0x0] =	vst.add.f32.msk $0xffff, v0  }
0x454: {  	v2 =	vld [tilespmem:s1+$0x14040]  }
0x455: {  	v0 =	vld [tilespmem:s1+$0x14050]  }
.Ltmp21:
0x456: {  	v1 =	vld [tilespmem:s1+$0x14060];
	(pc) =	sbr.rel @p0 .LBB2_44-.Ltmp21, $4  }
0x457: {  	[tilespmem:s3+$0x0] =	vst.add.f32.msk $0xffff, v3  }
0x458: {  	[tilespmem:s17+$0x0] =	vst.add.f32.msk $0xffff, v4  }
0x459: {  	[tilespmem:s19+$0x0] =	vst.add.f32.msk $0xffff, v5  }
0x45a: {  	s12 =	sadd.s32 $0x400, s12;
	s13 =	sadd.s32 $0x80, s13;
	s11 =	sadd.s32 $0x10, s11;
	[tilespmem:s22+$0x0] =	vst.add.f32.msk $0xffff, v6  }
0x45b: {  	[tilespmem:s16+$0x0] =	vst.add.f32.msk $0xffff, v2  }
0x45c: {  	[tilespmem:s14+$0x0] =	vst.add.f32.msk $0xffff, v0  }
0x45d: {  	[tilespmem:s15+$0x0] =	vst.add.f32.msk $0xffff, v1  }
0x45e: {  	[spmem:s18] =	stream.linear.scatter [tilespmem:s20], [sflag:$0x8], $0x4000, $0x38;
	v63 =	vld [tilespmem:$0x0]  }
0x45f: {  	_ =	swait.ge [sflag:s29], $0x4000  }
0x460: {  	[sflag:s29] =	ssyncset.done $0x0  }
0x461: {  	[sflag:s29] =	ssyncadd.s32 $0xFFFFC000  }
0x462: {  	_ =	swait.ge [sflag:s30], $0x4000  }
0x463: {  	s1 =	sld [smem:$0x7E3]  }
0x464: {  	[sflag:s30] =	ssyncset.done $0x0  }
0x465: {  	[sflag:s30] =	ssyncadd.s32 $0xFFFFC000  }
0x466: {  	[hbm:s1], [sflag:s8] =	dma.local [spmem:s9], $0x800  }
0x467: {  	s3 =	sld [smem:$0x7ED];
	_ =	sdelay $0x1  }
0x468: {  	s17 =	simm.s32 $0x0  }
0x469: {  	[tilespmem:s20], [sflag:$0x2] =	stream.linear.gather [hbm4b:s3+s17], $0x4000, $0x38;
	v63 =	vld [tilespmem:$0x0]  }
0x46a: {  	s19 =	sand.u32 $0x2000, s17;
	s10 =	sand.u32 $0x1C00, s17;
	_ =	swait.ge [sflag:s31], $0x800  }
0x46b: {  	s1 =	sand.u32 $0x380, s17;
	s3 =	sor.u32 s10, s19;
	[sflag:s31] =	ssyncset.done $0x0  }
0x46c: {  	s1 =	sor.u32 s1, s3;
	[sflag:s31] =	ssyncadd.s32 $0xFFFFF800  }
0x46d: {  	v0 =	vld [tilespmem:s1+$0x14070]  }
0x46e: {  	v3 =	vld [tilespmem:s1+$0x14000]  }
0x46f: {  	v4 =	vld [tilespmem:s1+$0x14010]  }
0x470: {  	v5 =	vld [tilespmem:s1+$0x14020]  }
0x471: {  	v6 =	vld [tilespmem:s1+$0x14030]  }
0x472: {  	v2 =	vld [tilespmem:s1+$0x14040]  }
0x473: {  	s3 =	sor.u32 $0x8070, s1;
	v1 =	vld [tilespmem:s1+$0x14060]  }
0x474: {  	[tilespmem:s3+$0x0] =	vst.add.f32.msk $0xffff, v0  }
0x475: {  	s22 =	sor.u32 $0x8000, s1;
	v0 =	vld [tilespmem:s1+$0x14050]  }
0x476: {  	s11 =	sor.u32 $0x8010, s1;
	[tilespmem:s22+$0x0] =	vst.add.f32.msk $0xffff, v3  }
0x477: {  	s13 =	simm.s32 $0x80;
	s10 =	simm.s32 $0x0;
	s24 =	sor.u32 $0x8020, s1;
	[tilespmem:s11+$0x0] =	vst.add.f32.msk $0xffff, v4  }
0x478: {  	s12 =	sor.u32 $0x8030, s1;
	s16 =	sor.u32 $0x8040, s1;
	s14 =	sor.u32 $0x8050, s1;
	[tilespmem:s24+$0x0] =	vst.add.f32.msk $0xffff, v5  }
0x479: {  	s15 =	sor.u32 $0x8060, s1;
	[tilespmem:s12+$0x0] =	vst.add.f32.msk $0xffff, v6;
	s11 =	simm.s32 $0x10;
	s12 =	simm.s32 $0x400  }
.LBB2_46:
0x47a: {  	s1 =	sand.u32 $0x2000, s13;
	s3 =	sand.u32 $0x1C00, s12;
	s10 =	sadd.s32 $0x8, s10;
	[tilespmem:s16+$0x0] =	vst.add.f32.msk $0xffff, v2  }
0x47b: {  	s1 =	sor.u32 s3, s1;
	s3 =	sand.u32 $0x380, s11;
	p0 =	slt.u32 s10, $0x3F8;
	[tilespmem:s14+$0x0] =	vst.add.f32.msk $0xffff, v0  }
0x47c: {  	s1 =	sor.u32 s3, s1;
	[tilespmem:s15+$0x0] =	vst.add.f32.msk $0xffff, v1  }
0x47d: {  	s3 =	sor.u32 $0x8000, s1;
	s17 =	sor.u32 $0x8010, s1;
	s19 =	sor.u32 $0x8020, s1;
	v0 =	vld [tilespmem:s1+$0x14070]  }
0x47e: {  	s22 =	sor.u32 $0x8030, s1;
	s16 =	sor.u32 $0x8040, s1;
	s14 =	sor.u32 $0x8050, s1;
	v3 =	vld [tilespmem:s1+$0x14000]  }
0x47f: {  	s15 =	sor.u32 $0x8060, s1;
	v4 =	vld [tilespmem:s1+$0x14010]  }
0x480: {  	v5 =	vld [tilespmem:s1+$0x14020]  }
0x481: {  	s24 =	sor.u32 $0x8070, s1;
	v6 =	vld [tilespmem:s1+$0x14030]  }
0x482: {  	[tilespmem:s24+$0x0] =	vst.add.f32.msk $0xffff, v0  }
0x483: {  	v2 =	vld [tilespmem:s1+$0x14040]  }
0x484: {  	v0 =	vld [tilespmem:s1+$0x14050]  }
.Ltmp22:
0x485: {  	v1 =	vld [tilespmem:s1+$0x14060];
	(pc) =	sbr.rel @p0 .LBB2_46-.Ltmp22, $4  }
0x486: {  	[tilespmem:s3+$0x0] =	vst.add.f32.msk $0xffff, v3  }
0x487: {  	[tilespmem:s17+$0x0] =	vst.add.f32.msk $0xffff, v4  }
0x488: {  	[tilespmem:s19+$0x0] =	vst.add.f32.msk $0xffff, v5  }
0x489: {  	s12 =	sadd.s32 $0x400, s12;
	s13 =	sadd.s32 $0x80, s13;
	s11 =	sadd.s32 $0x10, s11;
	[tilespmem:s22+$0x0] =	vst.add.f32.msk $0xffff, v6  }
0x48a: {  	[tilespmem:s16+$0x0] =	vst.add.f32.msk $0xffff, v2  }
0x48b: {  	[tilespmem:s14+$0x0] =	vst.add.f32.msk $0xffff, v0  }
0x48c: {  	[tilespmem:s15+$0x0] =	vst.add.f32.msk $0xffff, v1  }
0x48d: {  	[spmem:s6] =	stream.linear.scatter [tilespmem:s21], [sflag:$0x7], $0x4000, $0x38;
	v63 =	vld [tilespmem:$0x0]  }
0x48e: {  	_ =	swait.ge [sflag:s0], $0x4000  }
0x48f: {  	[sflag:s0] =	ssyncset.done $0x0  }
0x490: {  	[sflag:s0] =	ssyncadd.s32 $0xFFFFC000  }
0x491: {  	_ =	swait.ge [sflag:s28], $0x4000  }
0x492: {  	s1 =	sld [smem:$0x7E5]  }
0x493: {  	[sflag:s28] =	ssyncset.done $0x0  }
0x494: {  	[sflag:s28] =	ssyncadd.s32 $0xFFFFC000  }
0x495: {  	[hbm:s1], [sflag:s5] =	dma.local [spmem:s7], $0x800  }
0x496: {  	s3 =	sld [smem:$0x7EF];
	_ =	sdelay $0x1  }
0x497: {  	s17 =	simm.s32 $0x0  }
0x498: {  	[tilespmem:s21], [sflag:$0x3] =	stream.linear.gather [hbm4b:s3+s17], $0x4000, $0x38;
	v63 =	vld [tilespmem:$0x0]  }
0x499: {  	s19 =	sand.u32 $0x2000, s17;
	s10 =	sand.u32 $0x1C00, s17;
	_ =	swait.ge [sflag:s2], $0x800  }
0x49a: {  	s1 =	sand.u32 $0x380, s17;
	s3 =	sor.u32 s10, s19;
	[sflag:s2] =	ssyncset.done $0x0  }
0x49b: {  	s1 =	sor.u32 s1, s3;
	[sflag:s2] =	ssyncadd.s32 $0xFFFFF800  }
0x49c: {  	v0 =	vld [tilespmem:s1+$0x14070]  }
0x49d: {  	v3 =	vld [tilespmem:s1+$0x14000]  }
0x49e: {  	v4 =	vld [tilespmem:s1+$0x14010]  }
0x49f: {  	v5 =	vld [tilespmem:s1+$0x14020]  }
0x4a0: {  	v6 =	vld [tilespmem:s1+$0x14030]  }
0x4a1: {  	v2 =	vld [tilespmem:s1+$0x14040]  }
0x4a2: {  	s3 =	sor.u32 $0xC070, s1;
	v1 =	vld [tilespmem:s1+$0x14060]  }
0x4a3: {  	[tilespmem:s3+$0x0] =	vst.add.f32.msk $0xffff, v0  }
0x4a4: {  	s22 =	sor.u32 $0xC000, s1;
	v0 =	vld [tilespmem:s1+$0x14050]  }
0x4a5: {  	s11 =	sor.u32 $0xC010, s1;
	[tilespmem:s22+$0x0] =	vst.add.f32.msk $0xffff, v3  }
0x4a6: {  	s13 =	simm.s32 $0x80;
	s10 =	simm.s32 $0x0;
	s24 =	sor.u32 $0xC020, s1;
	[tilespmem:s11+$0x0] =	vst.add.f32.msk $0xffff, v4  }
0x4a7: {  	s12 =	sor.u32 $0xC030, s1;
	s16 =	sor.u32 $0xC040, s1;
	s14 =	sor.u32 $0xC050, s1;
	[tilespmem:s24+$0x0] =	vst.add.f32.msk $0xffff, v5  }
0x4a8: {  	s15 =	sor.u32 $0xC060, s1;
	[tilespmem:s12+$0x0] =	vst.add.f32.msk $0xffff, v6;
	s11 =	simm.s32 $0x10;
	s12 =	simm.s32 $0x400  }
.LBB2_48:
0x4a9: {  	s1 =	sand.u32 $0x2000, s13;
	s3 =	sand.u32 $0x1C00, s12;
	s10 =	sadd.s32 $0x8, s10;
	[tilespmem:s16+$0x0] =	vst.add.f32.msk $0xffff, v2  }
0x4aa: {  	s1 =	sor.u32 s3, s1;
	s3 =	sand.u32 $0x380, s11;
	p0 =	slt.u32 s10, $0x3F8;
	[tilespmem:s14+$0x0] =	vst.add.f32.msk $0xffff, v0  }
0x4ab: {  	s1 =	sor.u32 s3, s1;
	[tilespmem:s15+$0x0] =	vst.add.f32.msk $0xffff, v1  }
0x4ac: {  	s3 =	sor.u32 $0xC000, s1;
	s17 =	sor.u32 $0xC010, s1;
	s19 =	sor.u32 $0xC020, s1;
	v0 =	vld [tilespmem:s1+$0x14070]  }
0x4ad: {  	s22 =	sor.u32 $0xC030, s1;
	s16 =	sor.u32 $0xC040, s1;
	s14 =	sor.u32 $0xC050, s1;
	v3 =	vld [tilespmem:s1+$0x14000]  }
0x4ae: {  	s15 =	sor.u32 $0xC060, s1;
	v4 =	vld [tilespmem:s1+$0x14010]  }
0x4af: {  	v5 =	vld [tilespmem:s1+$0x14020]  }
0x4b0: {  	s24 =	sor.u32 $0xC070, s1;
	v6 =	vld [tilespmem:s1+$0x14030]  }
0x4b1: {  	[tilespmem:s24+$0x0] =	vst.add.f32.msk $0xffff, v0  }
0x4b2: {  	v2 =	vld [tilespmem:s1+$0x14040]  }
0x4b3: {  	v0 =	vld [tilespmem:s1+$0x14050]  }
.Ltmp23:
0x4b4: {  	v1 =	vld [tilespmem:s1+$0x14060];
	(pc) =	sbr.rel @p0 .LBB2_48-.Ltmp23, $4  }
0x4b5: {  	[tilespmem:s3+$0x0] =	vst.add.f32.msk $0xffff, v3  }
0x4b6: {  	[tilespmem:s17+$0x0] =	vst.add.f32.msk $0xffff, v4  }
0x4b7: {  	[tilespmem:s19+$0x0] =	vst.add.f32.msk $0xffff, v5  }
0x4b8: {  	s12 =	sadd.s32 $0x400, s12;
	s13 =	sadd.s32 $0x80, s13;
	s11 =	sadd.s32 $0x10, s11;
	[tilespmem:s22+$0x0] =	vst.add.f32.msk $0xffff, v6  }
0x4b9: {  	[tilespmem:s16+$0x0] =	vst.add.f32.msk $0xffff, v2  }
0x4ba: {  	[tilespmem:s14+$0x0] =	vst.add.f32.msk $0xffff, v0  }
0x4bb: {  	[tilespmem:s15+$0x0] =	vst.add.f32.msk $0xffff, v1  }
0x4bc: {  	s3 =	sld [smem:$0x7E8]  }
0x4bd: {  	[spmem:s18] =	stream.linear.scatter [tilespmem:s25], [sflag:$0x8], $0x4000, $0x38;
	v63 =	vld [tilespmem:$0x0]  }
0x4be: {  	s1 =	simm.s32 $0x0;
	s10 =	simm.s32 $0x14000  }
0x4bf: {  	[tilespmem:s10], [sflag:$0x6] =	stream.linear.gather [hbm4b:s3+s1], $0x4000, $0x38;
	v63 =	vld [tilespmem:$0x0]  }
0x4c0: {  	_ =	swait.ge [sflag:s23], $0x4000  }
0x4c1: {  	[sflag:s23] =	ssyncset.done $0x0  }
0x4c2: {  	s16 =	simm.s32 $0x5;
	[sflag:s23] =	ssyncadd.s32 $0xFFFFC000  }
0x4c3: {  	_ =	swait.ge [sflag:s16], $0x4000  }
0x4c4: {  	[sflag:s16] =	ssyncset.done $0x0  }
0x4c5: {  	[sflag:s16] =	ssyncadd.s32 $0xFFFFC000  }
0x4c6: {  	_ =	swait.ge [sflag:s30], $0x4000  }
0x4c7: {  	s17 =	sld [smem:$0x7EA]  }
0x4c8: {  	[sflag:s30] =	ssyncset.done $0x0  }
0x4c9: {  	[sflag:s30] =	ssyncadd.s32 $0xFFFFC000  }
0x4ca: {  	[hbm:s17], [sflag:s8] =	dma.local [spmem:s9], $0x800  }
0x4cb: {  	s3 =	sld [smem:$0x7F1];
	_ =	sdelay $0x2  }
0x4cc: {  	[tilespmem:s25], [sflag:$0x4] =	stream.linear.gather [hbm4b:s3+s1], $0x4000, $0x38;
	v63 =	vld [tilespmem:$0x0]  }
0x4cd: {  	s19 =	sand.u32 $0x2000, s1;
	s22 =	sand.u32 $0x1C00, s1;
	_ =	swait.ge [sflag:s31], $0x800  }
0x4ce: {  	s3 =	sor.u32 s22, s19;
	s1 =	sand.u32 $0x380, s1;
	[sflag:s31] =	ssyncset.done $0x0  }
0x4cf: {  	s1 =	sor.u32 s1, s3;
	[sflag:s31] =	ssyncadd.s32 $0xFFFFF800  }
0x4d0: {  	v0 =	vld [tilespmem:s1+$0x10070]  }
0x4d1: {  	v3 =	vld [tilespmem:s1+$0x10000]  }
0x4d2: {  	v4 =	vld [tilespmem:s1+$0x10010]  }
0x4d3: {  	v5 =	vld [tilespmem:s1+$0x10020]  }
0x4d4: {  	v6 =	vld [tilespmem:s1+$0x10030]  }
0x4d5: {  	v2 =	vld [tilespmem:s1+$0x10040]  }
0x4d6: {  	s3 =	sor.u32 $0x70, s1;
	v1 =	vld [tilespmem:s1+$0x10050]  }
0x4d7: {  	[tilespmem:s3+$0x0] =	vst.add.f32.msk $0xffff, v0  }
0x4d8: {  	v0 =	vld [tilespmem:s1+$0x10060]  }
0x4d9: {  	s24 =	sor.u32 $0x10, s1;
	[tilespmem:s1+$0x0] =	vst.add.f32.msk $0xffff, v3  }
0x4da: {  	s13 =	simm.s32 $0x80;
	s10 =	simm.s32 $0x0;
	s11 =	sor.u32 $0x20, s1;
	[tilespmem:s24+$0x0] =	vst.add.f32.msk $0xffff, v4  }
0x4db: {  	s12 =	sor.u32 $0x30, s1;
	s16 =	sor.u32 $0x40, s1;
	s15 =	sor.u32 $0x50, s1;
	[tilespmem:s11+$0x0] =	vst.add.f32.msk $0xffff, v5  }
0x4dc: {  	s14 =	sor.u32 $0x60, s1;
	[tilespmem:s12+$0x0] =	vst.add.f32.msk $0xffff, v6;
	s11 =	simm.s32 $0x10;
	s12 =	simm.s32 $0x400  }
.LBB2_50:
0x4dd: {  	s1 =	sand.u32 $0x2000, s13;
	s3 =	sand.u32 $0x1C00, s12;
	s10 =	sadd.s32 $0x8, s10;
	[tilespmem:s16+$0x0] =	vst.add.f32.msk $0xffff, v2  }
0x4de: {  	s1 =	sor.u32 s3, s1;
	s3 =	sand.u32 $0x380, s11;
	p0 =	slt.u32 s10, $0x3F8;
	[tilespmem:s15+$0x0] =	vst.add.f32.msk $0xffff, v1  }
0x4df: {  	s1 =	sor.u32 s3, s1;
	[tilespmem:s14+$0x0] =	vst.add.f32.msk $0xffff, v0  }
0x4e0: {  	s3 =	sor.u32 $0x10, s1;
	s17 =	sor.u32 $0x20, s1;
	s19 =	sor.u32 $0x30, s1;
	v0 =	vld [tilespmem:s1+$0x10070]  }
0x4e1: {  	s16 =	sor.u32 $0x40, s1;
	s15 =	sor.u32 $0x50, s1;
	s14 =	sor.u32 $0x60, s1;
	v3 =	vld [tilespmem:s1+$0x10000]  }
0x4e2: {  	v4 =	vld [tilespmem:s1+$0x10010]  }
0x4e3: {  	v5 =	vld [tilespmem:s1+$0x10020]  }
0x4e4: {  	s22 =	sor.u32 $0x70, s1;
	v6 =	vld [tilespmem:s1+$0x10030]  }
0x4e5: {  	[tilespmem:s22+$0x0] =	vst.add.f32.msk $0xffff, v0  }
0x4e6: {  	v2 =	vld [tilespmem:s1+$0x10040]  }
0x4e7: {  	v1 =	vld [tilespmem:s1+$0x10050]  }
.Ltmp24:
0x4e8: {  	v0 =	vld [tilespmem:s1+$0x10060];
	(pc) =	sbr.rel @p0 .LBB2_50-.Ltmp24, $4  }
0x4e9: {  	[tilespmem:s1+$0x0] =	vst.add.f32.msk $0xffff, v3  }
0x4ea: {  	[tilespmem:s3+$0x0] =	vst.add.f32.msk $0xffff, v4  }
0x4eb: {  	[tilespmem:s17+$0x0] =	vst.add.f32.msk $0xffff, v5  }
0x4ec: {  	s12 =	sadd.s32 $0x400, s12;
	s13 =	sadd.s32 $0x80, s13;
	s11 =	sadd.s32 $0x10, s11;
	[tilespmem:s19+$0x0] =	vst.add.f32.msk $0xffff, v6  }
0x4ed: {  	[tilespmem:s16+$0x0] =	vst.add.f32.msk $0xffff, v2  }
0x4ee: {  	[tilespmem:s15+$0x0] =	vst.add.f32.msk $0xffff, v1  }
0x4ef: {  	[tilespmem:s14+$0x0] =	vst.add.f32.msk $0xffff, v0;
	s1 =	simm.s32 $0x0  }
0x4f0: {  	[spmem:s6] =	stream.linear.scatter [tilespmem:s1], [sflag:$0x7], $0x4000, $0x38;
	v63 =	vld [tilespmem:$0x0]  }
0x4f1: {  	_ =	swait.ge [sflag:s26], $0x4000  }
0x4f2: {  	[sflag:s26] =	ssyncset.done $0x0  }
0x4f3: {  	[sflag:s26] =	ssyncadd.s32 $0xFFFFC000  }
0x4f4: {  	_ =	swait.ge [sflag:s28], $0x4000  }
0x4f5: {  	s3 =	sld [smem:$0x7EC]  }
0x4f6: {  	[sflag:s28] =	ssyncset.done $0x0  }
0x4f7: {  	[sflag:s28] =	ssyncadd.s32 $0xFFFFC000  }
0x4f8: {  	[hbm:s3], [sflag:s5] =	dma.local [spmem:s7], $0x800  }
0x4f9: {  	s3 =	sld [smem:$0x7F5];
	_ =	sdelay $0x2  }
0x4fa: {  	[tilespmem:s1], [sflag:$0x1] =	stream.linear.gather [hbm4b:s3+s1], $0x4000, $0x38;
	v63 =	vld [tilespmem:$0x0]  }
0x4fb: {  	s19 =	sand.u32 $0x2000, s1;
	s10 =	sand.u32 $0x1C00, s1;
	_ =	swait.ge [sflag:s2], $0x800  }
0x4fc: {  	s3 =	sor.u32 s10, s19;
	s1 =	sand.u32 $0x380, s1;
	[sflag:s2] =	ssyncset.done $0x0  }
0x4fd: {  	s1 =	sor.u32 s1, s3;
	[sflag:s2] =	ssyncadd.s32 $0xFFFFF800  }
0x4fe: {  	v0 =	vld [tilespmem:s1+$0x10070]  }
0x4ff: {  	v3 =	vld [tilespmem:s1+$0x10000]  }
0x500: {  	v4 =	vld [tilespmem:s1+$0x10010]  }
0x501: {  	v5 =	vld [tilespmem:s1+$0x10020]  }
0x502: {  	v6 =	vld [tilespmem:s1+$0x10030]  }
0x503: {  	v2 =	vld [tilespmem:s1+$0x10040]  }
0x504: {  	s3 =	sor.u32 $0x4070, s1;
	v1 =	vld [tilespmem:s1+$0x10060]  }
0x505: {  	[tilespmem:s3+$0x0] =	vst.add.f32.msk $0xffff, v0  }
0x506: {  	s22 =	sor.u32 $0x4000, s1;
	v0 =	vld [tilespmem:s1+$0x10050]  }
0x507: {  	s11 =	sor.u32 $0x4010, s1;
	[tilespmem:s22+$0x0] =	vst.add.f32.msk $0xffff, v3  }
0x508: {  	s13 =	simm.s32 $0x80;
	s10 =	simm.s32 $0x0;
	s24 =	sor.u32 $0x4020, s1;
	[tilespmem:s11+$0x0] =	vst.add.f32.msk $0xffff, v4  }
0x509: {  	s12 =	sor.u32 $0x4030, s1;
	s16 =	sor.u32 $0x4040, s1;
	s14 =	sor.u32 $0x4050, s1;
	[tilespmem:s24+$0x0] =	vst.add.f32.msk $0xffff, v5  }
0x50a: {  	s15 =	sor.u32 $0x4060, s1;
	[tilespmem:s12+$0x0] =	vst.add.f32.msk $0xffff, v6;
	s11 =	simm.s32 $0x10;
	s12 =	simm.s32 $0x400  }
.LBB2_52:
0x50b: {  	s1 =	sand.u32 $0x2000, s13;
	s3 =	sand.u32 $0x1C00, s12;
	s10 =	sadd.s32 $0x8, s10;
	[tilespmem:s16+$0x0] =	vst.add.f32.msk $0xffff, v2  }
0x50c: {  	s1 =	sor.u32 s3, s1;
	s3 =	sand.u32 $0x380, s11;
	p0 =	slt.u32 s10, $0x3F8;
	[tilespmem:s14+$0x0] =	vst.add.f32.msk $0xffff, v0  }
0x50d: {  	s1 =	sor.u32 s3, s1;
	[tilespmem:s15+$0x0] =	vst.add.f32.msk $0xffff, v1  }
0x50e: {  	s3 =	sor.u32 $0x4000, s1;
	s17 =	sor.u32 $0x4010, s1;
	s19 =	sor.u32 $0x4020, s1;
	v0 =	vld [tilespmem:s1+$0x10070]  }
0x50f: {  	s22 =	sor.u32 $0x4030, s1;
	s16 =	sor.u32 $0x4040, s1;
	s14 =	sor.u32 $0x4050, s1;
	v3 =	vld [tilespmem:s1+$0x10000]  }
0x510: {  	s15 =	sor.u32 $0x4060, s1;
	v4 =	vld [tilespmem:s1+$0x10010]  }
0x511: {  	v5 =	vld [tilespmem:s1+$0x10020]  }
0x512: {  	s24 =	sor.u32 $0x4070, s1;
	v6 =	vld [tilespmem:s1+$0x10030]  }
0x513: {  	[tilespmem:s24+$0x0] =	vst.add.f32.msk $0xffff, v0  }
0x514: {  	v2 =	vld [tilespmem:s1+$0x10040]  }
0x515: {  	v0 =	vld [tilespmem:s1+$0x10050]  }
.Ltmp25:
0x516: {  	v1 =	vld [tilespmem:s1+$0x10060];
	(pc) =	sbr.rel @p0 .LBB2_52-.Ltmp25, $4  }
0x517: {  	[tilespmem:s3+$0x0] =	vst.add.f32.msk $0xffff, v3  }
0x518: {  	[tilespmem:s17+$0x0] =	vst.add.f32.msk $0xffff, v4  }
0x519: {  	[tilespmem:s19+$0x0] =	vst.add.f32.msk $0xffff, v5  }
0x51a: {  	s12 =	sadd.s32 $0x400, s12;
	s13 =	sadd.s32 $0x80, s13;
	s11 =	sadd.s32 $0x10, s11;
	[tilespmem:s22+$0x0] =	vst.add.f32.msk $0xffff, v6  }
0x51b: {  	[tilespmem:s16+$0x0] =	vst.add.f32.msk $0xffff, v2  }
0x51c: {  	[tilespmem:s14+$0x0] =	vst.add.f32.msk $0xffff, v0  }
0x51d: {  	[tilespmem:s15+$0x0] =	vst.add.f32.msk $0xffff, v1  }
0x51e: {  	[spmem:s18] =	stream.linear.scatter [tilespmem:s20], [sflag:$0x8], $0x4000, $0x38;
	v63 =	vld [tilespmem:$0x0]  }
0x51f: {  	_ =	swait.ge [sflag:s29], $0x4000  }
0x520: {  	[sflag:s29] =	ssyncset.done $0x0  }
0x521: {  	[sflag:s29] =	ssyncadd.s32 $0xFFFFC000  }
0x522: {  	_ =	swait.ge [sflag:s30], $0x4000  }
0x523: {  	s1 =	sld [smem:$0x7EE]  }
0x524: {  	[sflag:s30] =	ssyncset.done $0x0  }
0x525: {  	[sflag:s30] =	ssyncadd.s32 $0xFFFFC000  }
0x526: {  	[hbm:s1], [sflag:s8] =	dma.local [spmem:s9], $0x800  }
0x527: {  	s3 =	sld [smem:$0x7F6];
	_ =	sdelay $0x1  }
0x528: {  	s17 =	simm.s32 $0x0  }
0x529: {  	[tilespmem:s20], [sflag:$0x2] =	stream.linear.gather [hbm4b:s3+s17], $0x4000, $0x38;
	v63 =	vld [tilespmem:$0x0]  }
0x52a: {  	s19 =	sand.u32 $0x2000, s17;
	s10 =	sand.u32 $0x1C00, s17;
	_ =	swait.ge [sflag:s31], $0x800  }
0x52b: {  	s1 =	sand.u32 $0x380, s17;
	s3 =	sor.u32 s10, s19;
	[sflag:s31] =	ssyncset.done $0x0  }
0x52c: {  	s1 =	sor.u32 s1, s3;
	[sflag:s31] =	ssyncadd.s32 $0xFFFFF800  }
0x52d: {  	v0 =	vld [tilespmem:s1+$0x10070]  }
0x52e: {  	v3 =	vld [tilespmem:s1+$0x10000]  }
0x52f: {  	v4 =	vld [tilespmem:s1+$0x10010]  }
0x530: {  	v5 =	vld [tilespmem:s1+$0x10020]  }
0x531: {  	v6 =	vld [tilespmem:s1+$0x10030]  }
0x532: {  	v2 =	vld [tilespmem:s1+$0x10040]  }
0x533: {  	s3 =	sor.u32 $0x8070, s1;
	v1 =	vld [tilespmem:s1+$0x10060]  }
0x534: {  	[tilespmem:s3+$0x0] =	vst.add.f32.msk $0xffff, v0  }
0x535: {  	s22 =	sor.u32 $0x8000, s1;
	v0 =	vld [tilespmem:s1+$0x10050]  }
0x536: {  	s11 =	sor.u32 $0x8010, s1;
	[tilespmem:s22+$0x0] =	vst.add.f32.msk $0xffff, v3  }
0x537: {  	s13 =	simm.s32 $0x80;
	s10 =	simm.s32 $0x0;
	s24 =	sor.u32 $0x8020, s1;
	[tilespmem:s11+$0x0] =	vst.add.f32.msk $0xffff, v4  }
0x538: {  	s12 =	sor.u32 $0x8030, s1;
	s16 =	sor.u32 $0x8040, s1;
	s14 =	sor.u32 $0x8050, s1;
	[tilespmem:s24+$0x0] =	vst.add.f32.msk $0xffff, v5  }
0x539: {  	s15 =	sor.u32 $0x8060, s1;
	[tilespmem:s12+$0x0] =	vst.add.f32.msk $0xffff, v6;
	s11 =	simm.s32 $0x10;
	s12 =	simm.s32 $0x400  }
.LBB2_54:
0x53a: {  	s1 =	sand.u32 $0x2000, s13;
	s3 =	sand.u32 $0x1C00, s12;
	s10 =	sadd.s32 $0x8, s10;
	[tilespmem:s16+$0x0] =	vst.add.f32.msk $0xffff, v2  }
0x53b: {  	s1 =	sor.u32 s3, s1;
	s3 =	sand.u32 $0x380, s11;
	p0 =	slt.u32 s10, $0x3F8;
	[tilespmem:s14+$0x0] =	vst.add.f32.msk $0xffff, v0  }
0x53c: {  	s1 =	sor.u32 s3, s1;
	[tilespmem:s15+$0x0] =	vst.add.f32.msk $0xffff, v1  }
0x53d: {  	s3 =	sor.u32 $0x8000, s1;
	s17 =	sor.u32 $0x8010, s1;
	s19 =	sor.u32 $0x8020, s1;
	v0 =	vld [tilespmem:s1+$0x10070]  }
0x53e: {  	s22 =	sor.u32 $0x8030, s1;
	s16 =	sor.u32 $0x8040, s1;
	s14 =	sor.u32 $0x8050, s1;
	v3 =	vld [tilespmem:s1+$0x10000]  }
0x53f: {  	s15 =	sor.u32 $0x8060, s1;
	v4 =	vld [tilespmem:s1+$0x10010]  }
0x540: {  	v5 =	vld [tilespmem:s1+$0x10020]  }
0x541: {  	s24 =	sor.u32 $0x8070, s1;
	v6 =	vld [tilespmem:s1+$0x10030]  }
0x542: {  	[tilespmem:s24+$0x0] =	vst.add.f32.msk $0xffff, v0  }
0x543: {  	v2 =	vld [tilespmem:s1+$0x10040]  }
0x544: {  	v0 =	vld [tilespmem:s1+$0x10050]  }
.Ltmp26:
0x545: {  	v1 =	vld [tilespmem:s1+$0x10060];
	(pc) =	sbr.rel @p0 .LBB2_54-.Ltmp26, $4  }
0x546: {  	[tilespmem:s3+$0x0] =	vst.add.f32.msk $0xffff, v3  }
0x547: {  	[tilespmem:s17+$0x0] =	vst.add.f32.msk $0xffff, v4  }
0x548: {  	[tilespmem:s19+$0x0] =	vst.add.f32.msk $0xffff, v5  }
0x549: {  	s12 =	sadd.s32 $0x400, s12;
	s13 =	sadd.s32 $0x80, s13;
	s11 =	sadd.s32 $0x10, s11;
	[tilespmem:s22+$0x0] =	vst.add.f32.msk $0xffff, v6  }
0x54a: {  	[tilespmem:s16+$0x0] =	vst.add.f32.msk $0xffff, v2  }
0x54b: {  	[tilespmem:s14+$0x0] =	vst.add.f32.msk $0xffff, v0  }
0x54c: {  	[tilespmem:s15+$0x0] =	vst.add.f32.msk $0xffff, v1  }
0x54d: {  	[spmem:s6] =	stream.linear.scatter [tilespmem:s21], [sflag:$0x7], $0x4000, $0x38;
	v63 =	vld [tilespmem:$0x0]  }
0x54e: {  	_ =	swait.ge [sflag:s0], $0x4000  }
0x54f: {  	[sflag:s0] =	ssyncset.done $0x0  }
0x550: {  	[sflag:s0] =	ssyncadd.s32 $0xFFFFC000  }
0x551: {  	_ =	swait.ge [sflag:s28], $0x4000  }
0x552: {  	s1 =	sld [smem:$0x7F0]  }
0x553: {  	[sflag:s28] =	ssyncset.done $0x0  }
0x554: {  	[sflag:s28] =	ssyncadd.s32 $0xFFFFC000  }
0x555: {  	[hbm:s1], [sflag:s5] =	dma.local [spmem:s7], $0x800  }
0x556: {  	s3 =	sld [smem:$0x7F7];
	_ =	sdelay $0x1  }
0x557: {  	s17 =	simm.s32 $0x0  }
0x558: {  	[tilespmem:s21], [sflag:$0x3] =	stream.linear.gather [hbm4b:s3+s17], $0x4000, $0x38;
	v63 =	vld [tilespmem:$0x0]  }
0x559: {  	s19 =	sand.u32 $0x2000, s17;
	s10 =	sand.u32 $0x1C00, s17;
	_ =	swait.ge [sflag:s2], $0x800  }
0x55a: {  	s1 =	sand.u32 $0x380, s17;
	s3 =	sor.u32 s10, s19;
	[sflag:s2] =	ssyncset.done $0x0  }
0x55b: {  	s1 =	sor.u32 s1, s3;
	[sflag:s2] =	ssyncadd.s32 $0xFFFFF800  }
0x55c: {  	v0 =	vld [tilespmem:s1+$0x10070]  }
0x55d: {  	v3 =	vld [tilespmem:s1+$0x10000]  }
0x55e: {  	v4 =	vld [tilespmem:s1+$0x10010]  }
0x55f: {  	v5 =	vld [tilespmem:s1+$0x10020]  }
0x560: {  	v6 =	vld [tilespmem:s1+$0x10030]  }
0x561: {  	v2 =	vld [tilespmem:s1+$0x10040]  }
0x562: {  	s3 =	sor.u32 $0xC070, s1;
	v1 =	vld [tilespmem:s1+$0x10060]  }
0x563: {  	[tilespmem:s3+$0x0] =	vst.add.f32.msk $0xffff, v0  }
0x564: {  	s22 =	sor.u32 $0xC000, s1;
	v0 =	vld [tilespmem:s1+$0x10050]  }
0x565: {  	s11 =	sor.u32 $0xC010, s1;
	[tilespmem:s22+$0x0] =	vst.add.f32.msk $0xffff, v3  }
0x566: {  	s13 =	simm.s32 $0x80;
	s10 =	simm.s32 $0x0;
	s24 =	sor.u32 $0xC020, s1;
	[tilespmem:s11+$0x0] =	vst.add.f32.msk $0xffff, v4  }
0x567: {  	s12 =	sor.u32 $0xC030, s1;
	s16 =	sor.u32 $0xC040, s1;
	s14 =	sor.u32 $0xC050, s1;
	[tilespmem:s24+$0x0] =	vst.add.f32.msk $0xffff, v5  }
0x568: {  	s15 =	sor.u32 $0xC060, s1;
	[tilespmem:s12+$0x0] =	vst.add.f32.msk $0xffff, v6;
	s11 =	simm.s32 $0x10;
	s12 =	simm.s32 $0x400  }
.LBB2_56:
0x569: {  	s1 =	sand.u32 $0x2000, s13;
	s3 =	sand.u32 $0x1C00, s12;
	s10 =	sadd.s32 $0x8, s10;
	[tilespmem:s16+$0x0] =	vst.add.f32.msk $0xffff, v2  }
0x56a: {  	s1 =	sor.u32 s3, s1;
	s3 =	sand.u32 $0x380, s11;
	p0 =	slt.u32 s10, $0x3F8;
	[tilespmem:s14+$0x0] =	vst.add.f32.msk $0xffff, v0  }
0x56b: {  	s1 =	sor.u32 s3, s1;
	[tilespmem:s15+$0x0] =	vst.add.f32.msk $0xffff, v1  }
0x56c: {  	s3 =	sor.u32 $0xC000, s1;
	s17 =	sor.u32 $0xC010, s1;
	s19 =	sor.u32 $0xC020, s1;
	v0 =	vld [tilespmem:s1+$0x10070]  }
0x56d: {  	s22 =	sor.u32 $0xC030, s1;
	s16 =	sor.u32 $0xC040, s1;
	s14 =	sor.u32 $0xC050, s1;
	v3 =	vld [tilespmem:s1+$0x10000]  }
0x56e: {  	s15 =	sor.u32 $0xC060, s1;
	v4 =	vld [tilespmem:s1+$0x10010]  }
0x56f: {  	v5 =	vld [tilespmem:s1+$0x10020]  }
0x570: {  	s24 =	sor.u32 $0xC070, s1;
	v6 =	vld [tilespmem:s1+$0x10030]  }
0x571: {  	[tilespmem:s24+$0x0] =	vst.add.f32.msk $0xffff, v0  }
0x572: {  	v2 =	vld [tilespmem:s1+$0x10040]  }
0x573: {  	v0 =	vld [tilespmem:s1+$0x10050]  }
.Ltmp27:
0x574: {  	v1 =	vld [tilespmem:s1+$0x10060];
	(pc) =	sbr.rel @p0 .LBB2_56-.Ltmp27, $4  }
0x575: {  	[tilespmem:s3+$0x0] =	vst.add.f32.msk $0xffff, v3  }
0x576: {  	[tilespmem:s17+$0x0] =	vst.add.f32.msk $0xffff, v4  }
0x577: {  	[tilespmem:s19+$0x0] =	vst.add.f32.msk $0xffff, v5  }
0x578: {  	s12 =	sadd.s32 $0x400, s12;
	s13 =	sadd.s32 $0x80, s13;
	s11 =	sadd.s32 $0x10, s11;
	[tilespmem:s22+$0x0] =	vst.add.f32.msk $0xffff, v6  }
0x579: {  	[tilespmem:s16+$0x0] =	vst.add.f32.msk $0xffff, v2  }
0x57a: {  	[tilespmem:s14+$0x0] =	vst.add.f32.msk $0xffff, v0  }
0x57b: {  	[tilespmem:s15+$0x0] =	vst.add.f32.msk $0xffff, v1  }
0x57c: {  	[spmem:s18] =	stream.linear.scatter [tilespmem:s25], [sflag:$0x8], $0x4000, $0x38;
	v63 =	vld [tilespmem:$0x0]  }
0x57d: {  	_ =	swait.ge [sflag:s23], $0x4000  }
0x57e: {  	[sflag:s23] =	ssyncset.done $0x0  }
0x57f: {  	s1 =	simm.s32 $0x6;
	[sflag:s23] =	ssyncadd.s32 $0xFFFFC000  }
0x580: {  	_ =	swait.ge [sflag:s1], $0x4000  }
0x581: {  	[sflag:s1] =	ssyncset.done $0x0  }
0x582: {  	[sflag:s1] =	ssyncadd.s32 $0xFFFFC000  }
0x583: {  	_ =	swait.ge [sflag:s30], $0x4000  }
0x584: {  	s17 =	sld [smem:$0x7F2]  }
0x585: {  	[sflag:s30] =	ssyncset.done $0x0  }
0x586: {  	[sflag:s30] =	ssyncadd.s32 $0xFFFFC000  }
0x587: {  	[hbm:s17], [sflag:s8] =	dma.local [spmem:s9], $0x800  }
0x588: {  	s3 =	sld [smem:$0x7F8];
	_ =	sdelay $0x1  }
0x589: {  	s19 =	simm.s32 $0x0  }
0x58a: {  	[tilespmem:s25], [sflag:$0x4] =	stream.linear.gather [hbm4b:s3+s19], $0x4000, $0x38;
	v63 =	vld [tilespmem:$0x0]  }
0x58b: {  	s22 =	sand.u32 $0x2000, s19;
	s10 =	sand.u32 $0x1C00, s19;
	_ =	swait.ge [sflag:s31], $0x800  }
0x58c: {  	s1 =	sand.u32 $0x380, s19;
	s3 =	sor.u32 s10, s22;
	[sflag:s31] =	ssyncset.done $0x0  }
0x58d: {  	s1 =	sor.u32 s1, s3;
	[sflag:s31] =	ssyncadd.s32 $0xFFFFF800  }
0x58e: {  	v0 =	vld [tilespmem:s1+$0x14070]  }
0x58f: {  	v3 =	vld [tilespmem:s1+$0x14000]  }
0x590: {  	v4 =	vld [tilespmem:s1+$0x14010]  }
0x591: {  	v5 =	vld [tilespmem:s1+$0x14020]  }
0x592: {  	v6 =	vld [tilespmem:s1+$0x14030]  }
0x593: {  	v2 =	vld [tilespmem:s1+$0x14040]  }
0x594: {  	s3 =	sor.u32 $0x70, s1;
	v1 =	vld [tilespmem:s1+$0x14050]  }
0x595: {  	[tilespmem:s3+$0x0] =	vst.add.f32.msk $0xffff, v0  }
0x596: {  	v0 =	vld [tilespmem:s1+$0x14060]  }
0x597: {  	s24 =	sor.u32 $0x10, s1;
	[tilespmem:s1+$0x0] =	vst.add.f32.msk $0xffff, v3  }
0x598: {  	s13 =	simm.s32 $0x80;
	s10 =	simm.s32 $0x0;
	s11 =	sor.u32 $0x20, s1;
	[tilespmem:s24+$0x0] =	vst.add.f32.msk $0xffff, v4  }
0x599: {  	s12 =	sor.u32 $0x30, s1;
	s16 =	sor.u32 $0x40, s1;
	s15 =	sor.u32 $0x50, s1;
	[tilespmem:s11+$0x0] =	vst.add.f32.msk $0xffff, v5  }
0x59a: {  	s14 =	sor.u32 $0x60, s1;
	[tilespmem:s12+$0x0] =	vst.add.f32.msk $0xffff, v6;
	s11 =	simm.s32 $0x10;
	s12 =	simm.s32 $0x400  }
.LBB2_58:
0x59b: {  	s1 =	sand.u32 $0x2000, s13;
	s3 =	sand.u32 $0x1C00, s12;
	s10 =	sadd.s32 $0x8, s10;
	[tilespmem:s16+$0x0] =	vst.add.f32.msk $0xffff, v2  }
0x59c: {  	s1 =	sor.u32 s3, s1;
	s3 =	sand.u32 $0x380, s11;
	p0 =	slt.u32 s10, $0x3F8;
	[tilespmem:s15+$0x0] =	vst.add.f32.msk $0xffff, v1  }
0x59d: {  	s1 =	sor.u32 s3, s1;
	[tilespmem:s14+$0x0] =	vst.add.f32.msk $0xffff, v0  }
0x59e: {  	s3 =	sor.u32 $0x10, s1;
	s17 =	sor.u32 $0x20, s1;
	s19 =	sor.u32 $0x30, s1;
	v0 =	vld [tilespmem:s1+$0x14070]  }
0x59f: {  	s16 =	sor.u32 $0x40, s1;
	s15 =	sor.u32 $0x50, s1;
	s14 =	sor.u32 $0x60, s1;
	v3 =	vld [tilespmem:s1+$0x14000]  }
0x5a0: {  	v4 =	vld [tilespmem:s1+$0x14010]  }
0x5a1: {  	v5 =	vld [tilespmem:s1+$0x14020]  }
0x5a2: {  	s22 =	sor.u32 $0x70, s1;
	v6 =	vld [tilespmem:s1+$0x14030]  }
0x5a3: {  	[tilespmem:s22+$0x0] =	vst.add.f32.msk $0xffff, v0  }
0x5a4: {  	v2 =	vld [tilespmem:s1+$0x14040]  }
0x5a5: {  	v1 =	vld [tilespmem:s1+$0x14050]  }
.Ltmp28:
0x5a6: {  	v0 =	vld [tilespmem:s1+$0x14060];
	(pc) =	sbr.rel @p0 .LBB2_58-.Ltmp28, $4  }
0x5a7: {  	[tilespmem:s1+$0x0] =	vst.add.f32.msk $0xffff, v3  }
0x5a8: {  	[tilespmem:s3+$0x0] =	vst.add.f32.msk $0xffff, v4  }
0x5a9: {  	[tilespmem:s17+$0x0] =	vst.add.f32.msk $0xffff, v5  }
0x5aa: {  	s12 =	sadd.s32 $0x400, s12;
	s13 =	sadd.s32 $0x80, s13;
	s11 =	sadd.s32 $0x10, s11;
	[tilespmem:s19+$0x0] =	vst.add.f32.msk $0xffff, v6  }
0x5ab: {  	[tilespmem:s16+$0x0] =	vst.add.f32.msk $0xffff, v2  }
0x5ac: {  	[tilespmem:s15+$0x0] =	vst.add.f32.msk $0xffff, v1  }
0x5ad: {  	[tilespmem:s14+$0x0] =	vst.add.f32.msk $0xffff, v0;
	s1 =	simm.s32 $0x0  }
0x5ae: {  	[spmem:s6] =	stream.linear.scatter [tilespmem:s1], [sflag:$0x7], $0x4000, $0x38;
	v63 =	vld [tilespmem:$0x0]  }
0x5af: {  	_ =	swait.ge [sflag:s26], $0x4000  }
0x5b0: {  	[sflag:s26] =	ssyncset.done $0x0  }
0x5b1: {  	[sflag:s26] =	ssyncadd.s32 $0xFFFFC000  }
0x5b2: {  	_ =	swait.ge [sflag:s28], $0x4000  }
0x5b3: {  	s3 =	sld [smem:$0x7F9]  }
0x5b4: {  	[sflag:s28] =	ssyncset.done $0x0  }
0x5b5: {  	[sflag:s28] =	ssyncadd.s32 $0xFFFFC000  }
0x5b6: {  	[hbm:s3], [sflag:s5] =	dma.local [spmem:s7], $0x800  }
0x5b7: {  	s19 =	sand.u32 $0x2000, s1;
	s10 =	sand.u32 $0x1C00, s1;
	_ =	swait.ge [sflag:s2], $0x800  }
0x5b8: {  	s1 =	sand.u32 $0x380, s1;
	s3 =	sor.u32 s10, s19;
	[sflag:s2] =	ssyncset.done $0x0  }
0x5b9: {  	s1 =	sor.u32 s1, s3;
	[sflag:s2] =	ssyncadd.s32 $0xFFFFF800  }
0x5ba: {  	v0 =	vld [tilespmem:s1+$0x14070]  }
0x5bb: {  	v3 =	vld [tilespmem:s1+$0x14000]  }
0x5bc: {  	v4 =	vld [tilespmem:s1+$0x14010]  }
0x5bd: {  	v5 =	vld [tilespmem:s1+$0x14020]  }
0x5be: {  	v6 =	vld [tilespmem:s1+$0x14030]  }
0x5bf: {  	v2 =	vld [tilespmem:s1+$0x14040]  }
0x5c0: {  	s3 =	sor.u32 $0x4070, s1;
	v1 =	vld [tilespmem:s1+$0x14060]  }
0x5c1: {  	[tilespmem:s3+$0x0] =	vst.add.f32.msk $0xffff, v0  }
0x5c2: {  	s22 =	sor.u32 $0x4000, s1;
	v0 =	vld [tilespmem:s1+$0x14050]  }
0x5c3: {  	s11 =	sor.u32 $0x4010, s1;
	[tilespmem:s22+$0x0] =	vst.add.f32.msk $0xffff, v3  }
0x5c4: {  	s13 =	simm.s32 $0x80;
	s10 =	simm.s32 $0x0;
	s24 =	sor.u32 $0x4020, s1;
	[tilespmem:s11+$0x0] =	vst.add.f32.msk $0xffff, v4  }
0x5c5: {  	s12 =	sor.u32 $0x4030, s1;
	s16 =	sor.u32 $0x4040, s1;
	s14 =	sor.u32 $0x4050, s1;
	[tilespmem:s24+$0x0] =	vst.add.f32.msk $0xffff, v5  }
0x5c6: {  	s15 =	sor.u32 $0x4060, s1;
	[tilespmem:s12+$0x0] =	vst.add.f32.msk $0xffff, v6;
	s11 =	simm.s32 $0x10;
	s12 =	simm.s32 $0x400  }
.LBB2_60:
0x5c7: {  	s1 =	sand.u32 $0x2000, s13;
	s3 =	sand.u32 $0x1C00, s12;
	s10 =	sadd.s32 $0x8, s10;
	[tilespmem:s16+$0x0] =	vst.add.f32.msk $0xffff, v2  }
0x5c8: {  	s1 =	sor.u32 s3, s1;
	s3 =	sand.u32 $0x380, s11;
	p0 =	slt.u32 s10, $0x3F8;
	[tilespmem:s14+$0x0] =	vst.add.f32.msk $0xffff, v0  }
0x5c9: {  	s1 =	sor.u32 s3, s1;
	[tilespmem:s15+$0x0] =	vst.add.f32.msk $0xffff, v1  }
0x5ca: {  	s3 =	sor.u32 $0x4000, s1;
	s17 =	sor.u32 $0x4010, s1;
	s19 =	sor.u32 $0x4020, s1;
	v0 =	vld [tilespmem:s1+$0x14070]  }
0x5cb: {  	s22 =	sor.u32 $0x4030, s1;
	s16 =	sor.u32 $0x4040, s1;
	s14 =	sor.u32 $0x4050, s1;
	v3 =	vld [tilespmem:s1+$0x14000]  }
0x5cc: {  	s15 =	sor.u32 $0x4060, s1;
	v4 =	vld [tilespmem:s1+$0x14010]  }
0x5cd: {  	v5 =	vld [tilespmem:s1+$0x14020]  }
0x5ce: {  	s24 =	sor.u32 $0x4070, s1;
	v6 =	vld [tilespmem:s1+$0x14030]  }
0x5cf: {  	[tilespmem:s24+$0x0] =	vst.add.f32.msk $0xffff, v0  }
0x5d0: {  	v2 =	vld [tilespmem:s1+$0x14040]  }
0x5d1: {  	v0 =	vld [tilespmem:s1+$0x14050]  }
.Ltmp29:
0x5d2: {  	v1 =	vld [tilespmem:s1+$0x14060];
	(pc) =	sbr.rel @p0 .LBB2_60-.Ltmp29, $4  }
0x5d3: {  	[tilespmem:s3+$0x0] =	vst.add.f32.msk $0xffff, v3  }
0x5d4: {  	[tilespmem:s17+$0x0] =	vst.add.f32.msk $0xffff, v4  }
0x5d5: {  	[tilespmem:s19+$0x0] =	vst.add.f32.msk $0xffff, v5  }
0x5d6: {  	s12 =	sadd.s32 $0x400, s12;
	s13 =	sadd.s32 $0x80, s13;
	s11 =	sadd.s32 $0x10, s11;
	[tilespmem:s22+$0x0] =	vst.add.f32.msk $0xffff, v6  }
0x5d7: {  	[tilespmem:s16+$0x0] =	vst.add.f32.msk $0xffff, v2  }
0x5d8: {  	[tilespmem:s14+$0x0] =	vst.add.f32.msk $0xffff, v0  }
0x5d9: {  	[tilespmem:s15+$0x0] =	vst.add.f32.msk $0xffff, v1  }
0x5da: {  	[spmem:s18] =	stream.linear.scatter [tilespmem:s20], [sflag:$0x8], $0x4000, $0x38;
	v63 =	vld [tilespmem:$0x0]  }
0x5db: {  	_ =	swait.ge [sflag:s29], $0x4000  }
0x5dc: {  	[sflag:s29] =	ssyncset.done $0x0  }
0x5dd: {  	[sflag:s29] =	ssyncadd.s32 $0xFFFFC000  }
0x5de: {  	_ =	swait.ge [sflag:s30], $0x4000  }
0x5df: {  	s1 =	sld [smem:$0x7FA]  }
0x5e0: {  	[sflag:s30] =	ssyncset.done $0x0  }
0x5e1: {  	s19 =	simm.s32 $0x0;
	[sflag:s30] =	ssyncadd.s32 $0xFFFFC000  }
0x5e2: {  	[hbm:s1], [sflag:s8] =	dma.local [spmem:s9], $0x800  }
0x5e3: {  	s3 =	sand.u32 $0x2000, s19;
	s10 =	sand.u32 $0x1C00, s19;
	_ =	swait.ge [sflag:s31], $0x800  }
0x5e4: {  	s3 =	sor.u32 s10, s3;
	s1 =	sand.u32 $0x380, s19;
	[sflag:s31] =	ssyncset.done $0x0  }
0x5e5: {  	s1 =	sor.u32 s1, s3;
	[sflag:s31] =	ssyncadd.s32 $0xFFFFF800  }
0x5e6: {  	v0 =	vld [tilespmem:s1+$0x14070]  }
0x5e7: {  	v3 =	vld [tilespmem:s1+$0x14000]  }
0x5e8: {  	v4 =	vld [tilespmem:s1+$0x14010]  }
0x5e9: {  	v5 =	vld [tilespmem:s1+$0x14020]  }
0x5ea: {  	v6 =	vld [tilespmem:s1+$0x14030]  }
0x5eb: {  	v2 =	vld [tilespmem:s1+$0x14040]  }
0x5ec: {  	s3 =	sor.u32 $0x8070, s1;
	v1 =	vld [tilespmem:s1+$0x14060]  }
0x5ed: {  	[tilespmem:s3+$0x0] =	vst.add.f32.msk $0xffff, v0  }
0x5ee: {  	s22 =	sor.u32 $0x8000, s1;
	v0 =	vld [tilespmem:s1+$0x14050]  }
0x5ef: {  	s11 =	sor.u32 $0x8010, s1;
	[tilespmem:s22+$0x0] =	vst.add.f32.msk $0xffff, v3  }
0x5f0: {  	s13 =	simm.s32 $0x80;
	s10 =	simm.s32 $0x0;
	s24 =	sor.u32 $0x8020, s1;
	[tilespmem:s11+$0x0] =	vst.add.f32.msk $0xffff, v4  }
0x5f1: {  	s12 =	sor.u32 $0x8030, s1;
	s16 =	sor.u32 $0x8040, s1;
	s14 =	sor.u32 $0x8050, s1;
	[tilespmem:s24+$0x0] =	vst.add.f32.msk $0xffff, v5  }
0x5f2: {  	s15 =	sor.u32 $0x8060, s1;
	[tilespmem:s12+$0x0] =	vst.add.f32.msk $0xffff, v6;
	s11 =	simm.s32 $0x10;
	s12 =	simm.s32 $0x400  }
.LBB2_62:
0x5f3: {  	s1 =	sand.u32 $0x2000, s13;
	s3 =	sand.u32 $0x1C00, s12;
	s10 =	sadd.s32 $0x8, s10;
	[tilespmem:s16+$0x0] =	vst.add.f32.msk $0xffff, v2  }
0x5f4: {  	s1 =	sor.u32 s3, s1;
	s3 =	sand.u32 $0x380, s11;
	p0 =	slt.u32 s10, $0x3F8;
	[tilespmem:s14+$0x0] =	vst.add.f32.msk $0xffff, v0  }
0x5f5: {  	s1 =	sor.u32 s3, s1;
	[tilespmem:s15+$0x0] =	vst.add.f32.msk $0xffff, v1  }
0x5f6: {  	s3 =	sor.u32 $0x8000, s1;
	s17 =	sor.u32 $0x8010, s1;
	s19 =	sor.u32 $0x8020, s1;
	v0 =	vld [tilespmem:s1+$0x14070]  }
0x5f7: {  	s22 =	sor.u32 $0x8030, s1;
	s16 =	sor.u32 $0x8040, s1;
	s14 =	sor.u32 $0x8050, s1;
	v3 =	vld [tilespmem:s1+$0x14000]  }
0x5f8: {  	s15 =	sor.u32 $0x8060, s1;
	v4 =	vld [tilespmem:s1+$0x14010]  }
0x5f9: {  	v5 =	vld [tilespmem:s1+$0x14020]  }
0x5fa: {  	s24 =	sor.u32 $0x8070, s1;
	v6 =	vld [tilespmem:s1+$0x14030]  }
0x5fb: {  	[tilespmem:s24+$0x0] =	vst.add.f32.msk $0xffff, v0  }
0x5fc: {  	v2 =	vld [tilespmem:s1+$0x14040]  }
0x5fd: {  	v0 =	vld [tilespmem:s1+$0x14050]  }
.Ltmp30:
0x5fe: {  	v1 =	vld [tilespmem:s1+$0x14060];
	(pc) =	sbr.rel @p0 .LBB2_62-.Ltmp30, $4  }
0x5ff: {  	[tilespmem:s3+$0x0] =	vst.add.f32.msk $0xffff, v3  }
0x600: {  	[tilespmem:s17+$0x0] =	vst.add.f32.msk $0xffff, v4  }
0x601: {  	[tilespmem:s19+$0x0] =	vst.add.f32.msk $0xffff, v5  }
0x602: {  	s12 =	sadd.s32 $0x400, s12;
	s13 =	sadd.s32 $0x80, s13;
	s11 =	sadd.s32 $0x10, s11;
	[tilespmem:s22+$0x0] =	vst.add.f32.msk $0xffff, v6  }
0x603: {  	[tilespmem:s16+$0x0] =	vst.add.f32.msk $0xffff, v2  }
0x604: {  	[tilespmem:s14+$0x0] =	vst.add.f32.msk $0xffff, v0  }
0x605: {  	[tilespmem:s15+$0x0] =	vst.add.f32.msk $0xffff, v1  }
0x606: {  	[spmem:s6] =	stream.linear.scatter [tilespmem:s21], [sflag:$0x7], $0x4000, $0x38;
	v63 =	vld [tilespmem:$0x0]  }
0x607: {  	_ =	swait.ge [sflag:s0], $0x4000  }
0x608: {  	[sflag:s0] =	ssyncset.done $0x0  }
0x609: {  	[sflag:s0] =	ssyncadd.s32 $0xFFFFC000  }
0x60a: {  	_ =	swait.ge [sflag:s28], $0x4000  }
0x60b: {  	s1 =	sld [smem:$0x7FB]  }
0x60c: {  	[sflag:s28] =	ssyncset.done $0x0  }
0x60d: {  	s16 =	simm.s32 $0x0;
	[sflag:s28] =	ssyncadd.s32 $0xFFFFC000  }
0x60e: {  	[hbm:s1], [sflag:s5] =	dma.local [spmem:s7], $0x800  }
0x60f: {  	s3 =	sand.u32 $0x2000, s16;
	s17 =	sand.u32 $0x1C00, s16;
	_ =	swait.ge [sflag:s2], $0x800  }
0x610: {  	s3 =	sor.u32 s17, s3;
	s1 =	sand.u32 $0x380, s16;
	[sflag:s2] =	ssyncset.done $0x0  }
0x611: {  	s1 =	sor.u32 s1, s3;
	[sflag:s2] =	ssyncadd.s32 $0xFFFFF800  }
0x612: {  	v0 =	vld [tilespmem:s1+$0x14070]  }
0x613: {  	v3 =	vld [tilespmem:s1+$0x14000]  }
0x614: {  	v4 =	vld [tilespmem:s1+$0x14010]  }
0x615: {  	v5 =	vld [tilespmem:s1+$0x14020]  }
0x616: {  	v6 =	vld [tilespmem:s1+$0x14030]  }
0x617: {  	v2 =	vld [tilespmem:s1+$0x14040]  }
0x618: {  	s3 =	sor.u32 $0xC070, s1;
	v1 =	vld [tilespmem:s1+$0x14060]  }
0x619: {  	[tilespmem:s3+$0x0] =	vst.add.f32.msk $0xffff, v0  }
0x61a: {  	s19 =	sor.u32 $0xC000, s1;
	v0 =	vld [tilespmem:s1+$0x14050]  }
0x61b: {  	s22 =	sor.u32 $0xC010, s1;
	[tilespmem:s19+$0x0] =	vst.add.f32.msk $0xffff, v3  }
0x61c: {  	s11 =	simm.s32 $0x80;
	s5 =	simm.s32 $0x0;
	s24 =	sor.u32 $0xC020, s1;
	[tilespmem:s22+$0x0] =	vst.add.f32.msk $0xffff, v4  }
0x61d: {  	s7 =	simm.s32 $0x10;
	s10 =	sor.u32 $0xC030, s1;
	s14 =	sor.u32 $0xC040, s1;
	[tilespmem:s24+$0x0] =	vst.add.f32.msk $0xffff, v5  }
0x61e: {  	s12 =	sor.u32 $0xC050, s1;
	s13 =	sor.u32 $0xC060, s1;
	[tilespmem:s10+$0x0] =	vst.add.f32.msk $0xffff, v6;
	s10 =	simm.s32 $0x400  }
.LBB2_64:
0x61f: {  	s1 =	sand.u32 $0x2000, s11;
	s3 =	sand.u32 $0x1C00, s10;
	s5 =	sadd.s32 $0x8, s5;
	[tilespmem:s14+$0x0] =	vst.add.f32.msk $0xffff, v2  }
0x620: {  	s1 =	sor.u32 s3, s1;
	s3 =	sand.u32 $0x380, s7;
	p0 =	slt.u32 s5, $0x3F8;
	[tilespmem:s12+$0x0] =	vst.add.f32.msk $0xffff, v0  }
0x621: {  	s1 =	sor.u32 s3, s1;
	[tilespmem:s13+$0x0] =	vst.add.f32.msk $0xffff, v1  }
0x622: {  	s3 =	sor.u32 $0xC000, s1;
	s15 =	sor.u32 $0xC010, s1;
	s16 =	sor.u32 $0xC020, s1;
	v0 =	vld [tilespmem:s1+$0x14070]  }
0x623: {  	s17 =	sor.u32 $0xC030, s1;
	s14 =	sor.u32 $0xC040, s1;
	s12 =	sor.u32 $0xC050, s1;
	v3 =	vld [tilespmem:s1+$0x14000]  }
0x624: {  	s13 =	sor.u32 $0xC060, s1;
	v4 =	vld [tilespmem:s1+$0x14010]  }
0x625: {  	v5 =	vld [tilespmem:s1+$0x14020]  }
0x626: {  	s19 =	sor.u32 $0xC070, s1;
	v6 =	vld [tilespmem:s1+$0x14030]  }
0x627: {  	[tilespmem:s19+$0x0] =	vst.add.f32.msk $0xffff, v0  }
0x628: {  	v2 =	vld [tilespmem:s1+$0x14040]  }
0x629: {  	v0 =	vld [tilespmem:s1+$0x14050]  }
.Ltmp31:
0x62a: {  	v1 =	vld [tilespmem:s1+$0x14060];
	(pc) =	sbr.rel @p0 .LBB2_64-.Ltmp31, $4  }
0x62b: {  	[tilespmem:s3+$0x0] =	vst.add.f32.msk $0xffff, v3  }
0x62c: {  	[tilespmem:s15+$0x0] =	vst.add.f32.msk $0xffff, v4  }
0x62d: {  	[tilespmem:s16+$0x0] =	vst.add.f32.msk $0xffff, v5  }
0x62e: {  	s10 =	sadd.s32 $0x400, s10;
	s11 =	sadd.s32 $0x80, s11;
	s7 =	sadd.s32 $0x10, s7;
	[tilespmem:s17+$0x0] =	vst.add.f32.msk $0xffff, v6  }
0x62f: {  	[tilespmem:s14+$0x0] =	vst.add.f32.msk $0xffff, v2  }
0x630: {  	[tilespmem:s12+$0x0] =	vst.add.f32.msk $0xffff, v0  }
0x631: {  	[tilespmem:s13+$0x0] =	vst.add.f32.msk $0xffff, v1  }
0x632: {  	[spmem:s18] =	stream.linear.scatter [tilespmem:s25], [sflag:$0x8], $0x4000, $0x38;
	v63 =	vld [tilespmem:$0x0]  }
0x633: {  	_ =	swait.ge [sflag:s30], $0x4000  }
0x634: {  	s1 =	sld [smem:$0x7FC]  }
0x635: {  	[sflag:s30] =	ssyncset.done $0x0  }
0x636: {  	[sflag:s30] =	ssyncadd.s32 $0xFFFFC000  }
0x637: {  	[hbm:s1], [sflag:s8] =	dma.local [spmem:s9], $0x800  }
0x638: {  	_ =	swait.ge [sflag:s31], $0x800  }
0x639: {  	[sflag:s31] =	ssyncset.done $0x0  }
0x63a: {  	[sflag:s31] =	ssyncadd.s32 $0xFFFFF800  }
0x63b: {  	_ =	swait.ge [sflag:s2], $0x800  }
0x63c: {  	s24 =	sld [smem:$0x7FD];
	_ =	sdelay $0x1  }
0x63d: {  	s4 =	sadd.s32 $0x1, s4  }
0x63e: {  	p0 =	sne.s32 s4, s24  }
.Ltmp32:
0x63f: {  	_ = 	snop;
	(pc) =	sbr.rel @p0 .LBB2_1-.Ltmp32, $3  }
0x640: {  	_ =	sdelay $0x1  }
0x641: {  	[sflag:s2] =	ssyncset.done $0x0  }
0x642: {  	[sflag:s2] =	ssyncadd.s32 $0xFFFFF800  }
0x643: {  	_ =	sfence.sel $0x180000  }
0x644: {  	[bflag:$0x0] =	sbarrier.arrive $0xFFFF  }
0x645: {  	_ =	strace $0x90000047  }
0x646: {  	s0 =	stileid.u32;
	[bflag:$0x2] =	sbarrier.arrive $0xFFFF  }
0x647: {  	p0 =	sne.s32 s0, $0x0;
	s0 =	rddreg [dreg:$0x4]  }
0x648: {  	s0 =	sadd.s32 @!p0 $0x100000, s0  }
0x649: {  	[sflag:s0] =	ssyncadd.tile.s32 @!p0 $0x1;
	_ =	shalt  }
.Lfunc_end2:
_tile_overlayer_lowered:
.L_overlay_start_2:
0x64a: {  	(tag) =	ssettag $0x2  }
0x64b: {  	s0 =	rddreg [dreg:$0x0];
	s2 =	stileid.u32  }
0x64c: {  	s1 =	rddreg [dreg:$0x1];
	p0 =	sne.s32 s2, $0x0  }
0x64d: {  	s3 =	rddreg [dreg:$0x2];
	[bflag:$0x3] =	sbarrier.arrive $0xFFFF;
	s2 =	simm.s32 @!p0 $0x1C0B  }
0x64e: {  	[timem:s3], [sflag:s2] =	dma.local @!p0 [hbm:s0], s1  }
0x64f: {  	s0 =	simm.s32 @!p0 $0xB  }
0x650: {  	_ =	swait.ge @!p0 [sflag:s0], s1  }
0x651: {  	s1 =	ssub.s32 @!p0 $0x0, s1;
	[sflag:s0] =	ssyncset.done @!p0 $0x0  }
0x652: {  	[sflag:s0] =	ssyncadd.s32 @!p0 s1  }
0x653: {  	[bflag:$0x3] =	sbarrier.arrive $0xFFFF  }
0x654: {  	_ =	shalt  }

</sc_bundles>
